<compile_context>
chip_gen: v7x
topology: tpu7x:2x2x1
jax: 0.10.2.dev20260603
libtpu: 0.0.44.dev20260713+nightly
codegen_flags: <defaults>
</compile_context>

<pallas_src>
import functools

import jax
import jax.numpy as jnp
from jax import lax
from jax.experimental import pallas as pl
from jax.experimental.pallas import tpu as pltpu
from jax.experimental.pallas import tpu_sc as plsc

N = 10000
D = 128
F = 64
NEG = 0.2
E_RAW = 320000
E_TOT = E_RAW + N
NC, NS, L = 2, 16, 16
NW = NC * NS
B = 128
CHUNKS = -(-E_TOT // (NW * B)) + (-(-E_TOT // (NW * B)) % 2)
EPAD = NW * CHUNKS * B
IDX_LEN = EPAD + 2 * B
ROWS_PT = 624
REM_BASE = ROWS_PT * NS
REM = N - REM_BASE
ACC_W = 80
RB = 2000


def _make_edge_kernel(heads):
    mesh = plsc.VectorSubcoreMesh(core_axis_name="c", subcore_axis_name="s")

    @functools.partial(
        pl.kernel,
        mesh=mesh,
        out_type=jax.ShapeDtypeStruct((NC * N, ACC_W), jnp.float32),
        compiler_params=pltpu.CompilerParams(needs_layout_passes=False,
                                             use_tc_tiling_on_sc=False),
        scratch_types=[
            [pltpu.VMEM((B,), jnp.int32)] * 2,
            [pltpu.VMEM((B,), jnp.int32)] * 2,
            [pltpu.VMEM((B,), jnp.int32)] * 2,
            [pltpu.VMEM((B, F), jnp.float32)] * 2,
            [pltpu.VMEM((B, F), jnp.float32)] * 2,
            [pltpu.VMEM((B, ACC_W), jnp.float32)] * 2,
            pltpu.VMEM((F,), jnp.float32),
            pltpu.VMEM_SHARED((N, ACC_W), jnp.float32),
            [pltpu.SemaphoreType.DMA] * 2,
            [pltpu.SemaphoreType.DMA] * 2,
            [pltpu.SemaphoreType.DMA] * 2,
            [pltpu.SemaphoreType.DMA] * 2,
            [pltpu.SemaphoreType.DMA] * 2,
        ],
    )
    def edge_kernel(xl_hbm, xr_hbm, src_hbm, dst_hbm, att_hbm, out_hbm,
                    src_v, dst_v, dstsc_v, xs_v, xd_v, vals_v, att_v,
                    acc, s_src, s_dst, s_xs, s_xd, s_sc):
        cid = lax.axis_index("c")
        sid = lax.axis_index("s")
        wid = sid * NC + cid
        iota = lax.iota(jnp.int32, L)
        zero = jnp.zeros((L,), jnp.float32)
        cbase = wid * CHUNKS * B

        def idx_start(i, p):
            pltpu.async_copy(src_hbm.at[pl.ds(cbase + i * B, B)],
                             src_v[p], s_src[p])
            pltpu.async_copy(dst_hbm.at[pl.ds(cbase + i * B, B)],
                             dst_v[p], s_dst[p])

        def idx_wait(p):
            pltpu.make_async_copy(src_hbm.at[pl.ds(0, B)],
                                  src_v[p], s_src[p]).wait()
            pltpu.make_async_copy(dst_hbm.at[pl.ds(0, B)],
                                  dst_v[p], s_dst[p]).wait()

        def gather_start(p):
            pltpu.async_copy(xl_hbm.at[src_v[p]], xs_v[p], s_xs[p])
            pltpu.async_copy(xr_hbm.at[dst_v[p]], xd_v[p], s_xd[p])

        def gather_wait(p):
            pltpu.make_async_copy(xl_hbm.at[src_v[p]], xs_v[p],
                                  s_xs[p]).wait()
            pltpu.make_async_copy(xr_hbm.at[dst_v[p]], xd_v[p],
                                  s_xd[p]).wait()

        def scatter_start(p):
            pltpu.async_copy(vals_v[p], acc.at[dstsc_v[p]], s_sc[p],
                             add=True)

        def scatter_wait(p):
            pltpu.make_async_copy(vals_v[p], acc.at[dstsc_v[p]],
                                  s_sc[p]).wait()

        def zrow(r, carry):
            for k in range(ACC_W // L):
                vals_v[0][r, pl.ds(k * L, L)] = zero
            return carry
        lax.fori_loop(0, B, zrow, 0)
        rbase = sid * ROWS_PT
        for off, nr in ((0, 128), (128, 128), (256, 128), (384, 128),
                        (512, 112)):
            pltpu.sync_copy(vals_v[0].at[pl.ds(0, nr)],
                            acc.at[pl.ds(rbase + off, nr)])

        @pl.when(sid == NS - 1)
        def _():
            pltpu.sync_copy(vals_v[0].at[pl.ds(0, REM)],
                            acc.at[pl.ds(REM_BASE, REM)])

        pltpu.sync_copy(att_hbm, att_v)
        atv = [att_v[pl.ds(k * L, L)] for k in range(F // L)]

        idx_start(0, 0)
        idx_start(1, 1)
        idx_wait(0)
        gather_start(0)
        plsc.subcore_barrier()

        hi8 = (iota >= 8).astype(jnp.float32)
        c7 = jnp.full((L,), 7, jnp.int32)
        c15 = jnp.full((L,), 15, jnp.int32)
        p_all = (iota & 1) * 8 + 7
        b2, b4, b6 = iota < 2, iota < 4, iota < 6
        hvs = [2 * k + (iota >> 3) for k in range(4)]
        tail7 = iota & 7

        def _lane(v, idx):
            return v.at[idx].get(mode="promise_in_bounds")

        def compute(i, p):
            base = cbase + i * B
            xs_p, xd_p, vals_p = xs_v[p], xd_v[p], vals_v[p]

            @plsc.parallel_loop(0, B, unroll=4)
            def edge(e):
                xs = [xs_p[e, pl.ds(k * L, L)] for k in range(4)]
                xd = [xd_p[e, pl.ds(k * L, L)] for k in range(4)]
                ps = []
                for k in range(4):
                    sgm = xs[k] + xd[k]
                    t = jnp.maximum(sgm, sgm * NEG)
                    ps.append(t * atv[k])
                ve = jnp.where(base + e < E_TOT, 1.0, 0.0)
                if heads == 8:
                    gs = []
                    for k in range(4):
                        cs = plsc.cumsum(ps[k])
                        q = cs - _lane(cs, c7) * hi8
                        gs.append(_lane(q, p_all))
                    alpha = jnp.where(b2, gs[0],
                                      jnp.where(b4, gs[1],
                                                jnp.where(b6, gs[2], gs[3])))
                    exv = jnp.exp(alpha) * ve
                    for k in range(4):
                        vals_p[e, pl.ds(k * L, L)] = xs[k] * _lane(exv, hvs[k])
                    vals_p[e, pl.ds(F, L)] = _lane(exv, tail7)
                else:
                    cs = plsc.cumsum((ps[0] + ps[1]) + (ps[2] + ps[3]))
                    exv = jnp.exp(_lane(cs, c15)) * ve
                    for k in range(4):
                        vals_p[e, pl.ds(k * L, L)] = xs[k] * exv
                    vals_p[e, pl.ds(F, L)] = exv

        def pair(t, carry):
            for par in (0, 1):
                i = 2 * t + par
                p, q = par, 1 - par
                gather_wait(p)

                @pl.when(t >= 1)
                def _():
                    scatter_wait(p)
                for k in range(B // L):
                    dstsc_v[p][pl.ds(k * L, L)] = dst_v[p][pl.ds(k * L, L)]
                idx_start(i + 2, p)
                idx_wait(q)
                gather_start(q)
                compute(i, p)
                scatter_start(p)
            return carry
        lax.fori_loop(0, CHUNKS // 2, pair, 0)

        gather_wait(0)
        idx_wait(1)
        scatter_wait(0)
        scatter_wait(1)

        plsc.subcore_barrier()
        pltpu.sync_copy(acc.at[pl.ds(rbase, ROWS_PT)],
                        out_hbm.at[pl.ds(cid * N + rbase, ROWS_PT)])

        @pl.when(sid == NS - 1)
        def _():
            pltpu.sync_copy(acc.at[pl.ds(REM_BASE, REM)],
                            out_hbm.at[pl.ds(cid * N + REM_BASE, REM)])

    return edge_kernel


_edge_l1 = _make_edge_kernel(8)
_edge_l2 = _make_edge_kernel(1)


def _proj2_kernel(x_ref, wl_ref, wr_ref, ol_ref, or_ref):
    xb = x_ref[...]
    ol_ref[...] = jnp.dot(xb, wl_ref[...], preferred_element_type=jnp.float32)
    or_ref[...] = jnp.dot(xb, wr_ref[...], preferred_element_type=jnp.float32)


def _proj2(x, wl, wr):
    din = x.shape[1]
    return pl.pallas_call(
        _proj2_kernel,
        grid=(N // RB,),
        in_specs=[
            pl.BlockSpec((RB, din), lambda i: (i, 0)),
            pl.BlockSpec((din, F), lambda i: (0, 0)),
            pl.BlockSpec((din, F), lambda i: (0, 0)),
        ],
        out_specs=[
            pl.BlockSpec((RB, F), lambda i: (i, 0)),
            pl.BlockSpec((RB, F), lambda i: (i, 0)),
        ],
        out_shape=[jax.ShapeDtypeStruct((N, F), jnp.float32)] * 2,
    )(x, wl, wr)


def _combine1_kernel(p0_ref, p1_ref, r_ref, b1_ref, wl_ref, wr_ref,
                     ol_ref, or_ref):
    t = p0_ref[...] + p1_ref[...]
    num = t[:, :F]
    rec = 1.0 / (t[:, F:F + 8] + 1e-16)
    den_exp = jnp.dot(rec, r_ref[...], preferred_element_type=jnp.float32)
    h = num * den_exp + b1_ref[...]
    h = jnp.where(h > 0, h, jnp.exp(h) - 1.0)
    ol_ref[...] = jnp.dot(h, wl_ref[...], preferred_element_type=jnp.float32)
    or_ref[...] = jnp.dot(h, wr_ref[...], preferred_element_type=jnp.float32)


def _combine1(parts, b1, w2l, w2r):
    rexp = jnp.repeat(jnp.eye(8, dtype=jnp.float32), 8, axis=1)
    return pl.pallas_call(
        _combine1_kernel,
        grid=(N // RB,),
        in_specs=[
            pl.BlockSpec((RB, ACC_W), lambda i: (i, 0)),
            pl.BlockSpec((RB, ACC_W), lambda i: (i + N // RB, 0)),
            pl.BlockSpec((8, F), lambda i: (0, 0)),
            pl.BlockSpec((1, F), lambda i: (0, 0)),
            pl.BlockSpec((F, F), lambda i: (0, 0)),
            pl.BlockSpec((F, F), lambda i: (0, 0)),
        ],
        out_specs=[
            pl.BlockSpec((RB, F), lambda i: (i, 0)),
            pl.BlockSpec((RB, F), lambda i: (i, 0)),
        ],
        out_shape=[jax.ShapeDtypeStruct((N, F), jnp.float32)] * 2,
    )(parts, parts, rexp, b1.reshape(1, F), w2l, w2r)


def _combine2_kernel(p0_ref, p1_ref, b2_ref, o_ref):
    t = p0_ref[...] + p1_ref[...]
    num = t[:, :F]
    o = num / (t[:, F:F + 1] + 1e-16) + b2_ref[...]
    m = jnp.max(o, axis=1, keepdims=True)
    z = o - m
    lse = jnp.log(jnp.sum(jnp.exp(z), axis=1, keepdims=True))
    o_ref[...] = z - lse


def _combine2(parts, b2):
    return pl.pallas_call(
        _combine2_kernel,
        grid=(N // RB,),
        in_specs=[
            pl.BlockSpec((RB, ACC_W), lambda i: (i, 0)),
            pl.BlockSpec((RB, ACC_W), lambda i: (i + N // RB, 0)),
            pl.BlockSpec((1, F), lambda i: (0, 0)),
        ],
        out_specs=pl.BlockSpec((RB, F), lambda i: (i, 0)),
        out_shape=jax.ShapeDtypeStruct((N, F), jnp.float32),
    )(parts, parts, b2.reshape(1, F))


def kernel(x, edge_index, W1l, W1r, att1, b1, W2l, W2r, att2, b2):
    loop = jnp.arange(N, dtype=jnp.int32)
    pad = jnp.zeros((IDX_LEN - E_TOT,), jnp.int32)
    src = jnp.concatenate([edge_index[0].astype(jnp.int32), loop, pad])
    dst = jnp.concatenate([edge_index[1].astype(jnp.int32), loop, pad])

    xl1, xr1 = _proj2(x, W1l, W1r)
    parts1 = _edge_l1(xl1, xr1, src, dst, att1.reshape(F))
    xl2, xr2 = _combine1(parts1, b1, W2l, W2r)
    parts2 = _edge_l2(xl2, xr2, src, dst, att2.reshape(F))
    return _combine2(parts2, b2)

# --- scband reference (transcript-rebuilt; emitter-appended) ---
"""Pipeline reference for scband-gat2-63239098466923 (READ-ONLY COPY).

The authoritative reference and input builder live on the scoring server;
editing this copy changes nothing except your own understanding.
"""

import jax, jax.numpy as jnp
import numpy as np

N = 10000
E = 320000
D = 128
OUT = 64
NEG = 0.2


def _gatv2(x, src, dst, Wl, Wr, att, b, heads, ch, concat):
    n = x.shape[0]
    xl = (x @ Wl).reshape(n, heads, ch)
    xr = (x @ Wr).reshape(n, heads, ch)
    e = xl[src] + xr[dst]
    e = jax.nn.leaky_relu(e, NEG)
    alpha = (e * att[None]).sum(-1)
    amax = jax.lax.stop_gradient(jax.ops.segment_max(alpha, dst, num_segments=n))
    amax = jnp.where(jnp.isfinite(amax), amax, 0.0)
    ex = jnp.exp(alpha - amax[dst])
    denom = jax.ops.segment_sum(ex, dst, num_segments=n)
    a = ex / (denom[dst] + 1e-16)
    out = jax.ops.segment_sum(xl[src] * a[..., None], dst, num_segments=n)
    if concat:
        out = out.reshape(n, heads * ch)
    else:
        out = out.mean(axis=1)
    return out + b


def _model(x, src, dst, W1l, W1r, att1, b1, W2l, W2r, att2, b2):
    h = jax.nn.elu(_gatv2(x, src, dst, W1l, W1r, att1, b1, 8, 8, True))
    o = _gatv2(h, src, dst, W2l, W2r, att2, b2, 1, OUT, False)
    return jax.nn.log_softmax(o, axis=-1)


def setup_inputs(seed: int = 0):
    key = jax.random.key(seed)
    ks = jax.random.split(key, 10)
    x = jax.random.normal(ks[0], (N, D), dtype=jnp.float32)
    edge_index = jax.random.randint(ks[1], (2, E), 0, N)
    W1l = jax.random.normal(ks[2], (D, 64), dtype=jnp.float32) * 0.1
    W1r = jax.random.normal(ks[3], (D, 64), dtype=jnp.float32) * 0.1
    att1 = jax.random.normal(ks[4], (8, 8), dtype=jnp.float32) * 0.1
    b1 = jnp.zeros((64,), dtype=jnp.float32)
    W2l = jax.random.normal(ks[5], (64, OUT), dtype=jnp.float32) * 0.1
    W2r = jax.random.normal(ks[6], (64, OUT), dtype=jnp.float32) * 0.1
    att2 = jax.random.normal(ks[7], (1, OUT), dtype=jnp.float32) * 0.1
    b2 = jnp.zeros((OUT,), dtype=jnp.float32)
    return {"x": x, "edge_index": edge_index, "W1l": W1l, "W1r": W1r, "att1": att1, "b1": b1, "W2l": W2l, "W2r": W2r, "att2": att2, "b2": b2}


def reference(x, edge_index, W1l, W1r, att1, b1, W2l, W2r, att2, b2):
    # dropout layers are identity in eval mode; PyG GATv2Conv adds self-loops by default
    loop = jnp.arange(x.shape[0])
    src = jnp.concatenate([edge_index[0], loop])
    dst = jnp.concatenate([edge_index[1], loop])
    return _model(x, src, dst, W1l, W1r, att1, b1, W2l, W2r, att2, b2)

if __name__ == "__main__":
    import jax
    _d = setup_inputs()
    print(jax.jit(kernel)(*tuple(_d.values())))

</pallas_src>

<mosaic_0001>
#map = affine_map<(d0, d1) -> (0, 0)>
#map1 = affine_map<(d0, d1) -> (0)>
module attributes {stable_mosaic.version = 14 : i64} {
  func.func @edge_kernel(%arg0: i32, %arg1: i32, %arg2: memref<10000x64xf32, #tpu.memory_space<hbm>>, %arg3: memref<10000x64xf32, #tpu.memory_space<hbm>>, %arg4: memref<336128xi32, #tpu.memory_space<hbm>>, %arg5: memref<336128xi32, #tpu.memory_space<hbm>>, %arg6: memref<64xf32, #tpu.memory_space<hbm>>, %arg7: memref<20000x80xf32, #tpu.memory_space<hbm>>, %arg8: memref<128xi32, #tpu.memory_space<vmem>>, %arg9: memref<128xi32, #tpu.memory_space<vmem>>, %arg10: memref<128xi32, #tpu.memory_space<vmem>>, %arg11: memref<128xi32, #tpu.memory_space<vmem>>, %arg12: memref<128xi32, #tpu.memory_space<vmem>>, %arg13: memref<128xi32, #tpu.memory_space<vmem>>, %arg14: memref<128x64xf32, #tpu.memory_space<vmem>>, %arg15: memref<128x64xf32, #tpu.memory_space<vmem>>, %arg16: memref<128x64xf32, #tpu.memory_space<vmem>>, %arg17: memref<128x64xf32, #tpu.memory_space<vmem>>, %arg18: memref<128x80xf32, #tpu.memory_space<vmem>>, %arg19: memref<128x80xf32, #tpu.memory_space<vmem>>, %arg20: memref<64xf32, #tpu.memory_space<vmem>>, %arg21: memref<10000x80xf32, #tpu.memory_space<vmem_shared>>, %arg22: memref<!tpu.dma_semaphore, #tpu.memory_space<semaphore_mem>>, %arg23: memref<!tpu.dma_semaphore, #tpu.memory_space<semaphore_mem>>, %arg24: memref<!tpu.dma_semaphore, #tpu.memory_space<semaphore_mem>>, %arg25: memref<!tpu.dma_semaphore, #tpu.memory_space<semaphore_mem>>, %arg26: memref<!tpu.dma_semaphore, #tpu.memory_space<semaphore_mem>>, %arg27: memref<!tpu.dma_semaphore, #tpu.memory_space<semaphore_mem>>, %arg28: memref<!tpu.dma_semaphore, #tpu.memory_space<semaphore_mem>>, %arg29: memref<!tpu.dma_semaphore, #tpu.memory_space<semaphore_mem>>, %arg30: memref<!tpu.dma_semaphore, #tpu.memory_space<semaphore_mem>>, %arg31: memref<!tpu.dma_semaphore, #tpu.memory_space<semaphore_mem>>) attributes {dimension_semantics = [#tpu.dimension_semantics<core_parallel>, #tpu.dimension_semantics<subcore_parallel>], iteration_bounds = array<i64: 2, 16>, scalar_prefetch = 0 : i64, scratch_operands = 24 : i64, tpu.core_type = #tpu.core_type<sc_vector_subcore>, window_params = [{transform_indices = #map}, {transform_indices = #map}, {transform_indices = #map1}, {transform_indices = #map1}, {transform_indices = #map1}, {transform_indices = #map}]} {
    %mul3A = arith.constant 2 : i32
    %mul3A_0 = arith.muli %arg1, %mul3A : i32
    %add3A = arith.addi %mul3A_0, %arg0 : i32
    %iota3A = tpu.iota {dimensions = array<i32: 0>} : vector<16xi32>
    %broadcast_in_dim3A = arith.constant 0.000000e+00 : f32
    %broadcast_in_dim3A_1 = vector.broadcast %broadcast_in_dim3A : f32 to vector<16xf32>
    %mul3A_2 = arith.constant 82 : i32
    %mul3A_3 = arith.muli %add3A, %mul3A_2 : i32
    %mul3A_4 = arith.constant 128 : i32
    %mul3A_5 = arith.muli %mul3A_3, %mul3A_4 : i32
    %scan3A = arith.constant 0 : i32
    %scan3A_6 = arith.constant 0 : i32
    %scan3A_7 = arith.constant 128 : i32
    %scan3A_8 = arith.addi %scan3A_6, %scan3A_7 : i32
    %scan3A_9 = arith.constant 1 : i32
    scf.for %scan3A_145 = %scan3A_6 to %scan3A_8 step %scan3A_9  : i32 {
      %swap3A = arith.index_cast %scan3A_145 : i32 to index
      %swap3A_146 = arith.constant 0 : index
      %swap3A_147 = tpu.vector_load %arg18[%swap3A, %swap3A_146] {strides = array<i32>} : memref<128x80xf32, #tpu.memory_space<vmem>>, vector<16xf32>,
      tpu.vector_store %arg18[%swap3A, %swap3A_146], %broadcast_in_dim3A_1 {strides = array<i32>} : memref<128x80xf32, #tpu.memory_space<vmem>>, vector<16xf32>,
      %swap3A_148 = arith.index_cast %scan3A_145 : i32 to index
      %swap3A_149 = arith.constant 16 : index
      %swap3A_150 = tpu.vector_load %arg18[%swap3A_148, %swap3A_149] {strides = array<i32>} : memref<128x80xf32, #tpu.memory_space<vmem>>, vector<16xf32>,
      tpu.vector_store %arg18[%swap3A_148, %swap3A_149], %broadcast_in_dim3A_1 {strides = array<i32>} : memref<128x80xf32, #tpu.memory_space<vmem>>, vector<16xf32>,
      %swap3A_151 = arith.index_cast %scan3A_145 : i32 to index
      %swap3A_152 = arith.constant 32 : index
      %swap3A_153 = tpu.vector_load %arg18[%swap3A_151, %swap3A_152] {strides = array<i32>} : memref<128x80xf32, #tpu.memory_space<vmem>>, vector<16xf32>,
      tpu.vector_store %arg18[%swap3A_151, %swap3A_152], %broadcast_in_dim3A_1 {strides = array<i32>} : memref<128x80xf32, #tpu.memory_space<vmem>>, vector<16xf32>,
      %swap3A_154 = arith.index_cast %scan3A_145 : i32 to index
      %swap3A_155 = arith.constant 48 : index
      %swap3A_156 = tpu.vector_load %arg18[%swap3A_154, %swap3A_155] {strides = array<i32>} : memref<128x80xf32, #tpu.memory_space<vmem>>, vector<16xf32>,
      tpu.vector_store %arg18[%swap3A_154, %swap3A_155], %broadcast_in_dim3A_1 {strides = array<i32>} : memref<128x80xf32, #tpu.memory_space<vmem>>, vector<16xf32>,
      %swap3A_157 = arith.index_cast %scan3A_145 : i32 to index
      %swap3A_158 = arith.constant 64 : index
      %swap3A_159 = tpu.vector_load %arg18[%swap3A_157, %swap3A_158] {strides = array<i32>} : memref<128x80xf32, #tpu.memory_space<vmem>>, vector<16xf32>,
      tpu.vector_store %arg18[%swap3A_157, %swap3A_158], %broadcast_in_dim3A_1 {strides = array<i32>} : memref<128x80xf32, #tpu.memory_space<vmem>>, vector<16xf32>,
    }
    %scan3A_10 = arith.constant 128 : i32
    %mul3A_11 = arith.constant 624 : i32
    %mul3A_12 = arith.muli %arg1, %mul3A_11 : i32
    %add3A_13 = arith.constant 0 : i32
    %add3A_14 = arith.addi %mul3A_12, %add3A_13 : i32
    "tpu.region"() ({
      %run_scoped3A = tpu.sem_alloc : memref<!tpu.dma_semaphore, #tpu.memory_space<semaphore_mem>>
      %dma_start3A_145 = arith.constant 0 : i32
      %dma_start3A_146 = arith.constant 0 : i32
      %dma_start3A_147 = tpu.memref_slice %arg18[%dma_start3A_145, %dma_start3A_146] : memref<128x80xf32, #tpu.memory_space<vmem>> -> memref<128x80xf32, #tpu.memory_space<vmem>>
      %dma_start3A_148 = arith.constant 0 : i32
      %dma_start3A_149 = tpu.memref_slice %arg21[%add3A_14, %dma_start3A_148] : memref<10000x80xf32, #tpu.memory_space<vmem_shared>> -> memref<128x80xf32, #tpu.memory_space<vmem_shared>>
      %dma_start3A_150 = arith.constant 0 : i32
      %dma_start3A_151 = tpu.memref_slice %arg21[%add3A_14, %dma_start3A_150] : memref<10000x80xf32, #tpu.memory_space<vmem_shared>> -> memref<128x80xf32, #tpu.memory_space<vmem_shared>>
      %dma_start3A_152 = arith.constant 0 : i32
      %dma_start3A_153 = arith.constant 0 : i32
      %dma_start3A_154 = tpu.memref_slice %arg18[%dma_start3A_152, %dma_start3A_153] : memref<128x80xf32, #tpu.memory_space<vmem>> -> memref<128x80xf32, #tpu.memory_space<vmem>>
      tpu.enqueue_dma source(%dma_start3A_154 : memref<128x80xf32, #tpu.memory_space<vmem>>) target(%dma_start3A_151 : memref<128x80xf32, #tpu.memory_space<vmem_shared>>) target_semaphore(%run_scoped3A : memref<!tpu.dma_semaphore, #tpu.memory_space<semaphore_mem>>)
      %dma_wait3A_155 = arith.constant 0 : i32
      %dma_wait3A_156 = arith.constant 0 : i32
      %dma_wait3A_157 = tpu.memref_slice %arg18[%dma_wait3A_155, %dma_wait3A_156] : memref<128x80xf32, #tpu.memory_space<vmem>> -> memref<128x80xf32, #tpu.memory_space<vmem>>
      %dma_wait3A_158 = arith.constant 0 : i32
      %dma_wait3A_159 = tpu.memref_slice %arg21[%add3A_14, %dma_wait3A_158] : memref<10000x80xf32, #tpu.memory_space<vmem_shared>> -> memref<128x80xf32, #tpu.memory_space<vmem_shared>>
      %dma_wait3A_160 = arith.constant 0 : i32
      %dma_wait3A_161 = tpu.memref_slice %arg21[%add3A_14, %dma_wait3A_160] : memref<10000x80xf32, #tpu.memory_space<vmem_shared>> -> memref<128x80xf32, #tpu.memory_space<vmem_shared>>
      %dma_wait3A_162 = arith.constant 0 : i32
      %dma_wait3A_163 = arith.constant 0 : i32
      %dma_wait3A_164 = tpu.memref_slice %arg18[%dma_wait3A_162, %dma_wait3A_163] : memref<128x80xf32, #tpu.memory_space<vmem>> -> memref<128x80xf32, #tpu.memory_space<vmem>>
      tpu.wait_dma2 semaphore(%run_scoped3A : memref<!tpu.dma_semaphore, #tpu.memory_space<semaphore_mem>>) src(%dma_wait3A_164 : memref<128x80xf32, #tpu.memory_space<vmem>>) dst(%dma_wait3A_161 : memref<128x80xf32, #tpu.memory_space<vmem_shared>>)
      tpu.yield
    }) : () -> ()
    %add3A_15 = arith.constant 128 : i32
    %add3A_16 = arith.addi %mul3A_12, %add3A_15 : i32
    "tpu.region"() ({
      %run_scoped3A = tpu.sem_alloc : memref<!tpu.dma_semaphore, #tpu.memory_space<semaphore_mem>>
      %dma_start3A_145 = arith.constant 0 : i32
      %dma_start3A_146 = arith.constant 0 : i32
      %dma_start3A_147 = tpu.memref_slice %arg18[%dma_start3A_145, %dma_start3A_146] : memref<128x80xf32, #tpu.memory_space<vmem>> -> memref<128x80xf32, #tpu.memory_space<vmem>>
      %dma_start3A_148 = arith.constant 0 : i32
      %dma_start3A_149 = tpu.memref_slice %arg21[%add3A_16, %dma_start3A_148] : memref<10000x80xf32, #tpu.memory_space<vmem_shared>> -> memref<128x80xf32, #tpu.memory_space<vmem_shared>>
      %dma_start3A_150 = arith.constant 0 : i32
      %dma_start3A_151 = tpu.memref_slice %arg21[%add3A_16, %dma_start3A_150] : memref<10000x80xf32, #tpu.memory_space<vmem_shared>> -> memref<128x80xf32, #tpu.memory_space<vmem_shared>>
      %dma_start3A_152 = arith.constant 0 : i32
      %dma_start3A_153 = arith.constant 0 : i32
      %dma_start3A_154 = tpu.memref_slice %arg18[%dma_start3A_152, %dma_start3A_153] : memref<128x80xf32, #tpu.memory_space<vmem>> -> memref<128x80xf32, #tpu.memory_space<vmem>>
      tpu.enqueue_dma source(%dma_start3A_154 : memref<128x80xf32, #tpu.memory_space<vmem>>) target(%dma_start3A_151 : memref<128x80xf32, #tpu.memory_space<vmem_shared>>) target_semaphore(%run_scoped3A : memref<!tpu.dma_semaphore, #tpu.memory_space<semaphore_mem>>)
      %dma_wait3A_155 = arith.constant 0 : i32
      %dma_wait3A_156 = arith.constant 0 : i32
      %dma_wait3A_157 = tpu.memref_slice %arg18[%dma_wait3A_155, %dma_wait3A_156] : memref<128x80xf32, #tpu.memory_space<vmem>> -> memref<128x80xf32, #tpu.memory_space<vmem>>
      %dma_wait3A_158 = arith.constant 0 : i32
      %dma_wait3A_159 = tpu.memref_slice %arg21[%add3A_16, %dma_wait3A_158] : memref<10000x80xf32, #tpu.memory_space<vmem_shared>> -> memref<128x80xf32, #tpu.memory_space<vmem_shared>>
      %dma_wait3A_160 = arith.constant 0 : i32
      %dma_wait3A_161 = tpu.memref_slice %arg21[%add3A_16, %dma_wait3A_160] : memref<10000x80xf32, #tpu.memory_space<vmem_shared>> -> memref<128x80xf32, #tpu.memory_space<vmem_shared>>
      %dma_wait3A_162 = arith.constant 0 : i32
      %dma_wait3A_163 = arith.constant 0 : i32
      %dma_wait3A_164 = tpu.memref_slice %arg18[%dma_wait3A_162, %dma_wait3A_163] : memref<128x80xf32, #tpu.memory_space<vmem>> -> memref<128x80xf32, #tpu.memory_space<vmem>>
      tpu.wait_dma2 semaphore(%run_scoped3A : memref<!tpu.dma_semaphore, #tpu.memory_space<semaphore_mem>>) src(%dma_wait3A_164 : memref<128x80xf32, #tpu.memory_space<vmem>>) dst(%dma_wait3A_161 : memref<128x80xf32, #tpu.memory_space<vmem_shared>>)
      tpu.yield
    }) : () -> ()
    %add3A_17 = arith.constant 256 : i32
    %add3A_18 = arith.addi %mul3A_12, %add3A_17 : i32
    "tpu.region"() ({
      %run_scoped3A = tpu.sem_alloc : memref<!tpu.dma_semaphore, #tpu.memory_space<semaphore_mem>>
      %dma_start3A_145 = arith.constant 0 : i32
      %dma_start3A_146 = arith.constant 0 : i32
      %dma_start3A_147 = tpu.memref_slice %arg18[%dma_start3A_145, %dma_start3A_146] : memref<128x80xf32, #tpu.memory_space<vmem>> -> memref<128x80xf32, #tpu.memory_space<vmem>>
      %dma_start3A_148 = arith.constant 0 : i32
      %dma_start3A_149 = tpu.memref_slice %arg21[%add3A_18, %dma_start3A_148] : memref<10000x80xf32, #tpu.memory_space<vmem_shared>> -> memref<128x80xf32, #tpu.memory_space<vmem_shared>>
      %dma_start3A_150 = arith.constant 0 : i32
      %dma_start3A_151 = tpu.memref_slice %arg21[%add3A_18, %dma_start3A_150] : memref<10000x80xf32, #tpu.memory_space<vmem_shared>> -> memref<128x80xf32, #tpu.memory_space<vmem_shared>>
      %dma_start3A_152 = arith.constant 0 : i32
      %dma_start3A_153 = arith.constant 0 : i32
      %dma_start3A_154 = tpu.memref_slice %arg18[%dma_start3A_152, %dma_start3A_153] : memref<128x80xf32, #tpu.memory_space<vmem>> -> memref<128x80xf32, #tpu.memory_space<vmem>>
      tpu.enqueue_dma source(%dma_start3A_154 : memref<128x80xf32, #tpu.memory_space<vmem>>) target(%dma_start3A_151 : memref<128x80xf32, #tpu.memory_space<vmem_shared>>) target_semaphore(%run_scoped3A : memref<!tpu.dma_semaphore, #tpu.memory_space<semaphore_mem>>)
      %dma_wait3A_155 = arith.constant 0 : i32
      %dma_wait3A_156 = arith.constant 0 : i32
      %dma_wait3A_157 = tpu.memref_slice %arg18[%dma_wait3A_155, %dma_wait3A_156] : memref<128x80xf32, #tpu.memory_space<vmem>> -> memref<128x80xf32, #tpu.memory_space<vmem>>
      %dma_wait3A_158 = arith.constant 0 : i32
      %dma_wait3A_159 = tpu.memref_slice %arg21[%add3A_18, %dma_wait3A_158] : memref<10000x80xf32, #tpu.memory_space<vmem_shared>> -> memref<128x80xf32, #tpu.memory_space<vmem_shared>>
      %dma_wait3A_160 = arith.constant 0 : i32
      %dma_wait3A_161 = tpu.memref_slice %arg21[%add3A_18, %dma_wait3A_160] : memref<10000x80xf32, #tpu.memory_space<vmem_shared>> -> memref<128x80xf32, #tpu.memory_space<vmem_shared>>
      %dma_wait3A_162 = arith.constant 0 : i32
      %dma_wait3A_163 = arith.constant 0 : i32
      %dma_wait3A_164 = tpu.memref_slice %arg18[%dma_wait3A_162, %dma_wait3A_163] : memref<128x80xf32, #tpu.memory_space<vmem>> -> memref<128x80xf32, #tpu.memory_space<vmem>>
      tpu.wait_dma2 semaphore(%run_scoped3A : memref<!tpu.dma_semaphore, #tpu.memory_space<semaphore_mem>>) src(%dma_wait3A_164 : memref<128x80xf32, #tpu.memory_space<vmem>>) dst(%dma_wait3A_161 : memref<128x80xf32, #tpu.memory_space<vmem_shared>>)
      tpu.yield
    }) : () -> ()
    %add3A_19 = arith.constant 384 : i32
    %add3A_20 = arith.addi %mul3A_12, %add3A_19 : i32
    "tpu.region"() ({
      %run_scoped3A = tpu.sem_alloc : memref<!tpu.dma_semaphore, #tpu.memory_space<semaphore_mem>>
      %dma_start3A_145 = arith.constant 0 : i32
      %dma_start3A_146 = arith.constant 0 : i32
      %dma_start3A_147 = tpu.memref_slice %arg18[%dma_start3A_145, %dma_start3A_146] : memref<128x80xf32, #tpu.memory_space<vmem>> -> memref<128x80xf32, #tpu.memory_space<vmem>>
      %dma_start3A_148 = arith.constant 0 : i32
      %dma_start3A_149 = tpu.memref_slice %arg21[%add3A_20, %dma_start3A_148] : memref<10000x80xf32, #tpu.memory_space<vmem_shared>> -> memref<128x80xf32, #tpu.memory_space<vmem_shared>>
      %dma_start3A_150 = arith.constant 0 : i32
      %dma_start3A_151 = tpu.memref_slice %arg21[%add3A_20, %dma_start3A_150] : memref<10000x80xf32, #tpu.memory_space<vmem_shared>> -> memref<128x80xf32, #tpu.memory_space<vmem_shared>>
      %dma_start3A_152 = arith.constant 0 : i32
      %dma_start3A_153 = arith.constant 0 : i32
      %dma_start3A_154 = tpu.memref_slice %arg18[%dma_start3A_152, %dma_start3A_153] : memref<128x80xf32, #tpu.memory_space<vmem>> -> memref<128x80xf32, #tpu.memory_space<vmem>>
      tpu.enqueue_dma source(%dma_start3A_154 : memref<128x80xf32, #tpu.memory_space<vmem>>) target(%dma_start3A_151 : memref<128x80xf32, #tpu.memory_space<vmem_shared>>) target_semaphore(%run_scoped3A : memref<!tpu.dma_semaphore, #tpu.memory_space<semaphore_mem>>)
      %dma_wait3A_155 = arith.constant 0 : i32
      %dma_wait3A_156 = arith.constant 0 : i32
      %dma_wait3A_157 = tpu.memref_slice %arg18[%dma_wait3A_155, %dma_wait3A_156] : memref<128x80xf32, #tpu.memory_space<vmem>> -> memref<128x80xf32, #tpu.memory_space<vmem>>
      %dma_wait3A_158 = arith.constant 0 : i32
      %dma_wait3A_159 = tpu.memref_slice %arg21[%add3A_20, %dma_wait3A_158] : memref<10000x80xf32, #tpu.memory_space<vmem_shared>> -> memref<128x80xf32, #tpu.memory_space<vmem_shared>>
      %dma_wait3A_160 = arith.constant 0 : i32
      %dma_wait3A_161 = tpu.memref_slice %arg21[%add3A_20, %dma_wait3A_160] : memref<10000x80xf32, #tpu.memory_space<vmem_shared>> -> memref<128x80xf32, #tpu.memory_space<vmem_shared>>
      %dma_wait3A_162 = arith.constant 0 : i32
      %dma_wait3A_163 = arith.constant 0 : i32
      %dma_wait3A_164 = tpu.memref_slice %arg18[%dma_wait3A_162, %dma_wait3A_163] : memref<128x80xf32, #tpu.memory_space<vmem>> -> memref<128x80xf32, #tpu.memory_space<vmem>>
      tpu.wait_dma2 semaphore(%run_scoped3A : memref<!tpu.dma_semaphore, #tpu.memory_space<semaphore_mem>>) src(%dma_wait3A_164 : memref<128x80xf32, #tpu.memory_space<vmem>>) dst(%dma_wait3A_161 : memref<128x80xf32, #tpu.memory_space<vmem_shared>>)
      tpu.yield
    }) : () -> ()
    %add3A_21 = arith.constant 512 : i32
    %add3A_22 = arith.addi %mul3A_12, %add3A_21 : i32
    "tpu.region"() ({
      %run_scoped3A = tpu.sem_alloc : memref<!tpu.dma_semaphore, #tpu.memory_space<semaphore_mem>>
      %dma_start3A_145 = arith.constant 0 : i32
      %dma_start3A_146 = arith.constant 0 : i32
      %dma_start3A_147 = tpu.memref_slice %arg18[%dma_start3A_145, %dma_start3A_146] : memref<128x80xf32, #tpu.memory_space<vmem>> -> memref<112x80xf32, #tpu.memory_space<vmem>>
      %dma_start3A_148 = arith.constant 0 : i32
      %dma_start3A_149 = tpu.memref_slice %arg21[%add3A_22, %dma_start3A_148] : memref<10000x80xf32, #tpu.memory_space<vmem_shared>> -> memref<112x80xf32, #tpu.memory_space<vmem_shared>>
      %dma_start3A_150 = arith.constant 0 : i32
      %dma_start3A_151 = tpu.memref_slice %arg21[%add3A_22, %dma_start3A_150] : memref<10000x80xf32, #tpu.memory_space<vmem_shared>> -> memref<112x80xf32, #tpu.memory_space<vmem_shared>>
      %dma_start3A_152 = arith.constant 0 : i32
      %dma_start3A_153 = arith.constant 0 : i32
      %dma_start3A_154 = tpu.memref_slice %arg18[%dma_start3A_152, %dma_start3A_153] : memref<128x80xf32, #tpu.memory_space<vmem>> -> memref<112x80xf32, #tpu.memory_space<vmem>>
      tpu.enqueue_dma source(%dma_start3A_154 : memref<112x80xf32, #tpu.memory_space<vmem>>) target(%dma_start3A_151 : memref<112x80xf32, #tpu.memory_space<vmem_shared>>) target_semaphore(%run_scoped3A : memref<!tpu.dma_semaphore, #tpu.memory_space<semaphore_mem>>)
      %dma_wait3A_155 = arith.constant 0 : i32
      %dma_wait3A_156 = arith.constant 0 : i32
      %dma_wait3A_157 = tpu.memref_slice %arg18[%dma_wait3A_155, %dma_wait3A_156] : memref<128x80xf32, #tpu.memory_space<vmem>> -> memref<112x80xf32, #tpu.memory_space<vmem>>
      %dma_wait3A_158 = arith.constant 0 : i32
      %dma_wait3A_159 = tpu.memref_slice %arg21[%add3A_22, %dma_wait3A_158] : memref<10000x80xf32, #tpu.memory_space<vmem_shared>> -> memref<112x80xf32, #tpu.memory_space<vmem_shared>>
      %dma_wait3A_160 = arith.constant 0 : i32
      %dma_wait3A_161 = tpu.memref_slice %arg21[%add3A_22, %dma_wait3A_160] : memref<10000x80xf32, #tpu.memory_space<vmem_shared>> -> memref<112x80xf32, #tpu.memory_space<vmem_shared>>
      %dma_wait3A_162 = arith.constant 0 : i32
      %dma_wait3A_163 = arith.constant 0 : i32
      %dma_wait3A_164 = tpu.memref_slice %arg18[%dma_wait3A_162, %dma_wait3A_163] : memref<128x80xf32, #tpu.memory_space<vmem>> -> memref<112x80xf32, #tpu.memory_space<vmem>>
      tpu.wait_dma2 semaphore(%run_scoped3A : memref<!tpu.dma_semaphore, #tpu.memory_space<semaphore_mem>>) src(%dma_wait3A_164 : memref<112x80xf32, #tpu.memory_space<vmem>>) dst(%dma_wait3A_161 : memref<112x80xf32, #tpu.memory_space<vmem_shared>>)
      tpu.yield
    }) : () -> ()
    %eq3A = arith.constant 15 : i32
    %eq3A_23 = arith.cmpi eq, %arg1, %eq3A : i32
    %convert_element_type3A = arith.extui %eq3A_23 : i1 to i32
    %cond3A = arith.constant 0 : i32
    %cond3A_24 = arith.cmpi ne, %convert_element_type3A, %cond3A : i32
    scf.if %cond3A_24 {
      "tpu.region"() ({
        %run_scoped3A = tpu.sem_alloc : memref<!tpu.dma_semaphore, #tpu.memory_space<semaphore_mem>>
        %dma_start3A_145 = arith.constant 0 : i32
        %dma_start3A_146 = arith.constant 0 : i32
        %dma_start3A_147 = tpu.memref_slice %arg18[%dma_start3A_145, %dma_start3A_146] : memref<128x80xf32, #tpu.memory_space<vmem>> -> memref<16x80xf32, #tpu.memory_space<vmem>>
        %dma_start3A_148 = arith.constant 9984 : i32
        %dma_start3A_149 = arith.constant 0 : i32
        %dma_start3A_150 = tpu.memref_slice %arg21[%dma_start3A_148, %dma_start3A_149] : memref<10000x80xf32, #tpu.memory_space<vmem_shared>> -> memref<16x80xf32, #tpu.memory_space<vmem_shared>>
        %dma_start3A_151 = arith.constant 9984 : i32
        %dma_start3A_152 = arith.constant 0 : i32
        %dma_start3A_153 = tpu.memref_slice %arg21[%dma_start3A_151, %dma_start3A_152] : memref<10000x80xf32, #tpu.memory_space<vmem_shared>> -> memref<16x80xf32, #tpu.memory_space<vmem_shared>>
        %dma_start3A_154 = arith.constant 0 : i32
        %dma_start3A_155 = arith.constant 0 : i32
        %dma_start3A_156 = tpu.memref_slice %arg18[%dma_start3A_154, %dma_start3A_155] : memref<128x80xf32, #tpu.memory_space<vmem>> -> memref<16x80xf32, #tpu.memory_space<vmem>>
        tpu.enqueue_dma source(%dma_start3A_156 : memref<16x80xf32, #tpu.memory_space<vmem>>) target(%dma_start3A_153 : memref<16x80xf32, #tpu.memory_space<vmem_shared>>) target_semaphore(%run_scoped3A : memref<!tpu.dma_semaphore, #tpu.memory_space<semaphore_mem>>)
        %dma_wait3A_157 = arith.constant 0 : i32
        %dma_wait3A_158 = arith.constant 0 : i32
        %dma_wait3A_159 = tpu.memref_slice %arg18[%dma_wait3A_157, %dma_wait3A_158] : memref<128x80xf32, #tpu.memory_space<vmem>> -> memref<16x80xf32, #tpu.memory_space<vmem>>
        %dma_wait3A_160 = arith.constant 9984 : i32
        %dma_wait3A_161 = arith.constant 0 : i32
        %dma_wait3A_162 = tpu.memref_slice %arg21[%dma_wait3A_160, %dma_wait3A_161] : memref<10000x80xf32, #tpu.memory_space<vmem_shared>> -> memref<16x80xf32, #tpu.memory_space<vmem_shared>>
        %dma_wait3A_163 = arith.constant 9984 : i32
        %dma_wait3A_164 = arith.constant 0 : i32
        %dma_wait3A_165 = tpu.memref_slice %arg21[%dma_wait3A_163, %dma_wait3A_164] : memref<10000x80xf32, #tpu.memory_space<vmem_shared>> -> memref<16x80xf32, #tpu.memory_space<vmem_shared>>
        %dma_wait3A_166 = arith.constant 0 : i32
        %dma_wait3A_167 = arith.constant 0 : i32
        %dma_wait3A_168 = tpu.memref_slice %arg18[%dma_wait3A_166, %dma_wait3A_167] : memref<128x80xf32, #tpu.memory_space<vmem>> -> memref<16x80xf32, #tpu.memory_space<vmem>>
        tpu.wait_dma2 semaphore(%run_scoped3A : memref<!tpu.dma_semaphore, #tpu.memory_space<semaphore_mem>>) src(%dma_wait3A_168 : memref<16x80xf32, #tpu.memory_space<vmem>>) dst(%dma_wait3A_165 : memref<16x80xf32, #tpu.memory_space<vmem_shared>>)
        tpu.yield
      }) : () -> ()
    } else {
    }
    "tpu.region"() ({
      %run_scoped3A = tpu.sem_alloc : memref<!tpu.dma_semaphore, #tpu.memory_space<semaphore_mem>>
      tpu.enqueue_dma source(%arg6 : memref<64xf32, #tpu.memory_space<hbm>>) target(%arg20 : memref<64xf32, #tpu.memory_space<vmem>>) target_semaphore(%run_scoped3A : memref<!tpu.dma_semaphore, #tpu.memory_space<semaphore_mem>>)
      tpu.wait_dma2 semaphore(%run_scoped3A : memref<!tpu.dma_semaphore, #tpu.memory_space<semaphore_mem>>) src(%arg6 : memref<64xf32, #tpu.memory_space<hbm>>) dst(%arg20 : memref<64xf32, #tpu.memory_space<vmem>>)
      tpu.yield
    }) : () -> ()
    %get3A = arith.constant 0 : index
    %get3A_25 = tpu.vector_load %arg20[%get3A] {strides = array<i32>} : memref<64xf32, #tpu.memory_space<vmem>>, vector<16xf32>,
    %get3A_26 = arith.constant 16 : index
    %get3A_27 = tpu.vector_load %arg20[%get3A_26] {strides = array<i32>} : memref<64xf32, #tpu.memory_space<vmem>>, vector<16xf32>,
    %get3A_28 = arith.constant 32 : index
    %get3A_29 = tpu.vector_load %arg20[%get3A_28] {strides = array<i32>} : memref<64xf32, #tpu.memory_space<vmem>>, vector<16xf32>,
    %get3A_30 = arith.constant 48 : index
    %get3A_31 = tpu.vector_load %arg20[%get3A_30] {strides = array<i32>} : memref<64xf32, #tpu.memory_space<vmem>>, vector<16xf32>,
    %add3A_32 = arith.constant 0 : i32
    %add3A_33 = arith.addi %mul3A_5, %add3A_32 : i32
    %dma_start3A = tpu.memref_slice %arg4[%add3A_33] : memref<336128xi32, #tpu.memory_space<hbm>> -> memref<128xi32, #tpu.memory_space<hbm>>
    %dma_start3A_34 = tpu.memref_slice %arg4[%add3A_33] : memref<336128xi32, #tpu.memory_space<hbm>> -> memref<128xi32, #tpu.memory_space<hbm>>
    tpu.enqueue_dma source(%dma_start3A_34 : memref<128xi32, #tpu.memory_space<hbm>>) target(%arg8 : memref<128xi32, #tpu.memory_space<vmem>>) target_semaphore(%arg22 : memref<!tpu.dma_semaphore, #tpu.memory_space<semaphore_mem>>)
    %add3A_35 = arith.constant 0 : i32
    %add3A_36 = arith.addi %mul3A_5, %add3A_35 : i32
    %dma_start3A_37 = tpu.memref_slice %arg5[%add3A_36] : memref<336128xi32, #tpu.memory_space<hbm>> -> memref<128xi32, #tpu.memory_space<hbm>>
    %dma_start3A_38 = tpu.memref_slice %arg5[%add3A_36] : memref<336128xi32, #tpu.memory_space<hbm>> -> memref<128xi32, #tpu.memory_space<hbm>>
    tpu.enqueue_dma source(%dma_start3A_38 : memref<128xi32, #tpu.memory_space<hbm>>) target(%arg10 : memref<128xi32, #tpu.memory_space<vmem>>) target_semaphore(%arg24 : memref<!tpu.dma_semaphore, #tpu.memory_space<semaphore_mem>>)
    %add3A_39 = arith.constant 128 : i32
    %add3A_40 = arith.addi %mul3A_5, %add3A_39 : i32
    %dma_start3A_41 = tpu.memref_slice %arg4[%add3A_40] : memref<336128xi32, #tpu.memory_space<hbm>> -> memref<128xi32, #tpu.memory_space<hbm>>
    %dma_start3A_42 = tpu.memref_slice %arg4[%add3A_40] : memref<336128xi32, #tpu.memory_space<hbm>> -> memref<128xi32, #tpu.memory_space<hbm>>
    tpu.enqueue_dma source(%dma_start3A_42 : memref<128xi32, #tpu.memory_space<hbm>>) target(%arg9 : memref<128xi32, #tpu.memory_space<vmem>>) target_semaphore(%arg23 : memref<!tpu.dma_semaphore, #tpu.memory_space<semaphore_mem>>)
    %add3A_43 = arith.constant 128 : i32
    %add3A_44 = arith.addi %mul3A_5, %add3A_43 : i32
    %dma_start3A_45 = tpu.memref_slice %arg5[%add3A_44] : memref<336128xi32, #tpu.memory_space<hbm>> -> memref<128xi32, #tpu.memory_space<hbm>>
    %dma_start3A_46 = tpu.memref_slice %arg5[%add3A_44] : memref<336128xi32, #tpu.memory_space<hbm>> -> memref<128xi32, #tpu.memory_space<hbm>>
    tpu.enqueue_dma source(%dma_start3A_46 : memref<128xi32, #tpu.memory_space<hbm>>) target(%arg11 : memref<128xi32, #tpu.memory_space<vmem>>) target_semaphore(%arg25 : memref<!tpu.dma_semaphore, #tpu.memory_space<semaphore_mem>>)
    %dma_wait3A = arith.constant 0 : i32
    %dma_wait3A_47 = tpu.memref_slice %arg4[%dma_wait3A] : memref<336128xi32, #tpu.memory_space<hbm>> -> memref<128xi32, #tpu.memory_space<hbm>>
    %dma_wait3A_48 = arith.constant 0 : i32
    %dma_wait3A_49 = tpu.memref_slice %arg4[%dma_wait3A_48] : memref<336128xi32, #tpu.memory_space<hbm>> -> memref<128xi32, #tpu.memory_space<hbm>>
    tpu.wait_dma2 semaphore(%arg22 : memref<!tpu.dma_semaphore, #tpu.memory_space<semaphore_mem>>) src(%dma_wait3A_49 : memref<128xi32, #tpu.memory_space<hbm>>) dst(%arg8 : memref<128xi32, #tpu.memory_space<vmem>>)
    %dma_wait3A_50 = arith.constant 0 : i32
    %dma_wait3A_51 = tpu.memref_slice %arg5[%dma_wait3A_50] : memref<336128xi32, #tpu.memory_space<hbm>> -> memref<128xi32, #tpu.memory_space<hbm>>
    %dma_wait3A_52 = arith.constant 0 : i32
    %dma_wait3A_53 = tpu.memref_slice %arg5[%dma_wait3A_52] : memref<336128xi32, #tpu.memory_space<hbm>> -> memref<128xi32, #tpu.memory_space<hbm>>
    tpu.wait_dma2 semaphore(%arg24 : memref<!tpu.dma_semaphore, #tpu.memory_space<semaphore_mem>>) src(%dma_wait3A_53 : memref<128xi32, #tpu.memory_space<hbm>>) dst(%arg10 : memref<128xi32, #tpu.memory_space<vmem>>)
    %dma_start3A_54 = arith.constant 0 : i32
    %dma_start3A_55 = arith.constant 0 : i32
    %dma_start3A_56 = tpu.memref_slice %arg2[%dma_start3A_54, %dma_start3A_55] : memref<10000x64xf32, #tpu.memory_space<hbm>> -> memref<10000x64xf32, #tpu.memory_space<hbm>>
    tpu.enqueue_indirect_dma source(%dma_start3A_56 : memref<10000x64xf32, #tpu.memory_space<hbm>>) target(%arg14 : memref<128x64xf32, #tpu.memory_space<vmem>>) offsets(%arg8 : memref<128xi32, #tpu.memory_space<vmem>>) semaphore(%arg26 : memref<!tpu.dma_semaphore, #tpu.memory_space<semaphore_mem>>)
    %dma_start3A_57 = arith.constant 0 : i32
    %dma_start3A_58 = arith.constant 0 : i32
    %dma_start3A_59 = tpu.memref_slice %arg3[%dma_start3A_57, %dma_start3A_58] : memref<10000x64xf32, #tpu.memory_space<hbm>> -> memref<10000x64xf32, #tpu.memory_space<hbm>>
    tpu.enqueue_indirect_dma source(%dma_start3A_59 : memref<10000x64xf32, #tpu.memory_space<hbm>>) target(%arg16 : memref<128x64xf32, #tpu.memory_space<vmem>>) offsets(%arg10 : memref<128xi32, #tpu.memory_space<vmem>>) semaphore(%arg28 : memref<!tpu.dma_semaphore, #tpu.memory_space<semaphore_mem>>)
    %barrier3A = arith.constant 0 : index
    tpu.barrier barrier_id(%barrier3A)
    %ge3A = arith.constant 8 : i32
    %ge3A_60 = vector.broadcast %ge3A : i32 to vector<16xi32>
    %ge3A_61 = arith.cmpi sge, %iota3A, %ge3A_60 : vector<16xi32>
    %convert_element_type3A_62 = arith.extui %ge3A_61 : vector<16xi1> to vector<16xi32>
    %convert_element_type3A_63 = arith.sitofp %convert_element_type3A_62 : vector<16xi32> to vector<16xf32>
    %broadcast_in_dim3A_64 = arith.constant 7 : i32
    %broadcast_in_dim3A_65 = vector.broadcast %broadcast_in_dim3A_64 : i32 to vector<16xi32>
    %broadcast_in_dim3A_66 = arith.constant 15 : i32
    %broadcast_in_dim3A_67 = vector.broadcast %broadcast_in_dim3A_66 : i32 to vector<16xi32>
    %and3A = arith.constant 1 : i32
    %and3A_68 = vector.broadcast %and3A : i32 to vector<16xi32>
    %and3A_69 = arith.andi %iota3A, %and3A_68 : vector<16xi32>
    %mul3A_70 = arith.constant 8 : i32
    %mul3A_71 = vector.broadcast %mul3A_70 : i32 to vector<16xi32>
    %mul3A_72 = arith.muli %and3A_69, %mul3A_71 : vector<16xi32>
    %add3A_73 = arith.constant 7 : i32
    %add3A_74 = vector.broadcast %add3A_73 : i32 to vector<16xi32>
    %add3A_75 = arith.addi %mul3A_72, %add3A_74 : vector<16xi32>
    %lt3A = arith.constant 2 : i32
    %lt3A_76 = vector.broadcast %lt3A : i32 to vector<16xi32>
    %lt3A_77 = arith.cmpi slt, %iota3A, %lt3A_76 : vector<16xi32>
    %lt3A_78 = arith.constant 4 : i32
    %lt3A_79 = vector.broadcast %lt3A_78 : i32 to vector<16xi32>
    %lt3A_80 = arith.cmpi slt, %iota3A, %lt3A_79 : vector<16xi32>
    %lt3A_81 = arith.constant 6 : i32
    %lt3A_82 = vector.broadcast %lt3A_81 : i32 to vector<16xi32>
    %lt3A_83 = arith.cmpi slt, %iota3A, %lt3A_82 : vector<16xi32>
    %shift_right_arithmetic3A = arith.constant 3 : i32
    %shift_right_arithmetic3A_84 = vector.broadcast %shift_right_arithmetic3A : i32 to vector<16xi32>
    %shift_right_arithmetic3A_85 = arith.shrsi %iota3A, %shift_right_arithmetic3A_84 : vector<16xi32>
    %add3A_86 = arith.constant 0 : i32
    %add3A_87 = vector.broadcast %add3A_86 : i32 to vector<16xi32>
    %add3A_88 = arith.addi %add3A_87, %shift_right_arithmetic3A_85 : vector<16xi32>
    %shift_right_arithmetic3A_89 = arith.constant 3 : i32
    %shift_right_arithmetic3A_90 = vector.broadcast %shift_right_arithmetic3A_89 : i32 to vector<16xi32>
    %shift_right_arithmetic3A_91 = arith.shrsi %iota3A, %shift_right_arithmetic3A_90 : vector<16xi32>
    %add3A_92 = arith.constant 2 : i32
    %add3A_93 = vector.broadcast %add3A_92 : i32 to vector<16xi32>
    %add3A_94 = arith.addi %add3A_93, %shift_right_arithmetic3A_91 : vector<16xi32>
    %shift_right_arithmetic3A_95 = arith.constant 3 : i32
    %shift_right_arithmetic3A_96 = vector.broadcast %shift_right_arithmetic3A_95 : i32 to vector<16xi32>
    %shift_right_arithmetic3A_97 = arith.shrsi %iota3A, %shift_right_arithmetic3A_96 : vector<16xi32>
    %add3A_98 = arith.constant 4 : i32
    %add3A_99 = vector.broadcast %add3A_98 : i32 to vector<16xi32>
    %add3A_100 = arith.addi %add3A_99, %shift_right_arithmetic3A_97 : vector<16xi32>
    %shift_right_arithmetic3A_101 = arith.constant 3 : i32
    %shift_right_arithmetic3A_102 = vector.broadcast %shift_right_arithmetic3A_101 : i32 to vector<16xi32>
    %shift_right_arithmetic3A_103 = arith.shrsi %iota3A, %shift_right_arithmetic3A_102 : vector<16xi32>
    %add3A_104 = arith.constant 6 : i32
    %add3A_105 = vector.broadcast %add3A_104 : i32 to vector<16xi32>
    %add3A_106 = arith.addi %add3A_105, %shift_right_arithmetic3A_103 : vector<16xi32>
    %and3A_107 = arith.constant 7 : i32
    %and3A_108 = vector.broadcast %and3A_107 : i32 to vector<16xi32>
    %and3A_109 = arith.andi %iota3A, %and3A_108 : vector<16xi32>
    %scan3A_110 = arith.constant 0 : i32
    %scan3A_111 = arith.constant 0 : i32
    %scan3A_112 = arith.constant 41 : i32
    %scan3A_113 = arith.addi %scan3A_111, %scan3A_112 : i32
    %scan3A_114 = arith.constant 1 : i32
    scf.for %scan3A_145 = %scan3A_111 to %scan3A_113 step %scan3A_114  : i32 {
      %mul3A_146 = arith.constant 2 : i32
      %mul3A_147 = arith.muli %mul3A_146, %scan3A_145 : i32
      %add3A_148 = arith.constant 0 : i32
      %add3A_149 = arith.addi %mul3A_147, %add3A_148 : i32
      %dma_wait3A_150 = arith.constant 0 : i32
      %dma_wait3A_151 = arith.constant 0 : i32
      %dma_wait3A_152 = tpu.memref_slice %arg2[%dma_wait3A_150, %dma_wait3A_151] : memref<10000x64xf32, #tpu.memory_space<hbm>> -> memref<10000x64xf32, #tpu.memory_space<hbm>>
      tpu.wait_indirect_dma semaphore(%arg26 : memref<!tpu.dma_semaphore, #tpu.memory_space<semaphore_mem>>) src(%dma_wait3A_152 : memref<10000x64xf32, #tpu.memory_space<hbm>>) dst(%arg14 : memref<128x64xf32, #tpu.memory_space<vmem>>)
      %dma_wait3A_153 = arith.constant 0 : i32
      %dma_wait3A_154 = arith.constant 0 : i32
      %dma_wait3A_155 = tpu.memref_slice %arg3[%dma_wait3A_153, %dma_wait3A_154] : memref<10000x64xf32, #tpu.memory_space<hbm>> -> memref<10000x64xf32, #tpu.memory_space<hbm>>
      tpu.wait_indirect_dma semaphore(%arg28 : memref<!tpu.dma_semaphore, #tpu.memory_space<semaphore_mem>>) src(%dma_wait3A_155 : memref<10000x64xf32, #tpu.memory_space<hbm>>) dst(%arg16 : memref<128x64xf32, #tpu.memory_space<vmem>>)
      %ge3A_156 = arith.constant 1 : i32
      %ge3A_157 = arith.cmpi sge, %scan3A_145, %ge3A_156 : i32
      %convert_element_type3A_158 = arith.extui %ge3A_157 : i1 to i32
      %cond3A_159 = arith.constant 0 : i32
      %cond3A_160 = arith.cmpi ne, %convert_element_type3A_158, %cond3A_159 : i32
      scf.if %cond3A_160 {
        %dma_wait3A_308 = arith.constant 0 : i32
        %dma_wait3A_309 = arith.constant 0 : i32
        %dma_wait3A_310 = tpu.memref_slice %arg21[%dma_wait3A_308, %dma_wait3A_309] : memref<10000x80xf32, #tpu.memory_space<vmem_shared>> -> memref<10000x80xf32, #tpu.memory_space<vmem_shared>>
        tpu.wait_indirect_dma semaphore(%arg30 : memref<!tpu.dma_semaphore, #tpu.memory_space<semaphore_mem>>) src(%arg18 : memref<128x80xf32, #tpu.memory_space<vmem>>) dst(%dma_wait3A_310 : memref<10000x80xf32, #tpu.memory_space<vmem_shared>>)
      } else {
      }
      %get3A_161 = arith.constant 0 : index
      %get3A_162 = tpu.vector_load %arg10[%get3A_161] {strides = array<i32>} : memref<128xi32, #tpu.memory_space<vmem>>, vector<16xi32>,
      %swap3A = arith.constant 0 : index
      %swap3A_163 = tpu.vector_load %arg12[%swap3A] {strides = array<i32>} : memref<128xi32, #tpu.memory_space<vmem>>, vector<16xi32>,
      tpu.vector_store %arg12[%swap3A], %get3A_162 {strides = array<i32>} : memref<128xi32, #tpu.memory_space<vmem>>, vector<16xi32>,
      %get3A_164 = arith.constant 16 : index
      %get3A_165 = tpu.vector_load %arg10[%get3A_164] {strides = array<i32>} : memref<128xi32, #tpu.memory_space<vmem>>, vector<16xi32>,
      %swap3A_166 = arith.constant 16 : index
      %swap3A_167 = tpu.vector_load %arg12[%swap3A_166] {strides = array<i32>} : memref<128xi32, #tpu.memory_space<vmem>>, vector<16xi32>,
      tpu.vector_store %arg12[%swap3A_166], %get3A_165 {strides = array<i32>} : memref<128xi32, #tpu.memory_space<vmem>>, vector<16xi32>,
      %get3A_168 = arith.constant 32 : index
      %get3A_169 = tpu.vector_load %arg10[%get3A_168] {strides = array<i32>} : memref<128xi32, #tpu.memory_space<vmem>>, vector<16xi32>,
      %swap3A_170 = arith.constant 32 : index
      %swap3A_171 = tpu.vector_load %arg12[%swap3A_170] {strides = array<i32>} : memref<128xi32, #tpu.memory_space<vmem>>, vector<16xi32>,
      tpu.vector_store %arg12[%swap3A_170], %get3A_169 {strides = array<i32>} : memref<128xi32, #tpu.memory_space<vmem>>, vector<16xi32>,
      %get3A_172 = arith.constant 48 : index
      %get3A_173 = tpu.vector_load %arg10[%get3A_172] {strides = array<i32>} : memref<128xi32, #tpu.memory_space<vmem>>, vector<16xi32>,
      %swap3A_174 = arith.constant 48 : index
      %swap3A_175 = tpu.vector_load %arg12[%swap3A_174] {strides = array<i32>} : memref<128xi32, #tpu.memory_space<vmem>>, vector<16xi32>,
      tpu.vector_store %arg12[%swap3A_174], %get3A_173 {strides = array<i32>} : memref<128xi32, #tpu.memory_space<vmem>>, vector<16xi32>,
      %get3A_176 = arith.constant 64 : index
      %get3A_177 = tpu.vector_load %arg10[%get3A_176] {strides = array<i32>} : memref<128xi32, #tpu.memory_space<vmem>>, vector<16xi32>,
      %swap3A_178 = arith.constant 64 : index
      %swap3A_179 = tpu.vector_load %arg12[%swap3A_178] {strides = array<i32>} : memref<128xi32, #tpu.memory_space<vmem>>, vector<16xi32>,
      tpu.vector_store %arg12[%swap3A_178], %get3A_177 {strides = array<i32>} : memref<128xi32, #tpu.memory_space<vmem>>, vector<16xi32>,
      %get3A_180 = arith.constant 80 : index
      %get3A_181 = tpu.vector_load %arg10[%get3A_180] {strides = array<i32>} : memref<128xi32, #tpu.memory_space<vmem>>, vector<16xi32>,
      %swap3A_182 = arith.constant 80 : index
      %swap3A_183 = tpu.vector_load %arg12[%swap3A_182] {strides = array<i32>} : memref<128xi32, #tpu.memory_space<vmem>>, vector<16xi32>,
      tpu.vector_store %arg12[%swap3A_182], %get3A_181 {strides = array<i32>} : memref<128xi32, #tpu.memory_space<vmem>>, vector<16xi32>,
      %get3A_184 = arith.constant 96 : index
      %get3A_185 = tpu.vector_load %arg10[%get3A_184] {strides = array<i32>} : memref<128xi32, #tpu.memory_space<vmem>>, vector<16xi32>,
      %swap3A_186 = arith.constant 96 : index
      %swap3A_187 = tpu.vector_load %arg12[%swap3A_186] {strides = array<i32>} : memref<128xi32, #tpu.memory_space<vmem>>, vector<16xi32>,
      tpu.vector_store %arg12[%swap3A_186], %get3A_185 {strides = array<i32>} : memref<128xi32, #tpu.memory_space<vmem>>, vector<16xi32>,
      %get3A_188 = arith.constant 112 : index
      %get3A_189 = tpu.vector_load %arg10[%get3A_188] {strides = array<i32>} : memref<128xi32, #tpu.memory_space<vmem>>, vector<16xi32>,
      %swap3A_190 = arith.constant 112 : index
      %swap3A_191 = tpu.vector_load %arg12[%swap3A_190] {strides = array<i32>} : memref<128xi32, #tpu.memory_space<vmem>>, vector<16xi32>,
      tpu.vector_store %arg12[%swap3A_190], %get3A_189 {strides = array<i32>} : memref<128xi32, #tpu.memory_space<vmem>>, vector<16xi32>,
      %add3A_192 = arith.constant 2 : i32
      %add3A_193 = arith.addi %add3A_149, %add3A_192 : i32
      %mul3A_194 = arith.constant 128 : i32
      %mul3A_195 = arith.muli %add3A_193, %mul3A_194 : i32
      %add3A_196 = arith.addi %mul3A_5, %mul3A_195 : i32
      %dma_start3A_197 = tpu.memref_slice %arg4[%add3A_196] : memref<336128xi32, #tpu.memory_space<hbm>> -> memref<128xi32, #tpu.memory_space<hbm>>
      %dma_start3A_198 = tpu.memref_slice %arg4[%add3A_196] : memref<336128xi32, #tpu.memory_space<hbm>> -> memref<128xi32, #tpu.memory_space<hbm>>
      tpu.enqueue_dma source(%dma_start3A_198 : memref<128xi32, #tpu.memory_space<hbm>>) target(%arg8 : memref<128xi32, #tpu.memory_space<vmem>>) target_semaphore(%arg22 : memref<!tpu.dma_semaphore, #tpu.memory_space<semaphore_mem>>)
      %mul3A_199 = arith.constant 128 : i32
      %mul3A_200 = arith.muli %add3A_193, %mul3A_199 : i32
      %add3A_201 = arith.addi %mul3A_5, %mul3A_200 : i32
      %dma_start3A_202 = tpu.memref_slice %arg5[%add3A_201] : memref<336128xi32, #tpu.memory_space<hbm>> -> memref<128xi32, #tpu.memory_space<hbm>>
      %dma_start3A_203 = tpu.memref_slice %arg5[%add3A_201] : memref<336128xi32, #tpu.memory_space<hbm>> -> memref<128xi32, #tpu.memory_space<hbm>>
      tpu.enqueue_dma source(%dma_start3A_203 : memref<128xi32, #tpu.memory_space<hbm>>) target(%arg10 : memref<128xi32, #tpu.memory_space<vmem>>) target_semaphore(%arg24 : memref<!tpu.dma_semaphore, #tpu.memory_space<semaphore_mem>>)
      %dma_wait3A_204 = arith.constant 0 : i32
      %dma_wait3A_205 = tpu.memref_slice %arg4[%dma_wait3A_204] : memref<336128xi32, #tpu.memory_space<hbm>> -> memref<128xi32, #tpu.memory_space<hbm>>
      %dma_wait3A_206 = arith.constant 0 : i32
      %dma_wait3A_207 = tpu.memref_slice %arg4[%dma_wait3A_206] : memref<336128xi32, #tpu.memory_space<hbm>> -> memref<128xi32, #tpu.memory_space<hbm>>
      tpu.wait_dma2 semaphore(%arg23 : memref<!tpu.dma_semaphore, #tpu.memory_space<semaphore_mem>>) src(%dma_wait3A_207 : memref<128xi32, #tpu.memory_space<hbm>>) dst(%arg9 : memref<128xi32, #tpu.memory_space<vmem>>)
      %dma_wait3A_208 = arith.constant 0 : i32
      %dma_wait3A_209 = tpu.memref_slice %arg5[%dma_wait3A_208] : memref<336128xi32, #tpu.memory_space<hbm>> -> memref<128xi32, #tpu.memory_space<hbm>>
      %dma_wait3A_210 = arith.constant 0 : i32
      %dma_wait3A_211 = tpu.memref_slice %arg5[%dma_wait3A_210] : memref<336128xi32, #tpu.memory_space<hbm>> -> memref<128xi32, #tpu.memory_space<hbm>>
      tpu.wait_dma2 semaphore(%arg25 : memref<!tpu.dma_semaphore, #tpu.memory_space<semaphore_mem>>) src(%dma_wait3A_211 : memref<128xi32, #tpu.memory_space<hbm>>) dst(%arg11 : memref<128xi32, #tpu.memory_space<vmem>>)
      %dma_start3A_212 = arith.constant 0 : i32
      %dma_start3A_213 = arith.constant 0 : i32
      %dma_start3A_214 = tpu.memref_slice %arg2[%dma_start3A_212, %dma_start3A_213] : memref<10000x64xf32, #tpu.memory_space<hbm>> -> memref<10000x64xf32, #tpu.memory_space<hbm>>
      tpu.enqueue_indirect_dma source(%dma_start3A_214 : memref<10000x64xf32, #tpu.memory_space<hbm>>) target(%arg15 : memref<128x64xf32, #tpu.memory_space<vmem>>) offsets(%arg9 : memref<128xi32, #tpu.memory_space<vmem>>) semaphore(%arg27 : memref<!tpu.dma_semaphore, #tpu.memory_space<semaphore_mem>>)
      %dma_start3A_215 = arith.constant 0 : i32
      %dma_start3A_216 = arith.constant 0 : i32
      %dma_start3A_217 = tpu.memref_slice %arg3[%dma_start3A_215, %dma_start3A_216] : memref<10000x64xf32, #tpu.memory_space<hbm>> -> memref<10000x64xf32, #tpu.memory_space<hbm>>
      tpu.enqueue_indirect_dma source(%dma_start3A_217 : memref<10000x64xf32, #tpu.memory_space<hbm>>) target(%arg17 : memref<128x64xf32, #tpu.memory_space<vmem>>) offsets(%arg11 : memref<128xi32, #tpu.memory_space<vmem>>) semaphore(%arg29 : memref<!tpu.dma_semaphore, #tpu.memory_space<semaphore_mem>>)
      %mul3A_218 = arith.constant 128 : i32
      %mul3A_219 = arith.muli %add3A_149, %mul3A_218 : i32
      %add3A_220 = arith.addi %mul3A_5, %mul3A_219 : i32
      %parallel_loop3A = arith.constant 0 : i32
      %parallel_loop3A_221 = arith.constant 128 : i32
      %parallel_loop3A_222 = arith.constant 1 : i32
      scf.for %parallel_loop3A_308 = %parallel_loop3A to %parallel_loop3A_221 step %parallel_loop3A_222  : i32 {
        %parallel_loop3A_309 = arith.index_cast %parallel_loop3A_308 : i32 to index
        %parallel_loop3A_310 = arith.constant 0 : index
        %parallel_loop3A_311 = tpu.vector_load %arg14[%parallel_loop3A_309, %parallel_loop3A_310] {strides = array<i32>} : memref<128x64xf32, #tpu.memory_space<vmem>>, vector<16xf32>,
        %parallel_loop3A_312 = arith.index_cast %parallel_loop3A_308 : i32 to index
        %parallel_loop3A_313 = arith.constant 16 : index
        %parallel_loop3A_314 = tpu.vector_load %arg14[%parallel_loop3A_312, %parallel_loop3A_313] {strides = array<i32>} : memref<128x64xf32, #tpu.memory_space<vmem>>, vector<16xf32>,
        %parallel_loop3A_315 = arith.index_cast %parallel_loop3A_308 : i32 to index
        %parallel_loop3A_316 = arith.constant 32 : index
        %parallel_loop3A_317 = tpu.vector_load %arg14[%parallel_loop3A_315, %parallel_loop3A_316] {strides = array<i32>} : memref<128x64xf32, #tpu.memory_space<vmem>>, vector<16xf32>,
        %parallel_loop3A_318 = arith.index_cast %parallel_loop3A_308 : i32 to index
        %parallel_loop3A_319 = arith.constant 48 : index
        %parallel_loop3A_320 = tpu.vector_load %arg14[%parallel_loop3A_318, %parallel_loop3A_319] {strides = array<i32>} : memref<128x64xf32, #tpu.memory_space<vmem>>, vector<16xf32>,
        %parallel_loop3A_321 = arith.index_cast %parallel_loop3A_308 : i32 to index
        %parallel_loop3A_322 = arith.constant 0 : index
        %parallel_loop3A_323 = tpu.vector_load %arg16[%parallel_loop3A_321, %parallel_loop3A_322] {strides = array<i32>} : memref<128x64xf32, #tpu.memory_space<vmem>>, vector<16xf32>,
        %parallel_loop3A_324 = arith.index_cast %parallel_loop3A_308 : i32 to index
        %parallel_loop3A_325 = arith.constant 16 : index
        %parallel_loop3A_326 = tpu.vector_load %arg16[%parallel_loop3A_324, %parallel_loop3A_325] {strides = array<i32>} : memref<128x64xf32, #tpu.memory_space<vmem>>, vector<16xf32>,
        %parallel_loop3A_327 = arith.index_cast %parallel_loop3A_308 : i32 to index
        %parallel_loop3A_328 = arith.constant 32 : index
        %parallel_loop3A_329 = tpu.vector_load %arg16[%parallel_loop3A_327, %parallel_loop3A_328] {strides = array<i32>} : memref<128x64xf32, #tpu.memory_space<vmem>>, vector<16xf32>,
        %parallel_loop3A_330 = arith.index_cast %parallel_loop3A_308 : i32 to index
        %parallel_loop3A_331 = arith.constant 48 : index
        %parallel_loop3A_332 = tpu.vector_load %arg16[%parallel_loop3A_330, %parallel_loop3A_331] {strides = array<i32>} : memref<128x64xf32, #tpu.memory_space<vmem>>, vector<16xf32>,
        %parallel_loop3A_333 = arith.addf %parallel_loop3A_311, %parallel_loop3A_323 : vector<16xf32>
        %parallel_loop3A_334 = arith.constant 2.000000e-01 : f32
        %parallel_loop3A_335 = vector.broadcast %parallel_loop3A_334 : f32 to vector<16xf32>
        %parallel_loop3A_336 = arith.mulf %parallel_loop3A_333, %parallel_loop3A_335 : vector<16xf32>
        %parallel_loop3A_337 = arith.maximumf %parallel_loop3A_333, %parallel_loop3A_336 : vector<16xf32>
        %parallel_loop3A_338 = arith.mulf %parallel_loop3A_337, %get3A_25 : vector<16xf32>
        %parallel_loop3A_339 = arith.addf %parallel_loop3A_314, %parallel_loop3A_326 : vector<16xf32>
        %parallel_loop3A_340 = arith.constant 2.000000e-01 : f32
        %parallel_loop3A_341 = vector.broadcast %parallel_loop3A_340 : f32 to vector<16xf32>
        %parallel_loop3A_342 = arith.mulf %parallel_loop3A_339, %parallel_loop3A_341 : vector<16xf32>
        %parallel_loop3A_343 = arith.maximumf %parallel_loop3A_339, %parallel_loop3A_342 : vector<16xf32>
        %parallel_loop3A_344 = arith.mulf %parallel_loop3A_343, %get3A_27 : vector<16xf32>
        %parallel_loop3A_345 = arith.addf %parallel_loop3A_317, %parallel_loop3A_329 : vector<16xf32>
        %parallel_loop3A_346 = arith.constant 2.000000e-01 : f32
        %parallel_loop3A_347 = vector.broadcast %parallel_loop3A_346 : f32 to vector<16xf32>
        %parallel_loop3A_348 = arith.mulf %parallel_loop3A_345, %parallel_loop3A_347 : vector<16xf32>
        %parallel_loop3A_349 = arith.maximumf %parallel_loop3A_345, %parallel_loop3A_348 : vector<16xf32>
        %parallel_loop3A_350 = arith.mulf %parallel_loop3A_349, %get3A_29 : vector<16xf32>
        %parallel_loop3A_351 = arith.addf %parallel_loop3A_320, %parallel_loop3A_332 : vector<16xf32>
        %parallel_loop3A_352 = arith.constant 2.000000e-01 : f32
        %parallel_loop3A_353 = vector.broadcast %parallel_loop3A_352 : f32 to vector<16xf32>
        %parallel_loop3A_354 = arith.mulf %parallel_loop3A_351, %parallel_loop3A_353 : vector<16xf32>
        %parallel_loop3A_355 = arith.maximumf %parallel_loop3A_351, %parallel_loop3A_354 : vector<16xf32>
        %parallel_loop3A_356 = arith.mulf %parallel_loop3A_355, %get3A_31 : vector<16xf32>
        %parallel_loop3A_357 = arith.addi %add3A_220, %parallel_loop3A_308 : i32
        %parallel_loop3A_358 = arith.constant 330000 : i32
        %parallel_loop3A_359 = arith.cmpi slt, %parallel_loop3A_357, %parallel_loop3A_358 : i32
        %parallel_loop3A_360 = arith.constant 1.000000e+00 : f32
        %parallel_loop3A_361 = arith.constant 0.000000e+00 : f32
        %parallel_loop3A_362 = arith.select %parallel_loop3A_359, %parallel_loop3A_360, %parallel_loop3A_361 : f32
        %parallel_loop3A_363 = arith.addf %parallel_loop3A_338, %parallel_loop3A_344 : vector<16xf32>
        %parallel_loop3A_364 = arith.addf %parallel_loop3A_350, %parallel_loop3A_356 : vector<16xf32>
        %parallel_loop3A_365 = arith.addf %parallel_loop3A_363, %parallel_loop3A_364 : vector<16xf32>
        %parallel_loop3A_366 = arith.constant true
        %parallel_loop3A_367 = vector.broadcast %parallel_loop3A_366 : i1 to vector<16xi1>
        %parallel_loop3A_368 = tpu.scan <sum>, %parallel_loop3A_365 masked %parallel_loop3A_367 : vector<16xf32>, vector<16xi1> -> vector<16xf32>
        %parallel_loop3A_369 = arith.constant 0 : i32
        %parallel_loop3A_370 = vector.broadcast %parallel_loop3A_369 : i32 to vector<16xi32>
        %parallel_loop3A_371 = arith.cmpi slt, %broadcast_in_dim3A_67, %parallel_loop3A_370 : vector<16xi32>
        %parallel_loop3A_372 = arith.constant 16 : i32
        %parallel_loop3A_373 = vector.broadcast %parallel_loop3A_372 : i32 to vector<16xi32>
        %parallel_loop3A_374 = arith.addi %broadcast_in_dim3A_67, %parallel_loop3A_373 : vector<16xi32>
        %parallel_loop3A_375 = arith.select %parallel_loop3A_371, %parallel_loop3A_374, %broadcast_in_dim3A_67 : vector<16xi1>, vector<16xi32>
        %parallel_loop3A_376 = vector.shape_cast %parallel_loop3A_375 : vector<16xi32> to vector<16x1xi32>
        %parallel_loop3A_377 = vector.shape_cast %parallel_loop3A_376 : vector<16x1xi32> to vector<16xi32>
        %parallel_loop3A_378 = tpu.dynamic_gather %parallel_loop3A_368[%parallel_loop3A_377] in [0] : vector<16xf32>, vector<16xi32> -> vector<16xf32>
        %parallel_loop3A_379 = math.exp %parallel_loop3A_378 : vector<16xf32>
        %parallel_loop3A_380 = vector.broadcast %parallel_loop3A_362 : f32 to vector<16xf32>
        %parallel_loop3A_381 = arith.mulf %parallel_loop3A_379, %parallel_loop3A_380 : vector<16xf32>
        %parallel_loop3A_382 = arith.mulf %parallel_loop3A_311, %parallel_loop3A_381 : vector<16xf32>
        %parallel_loop3A_383 = arith.index_cast %parallel_loop3A_308 : i32 to index
        %parallel_loop3A_384 = arith.constant 0 : index
        %parallel_loop3A_385 = tpu.vector_load %arg18[%parallel_loop3A_383, %parallel_loop3A_384] {strides = array<i32>} : memref<128x80xf32, #tpu.memory_space<vmem>>, vector<16xf32>,
        tpu.vector_store %arg18[%parallel_loop3A_383, %parallel_loop3A_384], %parallel_loop3A_382 {strides = array<i32>} : memref<128x80xf32, #tpu.memory_space<vmem>>, vector<16xf32>,
        %parallel_loop3A_386 = arith.mulf %parallel_loop3A_314, %parallel_loop3A_381 : vector<16xf32>
        %parallel_loop3A_387 = arith.index_cast %parallel_loop3A_308 : i32 to index
        %parallel_loop3A_388 = arith.constant 16 : index
        %parallel_loop3A_389 = tpu.vector_load %arg18[%parallel_loop3A_387, %parallel_loop3A_388] {strides = array<i32>} : memref<128x80xf32, #tpu.memory_space<vmem>>, vector<16xf32>,
        tpu.vector_store %arg18[%parallel_loop3A_387, %parallel_loop3A_388], %parallel_loop3A_386 {strides = array<i32>} : memref<128x80xf32, #tpu.memory_space<vmem>>, vector<16xf32>,
        %parallel_loop3A_390 = arith.mulf %parallel_loop3A_317, %parallel_loop3A_381 : vector<16xf32>
        %parallel_loop3A_391 = arith.index_cast %parallel_loop3A_308 : i32 to index
        %parallel_loop3A_392 = arith.constant 32 : index
        %parallel_loop3A_393 = tpu.vector_load %arg18[%parallel_loop3A_391, %parallel_loop3A_392] {strides = array<i32>} : memref<128x80xf32, #tpu.memory_space<vmem>>, vector<16xf32>,
        tpu.vector_store %arg18[%parallel_loop3A_391, %parallel_loop3A_392], %parallel_loop3A_390 {strides = array<i32>} : memref<128x80xf32, #tpu.memory_space<vmem>>, vector<16xf32>,
        %parallel_loop3A_394 = arith.mulf %parallel_loop3A_320, %parallel_loop3A_381 : vector<16xf32>
        %parallel_loop3A_395 = arith.index_cast %parallel_loop3A_308 : i32 to index
        %parallel_loop3A_396 = arith.constant 48 : index
        %parallel_loop3A_397 = tpu.vector_load %arg18[%parallel_loop3A_395, %parallel_loop3A_396] {strides = array<i32>} : memref<128x80xf32, #tpu.memory_space<vmem>>, vector<16xf32>,
        tpu.vector_store %arg18[%parallel_loop3A_395, %parallel_loop3A_396], %parallel_loop3A_394 {strides = array<i32>} : memref<128x80xf32, #tpu.memory_space<vmem>>, vector<16xf32>,
        %parallel_loop3A_398 = arith.index_cast %parallel_loop3A_308 : i32 to index
        %parallel_loop3A_399 = arith.constant 64 : index
        %parallel_loop3A_400 = tpu.vector_load %arg18[%parallel_loop3A_398, %parallel_loop3A_399] {strides = array<i32>} : memref<128x80xf32, #tpu.memory_space<vmem>>, vector<16xf32>,
        tpu.vector_store %arg18[%parallel_loop3A_398, %parallel_loop3A_399], %parallel_loop3A_381 {strides = array<i32>} : memref<128x80xf32, #tpu.memory_space<vmem>>, vector<16xf32>,
      } {sc.loop_unroll_factor = 4 : i64, sc.parallel_access}
      %dma_start3A_223 = arith.constant 0 : i32
      %dma_start3A_224 = arith.constant 0 : i32
      %dma_start3A_225 = tpu.memref_slice %arg21[%dma_start3A_223, %dma_start3A_224] : memref<10000x80xf32, #tpu.memory_space<vmem_shared>> -> memref<10000x80xf32, #tpu.memory_space<vmem_shared>>
      tpu.enqueue_indirect_dma source(%arg18 : memref<128x80xf32, #tpu.memory_space<vmem>>) target(%dma_start3A_225 : memref<10000x80xf32, #tpu.memory_space<vmem_shared>>) offsets(%arg12 : memref<128xi32, #tpu.memory_space<vmem>>) semaphore(%arg30 : memref<!tpu.dma_semaphore, #tpu.memory_space<semaphore_mem>>) {add = true}
      %mul3A_226 = arith.constant 2 : i32
      %mul3A_227 = arith.muli %mul3A_226, %scan3A_145 : i32
      %add3A_228 = arith.constant 1 : i32
      %add3A_229 = arith.addi %mul3A_227, %add3A_228 : i32
      %dma_wait3A_230 = arith.constant 0 : i32
      %dma_wait3A_231 = arith.constant 0 : i32
      %dma_wait3A_232 = tpu.memref_slice %arg2[%dma_wait3A_230, %dma_wait3A_231] : memref<10000x64xf32, #tpu.memory_space<hbm>> -> memref<10000x64xf32, #tpu.memory_space<hbm>>
      tpu.wait_indirect_dma semaphore(%arg27 : memref<!tpu.dma_semaphore, #tpu.memory_space<semaphore_mem>>) src(%dma_wait3A_232 : memref<10000x64xf32, #tpu.memory_space<hbm>>) dst(%arg15 : memref<128x64xf32, #tpu.memory_space<vmem>>)
      %dma_wait3A_233 = arith.constant 0 : i32
      %dma_wait3A_234 = arith.constant 0 : i32
      %dma_wait3A_235 = tpu.memref_slice %arg3[%dma_wait3A_233, %dma_wait3A_234] : memref<10000x64xf32, #tpu.memory_space<hbm>> -> memref<10000x64xf32, #tpu.memory_space<hbm>>
      tpu.wait_indirect_dma semaphore(%arg29 : memref<!tpu.dma_semaphore, #tpu.memory_space<semaphore_mem>>) src(%dma_wait3A_235 : memref<10000x64xf32, #tpu.memory_space<hbm>>) dst(%arg17 : memref<128x64xf32, #tpu.memory_space<vmem>>)
      %ge3A_236 = arith.constant 1 : i32
      %ge3A_237 = arith.cmpi sge, %scan3A_145, %ge3A_236 : i32
      %convert_element_type3A_238 = arith.extui %ge3A_237 : i1 to i32
      %cond3A_239 = arith.constant 0 : i32
      %cond3A_240 = arith.cmpi ne, %convert_element_type3A_238, %cond3A_239 : i32
      scf.if %cond3A_240 {
        %dma_wait3A_308 = arith.constant 0 : i32
        %dma_wait3A_309 = arith.constant 0 : i32
        %dma_wait3A_310 = tpu.memref_slice %arg21[%dma_wait3A_308, %dma_wait3A_309] : memref<10000x80xf32, #tpu.memory_space<vmem_shared>> -> memref<10000x80xf32, #tpu.memory_space<vmem_shared>>
        tpu.wait_indirect_dma semaphore(%arg31 : memref<!tpu.dma_semaphore, #tpu.memory_space<semaphore_mem>>) src(%arg19 : memref<128x80xf32, #tpu.memory_space<vmem>>) dst(%dma_wait3A_310 : memref<10000x80xf32, #tpu.memory_space<vmem_shared>>)
      } else {
      }
      %get3A_241 = arith.constant 0 : index
      %get3A_242 = tpu.vector_load %arg11[%get3A_241] {strides = array<i32>} : memref<128xi32, #tpu.memory_space<vmem>>, vector<16xi32>,
      %swap3A_243 = arith.constant 0 : index
      %swap3A_244 = tpu.vector_load %arg13[%swap3A_243] {strides = array<i32>} : memref<128xi32, #tpu.memory_space<vmem>>, vector<16xi32>,
      tpu.vector_store %arg13[%swap3A_243], %get3A_242 {strides = array<i32>} : memref<128xi32, #tpu.memory_space<vmem>>, vector<16xi32>,
      %get3A_245 = arith.constant 16 : index
      %get3A_246 = tpu.vector_load %arg11[%get3A_245] {strides = array<i32>} : memref<128xi32, #tpu.memory_space<vmem>>, vector<16xi32>,
      %swap3A_247 = arith.constant 16 : index
      %swap3A_248 = tpu.vector_load %arg13[%swap3A_247] {strides = array<i32>} : memref<128xi32, #tpu.memory_space<vmem>>, vector<16xi32>,
      tpu.vector_store %arg13[%swap3A_247], %get3A_246 {strides = array<i32>} : memref<128xi32, #tpu.memory_space<vmem>>, vector<16xi32>,
      %get3A_249 = arith.constant 32 : index
      %get3A_250 = tpu.vector_load %arg11[%get3A_249] {strides = array<i32>} : memref<128xi32, #tpu.memory_space<vmem>>, vector<16xi32>,
      %swap3A_251 = arith.constant 32 : index
      %swap3A_252 = tpu.vector_load %arg13[%swap3A_251] {strides = array<i32>} : memref<128xi32, #tpu.memory_space<vmem>>, vector<16xi32>,
      tpu.vector_store %arg13[%swap3A_251], %get3A_250 {strides = array<i32>} : memref<128xi32, #tpu.memory_space<vmem>>, vector<16xi32>,
      %get3A_253 = arith.constant 48 : index
      %get3A_254 = tpu.vector_load %arg11[%get3A_253] {strides = array<i32>} : memref<128xi32, #tpu.memory_space<vmem>>, vector<16xi32>,
      %swap3A_255 = arith.constant 48 : index
      %swap3A_256 = tpu.vector_load %arg13[%swap3A_255] {strides = array<i32>} : memref<128xi32, #tpu.memory_space<vmem>>, vector<16xi32>,
      tpu.vector_store %arg13[%swap3A_255], %get3A_254 {strides = array<i32>} : memref<128xi32, #tpu.memory_space<vmem>>, vector<16xi32>,
      %get3A_257 = arith.constant 64 : index
      %get3A_258 = tpu.vector_load %arg11[%get3A_257] {strides = array<i32>} : memref<128xi32, #tpu.memory_space<vmem>>, vector<16xi32>,
      %swap3A_259 = arith.constant 64 : index
      %swap3A_260 = tpu.vector_load %arg13[%swap3A_259] {strides = array<i32>} : memref<128xi32, #tpu.memory_space<vmem>>, vector<16xi32>,
      tpu.vector_store %arg13[%swap3A_259], %get3A_258 {strides = array<i32>} : memref<128xi32, #tpu.memory_space<vmem>>, vector<16xi32>,
      %get3A_261 = arith.constant 80 : index
      %get3A_262 = tpu.vector_load %arg11[%get3A_261] {strides = array<i32>} : memref<128xi32, #tpu.memory_space<vmem>>, vector<16xi32>,
      %swap3A_263 = arith.constant 80 : index
      %swap3A_264 = tpu.vector_load %arg13[%swap3A_263] {strides = array<i32>} : memref<128xi32, #tpu.memory_space<vmem>>, vector<16xi32>,
      tpu.vector_store %arg13[%swap3A_263], %get3A_262 {strides = array<i32>} : memref<128xi32, #tpu.memory_space<vmem>>, vector<16xi32>,
      %get3A_265 = arith.constant 96 : index
      %get3A_266 = tpu.vector_load %arg11[%get3A_265] {strides = array<i32>} : memref<128xi32, #tpu.memory_space<vmem>>, vector<16xi32>,
      %swap3A_267 = arith.constant 96 : index
      %swap3A_268 = tpu.vector_load %arg13[%swap3A_267] {strides = array<i32>} : memref<128xi32, #tpu.memory_space<vmem>>, vector<16xi32>,
      tpu.vector_store %arg13[%swap3A_267], %get3A_266 {strides = array<i32>} : memref<128xi32, #tpu.memory_space<vmem>>, vector<16xi32>,
      %get3A_269 = arith.constant 112 : index
      %get3A_270 = tpu.vector_load %arg11[%get3A_269] {strides = array<i32>} : memref<128xi32, #tpu.memory_space<vmem>>, vector<16xi32>,
      %swap3A_271 = arith.constant 112 : index
      %swap3A_272 = tpu.vector_load %arg13[%swap3A_271] {strides = array<i32>} : memref<128xi32, #tpu.memory_space<vmem>>, vector<16xi32>,
      tpu.vector_store %arg13[%swap3A_271], %get3A_270 {strides = array<i32>} : memref<128xi32, #tpu.memory_space<vmem>>, vector<16xi32>,
      %add3A_273 = arith.constant 2 : i32
      %add3A_274 = arith.addi %add3A_229, %add3A_273 : i32
      %mul3A_275 = arith.constant 128 : i32
      %mul3A_276 = arith.muli %add3A_274, %mul3A_275 : i32
      %add3A_277 = arith.addi %mul3A_5, %mul3A_276 : i32
      %dma_start3A_278 = tpu.memref_slice %arg4[%add3A_277] : memref<336128xi32, #tpu.memory_space<hbm>> -> memref<128xi32, #tpu.memory_space<hbm>>
      %dma_start3A_279 = tpu.memref_slice %arg4[%add3A_277] : memref<336128xi32, #tpu.memory_space<hbm>> -> memref<128xi32, #tpu.memory_space<hbm>>
      tpu.enqueue_dma source(%dma_start3A_279 : memref<128xi32, #tpu.memory_space<hbm>>) target(%arg9 : memref<128xi32, #tpu.memory_space<vmem>>) target_semaphore(%arg23 : memref<!tpu.dma_semaphore, #tpu.memory_space<semaphore_mem>>)
      %mul3A_280 = arith.constant 128 : i32
      %mul3A_281 = arith.muli %add3A_274, %mul3A_280 : i32
      %add3A_282 = arith.addi %mul3A_5, %mul3A_281 : i32
      %dma_start3A_283 = tpu.memref_slice %arg5[%add3A_282] : memref<336128xi32, #tpu.memory_space<hbm>> -> memref<128xi32, #tpu.memory_space<hbm>>
      %dma_start3A_284 = tpu.memref_slice %arg5[%add3A_282] : memref<336128xi32, #tpu.memory_space<hbm>> -> memref<128xi32, #tpu.memory_space<hbm>>
      tpu.enqueue_dma source(%dma_start3A_284 : memref<128xi32, #tpu.memory_space<hbm>>) target(%arg11 : memref<128xi32, #tpu.memory_space<vmem>>) target_semaphore(%arg25 : memref<!tpu.dma_semaphore, #tpu.memory_space<semaphore_mem>>)
      %dma_wait3A_285 = arith.constant 0 : i32
      %dma_wait3A_286 = tpu.memref_slice %arg4[%dma_wait3A_285] : memref<336128xi32, #tpu.memory_space<hbm>> -> memref<128xi32, #tpu.memory_space<hbm>>
      %dma_wait3A_287 = arith.constant 0 : i32
      %dma_wait3A_288 = tpu.memref_slice %arg4[%dma_wait3A_287] : memref<336128xi32, #tpu.memory_space<hbm>> -> memref<128xi32, #tpu.memory_space<hbm>>
      tpu.wait_dma2 semaphore(%arg22 : memref<!tpu.dma_semaphore, #tpu.memory_space<semaphore_mem>>) src(%dma_wait3A_288 : memref<128xi32, #tpu.memory_space<hbm>>) dst(%arg8 : memref<128xi32, #tpu.memory_space<vmem>>)
      %dma_wait3A_289 = arith.constant 0 : i32
      %dma_wait3A_290 = tpu.memref_slice %arg5[%dma_wait3A_289] : memref<336128xi32, #tpu.memory_space<hbm>> -> memref<128xi32, #tpu.memory_space<hbm>>
      %dma_wait3A_291 = arith.constant 0 : i32
      %dma_wait3A_292 = tpu.memref_slice %arg5[%dma_wait3A_291] : memref<336128xi32, #tpu.memory_space<hbm>> -> memref<128xi32, #tpu.memory_space<hbm>>
      tpu.wait_dma2 semaphore(%arg24 : memref<!tpu.dma_semaphore, #tpu.memory_space<semaphore_mem>>) src(%dma_wait3A_292 : memref<128xi32, #tpu.memory_space<hbm>>) dst(%arg10 : memref<128xi32, #tpu.memory_space<vmem>>)
      %dma_start3A_293 = arith.constant 0 : i32
      %dma_start3A_294 = arith.constant 0 : i32
      %dma_start3A_295 = tpu.memref_slice %arg2[%dma_start3A_293, %dma_start3A_294] : memref<10000x64xf32, #tpu.memory_space<hbm>> -> memref<10000x64xf32, #tpu.memory_space<hbm>>
      tpu.enqueue_indirect_dma source(%dma_start3A_295 : memref<10000x64xf32, #tpu.memory_space<hbm>>) target(%arg14 : memref<128x64xf32, #tpu.memory_space<vmem>>) offsets(%arg8 : memref<128xi32, #tpu.memory_space<vmem>>) semaphore(%arg26 : memref<!tpu.dma_semaphore, #tpu.memory_space<semaphore_mem>>)
      %dma_start3A_296 = arith.constant 0 : i32
      %dma_start3A_297 = arith.constant 0 : i32
      %dma_start3A_298 = tpu.memref_slice %arg3[%dma_start3A_296, %dma_start3A_297] : memref<10000x64xf32, #tpu.memory_space<hbm>> -> memref<10000x64xf32, #tpu.memory_space<hbm>>
      tpu.enqueue_indirect_dma source(%dma_start3A_298 : memref<10000x64xf32, #tpu.memory_space<hbm>>) target(%arg16 : memref<128x64xf32, #tpu.memory_space<vmem>>) offsets(%arg10 : memref<128xi32, #tpu.memory_space<vmem>>) semaphore(%arg28 : memref<!tpu.dma_semaphore, #tpu.memory_space<semaphore_mem>>)
      %mul3A_299 = arith.constant 128 : i32
      %mul3A_300 = arith.muli %add3A_229, %mul3A_299 : i32
      %add3A_301 = arith.addi %mul3A_5, %mul3A_300 : i32
      %parallel_loop3A_302 = arith.constant 0 : i32
      %parallel_loop3A_303 = arith.constant 128 : i32
      %parallel_loop3A_304 = arith.constant 1 : i32
      scf.for %parallel_loop3A_308 = %parallel_loop3A_302 to %parallel_loop3A_303 step %parallel_loop3A_304  : i32 {
        %parallel_loop3A_309 = arith.index_cast %parallel_loop3A_308 : i32 to index
        %parallel_loop3A_310 = arith.constant 0 : index
        %parallel_loop3A_311 = tpu.vector_load %arg15[%parallel_loop3A_309, %parallel_loop3A_310] {strides = array<i32>} : memref<128x64xf32, #tpu.memory_space<vmem>>, vector<16xf32>,
        %parallel_loop3A_312 = arith.index_cast %parallel_loop3A_308 : i32 to index
        %parallel_loop3A_313 = arith.constant 16 : index
        %parallel_loop3A_314 = tpu.vector_load %arg15[%parallel_loop3A_312, %parallel_loop3A_313] {strides = array<i32>} : memref<128x64xf32, #tpu.memory_space<vmem>>, vector<16xf32>,
        %parallel_loop3A_315 = arith.index_cast %parallel_loop3A_308 : i32 to index
        %parallel_loop3A_316 = arith.constant 32 : index
        %parallel_loop3A_317 = tpu.vector_load %arg15[%parallel_loop3A_315, %parallel_loop3A_316] {strides = array<i32>} : memref<128x64xf32, #tpu.memory_space<vmem>>, vector<16xf32>,
        %parallel_loop3A_318 = arith.index_cast %parallel_loop3A_308 : i32 to index
        %parallel_loop3A_319 = arith.constant 48 : index
        %parallel_loop3A_320 = tpu.vector_load %arg15[%parallel_loop3A_318, %parallel_loop3A_319] {strides = array<i32>} : memref<128x64xf32, #tpu.memory_space<vmem>>, vector<16xf32>,
        %parallel_loop3A_321 = arith.index_cast %parallel_loop3A_308 : i32 to index
        %parallel_loop3A_322 = arith.constant 0 : index
        %parallel_loop3A_323 = tpu.vector_load %arg17[%parallel_loop3A_321, %parallel_loop3A_322] {strides = array<i32>} : memref<128x64xf32, #tpu.memory_space<vmem>>, vector<16xf32>,
        %parallel_loop3A_324 = arith.index_cast %parallel_loop3A_308 : i32 to index
        %parallel_loop3A_325 = arith.constant 16 : index
        %parallel_loop3A_326 = tpu.vector_load %arg17[%parallel_loop3A_324, %parallel_loop3A_325] {strides = array<i32>} : memref<128x64xf32, #tpu.memory_space<vmem>>, vector<16xf32>,
        %parallel_loop3A_327 = arith.index_cast %parallel_loop3A_308 : i32 to index
        %parallel_loop3A_328 = arith.constant 32 : index
        %parallel_loop3A_329 = tpu.vector_load %arg17[%parallel_loop3A_327, %parallel_loop3A_328] {strides = array<i32>} : memref<128x64xf32, #tpu.memory_space<vmem>>, vector<16xf32>,
        %parallel_loop3A_330 = arith.index_cast %parallel_loop3A_308 : i32 to index
        %parallel_loop3A_331 = arith.constant 48 : index
        %parallel_loop3A_332 = tpu.vector_load %arg17[%parallel_loop3A_330, %parallel_loop3A_331] {strides = array<i32>} : memref<128x64xf32, #tpu.memory_space<vmem>>, vector<16xf32>,
        %parallel_loop3A_333 = arith.addf %parallel_loop3A_311, %parallel_loop3A_323 : vector<16xf32>
        %parallel_loop3A_334 = arith.constant 2.000000e-01 : f32
        %parallel_loop3A_335 = vector.broadcast %parallel_loop3A_334 : f32 to vector<16xf32>
        %parallel_loop3A_336 = arith.mulf %parallel_loop3A_333, %parallel_loop3A_335 : vector<16xf32>
        %parallel_loop3A_337 = arith.maximumf %parallel_loop3A_333, %parallel_loop3A_336 : vector<16xf32>
        %parallel_loop3A_338 = arith.mulf %parallel_loop3A_337, %get3A_25 : vector<16xf32>
        %parallel_loop3A_339 = arith.addf %parallel_loop3A_314, %parallel_loop3A_326 : vector<16xf32>
        %parallel_loop3A_340 = arith.constant 2.000000e-01 : f32
        %parallel_loop3A_341 = vector.broadcast %parallel_loop3A_340 : f32 to vector<16xf32>
        %parallel_loop3A_342 = arith.mulf %parallel_loop3A_339, %parallel_loop3A_341 : vector<16xf32>
        %parallel_loop3A_343 = arith.maximumf %parallel_loop3A_339, %parallel_loop3A_342 : vector<16xf32>
        %parallel_loop3A_344 = arith.mulf %parallel_loop3A_343, %get3A_27 : vector<16xf32>
        %parallel_loop3A_345 = arith.addf %parallel_loop3A_317, %parallel_loop3A_329 : vector<16xf32>
        %parallel_loop3A_346 = arith.constant 2.000000e-01 : f32
        %parallel_loop3A_347 = vector.broadcast %parallel_loop3A_346 : f32 to vector<16xf32>
        %parallel_loop3A_348 = arith.mulf %parallel_loop3A_345, %parallel_loop3A_347 : vector<16xf32>
        %parallel_loop3A_349 = arith.maximumf %parallel_loop3A_345, %parallel_loop3A_348 : vector<16xf32>
        %parallel_loop3A_350 = arith.mulf %parallel_loop3A_349, %get3A_29 : vector<16xf32>
        %parallel_loop3A_351 = arith.addf %parallel_loop3A_320, %parallel_loop3A_332 : vector<16xf32>
        %parallel_loop3A_352 = arith.constant 2.000000e-01 : f32
        %parallel_loop3A_353 = vector.broadcast %parallel_loop3A_352 : f32 to vector<16xf32>
        %parallel_loop3A_354 = arith.mulf %parallel_loop3A_351, %parallel_loop3A_353 : vector<16xf32>
        %parallel_loop3A_355 = arith.maximumf %parallel_loop3A_351, %parallel_loop3A_354 : vector<16xf32>
        %parallel_loop3A_356 = arith.mulf %parallel_loop3A_355, %get3A_31 : vector<16xf32>
        %parallel_loop3A_357 = arith.addi %add3A_301, %parallel_loop3A_308 : i32
        %parallel_loop3A_358 = arith.constant 330000 : i32
        %parallel_loop3A_359 = arith.cmpi slt, %parallel_loop3A_357, %parallel_loop3A_358 : i32
        %parallel_loop3A_360 = arith.constant 1.000000e+00 : f32
        %parallel_loop3A_361 = arith.constant 0.000000e+00 : f32
        %parallel_loop3A_362 = arith.select %parallel_loop3A_359, %parallel_loop3A_360, %parallel_loop3A_361 : f32
        %parallel_loop3A_363 = arith.addf %parallel_loop3A_338, %parallel_loop3A_344 : vector<16xf32>
        %parallel_loop3A_364 = arith.addf %parallel_loop3A_350, %parallel_loop3A_356 : vector<16xf32>
        %parallel_loop3A_365 = arith.addf %parallel_loop3A_363, %parallel_loop3A_364 : vector<16xf32>
        %parallel_loop3A_366 = arith.constant true
        %parallel_loop3A_367 = vector.broadcast %parallel_loop3A_366 : i1 to vector<16xi1>
        %parallel_loop3A_368 = tpu.scan <sum>, %parallel_loop3A_365 masked %parallel_loop3A_367 : vector<16xf32>, vector<16xi1> -> vector<16xf32>
        %parallel_loop3A_369 = arith.constant 0 : i32
        %parallel_loop3A_370 = vector.broadcast %parallel_loop3A_369 : i32 to vector<16xi32>
        %parallel_loop3A_371 = arith.cmpi slt, %broadcast_in_dim3A_67, %parallel_loop3A_370 : vector<16xi32>
        %parallel_loop3A_372 = arith.constant 16 : i32
        %parallel_loop3A_373 = vector.broadcast %parallel_loop3A_372 : i32 to vector<16xi32>
        %parallel_loop3A_374 = arith.addi %broadcast_in_dim3A_67, %parallel_loop3A_373 : vector<16xi32>
        %parallel_loop3A_375 = arith.select %parallel_loop3A_371, %parallel_loop3A_374, %broadcast_in_dim3A_67 : vector<16xi1>, vector<16xi32>
        %parallel_loop3A_376 = vector.shape_cast %parallel_loop3A_375 : vector<16xi32> to vector<16x1xi32>
        %parallel_loop3A_377 = vector.shape_cast %parallel_loop3A_376 : vector<16x1xi32> to vector<16xi32>
        %parallel_loop3A_378 = tpu.dynamic_gather %parallel_loop3A_368[%parallel_loop3A_377] in [0] : vector<16xf32>, vector<16xi32> -> vector<16xf32>
        %parallel_loop3A_379 = math.exp %parallel_loop3A_378 : vector<16xf32>
        %parallel_loop3A_380 = vector.broadcast %parallel_loop3A_362 : f32 to vector<16xf32>
        %parallel_loop3A_381 = arith.mulf %parallel_loop3A_379, %parallel_loop3A_380 : vector<16xf32>
        %parallel_loop3A_382 = arith.mulf %parallel_loop3A_311, %parallel_loop3A_381 : vector<16xf32>
        %parallel_loop3A_383 = arith.index_cast %parallel_loop3A_308 : i32 to index
        %parallel_loop3A_384 = arith.constant 0 : index
        %parallel_loop3A_385 = tpu.vector_load %arg19[%parallel_loop3A_383, %parallel_loop3A_384] {strides = array<i32>} : memref<128x80xf32, #tpu.memory_space<vmem>>, vector<16xf32>,
        tpu.vector_store %arg19[%parallel_loop3A_383, %parallel_loop3A_384], %parallel_loop3A_382 {strides = array<i32>} : memref<128x80xf32, #tpu.memory_space<vmem>>, vector<16xf32>,
        %parallel_loop3A_386 = arith.mulf %parallel_loop3A_314, %parallel_loop3A_381 : vector<16xf32>
        %parallel_loop3A_387 = arith.index_cast %parallel_loop3A_308 : i32 to index
        %parallel_loop3A_388 = arith.constant 16 : index
        %parallel_loop3A_389 = tpu.vector_load %arg19[%parallel_loop3A_387, %parallel_loop3A_388] {strides = array<i32>} : memref<128x80xf32, #tpu.memory_space<vmem>>, vector<16xf32>,
        tpu.vector_store %arg19[%parallel_loop3A_387, %parallel_loop3A_388], %parallel_loop3A_386 {strides = array<i32>} : memref<128x80xf32, #tpu.memory_space<vmem>>, vector<16xf32>,
        %parallel_loop3A_390 = arith.mulf %parallel_loop3A_317, %parallel_loop3A_381 : vector<16xf32>
        %parallel_loop3A_391 = arith.index_cast %parallel_loop3A_308 : i32 to index
        %parallel_loop3A_392 = arith.constant 32 : index
        %parallel_loop3A_393 = tpu.vector_load %arg19[%parallel_loop3A_391, %parallel_loop3A_392] {strides = array<i32>} : memref<128x80xf32, #tpu.memory_space<vmem>>, vector<16xf32>,
        tpu.vector_store %arg19[%parallel_loop3A_391, %parallel_loop3A_392], %parallel_loop3A_390 {strides = array<i32>} : memref<128x80xf32, #tpu.memory_space<vmem>>, vector<16xf32>,
        %parallel_loop3A_394 = arith.mulf %parallel_loop3A_320, %parallel_loop3A_381 : vector<16xf32>
        %parallel_loop3A_395 = arith.index_cast %parallel_loop3A_308 : i32 to index
        %parallel_loop3A_396 = arith.constant 48 : index
        %parallel_loop3A_397 = tpu.vector_load %arg19[%parallel_loop3A_395, %parallel_loop3A_396] {strides = array<i32>} : memref<128x80xf32, #tpu.memory_space<vmem>>, vector<16xf32>,
        tpu.vector_store %arg19[%parallel_loop3A_395, %parallel_loop3A_396], %parallel_loop3A_394 {strides = array<i32>} : memref<128x80xf32, #tpu.memory_space<vmem>>, vector<16xf32>,
        %parallel_loop3A_398 = arith.index_cast %parallel_loop3A_308 : i32 to index
        %parallel_loop3A_399 = arith.constant 64 : index
        %parallel_loop3A_400 = tpu.vector_load %arg19[%parallel_loop3A_398, %parallel_loop3A_399] {strides = array<i32>} : memref<128x80xf32, #tpu.memory_space<vmem>>, vector<16xf32>,
        tpu.vector_store %arg19[%parallel_loop3A_398, %parallel_loop3A_399], %parallel_loop3A_381 {strides = array<i32>} : memref<128x80xf32, #tpu.memory_space<vmem>>, vector<16xf32>,
      } {sc.loop_unroll_factor = 4 : i64, sc.parallel_access}
      %dma_start3A_305 = arith.constant 0 : i32
      %dma_start3A_306 = arith.constant 0 : i32
      %dma_start3A_307 = tpu.memref_slice %arg21[%dma_start3A_305, %dma_start3A_306] : memref<10000x80xf32, #tpu.memory_space<vmem_shared>> -> memref<10000x80xf32, #tpu.memory_space<vmem_shared>>
      tpu.enqueue_indirect_dma source(%arg19 : memref<128x80xf32, #tpu.memory_space<vmem>>) target(%dma_start3A_307 : memref<10000x80xf32, #tpu.memory_space<vmem_shared>>) offsets(%arg13 : memref<128xi32, #tpu.memory_space<vmem>>) semaphore(%arg31 : memref<!tpu.dma_semaphore, #tpu.memory_space<semaphore_mem>>) {add = true}
    }
    %scan3A_115 = arith.constant 41 : i32
    %dma_wait3A_116 = arith.constant 0 : i32
    %dma_wait3A_117 = arith.constant 0 : i32
    %dma_wait3A_118 = tpu.memref_slice %arg2[%dma_wait3A_116, %dma_wait3A_117] : memref<10000x64xf32, #tpu.memory_space<hbm>> -> memref<10000x64xf32, #tpu.memory_space<hbm>>
    tpu.wait_indirect_dma semaphore(%arg26 : memref<!tpu.dma_semaphore, #tpu.memory_space<semaphore_mem>>) src(%dma_wait3A_118 : memref<10000x64xf32, #tpu.memory_space<hbm>>) dst(%arg14 : memref<128x64xf32, #tpu.memory_space<vmem>>)
    %dma_wait3A_119 = arith.constant 0 : i32
    %dma_wait3A_120 = arith.constant 0 : i32
    %dma_wait3A_121 = tpu.memref_slice %arg3[%dma_wait3A_119, %dma_wait3A_120] : memref<10000x64xf32, #tpu.memory_space<hbm>> -> memref<10000x64xf32, #tpu.memory_space<hbm>>
    tpu.wait_indirect_dma semaphore(%arg28 : memref<!tpu.dma_semaphore, #tpu.memory_space<semaphore_mem>>) src(%dma_wait3A_121 : memref<10000x64xf32, #tpu.memory_space<hbm>>) dst(%arg16 : memref<128x64xf32, #tpu.memory_space<vmem>>)
    %dma_wait3A_122 = arith.constant 0 : i32
    %dma_wait3A_123 = tpu.memref_slice %arg4[%dma_wait3A_122] : memref<336128xi32, #tpu.memory_space<hbm>> -> memref<128xi32, #tpu.memory_space<hbm>>
    %dma_wait3A_124 = arith.constant 0 : i32
    %dma_wait3A_125 = tpu.memref_slice %arg4[%dma_wait3A_124] : memref<336128xi32, #tpu.memory_space<hbm>> -> memref<128xi32, #tpu.memory_space<hbm>>
    tpu.wait_dma2 semaphore(%arg23 : memref<!tpu.dma_semaphore, #tpu.memory_space<semaphore_mem>>) src(%dma_wait3A_125 : memref<128xi32, #tpu.memory_space<hbm>>) dst(%arg9 : memref<128xi32, #tpu.memory_space<vmem>>)
    %dma_wait3A_126 = arith.constant 0 : i32
    %dma_wait3A_127 = tpu.memref_slice %arg5[%dma_wait3A_126] : memref<336128xi32, #tpu.memory_space<hbm>> -> memref<128xi32, #tpu.memory_space<hbm>>
    %dma_wait3A_128 = arith.constant 0 : i32
    %dma_wait3A_129 = tpu.memref_slice %arg5[%dma_wait3A_128] : memref<336128xi32, #tpu.memory_space<hbm>> -> memref<128xi32, #tpu.memory_space<hbm>>
    tpu.wait_dma2 semaphore(%arg25 : memref<!tpu.dma_semaphore, #tpu.memory_space<semaphore_mem>>) src(%dma_wait3A_129 : memref<128xi32, #tpu.memory_space<hbm>>) dst(%arg11 : memref<128xi32, #tpu.memory_space<vmem>>)
    %dma_wait3A_130 = arith.constant 0 : i32
    %dma_wait3A_131 = arith.constant 0 : i32
    %dma_wait3A_132 = tpu.memref_slice %arg21[%dma_wait3A_130, %dma_wait3A_131] : memref<10000x80xf32, #tpu.memory_space<vmem_shared>> -> memref<10000x80xf32, #tpu.memory_space<vmem_shared>>
    tpu.wait_indirect_dma semaphore(%arg30 : memref<!tpu.dma_semaphore, #tpu.memory_space<semaphore_mem>>) src(%arg18 : memref<128x80xf32, #tpu.memory_space<vmem>>) dst(%dma_wait3A_132 : memref<10000x80xf32, #tpu.memory_space<vmem_shared>>)
    %dma_wait3A_133 = arith.constant 0 : i32
    %dma_wait3A_134 = arith.constant 0 : i32
    %dma_wait3A_135 = tpu.memref_slice %arg21[%dma_wait3A_133, %dma_wait3A_134] : memref<10000x80xf32, #tpu.memory_space<vmem_shared>> -> memref<10000x80xf32, #tpu.memory_space<vmem_shared>>
    tpu.wait_indirect_dma semaphore(%arg31 : memref<!tpu.dma_semaphore, #tpu.memory_space<semaphore_mem>>) src(%arg19 : memref<128x80xf32, #tpu.memory_space<vmem>>) dst(%dma_wait3A_135 : memref<10000x80xf32, #tpu.memory_space<vmem_shared>>)
    %barrier3A_136 = arith.constant 0 : index
    tpu.barrier barrier_id(%barrier3A_136)
    %mul3A_137 = arith.constant 10000 : i32
    %mul3A_138 = arith.muli %arg0, %mul3A_137 : i32
    %add3A_139 = arith.addi %mul3A_138, %mul3A_12 : i32
    "tpu.region"() ({
      %run_scoped3A = tpu.sem_alloc : memref<!tpu.dma_semaphore, #tpu.memory_space<semaphore_mem>>
      %dma_start3A_145 = arith.constant 0 : i32
      %dma_start3A_146 = tpu.memref_slice %arg7[%add3A_139, %dma_start3A_145] : memref<20000x80xf32, #tpu.memory_space<hbm>> -> memref<624x80xf32, #tpu.memory_space<hbm>>
      %dma_start3A_147 = arith.constant 0 : i32
      %dma_start3A_148 = tpu.memref_slice %arg21[%mul3A_12, %dma_start3A_147] : memref<10000x80xf32, #tpu.memory_space<vmem_shared>> -> memref<624x80xf32, #tpu.memory_space<vmem_shared>>
      tpu.enqueue_dma source(%dma_start3A_148 : memref<624x80xf32, #tpu.memory_space<vmem_shared>>) target(%dma_start3A_146 : memref<624x80xf32, #tpu.memory_space<hbm>>) target_semaphore(%run_scoped3A : memref<!tpu.dma_semaphore, #tpu.memory_space<semaphore_mem>>)
      %dma_wait3A_149 = arith.constant 0 : i32
      %dma_wait3A_150 = tpu.memref_slice %arg7[%add3A_139, %dma_wait3A_149] : memref<20000x80xf32, #tpu.memory_space<hbm>> -> memref<624x80xf32, #tpu.memory_space<hbm>>
      %dma_wait3A_151 = arith.constant 0 : i32
      %dma_wait3A_152 = tpu.memref_slice %arg21[%mul3A_12, %dma_wait3A_151] : memref<10000x80xf32, #tpu.memory_space<vmem_shared>> -> memref<624x80xf32, #tpu.memory_space<vmem_shared>>
      tpu.wait_dma2 semaphore(%run_scoped3A : memref<!tpu.dma_semaphore, #tpu.memory_space<semaphore_mem>>) src(%dma_wait3A_152 : memref<624x80xf32, #tpu.memory_space<vmem_shared>>) dst(%dma_wait3A_150 : memref<624x80xf32, #tpu.memory_space<hbm>>)
      tpu.yield
    }) : () -> ()
    %eq3A_140 = arith.constant 15 : i32
    %eq3A_141 = arith.cmpi eq, %arg1, %eq3A_140 : i32
    %convert_element_type3A_142 = arith.extui %eq3A_141 : i1 to i32
    %cond3A_143 = arith.constant 0 : i32
    %cond3A_144 = arith.cmpi ne, %convert_element_type3A_142, %cond3A_143 : i32
    scf.if %cond3A_144 {
      %mul3A_145 = arith.constant 10000 : i32
      %mul3A_146 = arith.muli %arg0, %mul3A_145 : i32
      %add3A_147 = arith.constant 9984 : i32
      %add3A_148 = arith.addi %mul3A_146, %add3A_147 : i32
      "tpu.region"() ({
        %run_scoped3A = tpu.sem_alloc : memref<!tpu.dma_semaphore, #tpu.memory_space<semaphore_mem>>
        %dma_start3A_149 = arith.constant 0 : i32
        %dma_start3A_150 = tpu.memref_slice %arg7[%add3A_148, %dma_start3A_149] : memref<20000x80xf32, #tpu.memory_space<hbm>> -> memref<16x80xf32, #tpu.memory_space<hbm>>
        %dma_start3A_151 = arith.constant 9984 : i32
        %dma_start3A_152 = arith.constant 0 : i32
        %dma_start3A_153 = tpu.memref_slice %arg21[%dma_start3A_151, %dma_start3A_152] : memref<10000x80xf32, #tpu.memory_space<vmem_shared>> -> memref<16x80xf32, #tpu.memory_space<vmem_shared>>
        tpu.enqueue_dma source(%dma_start3A_153 : memref<16x80xf32, #tpu.memory_space<vmem_shared>>) target(%dma_start3A_150 : memref<16x80xf32, #tpu.memory_space<hbm>>) target_semaphore(%run_scoped3A : memref<!tpu.dma_semaphore, #tpu.memory_space<semaphore_mem>>)
        %dma_wait3A_154 = arith.constant 0 : i32
        %dma_wait3A_155 = tpu.memref_slice %arg7[%add3A_148, %dma_wait3A_154] : memref<20000x80xf32, #tpu.memory_space<hbm>> -> memref<16x80xf32, #tpu.memory_space<hbm>>
        %dma_wait3A_156 = arith.constant 9984 : i32
        %dma_wait3A_157 = arith.constant 0 : i32
        %dma_wait3A_158 = tpu.memref_slice %arg21[%dma_wait3A_156, %dma_wait3A_157] : memref<10000x80xf32, #tpu.memory_space<vmem_shared>> -> memref<16x80xf32, #tpu.memory_space<vmem_shared>>
        tpu.wait_dma2 semaphore(%run_scoped3A : memref<!tpu.dma_semaphore, #tpu.memory_space<semaphore_mem>>) src(%dma_wait3A_158 : memref<16x80xf32, #tpu.memory_space<vmem_shared>>) dst(%dma_wait3A_155 : memref<16x80xf32, #tpu.memory_space<hbm>>)
        tpu.yield
      }) : () -> ()
    } else {
    }
    return
  }
}

#map = affine_map<(d0, d1) -> (0, 0)>
#map1 = affine_map<(d0, d1) -> (0)>
module attributes {stable_mosaic.version = 14 : i64} {
  func.func @edge_kernel(%arg0: i32, %arg1: i32, %arg2: memref<10000x64xf32, #tpu.memory_space<hbm>>, %arg3: memref<10000x64xf32, #tpu.memory_space<hbm>>, %arg4: memref<336128xi32, #tpu.memory_space<hbm>>, %arg5: memref<336128xi32, #tpu.memory_space<hbm>>, %arg6: memref<64xf32, #tpu.memory_space<hbm>>, %arg7: memref<20000x80xf32, #tpu.memory_space<hbm>>, %arg8: memref<128xi32, #tpu.memory_space<vmem>>, %arg9: memref<128xi32, #tpu.memory_space<vmem>>, %arg10: memref<128xi32, #tpu.memory_space<vmem>>, %arg11: memref<128xi32, #tpu.memory_space<vmem>>, %arg12: memref<128xi32, #tpu.memory_space<vmem>>, %arg13: memref<128xi32, #tpu.memory_space<vmem>>, %arg14: memref<128x64xf32, #tpu.memory_space<vmem>>, %arg15: memref<128x64xf32, #tpu.memory_space<vmem>>, %arg16: memref<128x64xf32, #tpu.memory_space<vmem>>, %arg17: memref<128x64xf32, #tpu.memory_space<vmem>>, %arg18: memref<128x80xf32, #tpu.memory_space<vmem>>, %arg19: memref<128x80xf32, #tpu.memory_space<vmem>>, %arg20: memref<64xf32, #tpu.memory_space<vmem>>, %arg21: memref<10000x80xf32, #tpu.memory_space<vmem_shared>>, %arg22: memref<!tpu.dma_semaphore, #tpu.memory_space<semaphore_mem>>, %arg23: memref<!tpu.dma_semaphore, #tpu.memory_space<semaphore_mem>>, %arg24: memref<!tpu.dma_semaphore, #tpu.memory_space<semaphore_mem>>, %arg25: memref<!tpu.dma_semaphore, #tpu.memory_space<semaphore_mem>>, %arg26: memref<!tpu.dma_semaphore, #tpu.memory_space<semaphore_mem>>, %arg27: memref<!tpu.dma_semaphore, #tpu.memory_space<semaphore_mem>>, %arg28: memref<!tpu.dma_semaphore, #tpu.memory_space<semaphore_mem>>, %arg29: memref<!tpu.dma_semaphore, #tpu.memory_space<semaphore_mem>>, %arg30: memref<!tpu.dma_semaphore, #tpu.memory_space<semaphore_mem>>, %arg31: memref<!tpu.dma_semaphore, #tpu.memory_space<semaphore_mem>>) attributes {dimension_semantics = [#tpu.dimension_semantics<core_parallel>, #tpu.dimension_semantics<subcore_parallel>], iteration_bounds = array<i64: 2, 16>, scalar_prefetch = 0 : i64, scratch_operands = 24 : i64, tpu.core_type = #tpu.core_type<sc_vector_subcore>, window_params = [{transform_indices = #map}, {transform_indices = #map}, {transform_indices = #map1}, {transform_indices = #map1}, {transform_indices = #map1}, {transform_indices = #map}]} {
    %mul3A = arith.constant 2 : i32
    %mul3A_0 = arith.muli %arg1, %mul3A : i32
    %add3A = arith.addi %mul3A_0, %arg0 : i32
    %iota3A = tpu.iota {dimensions = array<i32: 0>} : vector<16xi32>
    %broadcast_in_dim3A = arith.constant 0.000000e+00 : f32
    %broadcast_in_dim3A_1 = vector.broadcast %broadcast_in_dim3A : f32 to vector<16xf32>
    %mul3A_2 = arith.constant 82 : i32
    %mul3A_3 = arith.muli %add3A, %mul3A_2 : i32
    %mul3A_4 = arith.constant 128 : i32
    %mul3A_5 = arith.muli %mul3A_3, %mul3A_4 : i32
    %scan3A = arith.constant 0 : i32
    %scan3A_6 = arith.constant 0 : i32
    %scan3A_7 = arith.constant 128 : i32
    %scan3A_8 = arith.addi %scan3A_6, %scan3A_7 : i32
    %scan3A_9 = arith.constant 1 : i32
    scf.for %scan3A_145 = %scan3A_6 to %scan3A_8 step %scan3A_9  : i32 {
      %swap3A = arith.index_cast %scan3A_145 : i32 to index
      %swap3A_146 = arith.constant 0 : index
      %swap3A_147 = tpu.vector_load %arg18[%swap3A, %swap3A_146] {strides = array<i32>} : memref<128x80xf32, #tpu.memory_space<vmem>>, vector<16xf32>,
      tpu.vector_store %arg18[%swap3A, %swap3A_146], %broadcast_in_dim3A_1 {strides = array<i32>} : memref<128x80xf32, #tpu.memory_space<vmem>>, vector<16xf32>,
      %swap3A_148 = arith.index_cast %scan3A_145 : i32 to index
      %swap3A_149 = arith.constant 16 : index
      %swap3A_150 = tpu.vector_load %arg18[%swap3A_148, %swap3A_149] {strides = array<i32>} : memref<128x80xf32, #tpu.memory_space<vmem>>, vector<16xf32>,
      tpu.vector_store %arg18[%swap3A_148, %swap3A_149], %broadcast_in_dim3A_1 {strides = array<i32>} : memref<128x80xf32, #tpu.memory_space<vmem>>, vector<16xf32>,
      %swap3A_151 = arith.index_cast %scan3A_145 : i32 to index
      %swap3A_152 = arith.constant 32 : index
      %swap3A_153 = tpu.vector_load %arg18[%swap3A_151, %swap3A_152] {strides = array<i32>} : memref<128x80xf32, #tpu.memory_space<vmem>>, vector<16xf32>,
      tpu.vector_store %arg18[%swap3A_151, %swap3A_152], %broadcast_in_dim3A_1 {strides = array<i32>} : memref<128x80xf32, #tpu.memory_space<vmem>>, vector<16xf32>,
      %swap3A_154 = arith.index_cast %scan3A_145 : i32 to index
      %swap3A_155 = arith.constant 48 : index
      %swap3A_156 = tpu.vector_load %arg18[%swap3A_154, %swap3A_155] {strides = array<i32>} : memref<128x80xf32, #tpu.memory_space<vmem>>, vector<16xf32>,
      tpu.vector_store %arg18[%swap3A_154, %swap3A_155], %broadcast_in_dim3A_1 {strides = array<i32>} : memref<128x80xf32, #tpu.memory_space<vmem>>, vector<16xf32>,
      %swap3A_157 = arith.index_cast %scan3A_145 : i32 to index
      %swap3A_158 = arith.constant 64 : index
      %swap3A_159 = tpu.vector_load %arg18[%swap3A_157, %swap3A_158] {strides = array<i32>} : memref<128x80xf32, #tpu.memory_space<vmem>>, vector<16xf32>,
      tpu.vector_store %arg18[%swap3A_157, %swap3A_158], %broadcast_in_dim3A_1 {strides = array<i32>} : memref<128x80xf32, #tpu.memory_space<vmem>>, vector<16xf32>,
    }
    %scan3A_10 = arith.constant 128 : i32
    %mul3A_11 = arith.constant 624 : i32
    %mul3A_12 = arith.muli %arg1, %mul3A_11 : i32
    %add3A_13 = arith.constant 0 : i32
    %add3A_14 = arith.addi %mul3A_12, %add3A_13 : i32
    "tpu.region"() ({
      %run_scoped3A = tpu.sem_alloc : memref<!tpu.dma_semaphore, #tpu.memory_space<semaphore_mem>>
      %dma_start3A_145 = arith.constant 0 : i32
      %dma_start3A_146 = arith.constant 0 : i32
      %dma_start3A_147 = tpu.memref_slice %arg18[%dma_start3A_145, %dma_start3A_146] : memref<128x80xf32, #tpu.memory_space<vmem>> -> memref<128x80xf32, #tpu.memory_space<vmem>>
      %dma_start3A_148 = arith.constant 0 : i32
      %dma_start3A_149 = tpu.memref_slice %arg21[%add3A_14, %dma_start3A_148] : memref<10000x80xf32, #tpu.memory_space<vmem_shared>> -> memref<128x80xf32, #tpu.memory_space<vmem_shared>>
      %dma_start3A_150 = arith.constant 0 : i32
      %dma_start3A_151 = tpu.memref_slice %arg21[%add3A_14, %dma_start3A_150] : memref<10000x80xf32, #tpu.memory_space<vmem_shared>> -> memref<128x80xf32, #tpu.memory_space<vmem_shared>>
      %dma_start3A_152 = arith.constant 0 : i32
      %dma_start3A_153 = arith.constant 0 : i32
      %dma_start3A_154 = tpu.memref_slice %arg18[%dma_start3A_152, %dma_start3A_153] : memref<128x80xf32, #tpu.memory_space<vmem>> -> memref<128x80xf32, #tpu.memory_space<vmem>>
      tpu.enqueue_dma source(%dma_start3A_154 : memref<128x80xf32, #tpu.memory_space<vmem>>) target(%dma_start3A_151 : memref<128x80xf32, #tpu.memory_space<vmem_shared>>) target_semaphore(%run_scoped3A : memref<!tpu.dma_semaphore, #tpu.memory_space<semaphore_mem>>)
      %dma_wait3A_155 = arith.constant 0 : i32
      %dma_wait3A_156 = arith.constant 0 : i32
      %dma_wait3A_157 = tpu.memref_slice %arg18[%dma_wait3A_155, %dma_wait3A_156] : memref<128x80xf32, #tpu.memory_space<vmem>> -> memref<128x80xf32, #tpu.memory_space<vmem>>
      %dma_wait3A_158 = arith.constant 0 : i32
      %dma_wait3A_159 = tpu.memref_slice %arg21[%add3A_14, %dma_wait3A_158] : memref<10000x80xf32, #tpu.memory_space<vmem_shared>> -> memref<128x80xf32, #tpu.memory_space<vmem_shared>>
      %dma_wait3A_160 = arith.constant 0 : i32
      %dma_wait3A_161 = tpu.memref_slice %arg21[%add3A_14, %dma_wait3A_160] : memref<10000x80xf32, #tpu.memory_space<vmem_shared>> -> memref<128x80xf32, #tpu.memory_space<vmem_shared>>
      %dma_wait3A_162 = arith.constant 0 : i32
      %dma_wait3A_163 = arith.constant 0 : i32
      %dma_wait3A_164 = tpu.memref_slice %arg18[%dma_wait3A_162, %dma_wait3A_163] : memref<128x80xf32, #tpu.memory_space<vmem>> -> memref<128x80xf32, #tpu.memory_space<vmem>>
      tpu.wait_dma2 semaphore(%run_scoped3A : memref<!tpu.dma_semaphore, #tpu.memory_space<semaphore_mem>>) src(%dma_wait3A_164 : memref<128x80xf32, #tpu.memory_space<vmem>>) dst(%dma_wait3A_161 : memref<128x80xf32, #tpu.memory_space<vmem_shared>>)
      tpu.yield
    }) : () -> ()
    %add3A_15 = arith.constant 128 : i32
    %add3A_16 = arith.addi %mul3A_12, %add3A_15 : i32
    "tpu.region"() ({
      %run_scoped3A = tpu.sem_alloc : memref<!tpu.dma_semaphore, #tpu.memory_space<semaphore_mem>>
      %dma_start3A_145 = arith.constant 0 : i32
      %dma_start3A_146 = arith.constant 0 : i32
      %dma_start3A_147 = tpu.memref_slice %arg18[%dma_start3A_145, %dma_start3A_146] : memref<128x80xf32, #tpu.memory_space<vmem>> -> memref<128x80xf32, #tpu.memory_space<vmem>>
      %dma_start3A_148 = arith.constant 0 : i32
      %dma_start3A_149 = tpu.memref_slice %arg21[%add3A_16, %dma_start3A_148] : memref<10000x80xf32, #tpu.memory_space<vmem_shared>> -> memref<128x80xf32, #tpu.memory_space<vmem_shared>>
      %dma_start3A_150 = arith.constant 0 : i32
      %dma_start3A_151 = tpu.memref_slice %arg21[%add3A_16, %dma_start3A_150] : memref<10000x80xf32, #tpu.memory_space<vmem_shared>> -> memref<128x80xf32, #tpu.memory_space<vmem_shared>>
      %dma_start3A_152 = arith.constant 0 : i32
      %dma_start3A_153 = arith.constant 0 : i32
      %dma_start3A_154 = tpu.memref_slice %arg18[%dma_start3A_152, %dma_start3A_153] : memref<128x80xf32, #tpu.memory_space<vmem>> -> memref<128x80xf32, #tpu.memory_space<vmem>>
      tpu.enqueue_dma source(%dma_start3A_154 : memref<128x80xf32, #tpu.memory_space<vmem>>) target(%dma_start3A_151 : memref<128x80xf32, #tpu.memory_space<vmem_shared>>) target_semaphore(%run_scoped3A : memref<!tpu.dma_semaphore, #tpu.memory_space<semaphore_mem>>)
      %dma_wait3A_155 = arith.constant 0 : i32
      %dma_wait3A_156 = arith.constant 0 : i32
      %dma_wait3A_157 = tpu.memref_slice %arg18[%dma_wait3A_155, %dma_wait3A_156] : memref<128x80xf32, #tpu.memory_space<vmem>> -> memref<128x80xf32, #tpu.memory_space<vmem>>
      %dma_wait3A_158 = arith.constant 0 : i32
      %dma_wait3A_159 = tpu.memref_slice %arg21[%add3A_16, %dma_wait3A_158] : memref<10000x80xf32, #tpu.memory_space<vmem_shared>> -> memref<128x80xf32, #tpu.memory_space<vmem_shared>>
      %dma_wait3A_160 = arith.constant 0 : i32
      %dma_wait3A_161 = tpu.memref_slice %arg21[%add3A_16, %dma_wait3A_160] : memref<10000x80xf32, #tpu.memory_space<vmem_shared>> -> memref<128x80xf32, #tpu.memory_space<vmem_shared>>
      %dma_wait3A_162 = arith.constant 0 : i32
      %dma_wait3A_163 = arith.constant 0 : i32
      %dma_wait3A_164 = tpu.memref_slice %arg18[%dma_wait3A_162, %dma_wait3A_163] : memref<128x80xf32, #tpu.memory_space<vmem>> -> memref<128x80xf32, #tpu.memory_space<vmem>>
      tpu.wait_dma2 semaphore(%run_scoped3A : memref<!tpu.dma_semaphore, #tpu.memory_space<semaphore_mem>>) src(%dma_wait3A_164 : memref<128x80xf32, #tpu.memory_space<vmem>>) dst(%dma_wait3A_161 : memref<128x80xf32, #tpu.memory_space<vmem_shared>>)
      tpu.yield
    }) : () -> ()
    %add3A_17 = arith.constant 256 : i32
    %add3A_18 = arith.addi %mul3A_12, %add3A_17 : i32
    "tpu.region"() ({
      %run_scoped3A = tpu.sem_alloc : memref<!tpu.dma_semaphore, #tpu.memory_space<semaphore_mem>>
      %dma_start3A_145 = arith.constant 0 : i32
      %dma_start3A_146 = arith.constant 0 : i32
      %dma_start3A_147 = tpu.memref_slice %arg18[%dma_start3A_145, %dma_start3A_146] : memref<128x80xf32, #tpu.memory_space<vmem>> -> memref<128x80xf32, #tpu.memory_space<vmem>>
      %dma_start3A_148 = arith.constant 0 : i32
      %dma_start3A_149 = tpu.memref_slice %arg21[%add3A_18, %dma_start3A_148] : memref<10000x80xf32, #tpu.memory_space<vmem_shared>> -> memref<128x80xf32, #tpu.memory_space<vmem_shared>>
      %dma_start3A_150 = arith.constant 0 : i32
      %dma_start3A_151 = tpu.memref_slice %arg21[%add3A_18, %dma_start3A_150] : memref<10000x80xf32, #tpu.memory_space<vmem_shared>> -> memref<128x80xf32, #tpu.memory_space<vmem_shared>>
      %dma_start3A_152 = arith.constant 0 : i32
      %dma_start3A_153 = arith.constant 0 : i32
      %dma_start3A_154 = tpu.memref_slice %arg18[%dma_start3A_152, %dma_start3A_153] : memref<128x80xf32, #tpu.memory_space<vmem>> -> memref<128x80xf32, #tpu.memory_space<vmem>>
      tpu.enqueue_dma source(%dma_start3A_154 : memref<128x80xf32, #tpu.memory_space<vmem>>) target(%dma_start3A_151 : memref<128x80xf32, #tpu.memory_space<vmem_shared>>) target_semaphore(%run_scoped3A : memref<!tpu.dma_semaphore, #tpu.memory_space<semaphore_mem>>)
      %dma_wait3A_155 = arith.constant 0 : i32
      %dma_wait3A_156 = arith.constant 0 : i32
      %dma_wait3A_157 = tpu.memref_slice %arg18[%dma_wait3A_155, %dma_wait3A_156] : memref<128x80xf32, #tpu.memory_space<vmem>> -> memref<128x80xf32, #tpu.memory_space<vmem>>
      %dma_wait3A_158 = arith.constant 0 : i32
      %dma_wait3A_159 = tpu.memref_slice %arg21[%add3A_18, %dma_wait3A_158] : memref<10000x80xf32, #tpu.memory_space<vmem_shared>> -> memref<128x80xf32, #tpu.memory_space<vmem_shared>>
      %dma_wait3A_160 = arith.constant 0 : i32
      %dma_wait3A_161 = tpu.memref_slice %arg21[%add3A_18, %dma_wait3A_160] : memref<10000x80xf32, #tpu.memory_space<vmem_shared>> -> memref<128x80xf32, #tpu.memory_space<vmem_shared>>
      %dma_wait3A_162 = arith.constant 0 : i32
      %dma_wait3A_163 = arith.constant 0 : i32
      %dma_wait3A_164 = tpu.memref_slice %arg18[%dma_wait3A_162, %dma_wait3A_163] : memref<128x80xf32, #tpu.memory_space<vmem>> -> memref<128x80xf32, #tpu.memory_space<vmem>>
      tpu.wait_dma2 semaphore(%run_scoped3A : memref<!tpu.dma_semaphore, #tpu.memory_space<semaphore_mem>>) src(%dma_wait3A_164 : memref<128x80xf32, #tpu.memory_space<vmem>>) dst(%dma_wait3A_161 : memref<128x80xf32, #tpu.memory_space<vmem_shared>>)
      tpu.yield
    }) : () -> ()
    %add3A_19 = arith.constant 384 : i32
    %add3A_20 = arith.addi %mul3A_12, %add3A_19 : i32
    "tpu.region"() ({
      %run_scoped3A = tpu.sem_alloc : memref<!tpu.dma_semaphore, #tpu.memory_space<semaphore_mem>>
      %dma_start3A_145 = arith.constant 0 : i32
      %dma_start3A_146 = arith.constant 0 : i32
      %dma_start3A_147 = tpu.memref_slice %arg18[%dma_start3A_145, %dma_start3A_146] : memref<128x80xf32, #tpu.memory_space<vmem>> -> memref<128x80xf32, #tpu.memory_space<vmem>>
      %dma_start3A_148 = arith.constant 0 : i32
      %dma_start3A_149 = tpu.memref_slice %arg21[%add3A_20, %dma_start3A_148] : memref<10000x80xf32, #tpu.memory_space<vmem_shared>> -> memref<128x80xf32, #tpu.memory_space<vmem_shared>>
      %dma_start3A_150 = arith.constant 0 : i32
      %dma_start3A_151 = tpu.memref_slice %arg21[%add3A_20, %dma_start3A_150] : memref<10000x80xf32, #tpu.memory_space<vmem_shared>> -> memref<128x80xf32, #tpu.memory_space<vmem_shared>>
      %dma_start3A_152 = arith.constant 0 : i32
      %dma_start3A_153 = arith.constant 0 : i32
      %dma_start3A_154 = tpu.memref_slice %arg18[%dma_start3A_152, %dma_start3A_153] : memref<128x80xf32, #tpu.memory_space<vmem>> -> memref<128x80xf32, #tpu.memory_space<vmem>>
      tpu.enqueue_dma source(%dma_start3A_154 : memref<128x80xf32, #tpu.memory_space<vmem>>) target(%dma_start3A_151 : memref<128x80xf32, #tpu.memory_space<vmem_shared>>) target_semaphore(%run_scoped3A : memref<!tpu.dma_semaphore, #tpu.memory_space<semaphore_mem>>)
      %dma_wait3A_155 = arith.constant 0 : i32
      %dma_wait3A_156 = arith.constant 0 : i32
      %dma_wait3A_157 = tpu.memref_slice %arg18[%dma_wait3A_155, %dma_wait3A_156] : memref<128x80xf32, #tpu.memory_space<vmem>> -> memref<128x80xf32, #tpu.memory_space<vmem>>
      %dma_wait3A_158 = arith.constant 0 : i32
      %dma_wait3A_159 = tpu.memref_slice %arg21[%add3A_20, %dma_wait3A_158] : memref<10000x80xf32, #tpu.memory_space<vmem_shared>> -> memref<128x80xf32, #tpu.memory_space<vmem_shared>>
      %dma_wait3A_160 = arith.constant 0 : i32
      %dma_wait3A_161 = tpu.memref_slice %arg21[%add3A_20, %dma_wait3A_160] : memref<10000x80xf32, #tpu.memory_space<vmem_shared>> -> memref<128x80xf32, #tpu.memory_space<vmem_shared>>
      %dma_wait3A_162 = arith.constant 0 : i32
      %dma_wait3A_163 = arith.constant 0 : i32
      %dma_wait3A_164 = tpu.memref_slice %arg18[%dma_wait3A_162, %dma_wait3A_163] : memref<128x80xf32, #tpu.memory_space<vmem>> -> memref<128x80xf32, #tpu.memory_space<vmem>>
      tpu.wait_dma2 semaphore(%run_scoped3A : memref<!tpu.dma_semaphore, #tpu.memory_space<semaphore_mem>>) src(%dma_wait3A_164 : memref<128x80xf32, #tpu.memory_space<vmem>>) dst(%dma_wait3A_161 : memref<128x80xf32, #tpu.memory_space<vmem_shared>>)
      tpu.yield
    }) : () -> ()
    %add3A_21 = arith.constant 512 : i32
    %add3A_22 = arith.addi %mul3A_12, %add3A_21 : i32
    "tpu.region"() ({
      %run_scoped3A = tpu.sem_alloc : memref<!tpu.dma_semaphore, #tpu.memory_space<semaphore_mem>>
      %dma_start3A_145 = arith.constant 0 : i32
      %dma_start3A_146 = arith.constant 0 : i32
      %dma_start3A_147 = tpu.memref_slice %arg18[%dma_start3A_145, %dma_start3A_146] : memref<128x80xf32, #tpu.memory_space<vmem>> -> memref<112x80xf32, #tpu.memory_space<vmem>>
      %dma_start3A_148 = arith.constant 0 : i32
      %dma_start3A_149 = tpu.memref_slice %arg21[%add3A_22, %dma_start3A_148] : memref<10000x80xf32, #tpu.memory_space<vmem_shared>> -> memref<112x80xf32, #tpu.memory_space<vmem_shared>>
      %dma_start3A_150 = arith.constant 0 : i32
      %dma_start3A_151 = tpu.memref_slice %arg21[%add3A_22, %dma_start3A_150] : memref<10000x80xf32, #tpu.memory_space<vmem_shared>> -> memref<112x80xf32, #tpu.memory_space<vmem_shared>>
      %dma_start3A_152 = arith.constant 0 : i32
      %dma_start3A_153 = arith.constant 0 : i32
      %dma_start3A_154 = tpu.memref_slice %arg18[%dma_start3A_152, %dma_start3A_153] : memref<128x80xf32, #tpu.memory_space<vmem>> -> memref<112x80xf32, #tpu.memory_space<vmem>>
      tpu.enqueue_dma source(%dma_start3A_154 : memref<112x80xf32, #tpu.memory_space<vmem>>) target(%dma_start3A_151 : memref<112x80xf32, #tpu.memory_space<vmem_shared>>) target_semaphore(%run_scoped3A : memref<!tpu.dma_semaphore, #tpu.memory_space<semaphore_mem>>)
      %dma_wait3A_155 = arith.constant 0 : i32
      %dma_wait3A_156 = arith.constant 0 : i32
      %dma_wait3A_157 = tpu.memref_slice %arg18[%dma_wait3A_155, %dma_wait3A_156] : memref<128x80xf32, #tpu.memory_space<vmem>> -> memref<112x80xf32, #tpu.memory_space<vmem>>
      %dma_wait3A_158 = arith.constant 0 : i32
      %dma_wait3A_159 = tpu.memref_slice %arg21[%add3A_22, %dma_wait3A_158] : memref<10000x80xf32, #tpu.memory_space<vmem_shared>> -> memref<112x80xf32, #tpu.memory_space<vmem_shared>>
      %dma_wait3A_160 = arith.constant 0 : i32
      %dma_wait3A_161 = tpu.memref_slice %arg21[%add3A_22, %dma_wait3A_160] : memref<10000x80xf32, #tpu.memory_space<vmem_shared>> -> memref<112x80xf32, #tpu.memory_space<vmem_shared>>
      %dma_wait3A_162 = arith.constant 0 : i32
      %dma_wait3A_163 = arith.constant 0 : i32
      %dma_wait3A_164 = tpu.memref_slice %arg18[%dma_wait3A_162, %dma_wait3A_163] : memref<128x80xf32, #tpu.memory_space<vmem>> -> memref<112x80xf32, #tpu.memory_space<vmem>>
      tpu.wait_dma2 semaphore(%run_scoped3A : memref<!tpu.dma_semaphore, #tpu.memory_space<semaphore_mem>>) src(%dma_wait3A_164 : memref<112x80xf32, #tpu.memory_space<vmem>>) dst(%dma_wait3A_161 : memref<112x80xf32, #tpu.memory_space<vmem_shared>>)
      tpu.yield
    }) : () -> ()
    %eq3A = arith.constant 15 : i32
    %eq3A_23 = arith.cmpi eq, %arg1, %eq3A : i32
    %convert_element_type3A = arith.extui %eq3A_23 : i1 to i32
    %cond3A = arith.constant 0 : i32
    %cond3A_24 = arith.cmpi ne, %convert_element_type3A, %cond3A : i32
    scf.if %cond3A_24 {
      "tpu.region"() ({
        %run_scoped3A = tpu.sem_alloc : memref<!tpu.dma_semaphore, #tpu.memory_space<semaphore_mem>>
        %dma_start3A_145 = arith.constant 0 : i32
        %dma_start3A_146 = arith.constant 0 : i32
        %dma_start3A_147 = tpu.memref_slice %arg18[%dma_start3A_145, %dma_start3A_146] : memref<128x80xf32, #tpu.memory_space<vmem>> -> memref<16x80xf32, #tpu.memory_space<vmem>>
        %dma_start3A_148 = arith.constant 9984 : i32
        %dma_start3A_149 = arith.constant 0 : i32
        %dma_start3A_150 = tpu.memref_slice %arg21[%dma_start3A_148, %dma_start3A_149] : memref<10000x80xf32, #tpu.memory_space<vmem_shared>> -> memref<16x80xf32, #tpu.memory_space<vmem_shared>>
        %dma_start3A_151 = arith.constant 9984 : i32
        %dma_start3A_152 = arith.constant 0 : i32
        %dma_start3A_153 = tpu.memref_slice %arg21[%dma_start3A_151, %dma_start3A_152] : memref<10000x80xf32, #tpu.memory_space<vmem_shared>> -> memref<16x80xf32, #tpu.memory_space<vmem_shared>>
        %dma_start3A_154 = arith.constant 0 : i32
        %dma_start3A_155 = arith.constant 0 : i32
        %dma_start3A_156 = tpu.memref_slice %arg18[%dma_start3A_154, %dma_start3A_155] : memref<128x80xf32, #tpu.memory_space<vmem>> -> memref<16x80xf32, #tpu.memory_space<vmem>>
        tpu.enqueue_dma source(%dma_start3A_156 : memref<16x80xf32, #tpu.memory_space<vmem>>) target(%dma_start3A_153 : memref<16x80xf32, #tpu.memory_space<vmem_shared>>) target_semaphore(%run_scoped3A : memref<!tpu.dma_semaphore, #tpu.memory_space<semaphore_mem>>)
        %dma_wait3A_157 = arith.constant 0 : i32
        %dma_wait3A_158 = arith.constant 0 : i32
        %dma_wait3A_159 = tpu.memref_slice %arg18[%dma_wait3A_157, %dma_wait3A_158] : memref<128x80xf32, #tpu.memory_space<vmem>> -> memref<16x80xf32, #tpu.memory_space<vmem>>
        %dma_wait3A_160 = arith.constant 9984 : i32
        %dma_wait3A_161 = arith.constant 0 : i32
        %dma_wait3A_162 = tpu.memref_slice %arg21[%dma_wait3A_160, %dma_wait3A_161] : memref<10000x80xf32, #tpu.memory_space<vmem_shared>> -> memref<16x80xf32, #tpu.memory_space<vmem_shared>>
        %dma_wait3A_163 = arith.constant 9984 : i32
        %dma_wait3A_164 = arith.constant 0 : i32
        %dma_wait3A_165 = tpu.memref_slice %arg21[%dma_wait3A_163, %dma_wait3A_164] : memref<10000x80xf32, #tpu.memory_space<vmem_shared>> -> memref<16x80xf32, #tpu.memory_space<vmem_shared>>
        %dma_wait3A_166 = arith.constant 0 : i32
        %dma_wait3A_167 = arith.constant 0 : i32
        %dma_wait3A_168 = tpu.memref_slice %arg18[%dma_wait3A_166, %dma_wait3A_167] : memref<128x80xf32, #tpu.memory_space<vmem>> -> memref<16x80xf32, #tpu.memory_space<vmem>>
        tpu.wait_dma2 semaphore(%run_scoped3A : memref<!tpu.dma_semaphore, #tpu.memory_space<semaphore_mem>>) src(%dma_wait3A_168 : memref<16x80xf32, #tpu.memory_space<vmem>>) dst(%dma_wait3A_165 : memref<16x80xf32, #tpu.memory_space<vmem_shared>>)
        tpu.yield
      }) : () -> ()
    } else {
    }
    "tpu.region"() ({
      %run_scoped3A = tpu.sem_alloc : memref<!tpu.dma_semaphore, #tpu.memory_space<semaphore_mem>>
      tpu.enqueue_dma source(%arg6 : memref<64xf32, #tpu.memory_space<hbm>>) target(%arg20 : memref<64xf32, #tpu.memory_space<vmem>>) target_semaphore(%run_scoped3A : memref<!tpu.dma_semaphore, #tpu.memory_space<semaphore_mem>>)
      tpu.wait_dma2 semaphore(%run_scoped3A : memref<!tpu.dma_semaphore, #tpu.memory_space<semaphore_mem>>) src(%arg6 : memref<64xf32, #tpu.memory_space<hbm>>) dst(%arg20 : memref<64xf32, #tpu.memory_space<vmem>>)
      tpu.yield
    }) : () -> ()
    %get3A = arith.constant 0 : index
    %get3A_25 = tpu.vector_load %arg20[%get3A] {strides = array<i32>} : memref<64xf32, #tpu.memory_space<vmem>>, vector<16xf32>,
    %get3A_26 = arith.constant 16 : index
    %get3A_27 = tpu.vector_load %arg20[%get3A_26] {strides = array<i32>} : memref<64xf32, #tpu.memory_space<vmem>>, vector<16xf32>,
    %get3A_28 = arith.constant 32 : index
    %get3A_29 = tpu.vector_load %arg20[%get3A_28] {strides = array<i32>} : memref<64xf32, #tpu.memory_space<vmem>>, vector<16xf32>,
    %get3A_30 = arith.constant 48 : index
    %get3A_31 = tpu.vector_load %arg20[%get3A_30] {strides = array<i32>} : memref<64xf32, #tpu.memory_space<vmem>>, vector<16xf32>,
    %add3A_32 = arith.constant 0 : i32
    %add3A_33 = arith.addi %mul3A_5, %add3A_32 : i32
    %dma_start3A = tpu.memref_slice %arg4[%add3A_33] : memref<336128xi32, #tpu.memory_space<hbm>> -> memref<128xi32, #tpu.memory_space<hbm>>
    %dma_start3A_34 = tpu.memref_slice %arg4[%add3A_33] : memref<336128xi32, #tpu.memory_space<hbm>> -> memref<128xi32, #tpu.memory_space<hbm>>
    tpu.enqueue_dma source(%dma_start3A_34 : memref<128xi32, #tpu.memory_space<hbm>>) target(%arg8 : memref<128xi32, #tpu.memory_space<vmem>>) target_semaphore(%arg22 : memref<!tpu.dma_semaphore, #tpu.memory_space<semaphore_mem>>)
    %add3A_35 = arith.constant 0 : i32
    %add3A_36 = arith.addi %mul3A_5, %add3A_35 : i32
    %dma_start3A_37 = tpu.memref_slice %arg5[%add3A_36] : memref<336128xi32, #tpu.memory_space<hbm>> -> memref<128xi32, #tpu.memory_space<hbm>>
    %dma_start3A_38 = tpu.memref_slice %arg5[%add3A_36] : memref<336128xi32, #tpu.memory_space<hbm>> -> memref<128xi32, #tpu.memory_space<hbm>>
    tpu.enqueue_dma source(%dma_start3A_38 : memref<128xi32, #tpu.memory_space<hbm>>) target(%arg10 : memref<128xi32, #tpu.memory_space<vmem>>) target_semaphore(%arg24 : memref<!tpu.dma_semaphore, #tpu.memory_space<semaphore_mem>>)
    %add3A_39 = arith.constant 128 : i32
    %add3A_40 = arith.addi %mul3A_5, %add3A_39 : i32
    %dma_start3A_41 = tpu.memref_slice %arg4[%add3A_40] : memref<336128xi32, #tpu.memory_space<hbm>> -> memref<128xi32, #tpu.memory_space<hbm>>
    %dma_start3A_42 = tpu.memref_slice %arg4[%add3A_40] : memref<336128xi32, #tpu.memory_space<hbm>> -> memref<128xi32, #tpu.memory_space<hbm>>
    tpu.enqueue_dma source(%dma_start3A_42 : memref<128xi32, #tpu.memory_space<hbm>>) target(%arg9 : memref<128xi32, #tpu.memory_space<vmem>>) target_semaphore(%arg23 : memref<!tpu.dma_semaphore, #tpu.memory_space<semaphore_mem>>)
    %add3A_43 = arith.constant 128 : i32
    %add3A_44 = arith.addi %mul3A_5, %add3A_43 : i32
    %dma_start3A_45 = tpu.memref_slice %arg5[%add3A_44] : memref<336128xi32, #tpu.memory_space<hbm>> -> memref<128xi32, #tpu.memory_space<hbm>>
    %dma_start3A_46 = tpu.memref_slice %arg5[%add3A_44] : memref<336128xi32, #tpu.memory_space<hbm>> -> memref<128xi32, #tpu.memory_space<hbm>>
    tpu.enqueue_dma source(%dma_start3A_46 : memref<128xi32, #tpu.memory_space<hbm>>) target(%arg11 : memref<128xi32, #tpu.memory_space<vmem>>) target_semaphore(%arg25 : memref<!tpu.dma_semaphore, #tpu.memory_space<semaphore_mem>>)
    %dma_wait3A = arith.constant 0 : i32
    %dma_wait3A_47 = tpu.memref_slice %arg4[%dma_wait3A] : memref<336128xi32, #tpu.memory_space<hbm>> -> memref<128xi32, #tpu.memory_space<hbm>>
    %dma_wait3A_48 = arith.constant 0 : i32
    %dma_wait3A_49 = tpu.memref_slice %arg4[%dma_wait3A_48] : memref<336128xi32, #tpu.memory_space<hbm>> -> memref<128xi32, #tpu.memory_space<hbm>>
    tpu.wait_dma2 semaphore(%arg22 : memref<!tpu.dma_semaphore, #tpu.memory_space<semaphore_mem>>) src(%dma_wait3A_49 : memref<128xi32, #tpu.memory_space<hbm>>) dst(%arg8 : memref<128xi32, #tpu.memory_space<vmem>>)
    %dma_wait3A_50 = arith.constant 0 : i32
    %dma_wait3A_51 = tpu.memref_slice %arg5[%dma_wait3A_50] : memref<336128xi32, #tpu.memory_space<hbm>> -> memref<128xi32, #tpu.memory_space<hbm>>
    %dma_wait3A_52 = arith.constant 0 : i32
    %dma_wait3A_53 = tpu.memref_slice %arg5[%dma_wait3A_52] : memref<336128xi32, #tpu.memory_space<hbm>> -> memref<128xi32, #tpu.memory_space<hbm>>
    tpu.wait_dma2 semaphore(%arg24 : memref<!tpu.dma_semaphore, #tpu.memory_space<semaphore_mem>>) src(%dma_wait3A_53 : memref<128xi32, #tpu.memory_space<hbm>>) dst(%arg10 : memref<128xi32, #tpu.memory_space<vmem>>)
    %dma_start3A_54 = arith.constant 0 : i32
    %dma_start3A_55 = arith.constant 0 : i32
    %dma_start3A_56 = tpu.memref_slice %arg2[%dma_start3A_54, %dma_start3A_55] : memref<10000x64xf32, #tpu.memory_space<hbm>> -> memref<10000x64xf32, #tpu.memory_space<hbm>>
    tpu.enqueue_indirect_dma source(%dma_start3A_56 : memref<10000x64xf32, #tpu.memory_space<hbm>>) target(%arg14 : memref<128x64xf32, #tpu.memory_space<vmem>>) offsets(%arg8 : memref<128xi32, #tpu.memory_space<vmem>>) semaphore(%arg26 : memref<!tpu.dma_semaphore, #tpu.memory_space<semaphore_mem>>)
    %dma_start3A_57 = arith.constant 0 : i32
    %dma_start3A_58 = arith.constant 0 : i32
    %dma_start3A_59 = tpu.memref_slice %arg3[%dma_start3A_57, %dma_start3A_58] : memref<10000x64xf32, #tpu.memory_space<hbm>> -> memref<10000x64xf32, #tpu.memory_space<hbm>>
    tpu.enqueue_indirect_dma source(%dma_start3A_59 : memref<10000x64xf32, #tpu.memory_space<hbm>>) target(%arg16 : memref<128x64xf32, #tpu.memory_space<vmem>>) offsets(%arg10 : memref<128xi32, #tpu.memory_space<vmem>>) semaphore(%arg28 : memref<!tpu.dma_semaphore, #tpu.memory_space<semaphore_mem>>)
    %barrier3A = arith.constant 0 : index
    tpu.barrier barrier_id(%barrier3A)
    %ge3A = arith.constant 8 : i32
    %ge3A_60 = vector.broadcast %ge3A : i32 to vector<16xi32>
    %ge3A_61 = arith.cmpi sge, %iota3A, %ge3A_60 : vector<16xi32>
    %convert_element_type3A_62 = arith.extui %ge3A_61 : vector<16xi1> to vector<16xi32>
    %convert_element_type3A_63 = arith.sitofp %convert_element_type3A_62 : vector<16xi32> to vector<16xf32>
    %broadcast_in_dim3A_64 = arith.constant 7 : i32
    %broadcast_in_dim3A_65 = vector.broadcast %broadcast_in_dim3A_64 : i32 to vector<16xi32>
    %broadcast_in_dim3A_66 = arith.constant 15 : i32
    %broadcast_in_dim3A_67 = vector.broadcast %broadcast_in_dim3A_66 : i32 to vector<16xi32>
    %and3A = arith.constant 1 : i32
    %and3A_68 = vector.broadcast %and3A : i32 to vector<16xi32>
    %and3A_69 = arith.andi %iota3A, %and3A_68 : vector<16xi32>
    %mul3A_70 = arith.constant 8 : i32
    %mul3A_71 = vector.broadcast %mul3A_70 : i32 to vector<16xi32>
    %mul3A_72 = arith.muli %and3A_69, %mul3A_71 : vector<16xi32>
    %add3A_73 = arith.constant 7 : i32
    %add3A_74 = vector.broadcast %add3A_73 : i32 to vector<16xi32>
    %add3A_75 = arith.addi %mul3A_72, %add3A_74 : vector<16xi32>
    %lt3A = arith.constant 2 : i32
    %lt3A_76 = vector.broadcast %lt3A : i32 to vector<16xi32>
    %lt3A_77 = arith.cmpi slt, %iota3A, %lt3A_76 : vector<16xi32>
    %lt3A_78 = arith.constant 4 : i32
    %lt3A_79 = vector.broadcast %lt3A_78 : i32 to vector<16xi32>
    %lt3A_80 = arith.cmpi slt, %iota3A, %lt3A_79 : vector<16xi32>
    %lt3A_81 = arith.constant 6 : i32
    %lt3A_82 = vector.broadcast %lt3A_81 : i32 to vector<16xi32>
    %lt3A_83 = arith.cmpi slt, %iota3A, %lt3A_82 : vector<16xi32>
    %shift_right_arithmetic3A = arith.constant 3 : i32
    %shift_right_arithmetic3A_84 = vector.broadcast %shift_right_arithmetic3A : i32 to vector<16xi32>
    %shift_right_arithmetic3A_85 = arith.shrsi %iota3A, %shift_right_arithmetic3A_84 : vector<16xi32>
    %add3A_86 = arith.constant 0 : i32
    %add3A_87 = vector.broadcast %add3A_86 : i32 to vector<16xi32>
    %add3A_88 = arith.addi %add3A_87, %shift_right_arithmetic3A_85 : vector<16xi32>
    %shift_right_arithmetic3A_89 = arith.constant 3 : i32
    %shift_right_arithmetic3A_90 = vector.broadcast %shift_right_arithmetic3A_89 : i32 to vector<16xi32>
    %shift_right_arithmetic3A_91 = arith.shrsi %iota3A, %shift_right_arithmetic3A_90 : vector<16xi32>
    %add3A_92 = arith.constant 2 : i32
    %add3A_93 = vector.broadcast %add3A_92 : i32 to vector<16xi32>
    %add3A_94 = arith.addi %add3A_93, %shift_right_arithmetic3A_91 : vector<16xi32>
    %shift_right_arithmetic3A_95 = arith.constant 3 : i32
    %shift_right_arithmetic3A_96 = vector.broadcast %shift_right_arithmetic3A_95 : i32 to vector<16xi32>
    %shift_right_arithmetic3A_97 = arith.shrsi %iota3A, %shift_right_arithmetic3A_96 : vector<16xi32>
    %add3A_98 = arith.constant 4 : i32
    %add3A_99 = vector.broadcast %add3A_98 : i32 to vector<16xi32>
    %add3A_100 = arith.addi %add3A_99, %shift_right_arithmetic3A_97 : vector<16xi32>
    %shift_right_arithmetic3A_101 = arith.constant 3 : i32
    %shift_right_arithmetic3A_102 = vector.broadcast %shift_right_arithmetic3A_101 : i32 to vector<16xi32>
    %shift_right_arithmetic3A_103 = arith.shrsi %iota3A, %shift_right_arithmetic3A_102 : vector<16xi32>
    %add3A_104 = arith.constant 6 : i32
    %add3A_105 = vector.broadcast %add3A_104 : i32 to vector<16xi32>
    %add3A_106 = arith.addi %add3A_105, %shift_right_arithmetic3A_103 : vector<16xi32>
    %and3A_107 = arith.constant 7 : i32
    %and3A_108 = vector.broadcast %and3A_107 : i32 to vector<16xi32>
    %and3A_109 = arith.andi %iota3A, %and3A_108 : vector<16xi32>
    %scan3A_110 = arith.constant 0 : i32
    %scan3A_111 = arith.constant 0 : i32
    %scan3A_112 = arith.constant 41 : i32
    %scan3A_113 = arith.addi %scan3A_111, %scan3A_112 : i32
    %scan3A_114 = arith.constant 1 : i32
    scf.for %scan3A_145 = %scan3A_111 to %scan3A_113 step %scan3A_114  : i32 {
      %mul3A_146 = arith.constant 2 : i32
      %mul3A_147 = arith.muli %mul3A_146, %scan3A_145 : i32
      %add3A_148 = arith.constant 0 : i32
      %add3A_149 = arith.addi %mul3A_147, %add3A_148 : i32
      %dma_wait3A_150 = arith.constant 0 : i32
      %dma_wait3A_151 = arith.constant 0 : i32
      %dma_wait3A_152 = tpu.memref_slice %arg2[%dma_wait3A_150, %dma_wait3A_151] : memref<10000x64xf32, #tpu.memory_space<hbm>> -> memref<10000x64xf32, #tpu.memory_space<hbm>>
      tpu.wait_indirect_dma semaphore(%arg26 : memref<!tpu.dma_semaphore, #tpu.memory_space<semaphore_mem>>) src(%dma_wait3A_152 : memref<10000x64xf32, #tpu.memory_space<hbm>>) dst(%arg14 : memref<128x64xf32, #tpu.memory_space<vmem>>)
      %dma_wait3A_153 = arith.constant 0 : i32
      %dma_wait3A_154 = arith.constant 0 : i32
      %dma_wait3A_155 = tpu.memref_slice %arg3[%dma_wait3A_153, %dma_wait3A_154] : memref<10000x64xf32, #tpu.memory_space<hbm>> -> memref<10000x64xf32, #tpu.memory_space<hbm>>
      tpu.wait_indirect_dma semaphore(%arg28 : memref<!tpu.dma_semaphore, #tpu.memory_space<semaphore_mem>>) src(%dma_wait3A_155 : memref<10000x64xf32, #tpu.memory_space<hbm>>) dst(%arg16 : memref<128x64xf32, #tpu.memory_space<vmem>>)
      %ge3A_156 = arith.constant 1 : i32
      %ge3A_157 = arith.cmpi sge, %scan3A_145, %ge3A_156 : i32
      %convert_element_type3A_158 = arith.extui %ge3A_157 : i1 to i32
      %cond3A_159 = arith.constant 0 : i32
      %cond3A_160 = arith.cmpi ne, %convert_element_type3A_158, %cond3A_159 : i32
      scf.if %cond3A_160 {
        %dma_wait3A_308 = arith.constant 0 : i32
        %dma_wait3A_309 = arith.constant 0 : i32
        %dma_wait3A_310 = tpu.memref_slice %arg21[%dma_wait3A_308, %dma_wait3A_309] : memref<10000x80xf32, #tpu.memory_space<vmem_shared>> -> memref<10000x80xf32, #tpu.memory_space<vmem_shared>>
        tpu.wait_indirect_dma semaphore(%arg30 : memref<!tpu.dma_semaphore, #tpu.memory_space<semaphore_mem>>) src(%arg18 : memref<128x80xf32, #tpu.memory_space<vmem>>) dst(%dma_wait3A_310 : memref<10000x80xf32, #tpu.memory_space<vmem_shared>>)
      } else {
      }
      %get3A_161 = arith.constant 0 : index
      %get3A_162 = tpu.vector_load %arg10[%get3A_161] {strides = array<i32>} : memref<128xi32, #tpu.memory_space<vmem>>, vector<16xi32>,
      %swap3A = arith.constant 0 : index
      %swap3A_163 = tpu.vector_load %arg12[%swap3A] {strides = array<i32>} : memref<128xi32, #tpu.memory_space<vmem>>, vector<16xi32>,
      tpu.vector_store %arg12[%swap3A], %get3A_162 {strides = array<i32>} : memref<128xi32, #tpu.memory_space<vmem>>, vector<16xi32>,
      %get3A_164 = arith.constant 16 : index
      %get3A_165 = tpu.vector_load %arg10[%get3A_164] {strides = array<i32>} : memref<128xi32, #tpu.memory_space<vmem>>, vector<16xi32>,
      %swap3A_166 = arith.constant 16 : index
      %swap3A_167 = tpu.vector_load %arg12[%swap3A_166] {strides = array<i32>} : memref<128xi32, #tpu.memory_space<vmem>>, vector<16xi32>,
      tpu.vector_store %arg12[%swap3A_166], %get3A_165 {strides = array<i32>} : memref<128xi32, #tpu.memory_space<vmem>>, vector<16xi32>,
      %get3A_168 = arith.constant 32 : index
      %get3A_169 = tpu.vector_load %arg10[%get3A_168] {strides = array<i32>} : memref<128xi32, #tpu.memory_space<vmem>>, vector<16xi32>,
      %swap3A_170 = arith.constant 32 : index
      %swap3A_171 = tpu.vector_load %arg12[%swap3A_170] {strides = array<i32>} : memref<128xi32, #tpu.memory_space<vmem>>, vector<16xi32>,
      tpu.vector_store %arg12[%swap3A_170], %get3A_169 {strides = array<i32>} : memref<128xi32, #tpu.memory_space<vmem>>, vector<16xi32>,
      %get3A_172 = arith.constant 48 : index
      %get3A_173 = tpu.vector_load %arg10[%get3A_172] {strides = array<i32>} : memref<128xi32, #tpu.memory_space<vmem>>, vector<16xi32>,
      %swap3A_174 = arith.constant 48 : index
      %swap3A_175 = tpu.vector_load %arg12[%swap3A_174] {strides = array<i32>} : memref<128xi32, #tpu.memory_space<vmem>>, vector<16xi32>,
      tpu.vector_store %arg12[%swap3A_174], %get3A_173 {strides = array<i32>} : memref<128xi32, #tpu.memory_space<vmem>>, vector<16xi32>,
      %get3A_176 = arith.constant 64 : index
      %get3A_177 = tpu.vector_load %arg10[%get3A_176] {strides = array<i32>} : memref<128xi32, #tpu.memory_space<vmem>>, vector<16xi32>,
      %swap3A_178 = arith.constant 64 : index
      %swap3A_179 = tpu.vector_load %arg12[%swap3A_178] {strides = array<i32>} : memref<128xi32, #tpu.memory_space<vmem>>, vector<16xi32>,
      tpu.vector_store %arg12[%swap3A_178], %get3A_177 {strides = array<i32>} : memref<128xi32, #tpu.memory_space<vmem>>, vector<16xi32>,
      %get3A_180 = arith.constant 80 : index
      %get3A_181 = tpu.vector_load %arg10[%get3A_180] {strides = array<i32>} : memref<128xi32, #tpu.memory_space<vmem>>, vector<16xi32>,
      %swap3A_182 = arith.constant 80 : index
      %swap3A_183 = tpu.vector_load %arg12[%swap3A_182] {strides = array<i32>} : memref<128xi32, #tpu.memory_space<vmem>>, vector<16xi32>,
      tpu.vector_store %arg12[%swap3A_182], %get3A_181 {strides = array<i32>} : memref<128xi32, #tpu.memory_space<vmem>>, vector<16xi32>,
      %get3A_184 = arith.constant 96 : index
      %get3A_185 = tpu.vector_load %arg10[%get3A_184] {strides = array<i32>} : memref<128xi32, #tpu.memory_space<vmem>>, vector<16xi32>,
      %swap3A_186 = arith.constant 96 : index
      %swap3A_187 = tpu.vector_load %arg12[%swap3A_186] {strides = array<i32>} : memref<128xi32, #tpu.memory_space<vmem>>, vector<16xi32>,
      tpu.vector_store %arg12[%swap3A_186], %get3A_185 {strides = array<i32>} : memref<128xi32, #tpu.memory_space<vmem>>, vector<16xi32>,
      %get3A_188 = arith.constant 112 : index
      %get3A_189 = tpu.vector_load %arg10[%get3A_188] {strides = array<i32>} : memref<128xi32, #tpu.memory_space<vmem>>, vector<16xi32>,
      %swap3A_190 = arith.constant 112 : index
      %swap3A_191 = tpu.vector_load %arg12[%swap3A_190] {strides = array<i32>} : memref<128xi32, #tpu.memory_space<vmem>>, vector<16xi32>,
      tpu.vector_store %arg12[%swap3A_190], %get3A_189 {strides = array<i32>} : memref<128xi32, #tpu.memory_space<vmem>>, vector<16xi32>,
      %add3A_192 = arith.constant 2 : i32
      %add3A_193 = arith.addi %add3A_149, %add3A_192 : i32
      %mul3A_194 = arith.constant 128 : i32
      %mul3A_195 = arith.muli %add3A_193, %mul3A_194 : i32
      %add3A_196 = arith.addi %mul3A_5, %mul3A_195 : i32
      %dma_start3A_197 = tpu.memref_slice %arg4[%add3A_196] : memref<336128xi32, #tpu.memory_space<hbm>> -> memref<128xi32, #tpu.memory_space<hbm>>
      %dma_start3A_198 = tpu.memref_slice %arg4[%add3A_196] : memref<336128xi32, #tpu.memory_space<hbm>> -> memref<128xi32, #tpu.memory_space<hbm>>
      tpu.enqueue_dma source(%dma_start3A_198 : memref<128xi32, #tpu.memory_space<hbm>>) target(%arg8 : memref<128xi32, #tpu.memory_space<vmem>>) target_semaphore(%arg22 : memref<!tpu.dma_semaphore, #tpu.memory_space<semaphore_mem>>)
      %mul3A_199 = arith.constant 128 : i32
      %mul3A_200 = arith.muli %add3A_193, %mul3A_199 : i32
      %add3A_201 = arith.addi %mul3A_5, %mul3A_200 : i32
      %dma_start3A_202 = tpu.memref_slice %arg5[%add3A_201] : memref<336128xi32, #tpu.memory_space<hbm>> -> memref<128xi32, #tpu.memory_space<hbm>>
      %dma_start3A_203 = tpu.memref_slice %arg5[%add3A_201] : memref<336128xi32, #tpu.memory_space<hbm>> -> memref<128xi32, #tpu.memory_space<hbm>>
      tpu.enqueue_dma source(%dma_start3A_203 : memref<128xi32, #tpu.memory_space<hbm>>) target(%arg10 : memref<128xi32, #tpu.memory_space<vmem>>) target_semaphore(%arg24 : memref<!tpu.dma_semaphore, #tpu.memory_space<semaphore_mem>>)
      %dma_wait3A_204 = arith.constant 0 : i32
      %dma_wait3A_205 = tpu.memref_slice %arg4[%dma_wait3A_204] : memref<336128xi32, #tpu.memory_space<hbm>> -> memref<128xi32, #tpu.memory_space<hbm>>
      %dma_wait3A_206 = arith.constant 0 : i32
      %dma_wait3A_207 = tpu.memref_slice %arg4[%dma_wait3A_206] : memref<336128xi32, #tpu.memory_space<hbm>> -> memref<128xi32, #tpu.memory_space<hbm>>
      tpu.wait_dma2 semaphore(%arg23 : memref<!tpu.dma_semaphore, #tpu.memory_space<semaphore_mem>>) src(%dma_wait3A_207 : memref<128xi32, #tpu.memory_space<hbm>>) dst(%arg9 : memref<128xi32, #tpu.memory_space<vmem>>)
      %dma_wait3A_208 = arith.constant 0 : i32
      %dma_wait3A_209 = tpu.memref_slice %arg5[%dma_wait3A_208] : memref<336128xi32, #tpu.memory_space<hbm>> -> memref<128xi32, #tpu.memory_space<hbm>>
      %dma_wait3A_210 = arith.constant 0 : i32
      %dma_wait3A_211 = tpu.memref_slice %arg5[%dma_wait3A_210] : memref<336128xi32, #tpu.memory_space<hbm>> -> memref<128xi32, #tpu.memory_space<hbm>>
      tpu.wait_dma2 semaphore(%arg25 : memref<!tpu.dma_semaphore, #tpu.memory_space<semaphore_mem>>) src(%dma_wait3A_211 : memref<128xi32, #tpu.memory_space<hbm>>) dst(%arg11 : memref<128xi32, #tpu.memory_space<vmem>>)
      %dma_start3A_212 = arith.constant 0 : i32
      %dma_start3A_213 = arith.constant 0 : i32
      %dma_start3A_214 = tpu.memref_slice %arg2[%dma_start3A_212, %dma_start3A_213] : memref<10000x64xf32, #tpu.memory_space<hbm>> -> memref<10000x64xf32, #tpu.memory_space<hbm>>
      tpu.enqueue_indirect_dma source(%dma_start3A_214 : memref<10000x64xf32, #tpu.memory_space<hbm>>) target(%arg15 : memref<128x64xf32, #tpu.memory_space<vmem>>) offsets(%arg9 : memref<128xi32, #tpu.memory_space<vmem>>) semaphore(%arg27 : memref<!tpu.dma_semaphore, #tpu.memory_space<semaphore_mem>>)
      %dma_start3A_215 = arith.constant 0 : i32
      %dma_start3A_216 = arith.constant 0 : i32
      %dma_start3A_217 = tpu.memref_slice %arg3[%dma_start3A_215, %dma_start3A_216] : memref<10000x64xf32, #tpu.memory_space<hbm>> -> memref<10000x64xf32, #tpu.memory_space<hbm>>
      tpu.enqueue_indirect_dma source(%dma_start3A_217 : memref<10000x64xf32, #tpu.memory_space<hbm>>) target(%arg17 : memref<128x64xf32, #tpu.memory_space<vmem>>) offsets(%arg11 : memref<128xi32, #tpu.memory_space<vmem>>) semaphore(%arg29 : memref<!tpu.dma_semaphore, #tpu.memory_space<semaphore_mem>>)
      %mul3A_218 = arith.constant 128 : i32
      %mul3A_219 = arith.muli %add3A_149, %mul3A_218 : i32
      %add3A_220 = arith.addi %mul3A_5, %mul3A_219 : i32
      %parallel_loop3A = arith.constant 0 : i32
      %parallel_loop3A_221 = arith.constant 128 : i32
      %parallel_loop3A_222 = arith.constant 1 : i32
      scf.for %parallel_loop3A_308 = %parallel_loop3A to %parallel_loop3A_221 step %parallel_loop3A_222  : i32 {
        %parallel_loop3A_309 = arith.index_cast %parallel_loop3A_308 : i32 to index
        %parallel_loop3A_310 = arith.constant 0 : index
        %parallel_loop3A_311 = tpu.vector_load %arg14[%parallel_loop3A_309, %parallel_loop3A_310] {strides = array<i32>} : memref<128x64xf32, #tpu.memory_space<vmem>>, vector<16xf32>,
        %parallel_loop3A_312 = arith.index_cast %parallel_loop3A_308 : i32 to index
        %parallel_loop3A_313 = arith.constant 16 : index
        %parallel_loop3A_314 = tpu.vector_load %arg14[%parallel_loop3A_312, %parallel_loop3A_313] {strides = array<i32>} : memref<128x64xf32, #tpu.memory_space<vmem>>, vector<16xf32>,
        %parallel_loop3A_315 = arith.index_cast %parallel_loop3A_308 : i32 to index
        %parallel_loop3A_316 = arith.constant 32 : index
        %parallel_loop3A_317 = tpu.vector_load %arg14[%parallel_loop3A_315, %parallel_loop3A_316] {strides = array<i32>} : memref<128x64xf32, #tpu.memory_space<vmem>>, vector<16xf32>,
        %parallel_loop3A_318 = arith.index_cast %parallel_loop3A_308 : i32 to index
        %parallel_loop3A_319 = arith.constant 48 : index
        %parallel_loop3A_320 = tpu.vector_load %arg14[%parallel_loop3A_318, %parallel_loop3A_319] {strides = array<i32>} : memref<128x64xf32, #tpu.memory_space<vmem>>, vector<16xf32>,
        %parallel_loop3A_321 = arith.index_cast %parallel_loop3A_308 : i32 to index
        %parallel_loop3A_322 = arith.constant 0 : index
        %parallel_loop3A_323 = tpu.vector_load %arg16[%parallel_loop3A_321, %parallel_loop3A_322] {strides = array<i32>} : memref<128x64xf32, #tpu.memory_space<vmem>>, vector<16xf32>,
        %parallel_loop3A_324 = arith.index_cast %parallel_loop3A_308 : i32 to index
        %parallel_loop3A_325 = arith.constant 16 : index
        %parallel_loop3A_326 = tpu.vector_load %arg16[%parallel_loop3A_324, %parallel_loop3A_325] {strides = array<i32>} : memref<128x64xf32, #tpu.memory_space<vmem>>, vector<16xf32>,
        %parallel_loop3A_327 = arith.index_cast %parallel_loop3A_308 : i32 to index
        %parallel_loop3A_328 = arith.constant 32 : index
        %parallel_loop3A_329 = tpu.vector_load %arg16[%parallel_loop3A_327, %parallel_loop3A_328] {strides = array<i32>} : memref<128x64xf32, #tpu.memory_space<vmem>>, vector<16xf32>,
        %parallel_loop3A_330 = arith.index_cast %parallel_loop3A_308 : i32 to index
        %parallel_loop3A_331 = arith.constant 48 : index
        %parallel_loop3A_332 = tpu.vector_load %arg16[%parallel_loop3A_330, %parallel_loop3A_331] {strides = array<i32>} : memref<128x64xf32, #tpu.memory_space<vmem>>, vector<16xf32>,
        %parallel_loop3A_333 = arith.addf %parallel_loop3A_311, %parallel_loop3A_323 : vector<16xf32>
        %parallel_loop3A_334 = arith.constant 2.000000e-01 : f32
        %parallel_loop3A_335 = vector.broadcast %parallel_loop3A_334 : f32 to vector<16xf32>
        %parallel_loop3A_336 = arith.mulf %parallel_loop3A_333, %parallel_loop3A_335 : vector<16xf32>
        %parallel_loop3A_337 = arith.maximumf %parallel_loop3A_333, %parallel_loop3A_336 : vector<16xf32>
        %parallel_loop3A_338 = arith.mulf %parallel_loop3A_337, %get3A_25 : vector<16xf32>
        %parallel_loop3A_339 = arith.addf %parallel_loop3A_314, %parallel_loop3A_326 : vector<16xf32>
        %parallel_loop3A_340 = arith.constant 2.000000e-01 : f32
        %parallel_loop3A_341 = vector.broadcast %parallel_loop3A_340 : f32 to vector<16xf32>
        %parallel_loop3A_342 = arith.mulf %parallel_loop3A_339, %parallel_loop3A_341 : vector<16xf32>
        %parallel_loop3A_343 = arith.maximumf %parallel_loop3A_339, %parallel_loop3A_342 : vector<16xf32>
        %parallel_loop3A_344 = arith.mulf %parallel_loop3A_343, %get3A_27 : vector<16xf32>
        %parallel_loop3A_345 = arith.addf %parallel_loop3A_317, %parallel_loop3A_329 : vector<16xf32>
        %parallel_loop3A_346 = arith.constant 2.000000e-01 : f32
        %parallel_loop3A_347 = vector.broadcast %parallel_loop3A_346 : f32 to vector<16xf32>
        %parallel_loop3A_348 = arith.mulf %parallel_loop3A_345, %parallel_loop3A_347 : vector<16xf32>
        %parallel_loop3A_349 = arith.maximumf %parallel_loop3A_345, %parallel_loop3A_348 : vector<16xf32>
        %parallel_loop3A_350 = arith.mulf %parallel_loop3A_349, %get3A_29 : vector<16xf32>
        %parallel_loop3A_351 = arith.addf %parallel_loop3A_320, %parallel_loop3A_332 : vector<16xf32>
        %parallel_loop3A_352 = arith.constant 2.000000e-01 : f32
        %parallel_loop3A_353 = vector.broadcast %parallel_loop3A_352 : f32 to vector<16xf32>
        %parallel_loop3A_354 = arith.mulf %parallel_loop3A_351, %parallel_loop3A_353 : vector<16xf32>
        %parallel_loop3A_355 = arith.maximumf %parallel_loop3A_351, %parallel_loop3A_354 : vector<16xf32>
        %parallel_loop3A_356 = arith.mulf %parallel_loop3A_355, %get3A_31 : vector<16xf32>
        %parallel_loop3A_357 = arith.addi %add3A_220, %parallel_loop3A_308 : i32
        %parallel_loop3A_358 = arith.constant 330000 : i32
        %parallel_loop3A_359 = arith.cmpi slt, %parallel_loop3A_357, %parallel_loop3A_358 : i32
        %parallel_loop3A_360 = arith.constant 1.000000e+00 : f32
        %parallel_loop3A_361 = arith.constant 0.000000e+00 : f32
        %parallel_loop3A_362 = arith.select %parallel_loop3A_359, %parallel_loop3A_360, %parallel_loop3A_361 : f32
        %parallel_loop3A_363 = arith.constant true
        %parallel_loop3A_364 = vector.broadcast %parallel_loop3A_363 : i1 to vector<16xi1>
        %parallel_loop3A_365 = tpu.scan <sum>, %parallel_loop3A_338 masked %parallel_loop3A_364 : vector<16xf32>, vector<16xi1> -> vector<16xf32>
        %parallel_loop3A_366 = arith.constant 0 : i32
        %parallel_loop3A_367 = vector.broadcast %parallel_loop3A_366 : i32 to vector<16xi32>
        %parallel_loop3A_368 = arith.cmpi slt, %broadcast_in_dim3A_65, %parallel_loop3A_367 : vector<16xi32>
        %parallel_loop3A_369 = arith.constant 16 : i32
        %parallel_loop3A_370 = vector.broadcast %parallel_loop3A_369 : i32 to vector<16xi32>
        %parallel_loop3A_371 = arith.addi %broadcast_in_dim3A_65, %parallel_loop3A_370 : vector<16xi32>
        %parallel_loop3A_372 = arith.select %parallel_loop3A_368, %parallel_loop3A_371, %broadcast_in_dim3A_65 : vector<16xi1>, vector<16xi32>
        %parallel_loop3A_373 = vector.shape_cast %parallel_loop3A_372 : vector<16xi32> to vector<16x1xi32>
        %parallel_loop3A_374 = vector.shape_cast %parallel_loop3A_373 : vector<16x1xi32> to vector<16xi32>
        %parallel_loop3A_375 = tpu.dynamic_gather %parallel_loop3A_365[%parallel_loop3A_374] in [0] : vector<16xf32>, vector<16xi32> -> vector<16xf32>
        %parallel_loop3A_376 = arith.mulf %parallel_loop3A_375, %convert_element_type3A_63 : vector<16xf32>
        %parallel_loop3A_377 = arith.subf %parallel_loop3A_365, %parallel_loop3A_376 : vector<16xf32>
        %parallel_loop3A_378 = arith.constant 0 : i32
        %parallel_loop3A_379 = vector.broadcast %parallel_loop3A_378 : i32 to vector<16xi32>
        %parallel_loop3A_380 = arith.cmpi slt, %add3A_75, %parallel_loop3A_379 : vector<16xi32>
        %parallel_loop3A_381 = arith.constant 16 : i32
        %parallel_loop3A_382 = vector.broadcast %parallel_loop3A_381 : i32 to vector<16xi32>
        %parallel_loop3A_383 = arith.addi %add3A_75, %parallel_loop3A_382 : vector<16xi32>
        %parallel_loop3A_384 = arith.select %parallel_loop3A_380, %parallel_loop3A_383, %add3A_75 : vector<16xi1>, vector<16xi32>
        %parallel_loop3A_385 = vector.shape_cast %parallel_loop3A_384 : vector<16xi32> to vector<16x1xi32>
        %parallel_loop3A_386 = vector.shape_cast %parallel_loop3A_385 : vector<16x1xi32> to vector<16xi32>
        %parallel_loop3A_387 = tpu.dynamic_gather %parallel_loop3A_377[%parallel_loop3A_386] in [0] : vector<16xf32>, vector<16xi32> -> vector<16xf32>
        %parallel_loop3A_388 = arith.constant true
        %parallel_loop3A_389 = vector.broadcast %parallel_loop3A_388 : i1 to vector<16xi1>
        %parallel_loop3A_390 = tpu.scan <sum>, %parallel_loop3A_344 masked %parallel_loop3A_389 : vector<16xf32>, vector<16xi1> -> vector<16xf32>
        %parallel_loop3A_391 = arith.constant 0 : i32
        %parallel_loop3A_392 = vector.broadcast %parallel_loop3A_391 : i32 to vector<16xi32>
        %parallel_loop3A_393 = arith.cmpi slt, %broadcast_in_dim3A_65, %parallel_loop3A_392 : vector<16xi32>
        %parallel_loop3A_394 = arith.constant 16 : i32
        %parallel_loop3A_395 = vector.broadcast %parallel_loop3A_394 : i32 to vector<16xi32>
        %parallel_loop3A_396 = arith.addi %broadcast_in_dim3A_65, %parallel_loop3A_395 : vector<16xi32>
        %parallel_loop3A_397 = arith.select %parallel_loop3A_393, %parallel_loop3A_396, %broadcast_in_dim3A_65 : vector<16xi1>, vector<16xi32>
        %parallel_loop3A_398 = vector.shape_cast %parallel_loop3A_397 : vector<16xi32> to vector<16x1xi32>
        %parallel_loop3A_399 = vector.shape_cast %parallel_loop3A_398 : vector<16x1xi32> to vector<16xi32>
        %parallel_loop3A_400 = tpu.dynamic_gather %parallel_loop3A_390[%parallel_loop3A_399] in [0] : vector<16xf32>, vector<16xi32> -> vector<16xf32>
        %parallel_loop3A_401 = arith.mulf %parallel_loop3A_400, %convert_element_type3A_63 : vector<16xf32>
        %parallel_loop3A_402 = arith.subf %parallel_loop3A_390, %parallel_loop3A_401 : vector<16xf32>
        %parallel_loop3A_403 = arith.constant 0 : i32
        %parallel_loop3A_404 = vector.broadcast %parallel_loop3A_403 : i32 to vector<16xi32>
        %parallel_loop3A_405 = arith.cmpi slt, %add3A_75, %parallel_loop3A_404 : vector<16xi32>
        %parallel_loop3A_406 = arith.constant 16 : i32
        %parallel_loop3A_407 = vector.broadcast %parallel_loop3A_406 : i32 to vector<16xi32>
        %parallel_loop3A_408 = arith.addi %add3A_75, %parallel_loop3A_407 : vector<16xi32>
        %parallel_loop3A_409 = arith.select %parallel_loop3A_405, %parallel_loop3A_408, %add3A_75 : vector<16xi1>, vector<16xi32>
        %parallel_loop3A_410 = vector.shape_cast %parallel_loop3A_409 : vector<16xi32> to vector<16x1xi32>
        %parallel_loop3A_411 = vector.shape_cast %parallel_loop3A_410 : vector<16x1xi32> to vector<16xi32>
        %parallel_loop3A_412 = tpu.dynamic_gather %parallel_loop3A_402[%parallel_loop3A_411] in [0] : vector<16xf32>, vector<16xi32> -> vector<16xf32>
        %parallel_loop3A_413 = arith.constant true
        %parallel_loop3A_414 = vector.broadcast %parallel_loop3A_413 : i1 to vector<16xi1>
        %parallel_loop3A_415 = tpu.scan <sum>, %parallel_loop3A_350 masked %parallel_loop3A_414 : vector<16xf32>, vector<16xi1> -> vector<16xf32>
        %parallel_loop3A_416 = arith.constant 0 : i32
        %parallel_loop3A_417 = vector.broadcast %parallel_loop3A_416 : i32 to vector<16xi32>
        %parallel_loop3A_418 = arith.cmpi slt, %broadcast_in_dim3A_65, %parallel_loop3A_417 : vector<16xi32>
        %parallel_loop3A_419 = arith.constant 16 : i32
        %parallel_loop3A_420 = vector.broadcast %parallel_loop3A_419 : i32 to vector<16xi32>
        %parallel_loop3A_421 = arith.addi %broadcast_in_dim3A_65, %parallel_loop3A_420 : vector<16xi32>
        %parallel_loop3A_422 = arith.select %parallel_loop3A_418, %parallel_loop3A_421, %broadcast_in_dim3A_65 : vector<16xi1>, vector<16xi32>
        %parallel_loop3A_423 = vector.shape_cast %parallel_loop3A_422 : vector<16xi32> to vector<16x1xi32>
        %parallel_loop3A_424 = vector.shape_cast %parallel_loop3A_423 : vector<16x1xi32> to vector<16xi32>
        %parallel_loop3A_425 = tpu.dynamic_gather %parallel_loop3A_415[%parallel_loop3A_424] in [0] : vector<16xf32>, vector<16xi32> -> vector<16xf32>
        %parallel_loop3A_426 = arith.mulf %parallel_loop3A_425, %convert_element_type3A_63 : vector<16xf32>
        %parallel_loop3A_427 = arith.subf %parallel_loop3A_415, %parallel_loop3A_426 : vector<16xf32>
        %parallel_loop3A_428 = arith.constant 0 : i32
        %parallel_loop3A_429 = vector.broadcast %parallel_loop3A_428 : i32 to vector<16xi32>
        %parallel_loop3A_430 = arith.cmpi slt, %add3A_75, %parallel_loop3A_429 : vector<16xi32>
        %parallel_loop3A_431 = arith.constant 16 : i32
        %parallel_loop3A_432 = vector.broadcast %parallel_loop3A_431 : i32 to vector<16xi32>
        %parallel_loop3A_433 = arith.addi %add3A_75, %parallel_loop3A_432 : vector<16xi32>
        %parallel_loop3A_434 = arith.select %parallel_loop3A_430, %parallel_loop3A_433, %add3A_75 : vector<16xi1>, vector<16xi32>
        %parallel_loop3A_435 = vector.shape_cast %parallel_loop3A_434 : vector<16xi32> to vector<16x1xi32>
        %parallel_loop3A_436 = vector.shape_cast %parallel_loop3A_435 : vector<16x1xi32> to vector<16xi32>
        %parallel_loop3A_437 = tpu.dynamic_gather %parallel_loop3A_427[%parallel_loop3A_436] in [0] : vector<16xf32>, vector<16xi32> -> vector<16xf32>
        %parallel_loop3A_438 = arith.constant true
        %parallel_loop3A_439 = vector.broadcast %parallel_loop3A_438 : i1 to vector<16xi1>
        %parallel_loop3A_440 = tpu.scan <sum>, %parallel_loop3A_356 masked %parallel_loop3A_439 : vector<16xf32>, vector<16xi1> -> vector<16xf32>
        %parallel_loop3A_441 = arith.constant 0 : i32
        %parallel_loop3A_442 = vector.broadcast %parallel_loop3A_441 : i32 to vector<16xi32>
        %parallel_loop3A_443 = arith.cmpi slt, %broadcast_in_dim3A_65, %parallel_loop3A_442 : vector<16xi32>
        %parallel_loop3A_444 = arith.constant 16 : i32
        %parallel_loop3A_445 = vector.broadcast %parallel_loop3A_444 : i32 to vector<16xi32>
        %parallel_loop3A_446 = arith.addi %broadcast_in_dim3A_65, %parallel_loop3A_445 : vector<16xi32>
        %parallel_loop3A_447 = arith.select %parallel_loop3A_443, %parallel_loop3A_446, %broadcast_in_dim3A_65 : vector<16xi1>, vector<16xi32>
        %parallel_loop3A_448 = vector.shape_cast %parallel_loop3A_447 : vector<16xi32> to vector<16x1xi32>
        %parallel_loop3A_449 = vector.shape_cast %parallel_loop3A_448 : vector<16x1xi32> to vector<16xi32>
        %parallel_loop3A_450 = tpu.dynamic_gather %parallel_loop3A_440[%parallel_loop3A_449] in [0] : vector<16xf32>, vector<16xi32> -> vector<16xf32>
        %parallel_loop3A_451 = arith.mulf %parallel_loop3A_450, %convert_element_type3A_63 : vector<16xf32>
        %parallel_loop3A_452 = arith.subf %parallel_loop3A_440, %parallel_loop3A_451 : vector<16xf32>
        %parallel_loop3A_453 = arith.constant 0 : i32
        %parallel_loop3A_454 = vector.broadcast %parallel_loop3A_453 : i32 to vector<16xi32>
        %parallel_loop3A_455 = arith.cmpi slt, %add3A_75, %parallel_loop3A_454 : vector<16xi32>
        %parallel_loop3A_456 = arith.constant 16 : i32
        %parallel_loop3A_457 = vector.broadcast %parallel_loop3A_456 : i32 to vector<16xi32>
        %parallel_loop3A_458 = arith.addi %add3A_75, %parallel_loop3A_457 : vector<16xi32>
        %parallel_loop3A_459 = arith.select %parallel_loop3A_455, %parallel_loop3A_458, %add3A_75 : vector<16xi1>, vector<16xi32>
        %parallel_loop3A_460 = vector.shape_cast %parallel_loop3A_459 : vector<16xi32> to vector<16x1xi32>
        %parallel_loop3A_461 = vector.shape_cast %parallel_loop3A_460 : vector<16x1xi32> to vector<16xi32>
        %parallel_loop3A_462 = tpu.dynamic_gather %parallel_loop3A_452[%parallel_loop3A_461] in [0] : vector<16xf32>, vector<16xi32> -> vector<16xf32>
        %parallel_loop3A_463 = arith.select %lt3A_83, %parallel_loop3A_437, %parallel_loop3A_462 : vector<16xi1>, vector<16xf32>
        %parallel_loop3A_464 = arith.select %lt3A_80, %parallel_loop3A_412, %parallel_loop3A_463 : vector<16xi1>, vector<16xf32>
        %parallel_loop3A_465 = arith.select %lt3A_77, %parallel_loop3A_387, %parallel_loop3A_464 : vector<16xi1>, vector<16xf32>
        %parallel_loop3A_466 = math.exp %parallel_loop3A_465 : vector<16xf32>
        %parallel_loop3A_467 = vector.broadcast %parallel_loop3A_362 : f32 to vector<16xf32>
        %parallel_loop3A_468 = arith.mulf %parallel_loop3A_466, %parallel_loop3A_467 : vector<16xf32>
        %parallel_loop3A_469 = arith.constant 0 : i32
        %parallel_loop3A_470 = vector.broadcast %parallel_loop3A_469 : i32 to vector<16xi32>
        %parallel_loop3A_471 = arith.cmpi slt, %add3A_88, %parallel_loop3A_470 : vector<16xi32>
        %parallel_loop3A_472 = arith.constant 16 : i32
        %parallel_loop3A_473 = vector.broadcast %parallel_loop3A_472 : i32 to vector<16xi32>
        %parallel_loop3A_474 = arith.addi %add3A_88, %parallel_loop3A_473 : vector<16xi32>
        %parallel_loop3A_475 = arith.select %parallel_loop3A_471, %parallel_loop3A_474, %add3A_88 : vector<16xi1>, vector<16xi32>
        %parallel_loop3A_476 = vector.shape_cast %parallel_loop3A_475 : vector<16xi32> to vector<16x1xi32>
        %parallel_loop3A_477 = vector.shape_cast %parallel_loop3A_476 : vector<16x1xi32> to vector<16xi32>
        %parallel_loop3A_478 = tpu.dynamic_gather %parallel_loop3A_468[%parallel_loop3A_477] in [0] : vector<16xf32>, vector<16xi32> -> vector<16xf32>
        %parallel_loop3A_479 = arith.mulf %parallel_loop3A_311, %parallel_loop3A_478 : vector<16xf32>
        %parallel_loop3A_480 = arith.index_cast %parallel_loop3A_308 : i32 to index
        %parallel_loop3A_481 = arith.constant 0 : index
        %parallel_loop3A_482 = tpu.vector_load %arg18[%parallel_loop3A_480, %parallel_loop3A_481] {strides = array<i32>} : memref<128x80xf32, #tpu.memory_space<vmem>>, vector<16xf32>,
        tpu.vector_store %arg18[%parallel_loop3A_480, %parallel_loop3A_481], %parallel_loop3A_479 {strides = array<i32>} : memref<128x80xf32, #tpu.memory_space<vmem>>, vector<16xf32>,
        %parallel_loop3A_483 = arith.constant 0 : i32
        %parallel_loop3A_484 = vector.broadcast %parallel_loop3A_483 : i32 to vector<16xi32>
        %parallel_loop3A_485 = arith.cmpi slt, %add3A_94, %parallel_loop3A_484 : vector<16xi32>
        %parallel_loop3A_486 = arith.constant 16 : i32
        %parallel_loop3A_487 = vector.broadcast %parallel_loop3A_486 : i32 to vector<16xi32>
        %parallel_loop3A_488 = arith.addi %add3A_94, %parallel_loop3A_487 : vector<16xi32>
        %parallel_loop3A_489 = arith.select %parallel_loop3A_485, %parallel_loop3A_488, %add3A_94 : vector<16xi1>, vector<16xi32>
        %parallel_loop3A_490 = vector.shape_cast %parallel_loop3A_489 : vector<16xi32> to vector<16x1xi32>
        %parallel_loop3A_491 = vector.shape_cast %parallel_loop3A_490 : vector<16x1xi32> to vector<16xi32>
        %parallel_loop3A_492 = tpu.dynamic_gather %parallel_loop3A_468[%parallel_loop3A_491] in [0] : vector<16xf32>, vector<16xi32> -> vector<16xf32>
        %parallel_loop3A_493 = arith.mulf %parallel_loop3A_314, %parallel_loop3A_492 : vector<16xf32>
        %parallel_loop3A_494 = arith.index_cast %parallel_loop3A_308 : i32 to index
        %parallel_loop3A_495 = arith.constant 16 : index
        %parallel_loop3A_496 = tpu.vector_load %arg18[%parallel_loop3A_494, %parallel_loop3A_495] {strides = array<i32>} : memref<128x80xf32, #tpu.memory_space<vmem>>, vector<16xf32>,
        tpu.vector_store %arg18[%parallel_loop3A_494, %parallel_loop3A_495], %parallel_loop3A_493 {strides = array<i32>} : memref<128x80xf32, #tpu.memory_space<vmem>>, vector<16xf32>,
        %parallel_loop3A_497 = arith.constant 0 : i32
        %parallel_loop3A_498 = vector.broadcast %parallel_loop3A_497 : i32 to vector<16xi32>
        %parallel_loop3A_499 = arith.cmpi slt, %add3A_100, %parallel_loop3A_498 : vector<16xi32>
        %parallel_loop3A_500 = arith.constant 16 : i32
        %parallel_loop3A_501 = vector.broadcast %parallel_loop3A_500 : i32 to vector<16xi32>
        %parallel_loop3A_502 = arith.addi %add3A_100, %parallel_loop3A_501 : vector<16xi32>
        %parallel_loop3A_503 = arith.select %parallel_loop3A_499, %parallel_loop3A_502, %add3A_100 : vector<16xi1>, vector<16xi32>
        %parallel_loop3A_504 = vector.shape_cast %parallel_loop3A_503 : vector<16xi32> to vector<16x1xi32>
        %parallel_loop3A_505 = vector.shape_cast %parallel_loop3A_504 : vector<16x1xi32> to vector<16xi32>
        %parallel_loop3A_506 = tpu.dynamic_gather %parallel_loop3A_468[%parallel_loop3A_505] in [0] : vector<16xf32>, vector<16xi32> -> vector<16xf32>
        %parallel_loop3A_507 = arith.mulf %parallel_loop3A_317, %parallel_loop3A_506 : vector<16xf32>
        %parallel_loop3A_508 = arith.index_cast %parallel_loop3A_308 : i32 to index
        %parallel_loop3A_509 = arith.constant 32 : index
        %parallel_loop3A_510 = tpu.vector_load %arg18[%parallel_loop3A_508, %parallel_loop3A_509] {strides = array<i32>} : memref<128x80xf32, #tpu.memory_space<vmem>>, vector<16xf32>,
        tpu.vector_store %arg18[%parallel_loop3A_508, %parallel_loop3A_509], %parallel_loop3A_507 {strides = array<i32>} : memref<128x80xf32, #tpu.memory_space<vmem>>, vector<16xf32>,
        %parallel_loop3A_511 = arith.constant 0 : i32
        %parallel_loop3A_512 = vector.broadcast %parallel_loop3A_511 : i32 to vector<16xi32>
        %parallel_loop3A_513 = arith.cmpi slt, %add3A_106, %parallel_loop3A_512 : vector<16xi32>
        %parallel_loop3A_514 = arith.constant 16 : i32
        %parallel_loop3A_515 = vector.broadcast %parallel_loop3A_514 : i32 to vector<16xi32>
        %parallel_loop3A_516 = arith.addi %add3A_106, %parallel_loop3A_515 : vector<16xi32>
        %parallel_loop3A_517 = arith.select %parallel_loop3A_513, %parallel_loop3A_516, %add3A_106 : vector<16xi1>, vector<16xi32>
        %parallel_loop3A_518 = vector.shape_cast %parallel_loop3A_517 : vector<16xi32> to vector<16x1xi32>
        %parallel_loop3A_519 = vector.shape_cast %parallel_loop3A_518 : vector<16x1xi32> to vector<16xi32>
        %parallel_loop3A_520 = tpu.dynamic_gather %parallel_loop3A_468[%parallel_loop3A_519] in [0] : vector<16xf32>, vector<16xi32> -> vector<16xf32>
        %parallel_loop3A_521 = arith.mulf %parallel_loop3A_320, %parallel_loop3A_520 : vector<16xf32>
        %parallel_loop3A_522 = arith.index_cast %parallel_loop3A_308 : i32 to index
        %parallel_loop3A_523 = arith.constant 48 : index
        %parallel_loop3A_524 = tpu.vector_load %arg18[%parallel_loop3A_522, %parallel_loop3A_523] {strides = array<i32>} : memref<128x80xf32, #tpu.memory_space<vmem>>, vector<16xf32>,
        tpu.vector_store %arg18[%parallel_loop3A_522, %parallel_loop3A_523], %parallel_loop3A_521 {strides = array<i32>} : memref<128x80xf32, #tpu.memory_space<vmem>>, vector<16xf32>,
        %parallel_loop3A_525 = arith.constant 0 : i32
        %parallel_loop3A_526 = vector.broadcast %parallel_loop3A_525 : i32 to vector<16xi32>
        %parallel_loop3A_527 = arith.cmpi slt, %and3A_109, %parallel_loop3A_526 : vector<16xi32>
        %parallel_loop3A_528 = arith.constant 16 : i32
        %parallel_loop3A_529 = vector.broadcast %parallel_loop3A_528 : i32 to vector<16xi32>
        %parallel_loop3A_530 = arith.addi %and3A_109, %parallel_loop3A_529 : vector<16xi32>
        %parallel_loop3A_531 = arith.select %parallel_loop3A_527, %parallel_loop3A_530, %and3A_109 : vector<16xi1>, vector<16xi32>
        %parallel_loop3A_532 = vector.shape_cast %parallel_loop3A_531 : vector<16xi32> to vector<16x1xi32>
        %parallel_loop3A_533 = vector.shape_cast %parallel_loop3A_532 : vector<16x1xi32> to vector<16xi32>
        %parallel_loop3A_534 = tpu.dynamic_gather %parallel_loop3A_468[%parallel_loop3A_533] in [0] : vector<16xf32>, vector<16xi32> -> vector<16xf32>
        %parallel_loop3A_535 = arith.index_cast %parallel_loop3A_308 : i32 to index
        %parallel_loop3A_536 = arith.constant 64 : index
        %parallel_loop3A_537 = tpu.vector_load %arg18[%parallel_loop3A_535, %parallel_loop3A_536] {strides = array<i32>} : memref<128x80xf32, #tpu.memory_space<vmem>>, vector<16xf32>,
        tpu.vector_store %arg18[%parallel_loop3A_535, %parallel_loop3A_536], %parallel_loop3A_534 {strides = array<i32>} : memref<128x80xf32, #tpu.memory_space<vmem>>, vector<16xf32>,
      } {sc.loop_unroll_factor = 4 : i64, sc.parallel_access}
      %dma_start3A_223 = arith.constant 0 : i32
      %dma_start3A_224 = arith.constant 0 : i32
      %dma_start3A_225 = tpu.memref_slice %arg21[%dma_start3A_223, %dma_start3A_224] : memref<10000x80xf32, #tpu.memory_space<vmem_shared>> -> memref<10000x80xf32, #tpu.memory_space<vmem_shared>>
      tpu.enqueue_indirect_dma source(%arg18 : memref<128x80xf32, #tpu.memory_space<vmem>>) target(%dma_start3A_225 : memref<10000x80xf32, #tpu.memory_space<vmem_shared>>) offsets(%arg12 : memref<128xi32, #tpu.memory_space<vmem>>) semaphore(%arg30 : memref<!tpu.dma_semaphore, #tpu.memory_space<semaphore_mem>>) {add = true}
      %mul3A_226 = arith.constant 2 : i32
      %mul3A_227 = arith.muli %mul3A_226, %scan3A_145 : i32
      %add3A_228 = arith.constant 1 : i32
      %add3A_229 = arith.addi %mul3A_227, %add3A_228 : i32
      %dma_wait3A_230 = arith.constant 0 : i32
      %dma_wait3A_231 = arith.constant 0 : i32
      %dma_wait3A_232 = tpu.memref_slice %arg2[%dma_wait3A_230, %dma_wait3A_231] : memref<10000x64xf32, #tpu.memory_space<hbm>> -> memref<10000x64xf32, #tpu.memory_space<hbm>>
      tpu.wait_indirect_dma semaphore(%arg27 : memref<!tpu.dma_semaphore, #tpu.memory_space<semaphore_mem>>) src(%dma_wait3A_232 : memref<10000x64xf32, #tpu.memory_space<hbm>>) dst(%arg15 : memref<128x64xf32, #tpu.memory_space<vmem>>)
      %dma_wait3A_233 = arith.constant 0 : i32
      %dma_wait3A_234 = arith.constant 0 : i32
      %dma_wait3A_235 = tpu.memref_slice %arg3[%dma_wait3A_233, %dma_wait3A_234] : memref<10000x64xf32, #tpu.memory_space<hbm>> -> memref<10000x64xf32, #tpu.memory_space<hbm>>
      tpu.wait_indirect_dma semaphore(%arg29 : memref<!tpu.dma_semaphore, #tpu.memory_space<semaphore_mem>>) src(%dma_wait3A_235 : memref<10000x64xf32, #tpu.memory_space<hbm>>) dst(%arg17 : memref<128x64xf32, #tpu.memory_space<vmem>>)
      %ge3A_236 = arith.constant 1 : i32
      %ge3A_237 = arith.cmpi sge, %scan3A_145, %ge3A_236 : i32
      %convert_element_type3A_238 = arith.extui %ge3A_237 : i1 to i32
      %cond3A_239 = arith.constant 0 : i32
      %cond3A_240 = arith.cmpi ne, %convert_element_type3A_238, %cond3A_239 : i32
      scf.if %cond3A_240 {
        %dma_wait3A_308 = arith.constant 0 : i32
        %dma_wait3A_309 = arith.constant 0 : i32
        %dma_wait3A_310 = tpu.memref_slice %arg21[%dma_wait3A_308, %dma_wait3A_309] : memref<10000x80xf32, #tpu.memory_space<vmem_shared>> -> memref<10000x80xf32, #tpu.memory_space<vmem_shared>>
        tpu.wait_indirect_dma semaphore(%arg31 : memref<!tpu.dma_semaphore, #tpu.memory_space<semaphore_mem>>) src(%arg19 : memref<128x80xf32, #tpu.memory_space<vmem>>) dst(%dma_wait3A_310 : memref<10000x80xf32, #tpu.memory_space<vmem_shared>>)
      } else {
      }
      %get3A_241 = arith.constant 0 : index
      %get3A_242 = tpu.vector_load %arg11[%get3A_241] {strides = array<i32>} : memref<128xi32, #tpu.memory_space<vmem>>, vector<16xi32>,
      %swap3A_243 = arith.constant 0 : index
      %swap3A_244 = tpu.vector_load %arg13[%swap3A_243] {strides = array<i32>} : memref<128xi32, #tpu.memory_space<vmem>>, vector<16xi32>,
      tpu.vector_store %arg13[%swap3A_243], %get3A_242 {strides = array<i32>} : memref<128xi32, #tpu.memory_space<vmem>>, vector<16xi32>,
      %get3A_245 = arith.constant 16 : index
      %get3A_246 = tpu.vector_load %arg11[%get3A_245] {strides = array<i32>} : memref<128xi32, #tpu.memory_space<vmem>>, vector<16xi32>,
      %swap3A_247 = arith.constant 16 : index
      %swap3A_248 = tpu.vector_load %arg13[%swap3A_247] {strides = array<i32>} : memref<128xi32, #tpu.memory_space<vmem>>, vector<16xi32>,
      tpu.vector_store %arg13[%swap3A_247], %get3A_246 {strides = array<i32>} : memref<128xi32, #tpu.memory_space<vmem>>, vector<16xi32>,
      %get3A_249 = arith.constant 32 : index
      %get3A_250 = tpu.vector_load %arg11[%get3A_249] {strides = array<i32>} : memref<128xi32, #tpu.memory_space<vmem>>, vector<16xi32>,
      %swap3A_251 = arith.constant 32 : index
      %swap3A_252 = tpu.vector_load %arg13[%swap3A_251] {strides = array<i32>} : memref<128xi32, #tpu.memory_space<vmem>>, vector<16xi32>,
      tpu.vector_store %arg13[%swap3A_251], %get3A_250 {strides = array<i32>} : memref<128xi32, #tpu.memory_space<vmem>>, vector<16xi32>,
      %get3A_253 = arith.constant 48 : index
      %get3A_254 = tpu.vector_load %arg11[%get3A_253] {strides = array<i32>} : memref<128xi32, #tpu.memory_space<vmem>>, vector<16xi32>,
      %swap3A_255 = arith.constant 48 : index
      %swap3A_256 = tpu.vector_load %arg13[%swap3A_255] {strides = array<i32>} : memref<128xi32, #tpu.memory_space<vmem>>, vector<16xi32>,
      tpu.vector_store %arg13[%swap3A_255], %get3A_254 {strides = array<i32>} : memref<128xi32, #tpu.memory_space<vmem>>, vector<16xi32>,
      %get3A_257 = arith.constant 64 : index
      %get3A_258 = tpu.vector_load %arg11[%get3A_257] {strides = array<i32>} : memref<128xi32, #tpu.memory_space<vmem>>, vector<16xi32>,
      %swap3A_259 = arith.constant 64 : index
      %swap3A_260 = tpu.vector_load %arg13[%swap3A_259] {strides = array<i32>} : memref<128xi32, #tpu.memory_space<vmem>>, vector<16xi32>,
      tpu.vector_store %arg13[%swap3A_259], %get3A_258 {strides = array<i32>} : memref<128xi32, #tpu.memory_space<vmem>>, vector<16xi32>,
      %get3A_261 = arith.constant 80 : index
      %get3A_262 = tpu.vector_load %arg11[%get3A_261] {strides = array<i32>} : memref<128xi32, #tpu.memory_space<vmem>>, vector<16xi32>,
      %swap3A_263 = arith.constant 80 : index
      %swap3A_264 = tpu.vector_load %arg13[%swap3A_263] {strides = array<i32>} : memref<128xi32, #tpu.memory_space<vmem>>, vector<16xi32>,
      tpu.vector_store %arg13[%swap3A_263], %get3A_262 {strides = array<i32>} : memref<128xi32, #tpu.memory_space<vmem>>, vector<16xi32>,
      %get3A_265 = arith.constant 96 : index
      %get3A_266 = tpu.vector_load %arg11[%get3A_265] {strides = array<i32>} : memref<128xi32, #tpu.memory_space<vmem>>, vector<16xi32>,
      %swap3A_267 = arith.constant 96 : index
      %swap3A_268 = tpu.vector_load %arg13[%swap3A_267] {strides = array<i32>} : memref<128xi32, #tpu.memory_space<vmem>>, vector<16xi32>,
      tpu.vector_store %arg13[%swap3A_267], %get3A_266 {strides = array<i32>} : memref<128xi32, #tpu.memory_space<vmem>>, vector<16xi32>,
      %get3A_269 = arith.constant 112 : index
      %get3A_270 = tpu.vector_load %arg11[%get3A_269] {strides = array<i32>} : memref<128xi32, #tpu.memory_space<vmem>>, vector<16xi32>,
      %swap3A_271 = arith.constant 112 : index
      %swap3A_272 = tpu.vector_load %arg13[%swap3A_271] {strides = array<i32>} : memref<128xi32, #tpu.memory_space<vmem>>, vector<16xi32>,
      tpu.vector_store %arg13[%swap3A_271], %get3A_270 {strides = array<i32>} : memref<128xi32, #tpu.memory_space<vmem>>, vector<16xi32>,
      %add3A_273 = arith.constant 2 : i32
      %add3A_274 = arith.addi %add3A_229, %add3A_273 : i32
      %mul3A_275 = arith.constant 128 : i32
      %mul3A_276 = arith.muli %add3A_274, %mul3A_275 : i32
      %add3A_277 = arith.addi %mul3A_5, %mul3A_276 : i32
      %dma_start3A_278 = tpu.memref_slice %arg4[%add3A_277] : memref<336128xi32, #tpu.memory_space<hbm>> -> memref<128xi32, #tpu.memory_space<hbm>>
      %dma_start3A_279 = tpu.memref_slice %arg4[%add3A_277] : memref<336128xi32, #tpu.memory_space<hbm>> -> memref<128xi32, #tpu.memory_space<hbm>>
      tpu.enqueue_dma source(%dma_start3A_279 : memref<128xi32, #tpu.memory_space<hbm>>) target(%arg9 : memref<128xi32, #tpu.memory_space<vmem>>) target_semaphore(%arg23 : memref<!tpu.dma_semaphore, #tpu.memory_space<semaphore_mem>>)
      %mul3A_280 = arith.constant 128 : i32
      %mul3A_281 = arith.muli %add3A_274, %mul3A_280 : i32
      %add3A_282 = arith.addi %mul3A_5, %mul3A_281 : i32
      %dma_start3A_283 = tpu.memref_slice %arg5[%add3A_282] : memref<336128xi32, #tpu.memory_space<hbm>> -> memref<128xi32, #tpu.memory_space<hbm>>
      %dma_start3A_284 = tpu.memref_slice %arg5[%add3A_282] : memref<336128xi32, #tpu.memory_space<hbm>> -> memref<128xi32, #tpu.memory_space<hbm>>
      tpu.enqueue_dma source(%dma_start3A_284 : memref<128xi32, #tpu.memory_space<hbm>>) target(%arg11 : memref<128xi32, #tpu.memory_space<vmem>>) target_semaphore(%arg25 : memref<!tpu.dma_semaphore, #tpu.memory_space<semaphore_mem>>)
      %dma_wait3A_285 = arith.constant 0 : i32
      %dma_wait3A_286 = tpu.memref_slice %arg4[%dma_wait3A_285] : memref<336128xi32, #tpu.memory_space<hbm>> -> memref<128xi32, #tpu.memory_space<hbm>>
      %dma_wait3A_287 = arith.constant 0 : i32
      %dma_wait3A_288 = tpu.memref_slice %arg4[%dma_wait3A_287] : memref<336128xi32, #tpu.memory_space<hbm>> -> memref<128xi32, #tpu.memory_space<hbm>>
      tpu.wait_dma2 semaphore(%arg22 : memref<!tpu.dma_semaphore, #tpu.memory_space<semaphore_mem>>) src(%dma_wait3A_288 : memref<128xi32, #tpu.memory_space<hbm>>) dst(%arg8 : memref<128xi32, #tpu.memory_space<vmem>>)
      %dma_wait3A_289 = arith.constant 0 : i32
      %dma_wait3A_290 = tpu.memref_slice %arg5[%dma_wait3A_289] : memref<336128xi32, #tpu.memory_space<hbm>> -> memref<128xi32, #tpu.memory_space<hbm>>
      %dma_wait3A_291 = arith.constant 0 : i32
      %dma_wait3A_292 = tpu.memref_slice %arg5[%dma_wait3A_291] : memref<336128xi32, #tpu.memory_space<hbm>> -> memref<128xi32, #tpu.memory_space<hbm>>
      tpu.wait_dma2 semaphore(%arg24 : memref<!tpu.dma_semaphore, #tpu.memory_space<semaphore_mem>>) src(%dma_wait3A_292 : memref<128xi32, #tpu.memory_space<hbm>>) dst(%arg10 : memref<128xi32, #tpu.memory_space<vmem>>)
      %dma_start3A_293 = arith.constant 0 : i32
      %dma_start3A_294 = arith.constant 0 : i32
      %dma_start3A_295 = tpu.memref_slice %arg2[%dma_start3A_293, %dma_start3A_294] : memref<10000x64xf32, #tpu.memory_space<hbm>> -> memref<10000x64xf32, #tpu.memory_space<hbm>>
      tpu.enqueue_indirect_dma source(%dma_start3A_295 : memref<10000x64xf32, #tpu.memory_space<hbm>>) target(%arg14 : memref<128x64xf32, #tpu.memory_space<vmem>>) offsets(%arg8 : memref<128xi32, #tpu.memory_space<vmem>>) semaphore(%arg26 : memref<!tpu.dma_semaphore, #tpu.memory_space<semaphore_mem>>)
      %dma_start3A_296 = arith.constant 0 : i32
      %dma_start3A_297 = arith.constant 0 : i32
      %dma_start3A_298 = tpu.memref_slice %arg3[%dma_start3A_296, %dma_start3A_297] : memref<10000x64xf32, #tpu.memory_space<hbm>> -> memref<10000x64xf32, #tpu.memory_space<hbm>>
      tpu.enqueue_indirect_dma source(%dma_start3A_298 : memref<10000x64xf32, #tpu.memory_space<hbm>>) target(%arg16 : memref<128x64xf32, #tpu.memory_space<vmem>>) offsets(%arg10 : memref<128xi32, #tpu.memory_space<vmem>>) semaphore(%arg28 : memref<!tpu.dma_semaphore, #tpu.memory_space<semaphore_mem>>)
      %mul3A_299 = arith.constant 128 : i32
      %mul3A_300 = arith.muli %add3A_229, %mul3A_299 : i32
      %add3A_301 = arith.addi %mul3A_5, %mul3A_300 : i32
      %parallel_loop3A_302 = arith.constant 0 : i32
      %parallel_loop3A_303 = arith.constant 128 : i32
      %parallel_loop3A_304 = arith.constant 1 : i32
      scf.for %parallel_loop3A_308 = %parallel_loop3A_302 to %parallel_loop3A_303 step %parallel_loop3A_304  : i32 {
        %parallel_loop3A_309 = arith.index_cast %parallel_loop3A_308 : i32 to index
        %parallel_loop3A_310 = arith.constant 0 : index
        %parallel_loop3A_311 = tpu.vector_load %arg15[%parallel_loop3A_309, %parallel_loop3A_310] {strides = array<i32>} : memref<128x64xf32, #tpu.memory_space<vmem>>, vector<16xf32>,
        %parallel_loop3A_312 = arith.index_cast %parallel_loop3A_308 : i32 to index
        %parallel_loop3A_313 = arith.constant 16 : index
        %parallel_loop3A_314 = tpu.vector_load %arg15[%parallel_loop3A_312, %parallel_loop3A_313] {strides = array<i32>} : memref<128x64xf32, #tpu.memory_space<vmem>>, vector<16xf32>,
        %parallel_loop3A_315 = arith.index_cast %parallel_loop3A_308 : i32 to index
        %parallel_loop3A_316 = arith.constant 32 : index
        %parallel_loop3A_317 = tpu.vector_load %arg15[%parallel_loop3A_315, %parallel_loop3A_316] {strides = array<i32>} : memref<128x64xf32, #tpu.memory_space<vmem>>, vector<16xf32>,
        %parallel_loop3A_318 = arith.index_cast %parallel_loop3A_308 : i32 to index
        %parallel_loop3A_319 = arith.constant 48 : index
        %parallel_loop3A_320 = tpu.vector_load %arg15[%parallel_loop3A_318, %parallel_loop3A_319] {strides = array<i32>} : memref<128x64xf32, #tpu.memory_space<vmem>>, vector<16xf32>,
        %parallel_loop3A_321 = arith.index_cast %parallel_loop3A_308 : i32 to index
        %parallel_loop3A_322 = arith.constant 0 : index
        %parallel_loop3A_323 = tpu.vector_load %arg17[%parallel_loop3A_321, %parallel_loop3A_322] {strides = array<i32>} : memref<128x64xf32, #tpu.memory_space<vmem>>, vector<16xf32>,
        %parallel_loop3A_324 = arith.index_cast %parallel_loop3A_308 : i32 to index
        %parallel_loop3A_325 = arith.constant 16 : index
        %parallel_loop3A_326 = tpu.vector_load %arg17[%parallel_loop3A_324, %parallel_loop3A_325] {strides = array<i32>} : memref<128x64xf32, #tpu.memory_space<vmem>>, vector<16xf32>,
        %parallel_loop3A_327 = arith.index_cast %parallel_loop3A_308 : i32 to index
        %parallel_loop3A_328 = arith.constant 32 : index
        %parallel_loop3A_329 = tpu.vector_load %arg17[%parallel_loop3A_327, %parallel_loop3A_328] {strides = array<i32>} : memref<128x64xf32, #tpu.memory_space<vmem>>, vector<16xf32>,
        %parallel_loop3A_330 = arith.index_cast %parallel_loop3A_308 : i32 to index
        %parallel_loop3A_331 = arith.constant 48 : index
        %parallel_loop3A_332 = tpu.vector_load %arg17[%parallel_loop3A_330, %parallel_loop3A_331] {strides = array<i32>} : memref<128x64xf32, #tpu.memory_space<vmem>>, vector<16xf32>,
        %parallel_loop3A_333 = arith.addf %parallel_loop3A_311, %parallel_loop3A_323 : vector<16xf32>
        %parallel_loop3A_334 = arith.constant 2.000000e-01 : f32
        %parallel_loop3A_335 = vector.broadcast %parallel_loop3A_334 : f32 to vector<16xf32>
        %parallel_loop3A_336 = arith.mulf %parallel_loop3A_333, %parallel_loop3A_335 : vector<16xf32>
        %parallel_loop3A_337 = arith.maximumf %parallel_loop3A_333, %parallel_loop3A_336 : vector<16xf32>
        %parallel_loop3A_338 = arith.mulf %parallel_loop3A_337, %get3A_25 : vector<16xf32>
        %parallel_loop3A_339 = arith.addf %parallel_loop3A_314, %parallel_loop3A_326 : vector<16xf32>
        %parallel_loop3A_340 = arith.constant 2.000000e-01 : f32
        %parallel_loop3A_341 = vector.broadcast %parallel_loop3A_340 : f32 to vector<16xf32>
        %parallel_loop3A_342 = arith.mulf %parallel_loop3A_339, %parallel_loop3A_341 : vector<16xf32>
        %parallel_loop3A_343 = arith.maximumf %parallel_loop3A_339, %parallel_loop3A_342 : vector<16xf32>
        %parallel_loop3A_344 = arith.mulf %parallel_loop3A_343, %get3A_27 : vector<16xf32>
        %parallel_loop3A_345 = arith.addf %parallel_loop3A_317, %parallel_loop3A_329 : vector<16xf32>
        %parallel_loop3A_346 = arith.constant 2.000000e-01 : f32
        %parallel_loop3A_347 = vector.broadcast %parallel_loop3A_346 : f32 to vector<16xf32>
        %parallel_loop3A_348 = arith.mulf %parallel_loop3A_345, %parallel_loop3A_347 : vector<16xf32>
        %parallel_loop3A_349 = arith.maximumf %parallel_loop3A_345, %parallel_loop3A_348 : vector<16xf32>
        %parallel_loop3A_350 = arith.mulf %parallel_loop3A_349, %get3A_29 : vector<16xf32>
        %parallel_loop3A_351 = arith.addf %parallel_loop3A_320, %parallel_loop3A_332 : vector<16xf32>
        %parallel_loop3A_352 = arith.constant 2.000000e-01 : f32
        %parallel_loop3A_353 = vector.broadcast %parallel_loop3A_352 : f32 to vector<16xf32>
        %parallel_loop3A_354 = arith.mulf %parallel_loop3A_351, %parallel_loop3A_353 : vector<16xf32>
        %parallel_loop3A_355 = arith.maximumf %parallel_loop3A_351, %parallel_loop3A_354 : vector<16xf32>
        %parallel_loop3A_356 = arith.mulf %parallel_loop3A_355, %get3A_31 : vector<16xf32>
        %parallel_loop3A_357 = arith.addi %add3A_301, %parallel_loop3A_308 : i32
        %parallel_loop3A_358 = arith.constant 330000 : i32
        %parallel_loop3A_359 = arith.cmpi slt, %parallel_loop3A_357, %parallel_loop3A_358 : i32
        %parallel_loop3A_360 = arith.constant 1.000000e+00 : f32
        %parallel_loop3A_361 = arith.constant 0.000000e+00 : f32
        %parallel_loop3A_362 = arith.select %parallel_loop3A_359, %parallel_loop3A_360, %parallel_loop3A_361 : f32
        %parallel_loop3A_363 = arith.constant true
        %parallel_loop3A_364 = vector.broadcast %parallel_loop3A_363 : i1 to vector<16xi1>
        %parallel_loop3A_365 = tpu.scan <sum>, %parallel_loop3A_338 masked %parallel_loop3A_364 : vector<16xf32>, vector<16xi1> -> vector<16xf32>
        %parallel_loop3A_366 = arith.constant 0 : i32
        %parallel_loop3A_367 = vector.broadcast %parallel_loop3A_366 : i32 to vector<16xi32>
        %parallel_loop3A_368 = arith.cmpi slt, %broadcast_in_dim3A_65, %parallel_loop3A_367 : vector<16xi32>
        %parallel_loop3A_369 = arith.constant 16 : i32
        %parallel_loop3A_370 = vector.broadcast %parallel_loop3A_369 : i32 to vector<16xi32>
        %parallel_loop3A_371 = arith.addi %broadcast_in_dim3A_65, %parallel_loop3A_370 : vector<16xi32>
        %parallel_loop3A_372 = arith.select %parallel_loop3A_368, %parallel_loop3A_371, %broadcast_in_dim3A_65 : vector<16xi1>, vector<16xi32>
        %parallel_loop3A_373 = vector.shape_cast %parallel_loop3A_372 : vector<16xi32> to vector<16x1xi32>
        %parallel_loop3A_374 = vector.shape_cast %parallel_loop3A_373 : vector<16x1xi32> to vector<16xi32>
        %parallel_loop3A_375 = tpu.dynamic_gather %parallel_loop3A_365[%parallel_loop3A_374] in [0] : vector<16xf32>, vector<16xi32> -> vector<16xf32>
        %parallel_loop3A_376 = arith.mulf %parallel_loop3A_375, %convert_element_type3A_63 : vector<16xf32>
        %parallel_loop3A_377 = arith.subf %parallel_loop3A_365, %parallel_loop3A_376 : vector<16xf32>
        %parallel_loop3A_378 = arith.constant 0 : i32
        %parallel_loop3A_379 = vector.broadcast %parallel_loop3A_378 : i32 to vector<16xi32>
        %parallel_loop3A_380 = arith.cmpi slt, %add3A_75, %parallel_loop3A_379 : vector<16xi32>
        %parallel_loop3A_381 = arith.constant 16 : i32
        %parallel_loop3A_382 = vector.broadcast %parallel_loop3A_381 : i32 to vector<16xi32>
        %parallel_loop3A_383 = arith.addi %add3A_75, %parallel_loop3A_382 : vector<16xi32>
        %parallel_loop3A_384 = arith.select %parallel_loop3A_380, %parallel_loop3A_383, %add3A_75 : vector<16xi1>, vector<16xi32>
        %parallel_loop3A_385 = vector.shape_cast %parallel_loop3A_384 : vector<16xi32> to vector<16x1xi32>
        %parallel_loop3A_386 = vector.shape_cast %parallel_loop3A_385 : vector<16x1xi32> to vector<16xi32>
        %parallel_loop3A_387 = tpu.dynamic_gather %parallel_loop3A_377[%parallel_loop3A_386] in [0] : vector<16xf32>, vector<16xi32> -> vector<16xf32>
        %parallel_loop3A_388 = arith.constant true
        %parallel_loop3A_389 = vector.broadcast %parallel_loop3A_388 : i1 to vector<16xi1>
        %parallel_loop3A_390 = tpu.scan <sum>, %parallel_loop3A_344 masked %parallel_loop3A_389 : vector<16xf32>, vector<16xi1> -> vector<16xf32>
        %parallel_loop3A_391 = arith.constant 0 : i32
        %parallel_loop3A_392 = vector.broadcast %parallel_loop3A_391 : i32 to vector<16xi32>
        %parallel_loop3A_393 = arith.cmpi slt, %broadcast_in_dim3A_65, %parallel_loop3A_392 : vector<16xi32>
        %parallel_loop3A_394 = arith.constant 16 : i32
        %parallel_loop3A_395 = vector.broadcast %parallel_loop3A_394 : i32 to vector<16xi32>
        %parallel_loop3A_396 = arith.addi %broadcast_in_dim3A_65, %parallel_loop3A_395 : vector<16xi32>
        %parallel_loop3A_397 = arith.select %parallel_loop3A_393, %parallel_loop3A_396, %broadcast_in_dim3A_65 : vector<16xi1>, vector<16xi32>
        %parallel_loop3A_398 = vector.shape_cast %parallel_loop3A_397 : vector<16xi32> to vector<16x1xi32>
        %parallel_loop3A_399 = vector.shape_cast %parallel_loop3A_398 : vector<16x1xi32> to vector<16xi32>
        %parallel_loop3A_400 = tpu.dynamic_gather %parallel_loop3A_390[%parallel_loop3A_399] in [0] : vector<16xf32>, vector<16xi32> -> vector<16xf32>
        %parallel_loop3A_401 = arith.mulf %parallel_loop3A_400, %convert_element_type3A_63 : vector<16xf32>
        %parallel_loop3A_402 = arith.subf %parallel_loop3A_390, %parallel_loop3A_401 : vector<16xf32>
        %parallel_loop3A_403 = arith.constant 0 : i32
        %parallel_loop3A_404 = vector.broadcast %parallel_loop3A_403 : i32 to vector<16xi32>
        %parallel_loop3A_405 = arith.cmpi slt, %add3A_75, %parallel_loop3A_404 : vector<16xi32>
        %parallel_loop3A_406 = arith.constant 16 : i32
        %parallel_loop3A_407 = vector.broadcast %parallel_loop3A_406 : i32 to vector<16xi32>
        %parallel_loop3A_408 = arith.addi %add3A_75, %parallel_loop3A_407 : vector<16xi32>
        %parallel_loop3A_409 = arith.select %parallel_loop3A_405, %parallel_loop3A_408, %add3A_75 : vector<16xi1>, vector<16xi32>
        %parallel_loop3A_410 = vector.shape_cast %parallel_loop3A_409 : vector<16xi32> to vector<16x1xi32>
        %parallel_loop3A_411 = vector.shape_cast %parallel_loop3A_410 : vector<16x1xi32> to vector<16xi32>
        %parallel_loop3A_412 = tpu.dynamic_gather %parallel_loop3A_402[%parallel_loop3A_411] in [0] : vector<16xf32>, vector<16xi32> -> vector<16xf32>
        %parallel_loop3A_413 = arith.constant true
        %parallel_loop3A_414 = vector.broadcast %parallel_loop3A_413 : i1 to vector<16xi1>
        %parallel_loop3A_415 = tpu.scan <sum>, %parallel_loop3A_350 masked %parallel_loop3A_414 : vector<16xf32>, vector<16xi1> -> vector<16xf32>
        %parallel_loop3A_416 = arith.constant 0 : i32
        %parallel_loop3A_417 = vector.broadcast %parallel_loop3A_416 : i32 to vector<16xi32>
        %parallel_loop3A_418 = arith.cmpi slt, %broadcast_in_dim3A_65, %parallel_loop3A_417 : vector<16xi32>
        %parallel_loop3A_419 = arith.constant 16 : i32
        %parallel_loop3A_420 = vector.broadcast %parallel_loop3A_419 : i32 to vector<16xi32>
        %parallel_loop3A_421 = arith.addi %broadcast_in_dim3A_65, %parallel_loop3A_420 : vector<16xi32>
        %parallel_loop3A_422 = arith.select %parallel_loop3A_418, %parallel_loop3A_421, %broadcast_in_dim3A_65 : vector<16xi1>, vector<16xi32>
        %parallel_loop3A_423 = vector.shape_cast %parallel_loop3A_422 : vector<16xi32> to vector<16x1xi32>
        %parallel_loop3A_424 = vector.shape_cast %parallel_loop3A_423 : vector<16x1xi32> to vector<16xi32>
        %parallel_loop3A_425 = tpu.dynamic_gather %parallel_loop3A_415[%parallel_loop3A_424] in [0] : vector<16xf32>, vector<16xi32> -> vector<16xf32>
        %parallel_loop3A_426 = arith.mulf %parallel_loop3A_425, %convert_element_type3A_63 : vector<16xf32>
        %parallel_loop3A_427 = arith.subf %parallel_loop3A_415, %parallel_loop3A_426 : vector<16xf32>
        %parallel_loop3A_428 = arith.constant 0 : i32
        %parallel_loop3A_429 = vector.broadcast %parallel_loop3A_428 : i32 to vector<16xi32>
        %parallel_loop3A_430 = arith.cmpi slt, %add3A_75, %parallel_loop3A_429 : vector<16xi32>
        %parallel_loop3A_431 = arith.constant 16 : i32
        %parallel_loop3A_432 = vector.broadcast %parallel_loop3A_431 : i32 to vector<16xi32>
        %parallel_loop3A_433 = arith.addi %add3A_75, %parallel_loop3A_432 : vector<16xi32>
        %parallel_loop3A_434 = arith.select %parallel_loop3A_430, %parallel_loop3A_433, %add3A_75 : vector<16xi1>, vector<16xi32>
        %parallel_loop3A_435 = vector.shape_cast %parallel_loop3A_434 : vector<16xi32> to vector<16x1xi32>
        %parallel_loop3A_436 = vector.shape_cast %parallel_loop3A_435 : vector<16x1xi32> to vector<16xi32>
        %parallel_loop3A_437 = tpu.dynamic_gather %parallel_loop3A_427[%parallel_loop3A_436] in [0] : vector<16xf32>, vector<16xi32> -> vector<16xf32>
        %parallel_loop3A_438 = arith.constant true
        %parallel_loop3A_439 = vector.broadcast %parallel_loop3A_438 : i1 to vector<16xi1>
        %parallel_loop3A_440 = tpu.scan <sum>, %parallel_loop3A_356 masked %parallel_loop3A_439 : vector<16xf32>, vector<16xi1> -> vector<16xf32>
        %parallel_loop3A_441 = arith.constant 0 : i32
        %parallel_loop3A_442 = vector.broadcast %parallel_loop3A_441 : i32 to vector<16xi32>
        %parallel_loop3A_443 = arith.cmpi slt, %broadcast_in_dim3A_65, %parallel_loop3A_442 : vector<16xi32>
        %parallel_loop3A_444 = arith.constant 16 : i32
        %parallel_loop3A_445 = vector.broadcast %parallel_loop3A_444 : i32 to vector<16xi32>
        %parallel_loop3A_446 = arith.addi %broadcast_in_dim3A_65, %parallel_loop3A_445 : vector<16xi32>
        %parallel_loop3A_447 = arith.select %parallel_loop3A_443, %parallel_loop3A_446, %broadcast_in_dim3A_65 : vector<16xi1>, vector<16xi32>
        %parallel_loop3A_448 = vector.shape_cast %parallel_loop3A_447 : vector<16xi32> to vector<16x1xi32>
        %parallel_loop3A_449 = vector.shape_cast %parallel_loop3A_448 : vector<16x1xi32> to vector<16xi32>
        %parallel_loop3A_450 = tpu.dynamic_gather %parallel_loop3A_440[%parallel_loop3A_449] in [0] : vector<16xf32>, vector<16xi32> -> vector<16xf32>
        %parallel_loop3A_451 = arith.mulf %parallel_loop3A_450, %convert_element_type3A_63 : vector<16xf32>
        %parallel_loop3A_452 = arith.subf %parallel_loop3A_440, %parallel_loop3A_451 : vector<16xf32>
        %parallel_loop3A_453 = arith.constant 0 : i32
        %parallel_loop3A_454 = vector.broadcast %parallel_loop3A_453 : i32 to vector<16xi32>
        %parallel_loop3A_455 = arith.cmpi slt, %add3A_75, %parallel_loop3A_454 : vector<16xi32>
        %parallel_loop3A_456 = arith.constant 16 : i32
        %parallel_loop3A_457 = vector.broadcast %parallel_loop3A_456 : i32 to vector<16xi32>
        %parallel_loop3A_458 = arith.addi %add3A_75, %parallel_loop3A_457 : vector<16xi32>
        %parallel_loop3A_459 = arith.select %parallel_loop3A_455, %parallel_loop3A_458, %add3A_75 : vector<16xi1>, vector<16xi32>
        %parallel_loop3A_460 = vector.shape_cast %parallel_loop3A_459 : vector<16xi32> to vector<16x1xi32>
        %parallel_loop3A_461 = vector.shape_cast %parallel_loop3A_460 : vector<16x1xi32> to vector<16xi32>
        %parallel_loop3A_462 = tpu.dynamic_gather %parallel_loop3A_452[%parallel_loop3A_461] in [0] : vector<16xf32>, vector<16xi32> -> vector<16xf32>
        %parallel_loop3A_463 = arith.select %lt3A_83, %parallel_loop3A_437, %parallel_loop3A_462 : vector<16xi1>, vector<16xf32>
        %parallel_loop3A_464 = arith.select %lt3A_80, %parallel_loop3A_412, %parallel_loop3A_463 : vector<16xi1>, vector<16xf32>
        %parallel_loop3A_465 = arith.select %lt3A_77, %parallel_loop3A_387, %parallel_loop3A_464 : vector<16xi1>, vector<16xf32>
        %parallel_loop3A_466 = math.exp %parallel_loop3A_465 : vector<16xf32>
        %parallel_loop3A_467 = vector.broadcast %parallel_loop3A_362 : f32 to vector<16xf32>
        %parallel_loop3A_468 = arith.mulf %parallel_loop3A_466, %parallel_loop3A_467 : vector<16xf32>
        %parallel_loop3A_469 = arith.constant 0 : i32
        %parallel_loop3A_470 = vector.broadcast %parallel_loop3A_469 : i32 to vector<16xi32>
        %parallel_loop3A_471 = arith.cmpi slt, %add3A_88, %parallel_loop3A_470 : vector<16xi32>
        %parallel_loop3A_472 = arith.constant 16 : i32
        %parallel_loop3A_473 = vector.broadcast %parallel_loop3A_472 : i32 to vector<16xi32>
        %parallel_loop3A_474 = arith.addi %add3A_88, %parallel_loop3A_473 : vector<16xi32>
        %parallel_loop3A_475 = arith.select %parallel_loop3A_471, %parallel_loop3A_474, %add3A_88 : vector<16xi1>, vector<16xi32>
        %parallel_loop3A_476 = vector.shape_cast %parallel_loop3A_475 : vector<16xi32> to vector<16x1xi32>
        %parallel_loop3A_477 = vector.shape_cast %parallel_loop3A_476 : vector<16x1xi32> to vector<16xi32>
        %parallel_loop3A_478 = tpu.dynamic_gather %parallel_loop3A_468[%parallel_loop3A_477] in [0] : vector<16xf32>, vector<16xi32> -> vector<16xf32>
        %parallel_loop3A_479 = arith.mulf %parallel_loop3A_311, %parallel_loop3A_478 : vector<16xf32>
        %parallel_loop3A_480 = arith.index_cast %parallel_loop3A_308 : i32 to index
        %parallel_loop3A_481 = arith.constant 0 : index
        %parallel_loop3A_482 = tpu.vector_load %arg19[%parallel_loop3A_480, %parallel_loop3A_481] {strides = array<i32>} : memref<128x80xf32, #tpu.memory_space<vmem>>, vector<16xf32>,
        tpu.vector_store %arg19[%parallel_loop3A_480, %parallel_loop3A_481], %parallel_loop3A_479 {strides = array<i32>} : memref<128x80xf32, #tpu.memory_space<vmem>>, vector<16xf32>,
        %parallel_loop3A_483 = arith.constant 0 : i32
        %parallel_loop3A_484 = vector.broadcast %parallel_loop3A_483 : i32 to vector<16xi32>
        %parallel_loop3A_485 = arith.cmpi slt, %add3A_94, %parallel_loop3A_484 : vector<16xi32>
        %parallel_loop3A_486 = arith.constant 16 : i32
        %parallel_loop3A_487 = vector.broadcast %parallel_loop3A_486 : i32 to vector<16xi32>
        %parallel_loop3A_488 = arith.addi %add3A_94, %parallel_loop3A_487 : vector<16xi32>
        %parallel_loop3A_489 = arith.select %parallel_loop3A_485, %parallel_loop3A_488, %add3A_94 : vector<16xi1>, vector<16xi32>
        %parallel_loop3A_490 = vector.shape_cast %parallel_loop3A_489 : vector<16xi32> to vector<16x1xi32>
        %parallel_loop3A_491 = vector.shape_cast %parallel_loop3A_490 : vector<16x1xi32> to vector<16xi32>
        %parallel_loop3A_492 = tpu.dynamic_gather %parallel_loop3A_468[%parallel_loop3A_491] in [0] : vector<16xf32>, vector<16xi32> -> vector<16xf32>
        %parallel_loop3A_493 = arith.mulf %parallel_loop3A_314, %parallel_loop3A_492 : vector<16xf32>
        %parallel_loop3A_494 = arith.index_cast %parallel_loop3A_308 : i32 to index
        %parallel_loop3A_495 = arith.constant 16 : index
        %parallel_loop3A_496 = tpu.vector_load %arg19[%parallel_loop3A_494, %parallel_loop3A_495] {strides = array<i32>} : memref<128x80xf32, #tpu.memory_space<vmem>>, vector<16xf32>,
        tpu.vector_store %arg19[%parallel_loop3A_494, %parallel_loop3A_495], %parallel_loop3A_493 {strides = array<i32>} : memref<128x80xf32, #tpu.memory_space<vmem>>, vector<16xf32>,
        %parallel_loop3A_497 = arith.constant 0 : i32
        %parallel_loop3A_498 = vector.broadcast %parallel_loop3A_497 : i32 to vector<16xi32>
        %parallel_loop3A_499 = arith.cmpi slt, %add3A_100, %parallel_loop3A_498 : vector<16xi32>
        %parallel_loop3A_500 = arith.constant 16 : i32
        %parallel_loop3A_501 = vector.broadcast %parallel_loop3A_500 : i32 to vector<16xi32>
        %parallel_loop3A_502 = arith.addi %add3A_100, %parallel_loop3A_501 : vector<16xi32>
        %parallel_loop3A_503 = arith.select %parallel_loop3A_499, %parallel_loop3A_502, %add3A_100 : vector<16xi1>, vector<16xi32>
        %parallel_loop3A_504 = vector.shape_cast %parallel_loop3A_503 : vector<16xi32> to vector<16x1xi32>
        %parallel_loop3A_505 = vector.shape_cast %parallel_loop3A_504 : vector<16x1xi32> to vector<16xi32>
        %parallel_loop3A_506 = tpu.dynamic_gather %parallel_loop3A_468[%parallel_loop3A_505] in [0] : vector<16xf32>, vector<16xi32> -> vector<16xf32>
        %parallel_loop3A_507 = arith.mulf %parallel_loop3A_317, %parallel_loop3A_506 : vector<16xf32>
        %parallel_loop3A_508 = arith.index_cast %parallel_loop3A_308 : i32 to index
        %parallel_loop3A_509 = arith.constant 32 : index
        %parallel_loop3A_510 = tpu.vector_load %arg19[%parallel_loop3A_508, %parallel_loop3A_509] {strides = array<i32>} : memref<128x80xf32, #tpu.memory_space<vmem>>, vector<16xf32>,
        tpu.vector_store %arg19[%parallel_loop3A_508, %parallel_loop3A_509], %parallel_loop3A_507 {strides = array<i32>} : memref<128x80xf32, #tpu.memory_space<vmem>>, vector<16xf32>,
        %parallel_loop3A_511 = arith.constant 0 : i32
        %parallel_loop3A_512 = vector.broadcast %parallel_loop3A_511 : i32 to vector<16xi32>
        %parallel_loop3A_513 = arith.cmpi slt, %add3A_106, %parallel_loop3A_512 : vector<16xi32>
        %parallel_loop3A_514 = arith.constant 16 : i32
        %parallel_loop3A_515 = vector.broadcast %parallel_loop3A_514 : i32 to vector<16xi32>
        %parallel_loop3A_516 = arith.addi %add3A_106, %parallel_loop3A_515 : vector<16xi32>
        %parallel_loop3A_517 = arith.select %parallel_loop3A_513, %parallel_loop3A_516, %add3A_106 : vector<16xi1>, vector<16xi32>
        %parallel_loop3A_518 = vector.shape_cast %parallel_loop3A_517 : vector<16xi32> to vector<16x1xi32>
        %parallel_loop3A_519 = vector.shape_cast %parallel_loop3A_518 : vector<16x1xi32> to vector<16xi32>
        %parallel_loop3A_520 = tpu.dynamic_gather %parallel_loop3A_468[%parallel_loop3A_519] in [0] : vector<16xf32>, vector<16xi32> -> vector<16xf32>
        %parallel_loop3A_521 = arith.mulf %parallel_loop3A_320, %parallel_loop3A_520 : vector<16xf32>
        %parallel_loop3A_522 = arith.index_cast %parallel_loop3A_308 : i32 to index
        %parallel_loop3A_523 = arith.constant 48 : index
        %parallel_loop3A_524 = tpu.vector_load %arg19[%parallel_loop3A_522, %parallel_loop3A_523] {strides = array<i32>} : memref<128x80xf32, #tpu.memory_space<vmem>>, vector<16xf32>,
        tpu.vector_store %arg19[%parallel_loop3A_522, %parallel_loop3A_523], %parallel_loop3A_521 {strides = array<i32>} : memref<128x80xf32, #tpu.memory_space<vmem>>, vector<16xf32>,
        %parallel_loop3A_525 = arith.constant 0 : i32
        %parallel_loop3A_526 = vector.broadcast %parallel_loop3A_525 : i32 to vector<16xi32>
        %parallel_loop3A_527 = arith.cmpi slt, %and3A_109, %parallel_loop3A_526 : vector<16xi32>
        %parallel_loop3A_528 = arith.constant 16 : i32
        %parallel_loop3A_529 = vector.broadcast %parallel_loop3A_528 : i32 to vector<16xi32>
        %parallel_loop3A_530 = arith.addi %and3A_109, %parallel_loop3A_529 : vector<16xi32>
        %parallel_loop3A_531 = arith.select %parallel_loop3A_527, %parallel_loop3A_530, %and3A_109 : vector<16xi1>, vector<16xi32>
        %parallel_loop3A_532 = vector.shape_cast %parallel_loop3A_531 : vector<16xi32> to vector<16x1xi32>
        %parallel_loop3A_533 = vector.shape_cast %parallel_loop3A_532 : vector<16x1xi32> to vector<16xi32>
        %parallel_loop3A_534 = tpu.dynamic_gather %parallel_loop3A_468[%parallel_loop3A_533] in [0] : vector<16xf32>, vector<16xi32> -> vector<16xf32>
        %parallel_loop3A_535 = arith.index_cast %parallel_loop3A_308 : i32 to index
        %parallel_loop3A_536 = arith.constant 64 : index
        %parallel_loop3A_537 = tpu.vector_load %arg19[%parallel_loop3A_535, %parallel_loop3A_536] {strides = array<i32>} : memref<128x80xf32, #tpu.memory_space<vmem>>, vector<16xf32>,
        tpu.vector_store %arg19[%parallel_loop3A_535, %parallel_loop3A_536], %parallel_loop3A_534 {strides = array<i32>} : memref<128x80xf32, #tpu.memory_space<vmem>>, vector<16xf32>,
      } {sc.loop_unroll_factor = 4 : i64, sc.parallel_access}
      %dma_start3A_305 = arith.constant 0 : i32
      %dma_start3A_306 = arith.constant 0 : i32
      %dma_start3A_307 = tpu.memref_slice %arg21[%dma_start3A_305, %dma_start3A_306] : memref<10000x80xf32, #tpu.memory_space<vmem_shared>> -> memref<10000x80xf32, #tpu.memory_space<vmem_shared>>
      tpu.enqueue_indirect_dma source(%arg19 : memref<128x80xf32, #tpu.memory_space<vmem>>) target(%dma_start3A_307 : memref<10000x80xf32, #tpu.memory_space<vmem_shared>>) offsets(%arg13 : memref<128xi32, #tpu.memory_space<vmem>>) semaphore(%arg31 : memref<!tpu.dma_semaphore, #tpu.memory_space<semaphore_mem>>) {add = true}
    }
    %scan3A_115 = arith.constant 41 : i32
    %dma_wait3A_116 = arith.constant 0 : i32
    %dma_wait3A_117 = arith.constant 0 : i32
    %dma_wait3A_118 = tpu.memref_slice %arg2[%dma_wait3A_116, %dma_wait3A_117] : memref<10000x64xf32, #tpu.memory_space<hbm>> -> memref<10000x64xf32, #tpu.memory_space<hbm>>
    tpu.wait_indirect_dma semaphore(%arg26 : memref<!tpu.dma_semaphore, #tpu.memory_space<semaphore_mem>>) src(%dma_wait3A_118 : memref<10000x64xf32, #tpu.memory_space<hbm>>) dst(%arg14 : memref<128x64xf32, #tpu.memory_space<vmem>>)
    %dma_wait3A_119 = arith.constant 0 : i32
    %dma_wait3A_120 = arith.constant 0 : i32
    %dma_wait3A_121 = tpu.memref_slice %arg3[%dma_wait3A_119, %dma_wait3A_120] : memref<10000x64xf32, #tpu.memory_space<hbm>> -> memref<10000x64xf32, #tpu.memory_space<hbm>>
    tpu.wait_indirect_dma semaphore(%arg28 : memref<!tpu.dma_semaphore, #tpu.memory_space<semaphore_mem>>) src(%dma_wait3A_121 : memref<10000x64xf32, #tpu.memory_space<hbm>>) dst(%arg16 : memref<128x64xf32, #tpu.memory_space<vmem>>)
    %dma_wait3A_122 = arith.constant 0 : i32
    %dma_wait3A_123 = tpu.memref_slice %arg4[%dma_wait3A_122] : memref<336128xi32, #tpu.memory_space<hbm>> -> memref<128xi32, #tpu.memory_space<hbm>>
    %dma_wait3A_124 = arith.constant 0 : i32
    %dma_wait3A_125 = tpu.memref_slice %arg4[%dma_wait3A_124] : memref<336128xi32, #tpu.memory_space<hbm>> -> memref<128xi32, #tpu.memory_space<hbm>>
    tpu.wait_dma2 semaphore(%arg23 : memref<!tpu.dma_semaphore, #tpu.memory_space<semaphore_mem>>) src(%dma_wait3A_125 : memref<128xi32, #tpu.memory_space<hbm>>) dst(%arg9 : memref<128xi32, #tpu.memory_space<vmem>>)
    %dma_wait3A_126 = arith.constant 0 : i32
    %dma_wait3A_127 = tpu.memref_slice %arg5[%dma_wait3A_126] : memref<336128xi32, #tpu.memory_space<hbm>> -> memref<128xi32, #tpu.memory_space<hbm>>
    %dma_wait3A_128 = arith.constant 0 : i32
    %dma_wait3A_129 = tpu.memref_slice %arg5[%dma_wait3A_128] : memref<336128xi32, #tpu.memory_space<hbm>> -> memref<128xi32, #tpu.memory_space<hbm>>
    tpu.wait_dma2 semaphore(%arg25 : memref<!tpu.dma_semaphore, #tpu.memory_space<semaphore_mem>>) src(%dma_wait3A_129 : memref<128xi32, #tpu.memory_space<hbm>>) dst(%arg11 : memref<128xi32, #tpu.memory_space<vmem>>)
    %dma_wait3A_130 = arith.constant 0 : i32
    %dma_wait3A_131 = arith.constant 0 : i32
    %dma_wait3A_132 = tpu.memref_slice %arg21[%dma_wait3A_130, %dma_wait3A_131] : memref<10000x80xf32, #tpu.memory_space<vmem_shared>> -> memref<10000x80xf32, #tpu.memory_space<vmem_shared>>
    tpu.wait_indirect_dma semaphore(%arg30 : memref<!tpu.dma_semaphore, #tpu.memory_space<semaphore_mem>>) src(%arg18 : memref<128x80xf32, #tpu.memory_space<vmem>>) dst(%dma_wait3A_132 : memref<10000x80xf32, #tpu.memory_space<vmem_shared>>)
    %dma_wait3A_133 = arith.constant 0 : i32
    %dma_wait3A_134 = arith.constant 0 : i32
    %dma_wait3A_135 = tpu.memref_slice %arg21[%dma_wait3A_133, %dma_wait3A_134] : memref<10000x80xf32, #tpu.memory_space<vmem_shared>> -> memref<10000x80xf32, #tpu.memory_space<vmem_shared>>
    tpu.wait_indirect_dma semaphore(%arg31 : memref<!tpu.dma_semaphore, #tpu.memory_space<semaphore_mem>>) src(%arg19 : memref<128x80xf32, #tpu.memory_space<vmem>>) dst(%dma_wait3A_135 : memref<10000x80xf32, #tpu.memory_space<vmem_shared>>)
    %barrier3A_136 = arith.constant 0 : index
    tpu.barrier barrier_id(%barrier3A_136)
    %mul3A_137 = arith.constant 10000 : i32
    %mul3A_138 = arith.muli %arg0, %mul3A_137 : i32
    %add3A_139 = arith.addi %mul3A_138, %mul3A_12 : i32
    "tpu.region"() ({
      %run_scoped3A = tpu.sem_alloc : memref<!tpu.dma_semaphore, #tpu.memory_space<semaphore_mem>>
      %dma_start3A_145 = arith.constant 0 : i32
      %dma_start3A_146 = tpu.memref_slice %arg7[%add3A_139, %dma_start3A_145] : memref<20000x80xf32, #tpu.memory_space<hbm>> -> memref<624x80xf32, #tpu.memory_space<hbm>>
      %dma_start3A_147 = arith.constant 0 : i32
      %dma_start3A_148 = tpu.memref_slice %arg21[%mul3A_12, %dma_start3A_147] : memref<10000x80xf32, #tpu.memory_space<vmem_shared>> -> memref<624x80xf32, #tpu.memory_space<vmem_shared>>
      tpu.enqueue_dma source(%dma_start3A_148 : memref<624x80xf32, #tpu.memory_space<vmem_shared>>) target(%dma_start3A_146 : memref<624x80xf32, #tpu.memory_space<hbm>>) target_semaphore(%run_scoped3A : memref<!tpu.dma_semaphore, #tpu.memory_space<semaphore_mem>>)
      %dma_wait3A_149 = arith.constant 0 : i32
      %dma_wait3A_150 = tpu.memref_slice %arg7[%add3A_139, %dma_wait3A_149] : memref<20000x80xf32, #tpu.memory_space<hbm>> -> memref<624x80xf32, #tpu.memory_space<hbm>>
      %dma_wait3A_151 = arith.constant 0 : i32
      %dma_wait3A_152 = tpu.memref_slice %arg21[%mul3A_12, %dma_wait3A_151] : memref<10000x80xf32, #tpu.memory_space<vmem_shared>> -> memref<624x80xf32, #tpu.memory_space<vmem_shared>>
      tpu.wait_dma2 semaphore(%run_scoped3A : memref<!tpu.dma_semaphore, #tpu.memory_space<semaphore_mem>>) src(%dma_wait3A_152 : memref<624x80xf32, #tpu.memory_space<vmem_shared>>) dst(%dma_wait3A_150 : memref<624x80xf32, #tpu.memory_space<hbm>>)
      tpu.yield
    }) : () -> ()
    %eq3A_140 = arith.constant 15 : i32
    %eq3A_141 = arith.cmpi eq, %arg1, %eq3A_140 : i32
    %convert_element_type3A_142 = arith.extui %eq3A_141 : i1 to i32
    %cond3A_143 = arith.constant 0 : i32
    %cond3A_144 = arith.cmpi ne, %convert_element_type3A_142, %cond3A_143 : i32
    scf.if %cond3A_144 {
      %mul3A_145 = arith.constant 10000 : i32
      %mul3A_146 = arith.muli %arg0, %mul3A_145 : i32
      %add3A_147 = arith.constant 9984 : i32
      %add3A_148 = arith.addi %mul3A_146, %add3A_147 : i32
      "tpu.region"() ({
        %run_scoped3A = tpu.sem_alloc : memref<!tpu.dma_semaphore, #tpu.memory_space<semaphore_mem>>
        %dma_start3A_149 = arith.constant 0 : i32
        %dma_start3A_150 = tpu.memref_slice %arg7[%add3A_148, %dma_start3A_149] : memref<20000x80xf32, #tpu.memory_space<hbm>> -> memref<16x80xf32, #tpu.memory_space<hbm>>
        %dma_start3A_151 = arith.constant 9984 : i32
        %dma_start3A_152 = arith.constant 0 : i32
        %dma_start3A_153 = tpu.memref_slice %arg21[%dma_start3A_151, %dma_start3A_152] : memref<10000x80xf32, #tpu.memory_space<vmem_shared>> -> memref<16x80xf32, #tpu.memory_space<vmem_shared>>
        tpu.enqueue_dma source(%dma_start3A_153 : memref<16x80xf32, #tpu.memory_space<vmem_shared>>) target(%dma_start3A_150 : memref<16x80xf32, #tpu.memory_space<hbm>>) target_semaphore(%run_scoped3A : memref<!tpu.dma_semaphore, #tpu.memory_space<semaphore_mem>>)
        %dma_wait3A_154 = arith.constant 0 : i32
        %dma_wait3A_155 = tpu.memref_slice %arg7[%add3A_148, %dma_wait3A_154] : memref<20000x80xf32, #tpu.memory_space<hbm>> -> memref<16x80xf32, #tpu.memory_space<hbm>>
        %dma_wait3A_156 = arith.constant 9984 : i32
        %dma_wait3A_157 = arith.constant 0 : i32
        %dma_wait3A_158 = tpu.memref_slice %arg21[%dma_wait3A_156, %dma_wait3A_157] : memref<10000x80xf32, #tpu.memory_space<vmem_shared>> -> memref<16x80xf32, #tpu.memory_space<vmem_shared>>
        tpu.wait_dma2 semaphore(%run_scoped3A : memref<!tpu.dma_semaphore, #tpu.memory_space<semaphore_mem>>) src(%dma_wait3A_158 : memref<16x80xf32, #tpu.memory_space<vmem_shared>>) dst(%dma_wait3A_155 : memref<16x80xf32, #tpu.memory_space<hbm>>)
        tpu.yield
      }) : () -> ()
    } else {
    }
    return
  }
}

module attributes {stable_mosaic.version = 14 : i64} {
  func.func @_proj2_kernel(%arg0: i32, %arg1: memref<2000x128xf32, #tpu.memory_space<vmem>>, %arg2: memref<128x64xf32, #tpu.memory_space<vmem>>, %arg3: memref<128x64xf32, #tpu.memory_space<vmem>>, %arg4: memref<2000x64xf32, #tpu.memory_space<vmem>>, %arg5: memref<2000x64xf32, #tpu.memory_space<vmem>>) attributes {dimension_semantics = [#tpu.dimension_semantics<arbitrary>], iteration_bounds = array<i64: 5>, scalar_prefetch = 0 : i64, scratch_operands = 0 : i64, tpu.core_type = #tpu.core_type<tc>, window_params = [{transform_indices = @transform_0, window_bounds = array<i64: 2000, 128>}, {pipeline_mode = #tpu.pipeline_mode<synchronous>, transform_indices = @transform_1, window_bounds = array<i64: 128, 64>}, {pipeline_mode = #tpu.pipeline_mode<synchronous>, transform_indices = @transform_2, window_bounds = array<i64: 128, 64>}, {transform_indices = @transform_3, window_bounds = array<i64: 2000, 64>}, {transform_indices = @transform_4, window_bounds = array<i64: 2000, 64>}]} {
    %get3A = arith.constant 0 : index
    %get3A_0 = arith.constant 0 : index
    %get3A_1 = vector.load %arg1[%get3A, %get3A_0] : memref<2000x128xf32, #tpu.memory_space<vmem>>, vector<2000x128xf32>
    %get3A_2 = arith.constant 0 : index
    %get3A_3 = arith.constant 0 : index
    %get3A_4 = vector.load %arg2[%get3A_2, %get3A_3] : memref<128x64xf32, #tpu.memory_space<vmem>>, vector<128x64xf32>
    %dot_general3A = arith.constant dense<0.000000e+00> : vector<2000x64xf32>
    %dot_general3A_5 = tpu.matmul %get3A_1, %get3A_4, %dot_general3A {dimension_numbers = #tpu.dot_dimension_numbers<[1], [0], [0], [1], [0, 0, 1, 1], [], []>, transpose_lhs_hint = false} : vector<2000x128xf32>, vector<128x64xf32>, vector<2000x64xf32> -> vector<2000x64xf32>
    %swap3A = arith.constant 0 : index
    %swap3A_6 = arith.constant 0 : index
    %swap3A_7 = vector.load %arg4[%swap3A, %swap3A_6] : memref<2000x64xf32, #tpu.memory_space<vmem>>, vector<2000x64xf32>
    tpu.vector_store %arg4[%swap3A, %swap3A_6], %dot_general3A_5 {strides = array<i32>} : memref<2000x64xf32, #tpu.memory_space<vmem>>, vector<2000x64xf32>,
    %get3A_8 = arith.constant 0 : index
    %get3A_9 = arith.constant 0 : index
    %get3A_10 = vector.load %arg3[%get3A_8, %get3A_9] : memref<128x64xf32, #tpu.memory_space<vmem>>, vector<128x64xf32>
    %dot_general3A_11 = arith.constant dense<0.000000e+00> : vector<2000x64xf32>
    %dot_general3A_12 = tpu.matmul %get3A_1, %get3A_10, %dot_general3A_11 {dimension_numbers = #tpu.dot_dimension_numbers<[1], [0], [0], [1], [0, 0, 1, 1], [], []>, transpose_lhs_hint = false} : vector<2000x128xf32>, vector<128x64xf32>, vector<2000x64xf32> -> vector<2000x64xf32>
    %swap3A_13 = arith.constant 0 : index
    %swap3A_14 = arith.constant 0 : index
    %swap3A_15 = vector.load %arg5[%swap3A_13, %swap3A_14] : memref<2000x64xf32, #tpu.memory_space<vmem>>, vector<2000x64xf32>
    tpu.vector_store %arg5[%swap3A_13, %swap3A_14], %dot_general3A_12 {strides = array<i32>} : memref<2000x64xf32, #tpu.memory_space<vmem>>, vector<2000x64xf32>,
    return
  }
  func.func @transform_0(%arg0: i32) -> (i32, i32) {
    %c0_i32 = arith.constant 0 : i32
    %c0_i32_0 = arith.constant 0 : i32
    return %arg0, %c0_i32 : i32, i32
  }
  func.func @transform_1(%arg0: i32) -> (i32, i32) {
    %c0_i32 = arith.constant 0 : i32
    %c0_i32_0 = arith.constant 0 : i32
    %c0_i32_1 = arith.constant 0 : i32
    return %c0_i32, %c0_i32_0 : i32, i32
  }
  func.func @transform_2(%arg0: i32) -> (i32, i32) {
    %c0_i32 = arith.constant 0 : i32
    %c0_i32_0 = arith.constant 0 : i32
    %c0_i32_1 = arith.constant 0 : i32
    return %c0_i32, %c0_i32_0 : i32, i32
  }
  func.func @transform_3(%arg0: i32) -> (i32, i32) {
    %c0_i32 = arith.constant 0 : i32
    %c0_i32_0 = arith.constant 0 : i32
    return %arg0, %c0_i32 : i32, i32
  }
  func.func @transform_4(%arg0: i32) -> (i32, i32) {
    %c0_i32 = arith.constant 0 : i32
    %c0_i32_0 = arith.constant 0 : i32
    return %arg0, %c0_i32 : i32, i32
  }
}

module attributes {stable_mosaic.version = 14 : i64} {
  func.func @_combine1_kernel(%arg0: i32, %arg1: memref<2000x80xf32, #tpu.memory_space<vmem>>, %arg2: memref<2000x80xf32, #tpu.memory_space<vmem>>, %arg3: memref<8x64xf32, #tpu.memory_space<vmem>>, %arg4: memref<1x64xf32, #tpu.memory_space<vmem>>, %arg5: memref<64x64xf32, #tpu.memory_space<vmem>>, %arg6: memref<64x64xf32, #tpu.memory_space<vmem>>, %arg7: memref<2000x64xf32, #tpu.memory_space<vmem>>, %arg8: memref<2000x64xf32, #tpu.memory_space<vmem>>) attributes {dimension_semantics = [#tpu.dimension_semantics<arbitrary>], iteration_bounds = array<i64: 5>, scalar_prefetch = 0 : i64, scratch_operands = 0 : i64, tpu.core_type = #tpu.core_type<tc>, window_params = [{transform_indices = @transform_0, window_bounds = array<i64: 2000, 80>}, {transform_indices = @transform_1, window_bounds = array<i64: 2000, 80>}, {pipeline_mode = #tpu.pipeline_mode<synchronous>, transform_indices = @transform_2, window_bounds = array<i64: 8, 64>}, {pipeline_mode = #tpu.pipeline_mode<synchronous>, transform_indices = @transform_3, window_bounds = array<i64: 1, 64>}, {pipeline_mode = #tpu.pipeline_mode<synchronous>, transform_indices = @transform_4, window_bounds = array<i64: 64, 64>}, {pipeline_mode = #tpu.pipeline_mode<synchronous>, transform_indices = @transform_5, window_bounds = array<i64: 64, 64>}, {transform_indices = @transform_6, window_bounds = array<i64: 2000, 64>}, {transform_indices = @transform_7, window_bounds = array<i64: 2000, 64>}]} {
    %get3A = arith.constant 0 : index
    %get3A_0 = arith.constant 0 : index
    %get3A_1 = vector.load %arg1[%get3A, %get3A_0] : memref<2000x80xf32, #tpu.memory_space<vmem>>, vector<2000x80xf32>
    %get3A_2 = arith.constant 0 : index
    %get3A_3 = arith.constant 0 : index
    %get3A_4 = vector.load %arg2[%get3A_2, %get3A_3] : memref<2000x80xf32, #tpu.memory_space<vmem>>, vector<2000x80xf32>
    %add3A = arith.addf %get3A_1, %get3A_4 : vector<2000x80xf32>
    %slice3A = vector.extract_strided_slice %add3A {offsets = [0, 0], sizes = [2000, 64], strides = [1, 1]} : vector<2000x80xf32> to vector<2000x64xf32>
    %slice3A_5 = vector.extract_strided_slice %add3A {offsets = [0, 64], sizes = [2000, 8], strides = [1, 1]} : vector<2000x80xf32> to vector<2000x8xf32>
    %add3A_6 = arith.constant 1.000000e-16 : f32
    %add3A_7 = vector.broadcast %add3A_6 : f32 to vector<2000x8xf32>
    %add3A_8 = arith.addf %slice3A_5, %add3A_7 : vector<2000x8xf32>
    %div3A = arith.constant 1.000000e+00 : f32
    %div3A_9 = vector.broadcast %div3A : f32 to vector<2000x8xf32>
    %div3A_10 = arith.divf %div3A_9, %add3A_8 : vector<2000x8xf32>
    %get3A_11 = arith.constant 0 : index
    %get3A_12 = arith.constant 0 : index
    %get3A_13 = vector.load %arg3[%get3A_11, %get3A_12] : memref<8x64xf32, #tpu.memory_space<vmem>>, vector<8x64xf32>
    %dot_general3A = arith.constant dense<0.000000e+00> : vector<2000x64xf32>
    %dot_general3A_14 = tpu.matmul %div3A_10, %get3A_13, %dot_general3A {dimension_numbers = #tpu.dot_dimension_numbers<[1], [0], [0], [1], [0, 0, 1, 1], [], []>, transpose_lhs_hint = false} : vector<2000x8xf32>, vector<8x64xf32>, vector<2000x64xf32> -> vector<2000x64xf32>
    %mul3A = arith.mulf %slice3A, %dot_general3A_14 : vector<2000x64xf32>
    %get3A_15 = arith.constant 0 : index
    %get3A_16 = arith.constant 0 : index
    %get3A_17 = vector.load %arg4[%get3A_15, %get3A_16] : memref<1x64xf32, #tpu.memory_space<vmem>>, vector<1x64xf32>
    %add3A_18 = vector.broadcast %get3A_17 : vector<1x64xf32> to vector<2000x64xf32>
    %add3A_19 = arith.addf %mul3A, %add3A_18 : vector<2000x64xf32>
    %gt3A = arith.constant 0.000000e+00 : f32
    %gt3A_20 = vector.broadcast %gt3A : f32 to vector<2000x64xf32>
    %gt3A_21 = arith.cmpf ogt, %add3A_19, %gt3A_20 : vector<2000x64xf32>
    %exp3A = math.exp %add3A_19 : vector<2000x64xf32>
    %sub3A = arith.constant 1.000000e+00 : f32
    %sub3A_22 = vector.broadcast %sub3A : f32 to vector<2000x64xf32>
    %sub3A_23 = arith.subf %exp3A, %sub3A_22 : vector<2000x64xf32>
    %select_n3A = arith.select %gt3A_21, %add3A_19, %sub3A_23 : vector<2000x64xi1>, vector<2000x64xf32>
    %get3A_24 = arith.constant 0 : index
    %get3A_25 = arith.constant 0 : index
    %get3A_26 = vector.load %arg5[%get3A_24, %get3A_25] : memref<64x64xf32, #tpu.memory_space<vmem>>, vector<64x64xf32>
    %dot_general3A_27 = arith.constant dense<0.000000e+00> : vector<2000x64xf32>
    %dot_general3A_28 = tpu.matmul %select_n3A, %get3A_26, %dot_general3A_27 {dimension_numbers = #tpu.dot_dimension_numbers<[1], [0], [0], [1], [0, 0, 1, 1], [], []>, transpose_lhs_hint = false} : vector<2000x64xf32>, vector<64x64xf32>, vector<2000x64xf32> -> vector<2000x64xf32>
    %swap3A = arith.constant 0 : index
    %swap3A_29 = arith.constant 0 : index
    %swap3A_30 = vector.load %arg7[%swap3A, %swap3A_29] : memref<2000x64xf32, #tpu.memory_space<vmem>>, vector<2000x64xf32>
    tpu.vector_store %arg7[%swap3A, %swap3A_29], %dot_general3A_28 {strides = array<i32>} : memref<2000x64xf32, #tpu.memory_space<vmem>>, vector<2000x64xf32>,
    %get3A_31 = arith.constant 0 : index
    %get3A_32 = arith.constant 0 : index
    %get3A_33 = vector.load %arg6[%get3A_31, %get3A_32] : memref<64x64xf32, #tpu.memory_space<vmem>>, vector<64x64xf32>
    %dot_general3A_34 = arith.constant dense<0.000000e+00> : vector<2000x64xf32>
    %dot_general3A_35 = tpu.matmul %select_n3A, %get3A_33, %dot_general3A_34 {dimension_numbers = #tpu.dot_dimension_numbers<[1], [0], [0], [1], [0, 0, 1, 1], [], []>, transpose_lhs_hint = false} : vector<2000x64xf32>, vector<64x64xf32>, vector<2000x64xf32> -> vector<2000x64xf32>
    %swap3A_36 = arith.constant 0 : index
    %swap3A_37 = arith.constant 0 : index
    %swap3A_38 = vector.load %arg8[%swap3A_36, %swap3A_37] : memref<2000x64xf32, #tpu.memory_space<vmem>>, vector<2000x64xf32>
    tpu.vector_store %arg8[%swap3A_36, %swap3A_37], %dot_general3A_35 {strides = array<i32>} : memref<2000x64xf32, #tpu.memory_space<vmem>>, vector<2000x64xf32>,
    return
  }
  func.func @transform_0(%arg0: i32) -> (i32, i32) {
    %c0_i32 = arith.constant 0 : i32
    %c0_i32_0 = arith.constant 0 : i32
    return %arg0, %c0_i32 : i32, i32
  }
  func.func @transform_1(%arg0: i32) -> (i32, i32) {
    %add3A = arith.constant 5 : i32
    %add3A_0 = arith.addi %arg0, %add3A : i32
    %c0_i32 = arith.constant 0 : i32
    %c0_i32_1 = arith.constant 0 : i32
    return %add3A_0, %c0_i32 : i32, i32
  }
  func.func @transform_2(%arg0: i32) -> (i32, i32) {
    %c0_i32 = arith.constant 0 : i32
    %c0_i32_0 = arith.constant 0 : i32
    %c0_i32_1 = arith.constant 0 : i32
    return %c0_i32, %c0_i32_0 : i32, i32
  }
  func.func @transform_3(%arg0: i32) -> (i32, i32) {
    %c0_i32 = arith.constant 0 : i32
    %c0_i32_0 = arith.constant 0 : i32
    %c0_i32_1 = arith.constant 0 : i32
    return %c0_i32, %c0_i32_0 : i32, i32
  }
  func.func @transform_4(%arg0: i32) -> (i32, i32) {
    %c0_i32 = arith.constant 0 : i32
    %c0_i32_0 = arith.constant 0 : i32
    %c0_i32_1 = arith.constant 0 : i32
    return %c0_i32, %c0_i32_0 : i32, i32
  }
  func.func @transform_5(%arg0: i32) -> (i32, i32) {
    %c0_i32 = arith.constant 0 : i32
    %c0_i32_0 = arith.constant 0 : i32
    %c0_i32_1 = arith.constant 0 : i32
    return %c0_i32, %c0_i32_0 : i32, i32
  }
  func.func @transform_6(%arg0: i32) -> (i32, i32) {
    %c0_i32 = arith.constant 0 : i32
    %c0_i32_0 = arith.constant 0 : i32
    return %arg0, %c0_i32 : i32, i32
  }
  func.func @transform_7(%arg0: i32) -> (i32, i32) {
    %c0_i32 = arith.constant 0 : i32
    %c0_i32_0 = arith.constant 0 : i32
    return %arg0, %c0_i32 : i32, i32
  }
}

module attributes {stable_mosaic.version = 14 : i64} {
  func.func @_combine2_kernel(%arg0: i32, %arg1: memref<2000x80xf32, #tpu.memory_space<vmem>>, %arg2: memref<2000x80xf32, #tpu.memory_space<vmem>>, %arg3: memref<1x64xf32, #tpu.memory_space<vmem>>, %arg4: memref<2000x64xf32, #tpu.memory_space<vmem>>) attributes {dimension_semantics = [#tpu.dimension_semantics<arbitrary>], iteration_bounds = array<i64: 5>, scalar_prefetch = 0 : i64, scratch_operands = 0 : i64, tpu.core_type = #tpu.core_type<tc>, window_params = [{transform_indices = @transform_0, window_bounds = array<i64: 2000, 80>}, {transform_indices = @transform_1, window_bounds = array<i64: 2000, 80>}, {pipeline_mode = #tpu.pipeline_mode<synchronous>, transform_indices = @transform_2, window_bounds = array<i64: 1, 64>}, {transform_indices = @transform_3, window_bounds = array<i64: 2000, 64>}]} {
    %get3A = arith.constant 0 : index
    %get3A_0 = arith.constant 0 : index
    %get3A_1 = vector.load %arg1[%get3A, %get3A_0] : memref<2000x80xf32, #tpu.memory_space<vmem>>, vector<2000x80xf32>
    %get3A_2 = arith.constant 0 : index
    %get3A_3 = arith.constant 0 : index
    %get3A_4 = vector.load %arg2[%get3A_2, %get3A_3] : memref<2000x80xf32, #tpu.memory_space<vmem>>, vector<2000x80xf32>
    %add3A = arith.addf %get3A_1, %get3A_4 : vector<2000x80xf32>
    %slice3A = vector.extract_strided_slice %add3A {offsets = [0, 0], sizes = [2000, 64], strides = [1, 1]} : vector<2000x80xf32> to vector<2000x64xf32>
    %slice3A_5 = vector.extract_strided_slice %add3A {offsets = [0, 64], sizes = [2000, 1], strides = [1, 1]} : vector<2000x80xf32> to vector<2000x1xf32>
    %add3A_6 = arith.constant 1.000000e-16 : f32
    %add3A_7 = vector.broadcast %add3A_6 : f32 to vector<2000x1xf32>
    %add3A_8 = arith.addf %slice3A_5, %add3A_7 : vector<2000x1xf32>
    %div3A = vector.broadcast %add3A_8 : vector<2000x1xf32> to vector<2000x64xf32>
    %div3A_9 = arith.divf %slice3A, %div3A : vector<2000x64xf32>
    %get3A_10 = arith.constant 0 : index
    %get3A_11 = arith.constant 0 : index
    %get3A_12 = vector.load %arg3[%get3A_10, %get3A_11] : memref<1x64xf32, #tpu.memory_space<vmem>>, vector<1x64xf32>
    %add3A_13 = vector.broadcast %get3A_12 : vector<1x64xf32> to vector<2000x64xf32>
    %add3A_14 = arith.addf %div3A_9, %add3A_13 : vector<2000x64xf32>
    %reduce_max3A = arith.constant dense<0xFF800000> : vector<2000xf32>
    %reduce_max3A_15 = vector.multi_reduction <maximumf>, %add3A_14, %reduce_max3A [1] : vector<2000x64xf32> to vector<2000xf32>
    %broadcast_in_dim3A = vector.shape_cast %reduce_max3A_15 : vector<2000xf32> to vector<2000x1xf32>
    %sub3A = vector.broadcast %broadcast_in_dim3A : vector<2000x1xf32> to vector<2000x64xf32>
    %sub3A_16 = arith.subf %add3A_14, %sub3A : vector<2000x64xf32>
    %exp3A = math.exp %sub3A_16 : vector<2000x64xf32>
    %reduce_sum3A = arith.constant dense<0.000000e+00> : vector<2000xf32>
    %reduce_sum3A_17 = vector.multi_reduction <add>, %exp3A, %reduce_sum3A [1] : vector<2000x64xf32> to vector<2000xf32>
    %broadcast_in_dim3A_18 = vector.shape_cast %reduce_sum3A_17 : vector<2000xf32> to vector<2000x1xf32>
    %log3A = math.log %broadcast_in_dim3A_18 : vector<2000x1xf32>
    %sub3A_19 = vector.broadcast %log3A : vector<2000x1xf32> to vector<2000x64xf32>
    %sub3A_20 = arith.subf %sub3A_16, %sub3A_19 : vector<2000x64xf32>
    %swap3A = arith.constant 0 : index
    %swap3A_21 = arith.constant 0 : index
    %swap3A_22 = vector.load %arg4[%swap3A, %swap3A_21] : memref<2000x64xf32, #tpu.memory_space<vmem>>, vector<2000x64xf32>
    tpu.vector_store %arg4[%swap3A, %swap3A_21], %sub3A_20 {strides = array<i32>} : memref<2000x64xf32, #tpu.memory_space<vmem>>, vector<2000x64xf32>,
    return
  }
  func.func @transform_0(%arg0: i32) -> (i32, i32) {
    %c0_i32 = arith.constant 0 : i32
    %c0_i32_0 = arith.constant 0 : i32
    return %arg0, %c0_i32 : i32, i32
  }
  func.func @transform_1(%arg0: i32) -> (i32, i32) {
    %add3A = arith.constant 5 : i32
    %add3A_0 = arith.addi %arg0, %add3A : i32
    %c0_i32 = arith.constant 0 : i32
    %c0_i32_1 = arith.constant 0 : i32
    return %add3A_0, %c0_i32 : i32, i32
  }
  func.func @transform_2(%arg0: i32) -> (i32, i32) {
    %c0_i32 = arith.constant 0 : i32
    %c0_i32_0 = arith.constant 0 : i32
    %c0_i32_1 = arith.constant 0 : i32
    return %c0_i32, %c0_i32_0 : i32, i32
  }
  func.func @transform_3(%arg0: i32) -> (i32, i32) {
    %c0_i32 = arith.constant 0 : i32
    %c0_i32_0 = arith.constant 0 : i32
    return %arg0, %c0_i32 : i32, i32
  }
}

</mosaic_0001>

<sc_bundles>
// kernel: kernel.10.cloned.1.call-start
scs
__scs_entry_jumppad:
0x0: {  	(pc) =	sbr.rel $0x88, $3  }
0x1: {  	(tag) =	ssettag $0x0;
	lr =	simm.s32 $0x1  }
0x2: {  	[smem:$0x3F97] =	sst lr;
	_ =	strace $0xD0000000  }
0x3: {  	_ = 	snop  }
0x4: {  	_ = 	snop  }
0x5: {  	_ = 	snop  }
0x6: {  	_ = 	snop  }
0x7: {  	_ = 	snop  }
__scs_overlays_trampoline_lowered:
0x8: {  	[smem:$0x3FA6] =	sst s0  }
0x9: {  	[smem:$0x3FA7] =	sst s1  }
0xa: {  	[smem:$0x3FA8] =	sst s2  }
0xb: {  	[smem:$0x3FA9] =	sst s3  }
0xc: {  	[smem:$0x3FAA] =	sst s4  }
0xd: {  	[smem:$0x3FAB] =	sst s5  }
0xe: {  	[smem:$0x3FAC] =	sst s6  }
0xf: {  	[smem:$0x3FAD] =	sst s7  }
0x10: {  	[smem:$0x3FAE] =	sst s8  }
0x11: {  	[smem:$0x3FAF] =	sst s9;
	s0 =	simm.s32 @!p0 $0x0  }
0x12: {  	s1 =	sld [smem:$0x3F95];
	s0 =	simm.s32 @p0 $0x1  }
0x13: {  	[smem:$0x3FB0] =	sst s0;
	s0 =	simm.s32 @!p1 $0x0  }
0x14: {  	s2 =	sld [smem:$0x3F94];
	s0 =	simm.s32 @p1 $0x1  }
0x15: {  	[smem:$0x3FB1] =	sst s0;
	s0 =	simm.s32 @!p2 $0x0  }
0x16: {  	s3 =	sld [smem:$0x3FDB];
	s0 =	simm.s32 @p2 $0x1  }
0x17: {  	s4 =	simm.s32 $0x1BF5;
	[smem:$0x3FB3] =	sst s0  }
0x18: {  	s0 =	sld [smem:$0x3F96];
	_ =	swait.ge [sflag:s4], $0x0  }
0x19: {  	s7 =	sld [smem:$0x3F97]  }
0x1a: {  	s8 =	sadd.s32 $0xFFFFE003, lr  }
0x1b: {  	s9 =	sadd.s32 $0xFFFFFEF7, lr;
	s5 =	simm.s32 $0xFFFFFFFF;
	p2 =	slt.u32 s8, $0xFFFFF086  }
0x1c: {  	p1 =	slt.u32 s9, $0xF7A;
	s5 =	simm.s32 @!p2 $0x0  }
0x1d: {  	s5 =	simm.s32 @p1 $0x1;
	p0 =	seq.s32 s7, s2  }
0x1e: {  	s7 =	smul.u32 @!p0 $0xF7A, s2;
	p2 =	seq.s32 @!p0 s5, $0x0  }
0x1f: {  	s9 =	smul.u32 $0xF7A, s1;
	s8 =	simm.s32 @!p0 $0x1BF5;
	p2 =	por !p2, p0  }
0x20: {  	[sflag:s8] =	ssyncset.s32 @!p0 $0xFFFFF086;
	s6 =	sadd.s32 @!p0 s3, s7;
	s7 =	simm.s32 @!p0 $0x108  }
0x21: {  	s3 =	sadd.s32 s3, s9;
	s6 =	sadd.s32 @!p0 $0x88, s6;
	s7 =	simm.s32 @p2 $0x1082  }
0x22: {  	[simem:s7], [sflag:s8] =	dma.local @!p0 [hbm:s6], $0xF7A  }
0x23: {  	s9 =	sor.u32 $0xD0000000, s2;
	s6 =	simm.s32 $0x108;
	_ =	swait.ge @!p0 [sflag:s8], $0x0  }
0x24: {  	s3 =	sadd.s32 $0x88, s3;
	s6 =	simm.s32 @!p1 $0x1082;
	[sflag:s4] =	ssyncset.s32 $0xFFFFF086  }
0x25: {  	[simem:s6], [sflag:s4] =	dma.local [hbm:s3], $0xF7A  }
0x26: {  	[smem:$0x3F97] =	sst s1;
	(tag) =	ssettag s2;
	_ =	strace s9  }
0x27: {  	s1 =	sld [smem:$0x3FA7]  }
0x28: {  	s2 =	sld [smem:$0x3FA8]  }
0x29: {  	s4 =	sld [smem:$0x3FAA]  }
0x2a: {  	p0 =	seq.s32 s5, $0x0;
	s5 =	sld [smem:$0x3FAB]  }
0x2b: {  	s6 =	sld [smem:$0x3FAC]  }
0x2c: {  	s7 =	sld [smem:$0x3FAD]  }
0x2d: {  	s3 =	simm.s32 $0x108;
	s8 =	sld [smem:$0x3FAE]  }
0x2e: {  	s3 =	simm.s32 @!p0 $0x1082;
	s9 =	sld [smem:$0x3FAF]  }
0x2f: {  	lr =	sadd.s32 s0, s3;
	s0 =	sld [smem:$0x3FA6]  }
0x30: {  	s3 =	sld [smem:$0x3FA9]  }
0x31: {  	[smem:$0x3FB2] =	sst s10  }
0x32: {  	s10 =	sld [smem:$0x3FB0];
	_ =	sdelay $0x3  }
0x33: {  	p0 =	seq.s32 s10, $0x1;
	s10 =	sld [smem:$0x3FB2];
	_ =	sdelay $0x3  }
0x34: {  	[smem:$0x3FB2] =	sst s10  }
0x35: {  	s10 =	sld [smem:$0x3FB1];
	_ =	sdelay $0x3  }
0x36: {  	p1 =	seq.s32 s10, $0x1;
	s10 =	sld [smem:$0x3FB2];
	_ =	sdelay $0x3  }
0x37: {  	[smem:$0x3FB2] =	sst s10  }
0x38: {  	s10 =	sld [smem:$0x3FB3]  }
0x39: {  	_ = 	snop;
	(pc) =	sbr.ind lr, $3  }
0x3a: {  	_ = 	snop  }
0x3b: {  	_ = 	snop  }
0x3c: {  	p2 =	seq.s32 s10, $0x1;
	s10 =	sld [smem:$0x3FB2]  }
0x3d: {  	_ =	shalt  }
0x3e: {  	_ =	shalt  }
0x3f: {  	_ =	shalt  }
0x40: {  	_ =	shalt  }
0x41: {  	_ =	shalt  }
0x42: {  	_ =	shalt  }
0x43: {  	_ =	shalt  }
0x44: {  	_ =	shalt  }
0x45: {  	_ =	shalt  }
0x46: {  	_ =	shalt  }
0x47: {  	_ =	shalt  }
0x48: {  	_ =	shalt  }
0x49: {  	_ =	shalt  }
0x4a: {  	_ =	shalt  }
0x4b: {  	_ =	shalt  }
0x4c: {  	_ =	shalt  }
0x4d: {  	_ =	shalt  }
0x4e: {  	_ =	shalt  }
0x4f: {  	_ =	shalt  }
0x50: {  	_ =	shalt  }
0x51: {  	_ =	shalt  }
0x52: {  	_ =	shalt  }
0x53: {  	_ =	shalt  }
0x54: {  	_ =	shalt  }
0x55: {  	_ =	shalt  }
0x56: {  	_ =	shalt  }
0x57: {  	_ =	shalt  }
0x58: {  	_ =	shalt  }
0x59: {  	_ =	shalt  }
0x5a: {  	_ =	shalt  }
0x5b: {  	_ =	shalt  }
0x5c: {  	_ =	shalt  }
0x5d: {  	_ =	shalt  }
0x5e: {  	_ =	shalt  }
0x5f: {  	_ =	shalt  }
0x60: {  	_ =	shalt  }
0x61: {  	_ =	shalt  }
0x62: {  	_ =	shalt  }
0x63: {  	_ =	shalt  }
0x64: {  	_ =	shalt  }
0x65: {  	_ =	shalt  }
0x66: {  	_ =	shalt  }
0x67: {  	_ =	shalt  }
0x68: {  	_ =	shalt  }
0x69: {  	_ =	shalt  }
0x6a: {  	_ =	shalt  }
0x6b: {  	_ =	shalt  }
0x6c: {  	_ =	shalt  }
0x6d: {  	_ =	shalt  }
0x6e: {  	_ =	shalt  }
0x6f: {  	_ =	shalt  }
0x70: {  	_ =	shalt  }
0x71: {  	_ =	shalt  }
0x72: {  	_ =	shalt  }
0x73: {  	_ =	shalt  }
0x74: {  	_ =	shalt  }
0x75: {  	_ =	shalt  }
0x76: {  	_ =	shalt  }
0x77: {  	_ =	shalt  }
0x78: {  	_ =	shalt  }
0x79: {  	_ =	shalt  }
0x7a: {  	_ =	shalt  }
0x7b: {  	_ =	shalt  }
0x7c: {  	_ =	shalt  }
0x7d: {  	_ =	shalt  }
0x7e: {  	_ =	shalt  }
0x7f: {  	_ =	shalt  }
0x80: {  	_ =	shalt  }
0x81: {  	_ =	shalt  }
0x82: {  	_ =	shalt  }
0x83: {  	_ =	shalt  }
0x84: {  	_ =	shalt  }
0x85: {  	_ =	shalt  }
0x86: {  	_ =	shalt  }
0x87: {  	_ =	shalt  }
.Lfunc_end0:
.L_simem_size_0:
called_computation.1_lowered:
.L_overlay_start_0:
0x88: {  	s2 =	sld [smem:$0x3FD9]  }
0x89: {  	s3 =	sld [smem:$0x3FFE];
	_ =	sdelay $0x1  }
0x8a: {  	s1 =	srdreg.scid  }
0x8b: {  	s0 =	sand.u32 $0x1, s1  }
0x8c: {  	s17 =	sshll.u32 s0, $0xA;
	s2 =	sadd.s32 s3, s2  }
0x8d: {  	s2 =	sadd.s32 s2, s17  }
0x8e: {  	[smem:$0x3FBE] =	sst s2  }
0x8f: {  	_ = 	snop  }
0x90: {  	s2 =	sld [smem:$0x3FC1]  }
0x91: {  	s18 =	sld [smem:$0x3FD0];
	(tm) =	ssettm $0x1  }
0x92: {  	s4 =	sld [smem:$0x3FFB];
	_ =	sdelay $0x3  }
0x93: {  	_ =	strace s4  }
0x94: {  	s4 =	sld [smem:$0x3FFC];
	_ =	sdelay $0x3  }
0x95: {  	_ =	strace s4  }
0x96: {  	s4 =	sld [smem:$0x3FFD];
	_ =	sdelay $0x3  }
0x97: {  	_ =	strace s4  }
0x98: {  	_ =	strace $0x8FFFFFFF  }
0x99: {  	s19 =	sld [smem:$0x3FDB];
	_ =	sdelay $0x1  }
0x9a: {  	s5 =	simm.s32 $_scs_section_size  }
0x9b: {  	s6 =	simm.s32 $_size__tile_overlayer_lowered;
	s7 =	simm.s32 $_tile_overlayer_lowered  }
0x9c: {  	s22 =	simm.s32 $0x1BFF;
	s21 =	sshll.u32 s7, $0x1;
	s4 =	sadd.s32 s5, s19  }
0x9d: {  	s8 =	simm.s32 $0x0;
	s20 =	sshll.u32 s6, $0x1;
	s6 =	sadd.s32 s21, s4  }
0x9e: {  	[timem:s8], [sflag:s22] =	dma.local [hbm:s6], s20  }
0x9f: {  	_ =	swait.ge [sflag:s22], s20  }
0xa0: {  	s5 =	ssub.s32 $0x0, s20;
	[sflag:s22] =	ssyncset.done $0x0  }
0xa1: {  	[sflag:s22] =	ssyncadd.s32 s5;
	_ =	sdelay $0x1  }
0xa2: {  	s23 =	simm.s32 $0x1B8B  }
0xa3: {  	_ =	swait.ge [sflag:s23], $0x1  }
0xa4: {  	[sflag:s23] =	ssyncset.done $0x0  }
0xa5: {  	s25 =	simm.s32 $0x1B8E;
	s24 =	sld [smem:$0x3FFE];
	[sflag:s23] =	ssyncadd.s32 $0xFFFFFFFF  }
0xa6: {  	s26 =	simm.s32 $execute0_lowered;
	[smem:$0x3FD2] =	sst s25  }
0xa7: {  	s6 =	sshll.u32 s26, $0x1;
	_ =	strace $0x80000049;
	[dreg:$0x1] =	wrdreg $0xFFFFFFFF  }
0xa8: {  	s28 =	simm.s32 $_size_execute0_lowered;
	s4 =	sadd.s32 s4, s6;
	[dreg:$0x0] =	wrdreg $0x0  }
0xa9: {  	s6 =	sshll.u32 s28, $0x1;
	[dreg:$0x2] =	wrdreg s4  }
0xaa: {  	[dreg:$0x3] =	wrdreg s6  }
0xab: {  	[dreg:$0x4] =	wrdreg $0xC0  }
0xac: {  	_ =	task [dreg:s8], $0x5FFFF  }
0xad: {  	[dreg:$0x1] =	wrdreg $0xFFFFFFFF  }
0xae: {  	[dreg:$0x0] =	wrdreg $0x60  }
0xaf: {  	[dreg:$0x2] =	wrdreg s18  }
0xb0: {  	[dreg:$0x3] =	wrdreg s24  }
0xb1: {  	[dreg:$0x4] =	wrdreg s2  }
0xb2: {  	[dreg:$0x5] =	wrdreg $0xD3400  }
0xb3: {  	[dreg:$0x6] =	wrdreg $0x9  }
0xb4: {  	_ =	task.clear_ibuf [dreg:s8], $0x7FFFF;
	_ =	strace $0x90000049  }
0xb5: {  	s29 =	simm.s32 $0x9;
	_ =	strace $0x8000004B  }
0xb6: {  	_ =	swait.ge [sflag:s29], $0x1  }
0xb7: {  	[sflag:s29] =	ssyncadd.s32 $0xFFFFFFFF  }
0xb8: {  	_ =	strace $0x9000004B  }
0xb9: {  	_ =	sfence  }
0xba: {  	s30 =	sld [smem:$0x0];
	_ =	sdelay $0x2  }
0xbb: {  	s31 =	sshll.u32 s1, $0xD;
	s1 =	sshrl.u32 s1, $0x2  }
0xbc: {  	s3 =	sand.u32 $0x4000, s31;
	s1 =	sadd.s32 s1, s30  }
0xbd: {  	s0 =	sor.u32 s3, s0;
	s1 =	sshll.u32 s1, $0x11  }
0xbe: {  	s0 =	sor.u32 s1, s0  }
0xbf: {  	s0 =	sadd.s32 $0x8F2B, s0  }
0xc0: {  	[sflag:s0] =	ssyncadd.remote.s32 $0x1  }
0xc1: {  	_ =	sfence.sel $0xFFFF  }
0xc2: {  	[dreg:$0x0] =	wrdreg $0xFFFFFFFF;
	(pc) =	sbr.abs _section_cstart, $3  }
0xc3: {  	[dreg:$0x1] =	wrdreg $0xFFFFFFFF  }
0xc4: {  	_ =	task.clear_ibuf [dreg:s8], $0x2FFFF;
	_ =	strace $0x9FFFFFFF  }
0xc5: {  	(tm) =	ssettm $0x7FFFFFFF  }
tec
execute0_lowered:
.L_overlay_start_1:
0x0: {  	(tag) =	ssettag $0x1  }
0x1: {  	s1 =	rddreg [dreg:$0x0]  }
0x2: {  	s0 =	rddreg [dreg:$0x1]  }
0x3: {  	s3 =	rddreg [dreg:$0x3]  }
0x4: {  	s4 =	simm.s32 $0x0;
	s2 =	srdreg.scid;
	s14 =	stileid.u32  }
0x5: {  	s30 =	simm.s32 $0x100;
	s31 =	simm.s32 $0x80;
	s5 =	smul.u32 $0x30C00, s14  }
0x6: {  	s29 =	simm.s32 $0x3;
	[smem:$0x7FF] =	sst s4;
	s28 =	smul.u32 $0x1860, s14  }
0x7: {  	s6 =	sadd.s32 $0x15C00, s0;
	s2 =	sand.u32 $0x1, s2;
	s24 =	smul.u32 $0x5200, s14  }
0x8: {  	s7 =	sadd.s32 $0xB600, s0;
	s8 =	sadd.s32 $0x1000, s0;
	s22 =	smul.u32 $0x186A0, s2  }
0x9: {  	s0 =	sadd.s32 $0x29600, s0;
	s10 =	sshll.u32 s14, $0x1;
	s23 =	smul.u32 $0xC3500, s2  }
0xa: {  	s9 =	ssub.s32 $0x2, s2;
	s10 =	sor.u32 s2, s10;
	s2 =	smul.u32 $0x2900, s2  }
0xb: {  	p0 =	sne.s32 s14, $0xF;
	_ =	strace $0x8000004A;
	s11 =	sshrl.u32 s9, $0x1  }
0xc: {  	s5 =	sshrl.u32 s5, $0x2;
	s10 =	smul.u32 $0x2900, s10;
	s26 =	sadd.s32 s2, s24  }
0xd: {  	s9 =	ssub.s32 s9, s11;
	s16 =	sadd.s32 s5, s3;
	[dreg:$0x11] =	wrdreg s26  }
0xe: {  	s5 =	sadd.s32 s28, s22;
	s17 =	sadd.s32 $0x2800, s16;
	[dreg:$0x5] =	wrdreg s16  }
0xf: {  	s25 =	sshrl.u32 s23, $0x3;
	s18 =	sadd.s32 $0x5000, s16;
	[dreg:$0x6] =	wrdreg s17  }
0x10: {  	s2 =	simm.s32 $0x1;
	s19 =	sadd.s32 $0x7800, s16;
	[dreg:$0x7] =	wrdreg s18  }
0x11: {  	s22 =	simm.s32 $0x8;
	s20 =	sadd.s32 $0xA000, s16;
	[dreg:$0x8] =	wrdreg s19  }
0x12: {  	s21 =	sshrl.u32 s10, $0x3;
	s5 =	sadd.s32 s0, s5;
	[dreg:$0x9] =	wrdreg s20  }
0x13: {  	s0 =	sadd.s32 s0, s25;
	s28 =	smax.u32 s9, $0x1;
	[dreg:$0xf] =	wrdreg s5  }
0x14: {  	s17 =	sadd.s32 $0xC3000, s3;
	s12 =	sadd.s32 s7, s21;
	[dreg:$0x12] =	wrdreg s28  }
0x15: {  	s13 =	sadd.s32 s8, s21;
	s11 =	sor.u32 $0x10, s21;
	[dreg:$0xb] =	wrdreg s12  }
0x16: {  	s20 =	sadd.s32 $0x100, s10;
	s0 =	sadd.s32 $0x18600, s0;
	[dreg:$0xc] =	wrdreg s13  }
0x17: {  	s21 =	sadd.s32 $0x180, s10;
	s18 =	simm.s32 $0xB;
	[dreg:$0x10] =	wrdreg s0  }
0x18: {  	s19 =	simm.s32 $0x6;
	s15 =	sadd.s32 s7, s11;
	[dreg:$0xa] =	wrdreg s17  }
0x19: {  	s10 =	simm.s32 $0x0;
	s11 =	sadd.s32 s8, s11;
	[dreg:$0xd] =	wrdreg s15  }
0x1a: {  	s0 =	sor.u32 $0x80, s26;
	s26 =	simm.s32 $0x8300;
	[dreg:$0xe] =	wrdreg s11  }
0x1b: {  	s12 =	simm.s32 $0x7;
	s13 =	simm.s32 $0x2;
	[dreg:$0x13] =	wrdreg s0  }
0x1c: {  	v0 =	vimm.f32 $0.0e+00;
	v1 =	vimm.s32 $0xF;
	s0 =	simm.s32 $0x180;
	s11 =	simm.s32 $0x5;
	s15 =	simm.s32 $0x4  }
.LBB2_1:
0x1d: {  	s9 =	simm.s32 $0x140;
	s5 =	simm.s32 $0x0  }
.LBB2_2:
0x1e: {  	p1 =	sne.s32 s9, $0x9EC0;
	[tilespmem:s5+$0x8340] =	vst v0;
	s14 =	smov.u32 s9;
	s9 =	sadd.s32 $0x140, s9  }
.Ltmp0:
0x1f: {  	[tilespmem:s5+$0x8330] =	vst v0;
	(pc) =	sbr.rel @p1 .LBB2_2-.Ltmp0, $4  }
0x20: {  	[tilespmem:s5+$0x8320] =	vst v0  }
0x21: {  	[tilespmem:s5+$0x8300] =	vst v0  }
0x22: {  	[tilespmem:s5+$0x8310] =	vst v0  }
0x23: {  	s5 =	sshra.s32 s14, $0x2  }
0x24: {  	[tilespmem:s5+$0x8340] =	vst v0  }
0x25: {  	[tilespmem:s5+$0x8330] =	vst v0  }
0x26: {  	[tilespmem:s5+$0x8320] =	vst v0  }
0x27: {  	[tilespmem:s5+$0x8300] =	vst v0  }
0x28: {  	[dreg:$0x14] =	wrdreg s10;
	[tilespmem:s5+$0x8310] =	vst v0  }
0x29: {  	[spmem:s16] =	stream.linear.scatter [tilespmem:s26], [sflag:$0xB], $0x2800, $0x38;
	[tilespmem:$0x19690] =	vst v63  }
0x2a: {  	_ =	swait.ge [sflag:s18], $0x2800  }
0x2b: {  	[sflag:s18] =	ssyncset.done $0x0  }
0x2c: {  	s9 =	rddreg [dreg:$0x6];
	[sflag:s18] =	ssyncadd.s32 $0xFFFFD800  }
0x2d: {  	[spmem:s9] =	stream.linear.scatter [tilespmem:s26], [sflag:$0xB], $0x2800, $0x38;
	[tilespmem:$0x19690] =	vst v63  }
0x2e: {  	_ =	swait.ge [sflag:s18], $0x2800  }
0x2f: {  	[sflag:s18] =	ssyncset.done $0x0  }
0x30: {  	s10 =	rddreg [dreg:$0x7];
	[sflag:s18] =	ssyncadd.s32 $0xFFFFD800  }
0x31: {  	[spmem:s10] =	stream.linear.scatter [tilespmem:s26], [sflag:$0xB], $0x2800, $0x38;
	[tilespmem:$0x19690] =	vst v63  }
0x32: {  	_ =	swait.ge [sflag:s18], $0x2800  }
0x33: {  	[sflag:s18] =	ssyncset.done $0x0  }
0x34: {  	s14 =	rddreg [dreg:$0x8];
	[sflag:s18] =	ssyncadd.s32 $0xFFFFD800  }
0x35: {  	[spmem:s14] =	stream.linear.scatter [tilespmem:s26], [sflag:$0xB], $0x2800, $0x38;
	[tilespmem:$0x19690] =	vst v63  }
0x36: {  	_ =	swait.ge [sflag:s18], $0x2800  }
0x37: {  	[sflag:s18] =	ssyncset.done $0x0  }
0x38: {  	s16 =	rddreg [dreg:$0x9];
	[sflag:s18] =	ssyncadd.s32 $0xFFFFD800  }
0x39: {  	[spmem:s16] =	stream.linear.scatter [tilespmem:s26], [sflag:$0xB], $0x2300, $0x38;
	[tilespmem:$0x19690] =	vst v63  }
0x3a: {  	_ =	swait.ge [sflag:s18], $0x2300  }
0x3b: {  	[sflag:s18] =	ssyncset.done $0x0  }
0x3c: {  	s5 =	simm.s32 @!p0 $0x8300;
	[sflag:s18] =	ssyncadd.s32 $0xFFFFDD00  }
0x3d: {  	[spmem:s17] =	stream.linear.scatter @!p0 [tilespmem:s5], [sflag:$0xB], $0x500, $0x38;
	[tilespmem:$0x19690] =	vst v63  }
0x3e: {  	s5 =	simm.s32 @!p0 $0xB  }
0x3f: {  	_ =	swait.ge @!p0 [sflag:s5], $0x500  }
0x40: {  	[sflag:s5] =	ssyncset.done @!p0 $0x0  }
0x41: {  	[sflag:s5] =	ssyncadd.s32 @!p0 $0xFFFFFB00  }
0x42: {  	s9 =	simm.s32 $0xD300;
	s14 =	simm.s32 $0x0;
	s5 =	rddreg [dreg:$0x2]  }
0x43: {  	[tilespmem:s9], [sflag:$0xB] =	stream.linear.gather [hbm4b:s5+s14], $0x40, $0x38;
	[tilespmem:$0x19690] =	vst v63  }
0x44: {  	_ =	swait.ge [sflag:s18], $0x40  }
0x45: {  	[sflag:s18] =	ssyncset.done $0x0  }
0x46: {  	[sflag:s18] =	ssyncadd.s32 $0xFFFFFFC0  }
0x47: {  	v2 =	vld [tilespmem:$0xD300]  }
0x48: {  	v3 =	vld [tilespmem:$0xD310]  }
0x49: {  	s17 =	rddreg [dreg:$0xb];
	v4 =	vld [tilespmem:$0xD320]  }
0x4a: {  	v5 =	vld [tilespmem:$0xD330];
	[tilespmem:s14], [sflag:$0x1] =	stream.linear.gather [hbm4b:s17+s14], $0x80, $0x38  }
0x4b: {  	s18 =	rddreg [dreg:$0xc]  }
0x4c: {  	[tilespmem:s30], [sflag:$0x3] =	stream.linear.gather [hbm4b:s18+s14], $0x80, $0x38;
	[tilespmem:$0x19690] =	vst v63  }
0x4d: {  	s23 =	rddreg [dreg:$0xd]  }
0x4e: {  	[tilespmem:s31], [sflag:$0x2] =	stream.linear.gather [hbm4b:s23+s14], $0x80, $0x38;
	[tilespmem:$0x19690] =	vst v63  }
0x4f: {  	s24 =	rddreg [dreg:$0xe]  }
0x50: {  	[tilespmem:s0], [sflag:$0x4] =	stream.linear.gather [hbm4b:s24+s14], $0x80, $0x38;
	[tilespmem:$0x19690] =	vst v63  }
0x51: {  	_ =	swait.ge [sflag:s2], $0x80  }
0x52: {  	[sflag:s2] =	ssyncset.done $0x0  }
0x53: {  	[sflag:s2] =	ssyncadd.s32 $0xFFFFFF80  }
0x54: {  	_ =	swait.ge [sflag:s29], $0x80  }
0x55: {  	[sflag:s29] =	ssyncset.done $0x0  }
0x56: {  	s25 =	simm.s32 $0x300;
	[sflag:s29] =	ssyncadd.s32 $0xFFFFFF80  }
0x57: {  	[tilespmem:s25], [sflag:$0x5] =	stream.indirect.gather [hbm4b:s1+s31], $0x40, s14, s31, $0xb8;
	[tilespmem:$0x19690] =	vst v63  }
0x58: {  	s28 =	simm.s32 $0x4300  }
0x59: {  	[tilespmem:s28], [sflag:$0x7] =	stream.indirect.gather [hbm4b:s6+s31], $0x40, s30, s31, $0xb8;
	[tilespmem:$0x19690] =	vst v63  }
0x5a: {  	[bflag:$0x0] =	sbarrier.arrive $0xFFFF  }
0x5b: {  	s9 =	rddreg [dreg:$0x13]  }
0x5c: {  	s23 =	rddreg [dreg:$0x11]  }
.LBB2_4:
0x5d: {  	_ =	swait.ge [sflag:s11], $0x2000  }
0x5e: {  	[sflag:s11] =	ssyncset.done $0x0  }
0x5f: {  	[sflag:s11] =	ssyncadd.s32 $0xFFFFE000  }
0x60: {  	_ =	swait.ge [sflag:s12], $0x2000  }
0x61: {  	p1 =	seq.s32 s14, $0x0;
	[sflag:s12] =	ssyncset.done $0x0  }
0x62: {  	s5 =	simm.s32 @!p1 $0x9;
	[sflag:s12] =	ssyncadd.s32 $0xFFFFE000  }
0x63: {  	_ =	swait.ge @!p1 [sflag:s5], $0x2800  }
0x64: {  	[sflag:s5] =	ssyncset.done @!p1 $0x0  }
0x65: {  	[sflag:s5] =	ssyncadd.s32 @!p1 $0xFFFFD800  }
0x66: {  	v6 =	vld [tilespmem:$0x100]  }
0x67: {  	v7 =	vld [tilespmem:$0x110]  }
0x68: {  	v8 =	vld [tilespmem:$0x120]  }
0x69: {  	v9 =	vld [tilespmem:$0x130]  }
0x6a: {  	v10 =	vld [tilespmem:$0x140]  }
0x6b: {  	[tilespmem:$0x200] =	vst v6;
	v6 =	vld [tilespmem:$0x150]  }
0x6c: {  	[tilespmem:$0x210] =	vst v7;
	v7 =	vld [tilespmem:$0x160]  }
0x6d: {  	[tilespmem:$0x220] =	vst v8;
	v8 =	vld [tilespmem:$0x170]  }
0x6e: {  	[tilespmem:$0x230] =	vst v9  }
0x6f: {  	s28 =	sshll.u32 s14, $0x8;
	[tilespmem:$0x240] =	vst v10  }
0x70: {  	s25 =	sadd.s32 s28, s20;
	[tilespmem:$0x250] =	vst v6  }
0x71: {  	s5 =	sshrl.u32 s25, $0x3;
	[tilespmem:$0x260] =	vst v7  }
0x72: {  	s16 =	sadd.s32 s7, s5;
	[tilespmem:$0x270] =	vst v8  }
0x73: {  	[tilespmem:s4], [sflag:$0x1] =	stream.linear.gather [hbm4b:s16+s4], $0x80, $0x38;
	[tilespmem:$0x19690] =	vst v63  }
0x74: {  	s5 =	sadd.s32 s8, s5  }
0x75: {  	[tilespmem:s30], [sflag:$0x3] =	stream.linear.gather [hbm4b:s5+s4], $0x80, $0x38;
	[tilespmem:$0x19690] =	vst v63  }
0x76: {  	_ =	swait.ge [sflag:s13], $0x80  }
0x77: {  	[sflag:s13] =	ssyncset.done $0x0  }
0x78: {  	[sflag:s13] =	ssyncadd.s32 $0xFFFFFF80  }
0x79: {  	_ =	swait.ge [sflag:s15], $0x80  }
0x7a: {  	[sflag:s15] =	ssyncset.done $0x0  }
0x7b: {  	s10 =	simm.s32 $0x2300;
	[sflag:s15] =	ssyncadd.s32 $0xFFFFFF80  }
0x7c: {  	[tilespmem:s10], [sflag:$0x6] =	stream.indirect.gather [hbm4b:s1+s31], $0x40, s31, s31, $0xb8;
	[tilespmem:$0x19690] =	vst v63  }
0x7d: {  	s17 =	simm.s32 $0x4380;
	s16 =	simm.s32 $0x6300  }
0x7e: {  	[tilespmem:s16], [sflag:$0x8] =	stream.indirect.gather [hbm4b:s6+s31], $0x40, s0, s31, $0xb8;
	[tilespmem:$0x19690] =	vst v63  }
0x7f: {  	v8 =	vld [tilespmem:s17+$0x40]  }
0x80: {  	v9 =	vld [tilespmem:s17+$0x50]  }
0x81: {  	v10 =	vld [tilespmem:s17+$0x70]  }
0x82: {  	s18 =	simm.s32 $0x380;
	v11 =	vld [tilespmem:s17+$0x60]  }
0x83: {  	v6 =	vld [tilespmem:s18+$0x70]  }
0x84: {  	v18 =	vld [tilespmem:s18+$0x60]  }
0x85: {  	v19 =	vld [tilespmem:s18+$0x50]  }
0x86: {  	v22 =	vld [tilespmem:s18+$0x40]  }
0x87: {  	v12 =	vld [tilespmem:s17+$0x30]  }
0x88: {  	v13 =	vld [tilespmem:s17+$0x20]  }
0x89: {  	v14 =	vld [tilespmem:s17+$0x10]  }
0x8a: {  	v15 =	vld [tilespmem:s17+$0x0]  }
0x8b: {  	v7 =	vld [tilespmem:s18+$0x30]  }
0x8c: {  	v26 =	vld [tilespmem:s18+$0x20]  }
0x8d: {  	v24 =	vld [tilespmem:s18+$0x10]  }
0x8e: {  	v20 =	vld [tilespmem:s18+$0x0]  }
0x8f: {  	v11 =	vadd.f32 v11, v18;
	v10 =	vadd.f32 v10, v6  }
0x90: {  	v9 =	vadd.f32 v9, v19;
	v8 =	vadd.f32 v8, v22  }
0x91: {  	v23 =	vld [tilespmem:s17+$0xFFFFFFD0];
	v12 =	vadd.f32 v12, v7;
	v13 =	vadd.f32 v13, v26  }
0x92: {  	v29 =	vld [tilespmem:s18+$0xFFFFFFF0];
	v14 =	vadd.f32 v14, v24;
	v16 =	vmul.f32 $2.000000030e-01, v11;
	v17 =	vmul.f32 $2.000000030e-01, v10  }
0x93: {  	v30 =	vld [tilespmem:s18+$0xFFFFFFE0];
	v15 =	vadd.f32 v15, v20;
	v21 =	vmul.f32 $2.000000030e-01, v9;
	v25 =	vmul.f32 $2.000000030e-01, v8  }
0x94: {  	v28 =	vld [tilespmem:s18+$0xFFFFFFD0];
	v27 =	vmul.f32 $2.000000030e-01, v13;
	v32 =	vmul.f32 $2.000000030e-01, v14;
	v11 =	vmax.f32 v11, v16  }
0x95: {  	v31 =	vld [tilespmem:s18+$0xFFFFFFC0];
	v10 =	vmax.f32 v10, v17;
	v8 =	vmax.f32 v8, v25;
	v25 =	vmul.f32 $2.000000030e-01, v12  }
0x96: {  	v16 =	vld [tilespmem:s17+$0xFFFFFFF0];
	v9 =	vmax.f32 v9, v21;
	v11 =	vmul.f32 v11, v4;
	v10 =	vmul.f32 v10, v5  }
0x97: {  	v21 =	vld [tilespmem:s17+$0xFFFFFFE0];
	v13 =	vmax.f32 v13, v27;
	v9 =	vmul.f32 v9, v3;
	v8 =	vmul.f32 v8, v2  }
0x98: {  	v17 =	vld [tilespmem:s17+$0xFFFFFFC0];
	v13 =	vmul.f32 v13, v4;
	v10 =	vadd.f32 v10, v11;
	v11 =	vmax.f32 v12, v25  }
0x99: {  	v12 =	vmul.f32 $2.000000030e-01, v15;
	v8 =	vadd.f32 v9, v8;
	v9 =	vmax.f32 v14, v32  }
0x9a: {  	v9 =	vmul.f32 v9, v3;
	v11 =	vmul.f32 v11, v5  }
0x9b: {  	v27 =	vld [tilespmem:s17+$0xFFFFFF80];
	v12 =	vmax.f32 v15, v12;
	v10 =	vadd.f32 v10, v8;
	v14 =	vadd.f32 v16, v29  }
0x9c: {  	v25 =	vld [tilespmem:s17+$0xFFFFFF90];
	v15 =	vadd.f32 v21, v30;
	v16 =	vadd.f32 v23, v28;
	v12 =	vmul.f32 v12, v2  }
0x9d: {  	v8 =	vld [tilespmem:s18+$0xFFFFFF80];
	v11 =	vadd.f32 v11, v13;
	v13 =	vadd.f32 v17, v31;
	(xrf2) =	vadd.scan.msk.f32 $0xffff, v10;
	v10 =	vmul.f32 $2.000000030e-01, v14  }
0x9e: {  	v21 =	vld [tilespmem:s17+$0xFFFFFFB0];
	v23 =	vmul.f32 $2.000000030e-01, v16;
	v9 =	vadd.f32 v9, v12;
	v12 =	vmul.f32 $2.000000030e-01, v15  }
0x9f: {  	v17 =	vld [tilespmem:s17+$0xFFFFFFA0];
	v14 =	vmax.f32 v14, v10;
	v10 =	vmul.f32 $2.000000030e-01, v13  }
0xa0: {  	v12 =	vmax.f32 v15, v12;
	v15 =	vmax.f32 v16, v23;
	v11 =	vadd.f32 v11, v9;
	v9 =	vld [tilespmem:s18+$0xFFFFFFA0]  }
0xa1: {  	v14 =	vmul.f32 v14, v5;
	v12 =	vmul.f32 v12, v4;
	v13 =	vmax.f32 v13, v10;
	v10 =	vld [tilespmem:s18+$0xFFFFFFB0]  }
0xa2: {  	v15 =	vmul.f32 v15, v3;
	v13 =	vmul.f32 v13, v2;
	(xrf2) =	vadd.scan.msk.f32 $0xffff, v11;
	v11 =	vld [tilespmem:s18+$0xFFFFFF90]  }
0xa3: {  	v12 =	vadd.f32 v14, v12  }
0xa4: {  	v14 =	vadd.f32 v27, v8;
	v13 =	vadd.f32 v15, v13;
	_ =	sdelay $0x1  }
0xa5: {  	v15 =	vadd.f32 v17, v9;
	v16 =	vmul.f32 $2.000000030e-01, v14;
	v12 =	vadd.f32 v12, v13  }
0xa6: {  	s16 =	simm.s32 $0x4480;
	v13 =	vadd.f32 v21, v10;
	v17, _, _ =	vpop (xrf2);
	v21 =	vadd.f32 v25, v11  }
0xa7: {  	v54 =	vld [tilespmem:s16+$0x70];
	v23 =	vmul.f32 $2.000000030e-01, v15;
	v14 =	vmax.f32 v14, v16;
	v17 =	vperm.xlane v17, v1  }
0xa8: {  	s17 =	simm.s32 $0x480;
	v16 =	vld [tilespmem:s16+$0x40];
	(xrf2) =	vadd.scan.msk.f32 $0xffff, v12;
	v12 =	vmul.f32 $2.000000030e-01, v13;
	v27 =	vmul.f32 v14, v2  }
0xa9: {  	v14 =	vld [tilespmem:s17+$0x70];
	v25 =	vmul.f32 $2.000000030e-01, v21;
	v15 =	vmax.f32 v15, v23;
	v17 =	vmul.f32 $1.442695020e+00, v17  }
0xaa: {  	v23 =	vld [tilespmem:s16+$0x50];
	v15 =	vmul.f32 v15, v4;
	v12 =	vmax.f32 v13, v12  }
0xab: {  	v13 =	vmul.f32 v12, v5;
	v12 =	vmax.f32 v21, v25;
	(erf) = vpow2.f32 v17;
	v17 =	vld [tilespmem:s16+$0x60];
	v21, _, _ =	vpop (xrf2)  }
0xac: {  	v25 =	vmul.f32 v12, v3;
	v12 =	vld [tilespmem:s17+$0x60];
	v21 =	vperm.xlane v21, v1  }
0xad: {  	v33 =	vadd.f32 v13, v15;
	v13 =	vld [tilespmem:s17+$0x50]  }
0xae: {  	v15 =	vld [tilespmem:s17+$0x40];
	v25 =	vadd.f32 v25, v27;
	v21 =	vmul.f32 $1.442695020e+00, v21;
	_ =	sdelay $0x1  }
0xaf: {  	v55 =	vld [tilespmem:s16+$0x20];
	v32 =	vadd.f32 v54, v14;
	v25 =	vadd.f32 v33, v25;
	(erf) = vpow2.f32 v21  }
0xb0: {  	v34 =	vld [tilespmem:s16+$0x10];
	v17 =	vadd.f32 v17, v12  }
0xb1: {  	s24 =	sadd.s32 $0x0, s23;
	v27 =	vld [tilespmem:s16+$0x30];
	(xrf2) =	vadd.scan.msk.f32 $0xffff, v25;
	v36 =	vadd.f32 v23, v13;
	v25 =	vmul.f32 $2.000000030e-01, v32  }
0xb2: {  	p2 =	slt.u32 s24, $0x50910;
	v23 =	vld [tilespmem:s17+$0x30];
	v38 =	vadd.f32 v16, v15;
	v21, _, _ =	vpop (xrf2);
	v39 =	vmul.f32 $2.000000030e-01, v17  }
0xb3: {  	s24 =	simm.f32 $1.000000000e+00;
	p2 =	por p2, p2;
	v16 =	vld [tilespmem:s17+$0x10];
	v21 =	vperm.xlane v21, v1;
	v41 =	vmul.f32 $2.000000030e-01, v36;
	v32 =	vmax.f32 v32, v25  }
0xb4: {  	s24 =	simm.s32 @!p2 $0x0;
	v35 =	vld [tilespmem:s16+$0x0];
	v56 =	vmul.f32 $2.000000030e-01, v38;
	v37 =	vpop (erf);
	v39 =	vmax.f32 v17, v39;
	v32 =	vmul.f32 v32, v5  }
0xb5: {  	v40 =	vmul.f32 $1.442695020e+00, v21;
	v21 =	vld [tilespmem:s17+$0x20];
	v25 =	vmul.f32 s24, v37;
	v36 =	vmax.f32 v36, v41  }
0xb6: {  	v17 =	vld [tilespmem:s17+$0x0];
	v39 =	vmul.f32 v39, v4;
	v37 =	vmax.f32 v38, v56;
	v36 =	vmul.f32 v36, v3  }
0xb7: {  	v58 =	vadd.f32 v27, v23;
	v37 =	vmul.f32 v37, v2;
	(erf) = vpow2.f32 v40  }
0xb8: {  	v57 =	vld [tilespmem:s16+$0xFFFFFFD0];
	v34 =	vadd.f32 v34, v16;
	v22 =	vmul.f32 v25, v22;
	v60 =	vmul.f32 v25, v19;
	v27 =	vpop (erf)  }
0xb9: {  	v59 =	vld [tilespmem:s16+$0xFFFFFFF0];
	v32 =	vadd.f32 v32, v39;
	v43 =	vmul.f32 v25, v18;
	v27 =	vmul.f32 s24, v27  }
0xba: {  	v44 =	vld [tilespmem:s16+$0xFFFFFFE0];
	v19 =	vmul.f32 $2.000000030e-01, v58;
	v47 =	vmul.f32 $2.000000030e-01, v34;
	v33 =	vadd.f32 v55, v21  }
0xbb: {  	s18 =	simm.s32 $0x83A0;
	v18 =	vld [tilespmem:s17+$0xFFFFFFF0];
	v61 =	vadd.f32 v36, v37;
	v35 =	vadd.f32 v35, v17;
	v46 =	vmul.f32 v27, v20;
	v20, _, _ =	vpop (xrf2)  }
0xbc: {  	[tilespmem:s18+$0x90] =	vst v25;
	v40 =	vmax.f32 v58, v19;
	v19 =	vld [tilespmem:s17+$0xFFFFFFE0];
	v45 =	vmul.f32 $2.000000030e-01, v33;
	v48 =	vperm.xlane v20, v1  }
0xbd: {  	v42 =	vld [tilespmem:s16+$0xFFFFFFC0];
	[tilespmem:s18+$0x50] =	vst v22;
	v34 =	vmax.f32 v34, v47;
	v49 =	vmul.f32 $2.000000030e-01, v35  }
0xbe: {  	[tilespmem:s18+$0x60] =	vst v60;
	v32 =	vadd.f32 v32, v61;
	v34 =	vmul.f32 v34, v3;
	v20 =	vld [tilespmem:s17+$0xFFFFFFD0];
	v22 =	vmax.f32 v33, v45  }
0xbf: {  	[tilespmem:s18+$0x70] =	vst v43;
	v40 =	vmul.f32 v40, v5;
	v35 =	vmax.f32 v35, v49;
	v62 =	vmul.f32 v22, v4;
	v22 =	vld [tilespmem:s17+$0xFFFFFFC0]  }
0xc0: {  	v53 =	vld [tilespmem:s16+$0xFFFFFFB0];
	[tilespmem:s18+$0x40] =	vst v27;
	v39 =	vadd.f32 v59, v18;
	v35 =	vmul.f32 v35, v2;
	v63 =	vmul.f32 $1.442695020e+00, v48;
	v48 =	vpop (erf)  }
0xc1: {  	v51 =	vmul.f32 v27, v24;
	v24 =	vld [tilespmem:s17+$0xFFFFFF80];
	(xrf2) =	vadd.scan.msk.f32 $0xffff, v32;
	v52 =	vadd.f32 v44, v19;
	v50 =	vmul.f32 s24, v48  }
0xc2: {  	v32 =	vld [tilespmem:s16+$0xFFFFFFA0];
	[tilespmem:s18+$0x0] =	vst v46;
	v55 =	vmul.f32 $2.000000030e-01, v39;
	v34 =	vadd.f32 v34, v35;
	v36 =	vadd.f32 v40, v62  }
0xc3: {  	v33 =	vld [tilespmem:s16+$0xFFFFFF80];
	[tilespmem:s18+$0x10] =	vst v51;
	(erf) = vpow2.f32 v63;
	v54 =	vadd.f32 v57, v20;
	v30 =	vmul.f32 v50, v30  }
0xc4: {  	v31 =	vmul.f32 v50, v31;
	v56 =	vmul.f32 v50, v28;
	[tilespmem:s18+$0xFFFFFFF0] =	vst v50;
	v28 =	vld [tilespmem:s17+$0xFFFFFFB0];
	v42 =	vadd.f32 v42, v22  }
0xc5: {  	v38 =	vmax.f32 v39, v55;
	v57 =	vmul.f32 $2.000000030e-01, v52;
	v29 =	vmul.f32 v50, v29;
	[tilespmem:s18+$0xFFFFFFD0] =	vst v30;
	v30 =	vld [tilespmem:s17+$0xFFFFFFA0]  }
0xc6: {  	v62 =	vadd.f32 v36, v34;
	v58 =	vmul.f32 $2.000000030e-01, v54;
	[tilespmem:s18+$0xFFFFFFB0] =	vst v31;
	v31 =	vld [tilespmem:s16+$0xFFFFFF90];
	v59 =	vmul.f32 $2.000000030e-01, v42  }
0xc7: {  	s25 =	sadd.s32 $0x4, s23;
	v26 =	vmul.f32 v27, v26;
	v37 =	vmul.f32 v38, v5;
	v60 =	vmax.f32 v52, v57;
	[tilespmem:s18+$0xFFFFFFE0] =	vst v29;
	v29 =	vld [tilespmem:s17+$0xFFFFFF90]  }
0xc8: {  	p6 =	slt.u32 s25, $0x50910;
	v35 =	vmul.f32 v60, v4;
	(xrf2) =	vadd.scan.msk.f32 $0xffff, v62;
	v61 =	vmax.f32 v54, v58;
	v63 =	vmax.f32 v42, v59  }
0xc9: {  	s25 =	simm.s32 $0x83A0;
	p2 =	por p6, p6;
	s5 =	simm.s32 $0x4;
	[tilespmem:s18+$0xFFFFFFC0] =	vst v56;
	v36 =	vmul.f32 v61, v3;
	v34 =	vadd.f32 v53, v28;
	v38 =	vmul.f32 v63, v2  }
.LBB2_5:
0xca: {  	s5 =	sadd.s32 $0x4, s5;
	v33 =	vadd.f32 v33, v24;
	v32 =	vadd.f32 v32, v30;
	v27 =	vmul.f32 v27, v7;
	s18 =	sadd.s32 $0x140, s18;
	v7 =	vmovc v23  }
0xcb: {  	v35 =	vadd.f32 v37, v35;
	v37 =	vmul.f32 v25, v6;
	s10 =	sadd.s32 s23, s5;
	p3 =	slt.u32 s5, $0x7C;
	v23 =	vadd.f32 v36, v38;
	[tilespmem:s25+$0x20] =	vst v26  }
0xcc: {  	v31 =	vadd.f32 v31, v29;
	p4 =	slt.u32 s10, $0x50910;
	v25 =	vmul.f32 $2.000000030e-01, v33;
	v38 =	vmul.f32 $2.000000030e-01, v32;
	v36, _, _ =	vpop (xrf2);
	[tilespmem:s25+$0x30] =	vst v27  }
0xcd: {  	v6 =	vmovc v14;
	v27 =	vmul.f32 $2.000000030e-01, v34;
	v23 =	vadd.f32 v35, v23;
	v35 =	vperm.xlane v36, v1;
	[tilespmem:s25+$0x80] =	vst v37  }
0xce: {  	v14 =	vmax.f32 v33, v25;
	v25 =	vmul.f32 $2.000000030e-01, v31;
	v36 =	vmax.f32 v32, v38;
	v32 =	vpop (erf)  }
0xcf: {  	s16 =	sadd.s32 $0x100, s16;
	v26 =	vmovc v21;
	v27 =	vmax.f32 v34, v27;
	v33 =	vmul.f32 v36, v4;
	(xrf2) =	vadd.scan.msk.f32 $0xffff, v23;
	v23 =	vmul.f32 s24, v32  }
0xd0: {  	v32 =	vmul.f32 v14, v2;
	v14 =	vmul.f32 $1.442695020e+00, v35;
	v21 =	vld [tilespmem:s16+$0x40]  }
0xd1: {  	v27 =	vmul.f32 v27, v5;
	v34 =	vld [tilespmem:s16+$0x50];
	v35 =	vmul.f32 v23, v10;
	[tilespmem:s25+$0xFFFFFFA0] =	vst v23;
	v10 =	vmov v28  }
0xd2: {  	v36 =	vmul.f32 v23, v9;
	v9 =	vmov v30;
	v28 =	vld [tilespmem:s16+$0x70];
	(erf) = vpow2.f32 v14  }
0xd3: {  	s17 =	sadd.s32 $0x100, s17;
	v25 =	vmax.f32 v31, v25;
	v27 =	vadd.f32 v27, v33;
	v33 =	vmul.f32 v23, v11;
	v30 =	vld [tilespmem:s16+$0x60];
	v31, _, _ =	vpop (xrf2);
	[tilespmem:s25+$0xFFFFFF90] =	vst v35  }
0xd4: {  	v25 =	vmul.f32 v25, v3;
	v11 =	vmov v29;
	v14 =	vld [tilespmem:s17+$0x70];
	v31 =	vperm.xlane v31, v1;
	[tilespmem:s25+$0xFFFFFF80] =	vst v36  }
0xd5: {  	v23 =	vmul.f32 v23, v8;
	v8 =	vmov v24;
	v29 =	vld [tilespmem:s17+$0x60];
	[tilespmem:s25+$0xFFFFFF70] =	vst v33  }
0xd6: {  	v24 =	vadd.f32 v25, v32;
	v33 =	vld [tilespmem:s17+$0x50];
	v35 =	vmul.f32 $1.442695020e+00, v31  }
0xd7: {  	v31 =	vld [tilespmem:s17+$0x40];
	[tilespmem:s25+$0xFFFFFF60] =	vst v23;
	s25 =	smov.u32 s18  }
0xd8: {  	v23 =	vadd.f32 v27, v24;
	v32 =	vld [tilespmem:s16+$0x30];
	(erf) = vpow2.f32 v35  }
0xd9: {  	v27 =	vld [tilespmem:s16+$0x20];
	v24 =	vadd.f32 v28, v14;
	v25, _, _ =	vpop (xrf2)  }
0xda: {  	v28 =	vld [tilespmem:s16+$0x10];
	v30 =	vadd.f32 v30, v29;
	v25 =	vperm.xlane v25, v1;
	(xrf2) =	vadd.scan.msk.f32 $0xffff, v23  }
0xdb: {  	s24 =	simm.f32 $1.000000000e+00;
	v35 =	vld [tilespmem:s16+$0x0];
	v34 =	vadd.f32 v34, v33;
	v36 =	vmul.f32 $2.000000030e-01, v24;
	v37 =	vpop (erf)  }
0xdc: {  	s24 =	simm.s32 @!p2 $0x0;
	p2 =	por p4, p4;
	v23 =	vld [tilespmem:s17+$0x30];
	v38 =	vadd.f32 v21, v31;
	v39 =	vmul.f32 $2.000000030e-01, v30;
	v40 =	vmul.f32 $1.442695020e+00, v25  }
0xdd: {  	v25 =	vmul.f32 s24, v37;
	v21 =	vld [tilespmem:s17+$0x20];
	v41 =	vmul.f32 $2.000000030e-01, v34;
	v24 =	vmax.f32 v24, v36  }
0xde: {  	v36 =	vld [tilespmem:s17+$0x10];
	v43 =	vmul.f32 $2.000000030e-01, v38;
	v30 =	vmax.f32 v30, v39;
	(erf) = vpow2.f32 v40  }
0xdf: {  	v40 =	vmul.f32 v24, v5;
	v39 =	vld [tilespmem:s17+$0x0];
	v34 =	vmax.f32 v34, v41;
	v30 =	vmul.f32 v30, v4;
	[tilespmem:s18+$0x90] =	vst v25  }
0xe0: {  	v24 =	vld [tilespmem:s17+$0xFFFFFF80];
	v42 =	vmax.f32 v38, v43;
	v34 =	vmul.f32 v34, v3;
	v38 =	vmul.f32 v25, v15;
	v15 =	vmovc v31  }
0xe1: {  	v41 =	vld [tilespmem:s16+$0xFFFFFFD0];
	v31 =	vadd.f32 v32, v23;
	v32 =	vmul.f32 v42, v2;
	v30 =	vadd.f32 v40, v30;
	v37 =	vpop (erf)  }
0xe2: {  	v40 =	vld [tilespmem:s16+$0xFFFFFFF0];
	v42 =	vadd.f32 v27, v21;
	v27 =	vmul.f32 s24, v37;
	[tilespmem:s18+$0x50] =	vst v38;
	v37 =	vmul.f32 v25, v13;
	v13 =	vmovc v33  }
0xe3: {  	v43 =	vmul.f32 v25, v12;
	v12 =	vmovc v29;
	v38 =	vld [tilespmem:s16+$0xFFFFFFC0];
	v28 =	vadd.f32 v28, v36;
	v33 =	vmul.f32 $2.000000030e-01, v31  }
0xe4: {  	v29 =	vld [tilespmem:s16+$0xFFFFFFE0];
	v35 =	vadd.f32 v35, v39;
	v44 =	vmul.f32 $2.000000030e-01, v42;
	v45 =	vmul.f32 v27, v17;
	[tilespmem:s18+$0x40] =	vst v27;
	v17, _, _ =	vpop (xrf2)  }
0xe5: {  	v46 =	vld [tilespmem:s17+$0xFFFFFFF0];
	v47 =	vmul.f32 $2.000000030e-01, v28;
	v31 =	vmax.f32 v31, v33;
	v48 =	vperm.xlane v17, v1;
	[tilespmem:s18+$0x60] =	vst v37;
	v17 =	vmovc v39  }
0xe6: {  	v32 =	vadd.f32 v34, v32;
	v37 =	vld [tilespmem:s17+$0xFFFFFFE0];
	v39 =	vmul.f32 $2.000000030e-01, v35;
	v42 =	vmax.f32 v42, v44;
	[tilespmem:s18+$0x0] =	vst v45  }
0xe7: {  	v34 =	vld [tilespmem:s17+$0xFFFFFFD0];
	v28 =	vmax.f32 v28, v47;
	v42 =	vmul.f32 v42, v4;
	v44 =	vmul.f32 $1.442695020e+00, v48;
	[tilespmem:s18+$0x70] =	vst v43;
	v33 =	vpop (erf)  }
0xe8: {  	v31 =	vmul.f32 v31, v5;
	v43 =	vld [tilespmem:s17+$0xFFFFFFC0];
	v35 =	vmax.f32 v35, v39;
	v28 =	vmul.f32 v28, v3  }
0xe9: {  	v30 =	vadd.f32 v30, v32;
	v45 =	vmul.f32 s24, v33;
	v39 =	vld [tilespmem:s16+$0xFFFFFFB0];
	v35 =	vmul.f32 v35, v2  }
0xea: {  	v47 =	vmul.f32 v27, v16;
	v16 =	vmovc v36;
	v42 =	vadd.f32 v31, v42;
	v32 =	vld [tilespmem:s16+$0xFFFFFFA0];
	v40 =	vadd.f32 v40, v46  }
0xeb: {  	v50 =	vmul.f32 v45, v22;
	v31 =	vld [tilespmem:s16+$0xFFFFFF90];
	v36 =	vadd.f32 v29, v37;
	v48 =	vadd.f32 v28, v35;
	(xrf2) =	vadd.scan.msk.f32 $0xffff, v30  }
0xec: {  	v33 =	vld [tilespmem:s16+$0xFFFFFF80];
	v35 =	vadd.f32 v41, v34;
	v29 =	vmul.f32 $2.000000030e-01, v40;
	v41 =	vmul.f32 v45, v20;
	[tilespmem:s18+$0xFFFFFFF0] =	vst v45;
	v20 =	vmovc v34  }
0xed: {  	v49 =	vmul.f32 v45, v19;
	v19 =	vmovc v37;
	v28 =	vld [tilespmem:s17+$0xFFFFFFB0];
	v34 =	vadd.f32 v38, v43;
	v38 =	vmul.f32 $2.000000030e-01, v36;
	[tilespmem:s18+$0xFFFFFFB0] =	vst v50  }
.Ltmp1:
0xee: {  	v22 =	vmovc v43;
	v30 =	vld [tilespmem:s17+$0xFFFFFFA0];
	v37 =	vmul.f32 $2.000000030e-01, v35;
	v40 =	vmax.f32 v40, v29;
	[tilespmem:s18+$0xFFFFFFC0] =	vst v41;
	(erf) = vpow2.f32 v44;
	(pc) =	sbr.rel @p3 .LBB2_5-.Ltmp1, $4  }
0xef: {  	v29 =	vld [tilespmem:s17+$0xFFFFFF90];
	v41 =	vmul.f32 $2.000000030e-01, v34;
	v36 =	vmax.f32 v36, v38;
	[tilespmem:s18+$0xFFFFFFD0] =	vst v49;
	v38 =	vmul.f32 v45, v18;
	v18 =	vmovc v46  }
0xf0: {  	v42 =	vadd.f32 v42, v48;
	v37 =	vmax.f32 v35, v37;
	v35 =	vmul.f32 v36, v4;
	[tilespmem:s18+$0x10] =	vst v47  }
0xf1: {  	v41 =	vmax.f32 v34, v41;
	v36 =	vmul.f32 v37, v3;
	v37 =	vmul.f32 v40, v5;
	[tilespmem:s18+$0xFFFFFFE0] =	vst v38  }
0xf2: {  	v26 =	vmul.f32 v27, v26;
	v34 =	vadd.f32 v39, v28;
	v38 =	vmul.f32 v41, v2;
	(xrf2) =	vadd.scan.msk.f32 $0xffff, v42  }
0xf3: {  	v32 =	vadd.f32 v32, v30;
	v35 =	vadd.f32 v37, v35  }
0xf4: {  	v33 =	vadd.f32 v33, v24;
	v36 =	vadd.f32 v36, v38  }
0xf5: {  	v31 =	vadd.f32 v31, v29;
	v63 =	vmul.f32 $2.000000030e-01, v34  }
0xf6: {  	v61 =	vmul.f32 $2.000000030e-01, v32;
	v62 =	vmul.f32 $2.000000030e-01, v33;
	v35 =	vadd.f32 v35, v36  }
0xf7: {  	v39 =	vmul.f32 $2.000000030e-01, v31;
	v34 =	vmax.f32 v34, v63  }
0xf8: {  	v32 =	vmax.f32 v32, v61;
	v33 =	vmax.f32 v33, v62;
	v34 =	vmul.f32 v34, v5;
	(xrf2) =	vadd.scan.msk.f32 $0xffff, v35  }
0xf9: {  	v41, _, _ =	vpop (xrf2);
	v32 =	vmul.f32 v32, v4;
	v33 =	vmul.f32 v33, v2;
	v31 =	vmax.f32 v31, v39  }
0xfa: {  	v35 =	vperm.xlane v41, v1;
	v31 =	vmul.f32 v31, v3;
	_ =	sdelay $0x1  }
0xfb: {  	v32 =	vadd.f32 v34, v32;
	v42 =	vmul.f32 $1.442695020e+00, v35;
	v31 =	vadd.f32 v31, v33;
	_ =	sdelay $0x1  }
0xfc: {  	v43, _, _ =	vpop (xrf2);
	(erf) = vpow2.f32 v42;
	v31 =	vadd.f32 v32, v31  }
0xfd: {  	v44 =	vperm.xlane v43, v1  }
0xfe: {  	(xrf2) =	vadd.scan.msk.f32 $0xffff, v31  }
0xff: {  	v7 =	vmul.f32 v27, v7;
	v27 =	vpop (erf);
	v31 =	vmul.f32 $1.442695020e+00, v44  }
0x100: {  	v6 =	vmul.f32 v25, v6;
	v25 =	vmul.f32 s24, v27;
	v45, _, _ =	vpop (xrf2)  }
0x101: {  	(erf) = vpow2.f32 v31;
	v32 =	vperm.xlane v45, v1;
	_ =	sdelay $0x1  }
0x102: {  	[tilespmem:s25+$0x80] =	vst v6;
	v6 =	vmul.f32 v25, v10;
	v31 =	vmul.f32 $1.442695020e+00, v32  }
0x103: {  	s5 =	simm.f32 $1.000000000e+00;
	[tilespmem:s25+$0x30] =	vst v7;
	v7 =	vmul.f32 v25, v9  }
0x104: {  	s5 =	simm.s32 @!p2 $0x0;
	[tilespmem:s25+$0xFFFFFF90] =	vst v6;
	v9 =	vpop (erf);
	(erf) = vpow2.f32 v31  }
0x105: {  	[tilespmem:s25+$0xFFFFFF80] =	vst v7;
	v6 =	vmul.f32 v25, v8;
	v7 =	vmul.f32 s5, v9  }
0x106: {  	[tilespmem:s25+$0x20] =	vst v26  }
0x107: {  	[tilespmem:s25+$0xFFFFFF60] =	vst v6;
	v6 =	vmul.f32 v7, v15;
	v8, _, _ =	vpop (xrf2)  }
0x108: {  	s10 =	sadd.s32 $0x140, s18;
	[tilespmem:s25+$0xFFFFFFA0] =	vst v25;
	v10 =	vmul.f32 v25, v11;
	v8 =	vperm.xlane v8, v1  }
0x109: {  	v9 =	vpop (erf);
	[tilespmem:s10+$0x50] =	vst v6;
	v6 =	vmul.f32 v7, v13  }
0x10a: {  	[tilespmem:s25+$0xFFFFFF70] =	vst v10;
	v9 =	vmul.f32 s5, v9;
	v8 =	vmul.f32 $1.442695020e+00, v8  }
0x10b: {  	[tilespmem:s10+$0x90] =	vst v7  }
0x10c: {  	[tilespmem:s10+$0x60] =	vst v6;
	v10 =	vmul.f32 v9, v17;
	(erf) = vpow2.f32 v8  }
0x10d: {  	[tilespmem:s10+$0x40] =	vst v9;
	v8 =	vmul.f32 v7, v12;
	v11 =	vpop (erf)  }
0x10e: {  	v7 =	vmul.f32 v7, v14;
	[tilespmem:s10+$0x0] =	vst v10;
	v6 =	vmul.f32 s5, v11  }
0x10f: {  	[tilespmem:s10+$0x70] =	vst v8  }
0x110: {  	[tilespmem:s10+$0x80] =	vst v7;
	v8 =	vmul.f32 v6, v22  }
0x111: {  	v11 =	vmul.f32 v9, v16;
	[tilespmem:s10+$0xFFFFFFF0] =	vst v6  }
0x112: {  	[tilespmem:s10+$0xFFFFFFB0] =	vst v8;
	v8 =	vmul.f32 v6, v19  }
0x113: {  	v10 =	vmul.f32 v6, v20;
	[tilespmem:s10+$0x10] =	vst v11;
	v6 =	vmul.f32 v6, v18  }
0x114: {  	[tilespmem:s10+$0xFFFFFFD0] =	vst v8;
	v8 =	vmul.f32 v9, v21  }
0x115: {  	[tilespmem:s10+$0xFFFFFFE0] =	vst v6;
	v6 =	vmul.f32 v9, v23;
	v9 =	vpop (erf)  }
0x116: {  	[tilespmem:s10+$0x20] =	vst v8;
	v8 =	vmul.f32 s5, v9  }
0x117: {  	[tilespmem:s10+$0xFFFFFFC0] =	vst v10  }
0x118: {  	[tilespmem:s10+$0x30] =	vst v6;
	v6 =	vmul.f32 v8, v28  }
0x119: {  	[tilespmem:s10+$0xFFFFFFA0] =	vst v8;
	v7 =	vmul.f32 v8, v30  }
0x11a: {  	v9 =	vmul.f32 v8, v29;
	[tilespmem:s10+$0xFFFFFF90] =	vst v6  }
0x11b: {  	[tilespmem:s10+$0xFFFFFF80] =	vst v7;
	v6 =	vmul.f32 v8, v24  }
0x11c: {  	[tilespmem:s10+$0xFFFFFF70] =	vst v9  }
0x11d: {  	s25 =	simm.s32 $0x200;
	[tilespmem:s10+$0xFFFFFF60] =	vst v6  }
0x11e: {  	[spmem:s3] =	stream.indirect.scatter.add.f32 [tilespmem:s26], [sflag:$0x9], $0x50, s25, s31, $0xb8;
	[tilespmem:$0x19690] =	vst v63  }
0x11f: {  	_ =	swait.ge [sflag:s19], $0x2000  }
0x120: {  	[sflag:s19] =	ssyncset.done $0x0  }
0x121: {  	[sflag:s19] =	ssyncadd.s32 $0xFFFFE000  }
0x122: {  	_ =	swait.ge [sflag:s22], $0x2000  }
0x123: {  	[sflag:s22] =	ssyncset.done $0x0  }
0x124: {  	s5 =	simm.s32 @!p1 $0xA;
	[sflag:s22] =	ssyncadd.s32 $0xFFFFE000  }
0x125: {  	_ =	swait.ge @!p1 [sflag:s5], $0x2800  }
0x126: {  	[sflag:s5] =	ssyncset.done @!p1 $0x0  }
0x127: {  	[sflag:s5] =	ssyncadd.s32 @!p1 $0xFFFFD800  }
0x128: {  	v6 =	vld [tilespmem:$0x180]  }
0x129: {  	v7 =	vld [tilespmem:$0x190]  }
0x12a: {  	v8 =	vld [tilespmem:$0x1A0]  }
0x12b: {  	v9 =	vld [tilespmem:$0x1B0]  }
0x12c: {  	v10 =	vld [tilespmem:$0x1C0]  }
0x12d: {  	[tilespmem:$0x280] =	vst v6;
	v6 =	vld [tilespmem:$0x1D0]  }
0x12e: {  	[tilespmem:$0x290] =	vst v7;
	v7 =	vld [tilespmem:$0x1E0]  }
0x12f: {  	[tilespmem:$0x2A0] =	vst v8;
	v8 =	vld [tilespmem:$0x1F0]  }
0x130: {  	[tilespmem:$0x2B0] =	vst v9  }
0x131: {  	[tilespmem:$0x2C0] =	vst v10  }
0x132: {  	s10 =	sadd.s32 s28, s21;
	[tilespmem:$0x2D0] =	vst v6  }
0x133: {  	s5 =	sshrl.u32 s10, $0x3;
	[tilespmem:$0x2E0] =	vst v7  }
0x134: {  	s16 =	sadd.s32 s7, s5;
	[tilespmem:$0x2F0] =	vst v8  }
0x135: {  	[tilespmem:s31], [sflag:$0x2] =	stream.linear.gather [hbm4b:s16+s4], $0x80, $0x38;
	[tilespmem:$0x19690] =	vst v63  }
0x136: {  	s5 =	sadd.s32 s8, s5  }
0x137: {  	[tilespmem:s0], [sflag:$0x4] =	stream.linear.gather [hbm4b:s5+s4], $0x80, $0x38;
	[tilespmem:$0x19690] =	vst v63  }
0x138: {  	_ =	swait.ge [sflag:s2], $0x80  }
0x139: {  	[sflag:s2] =	ssyncset.done $0x0  }
0x13a: {  	[sflag:s2] =	ssyncadd.s32 $0xFFFFFF80  }
0x13b: {  	_ =	swait.ge [sflag:s29], $0x80  }
0x13c: {  	[sflag:s29] =	ssyncset.done $0x0  }
0x13d: {  	s17 =	simm.s32 $0x300;
	[sflag:s29] =	ssyncadd.s32 $0xFFFFFF80  }
0x13e: {  	[tilespmem:s17], [sflag:$0x5] =	stream.indirect.gather [hbm4b:s1+s31], $0x40, s4, s31, $0xb8;
	[tilespmem:$0x19690] =	vst v63  }
0x13f: {  	s18 =	simm.s32 $0x4300;
	s16 =	simm.s32 $0x6380  }
0x140: {  	[tilespmem:s18], [sflag:$0x7] =	stream.indirect.gather [hbm4b:s6+s31], $0x40, s30, s31, $0xb8;
	[tilespmem:$0x19690] =	vst v63  }
0x141: {  	v8 =	vld [tilespmem:s16+$0x40]  }
0x142: {  	v9 =	vld [tilespmem:s16+$0x50]  }
0x143: {  	v10 =	vld [tilespmem:s16+$0x70]  }
0x144: {  	s24 =	simm.s32 $0x2380;
	v11 =	vld [tilespmem:s16+$0x60]  }
0x145: {  	v6 =	vld [tilespmem:s24+$0x70]  }
0x146: {  	v18 =	vld [tilespmem:s24+$0x60]  }
0x147: {  	v19 =	vld [tilespmem:s24+$0x50]  }
0x148: {  	v22 =	vld [tilespmem:s24+$0x40]  }
0x149: {  	v12 =	vld [tilespmem:s16+$0x30]  }
0x14a: {  	v13 =	vld [tilespmem:s16+$0x20]  }
0x14b: {  	v14 =	vld [tilespmem:s16+$0x10]  }
0x14c: {  	v15 =	vld [tilespmem:s16+$0x0]  }
0x14d: {  	v7 =	vld [tilespmem:s24+$0x30]  }
0x14e: {  	v26 =	vld [tilespmem:s24+$0x20]  }
0x14f: {  	v24 =	vld [tilespmem:s24+$0x10]  }
0x150: {  	v20 =	vld [tilespmem:s24+$0x0]  }
0x151: {  	v11 =	vadd.f32 v11, v18;
	v10 =	vadd.f32 v10, v6  }
0x152: {  	v9 =	vadd.f32 v9, v19;
	v8 =	vadd.f32 v8, v22  }
0x153: {  	v23 =	vld [tilespmem:s16+$0xFFFFFFD0];
	v12 =	vadd.f32 v12, v7;
	v13 =	vadd.f32 v13, v26  }
0x154: {  	v29 =	vld [tilespmem:s24+$0xFFFFFFF0];
	v14 =	vadd.f32 v14, v24;
	v16 =	vmul.f32 $2.000000030e-01, v11;
	v17 =	vmul.f32 $2.000000030e-01, v10  }
0x155: {  	v30 =	vld [tilespmem:s24+$0xFFFFFFE0];
	v15 =	vadd.f32 v15, v20;
	v21 =	vmul.f32 $2.000000030e-01, v9;
	v25 =	vmul.f32 $2.000000030e-01, v8  }
0x156: {  	v28 =	vld [tilespmem:s24+$0xFFFFFFD0];
	v27 =	vmul.f32 $2.000000030e-01, v13;
	v46 =	vmul.f32 $2.000000030e-01, v14;
	v11 =	vmax.f32 v11, v16  }
0x157: {  	v31 =	vld [tilespmem:s24+$0xFFFFFFC0];
	v10 =	vmax.f32 v10, v17;
	v8 =	vmax.f32 v8, v25;
	v25 =	vmul.f32 $2.000000030e-01, v12  }
0x158: {  	v16 =	vld [tilespmem:s16+$0xFFFFFFF0];
	v9 =	vmax.f32 v9, v21;
	v11 =	vmul.f32 v11, v4;
	v10 =	vmul.f32 v10, v5  }
0x159: {  	v21 =	vld [tilespmem:s16+$0xFFFFFFE0];
	v13 =	vmax.f32 v13, v27;
	v9 =	vmul.f32 v9, v3;
	v8 =	vmul.f32 v8, v2  }
0x15a: {  	v17 =	vld [tilespmem:s16+$0xFFFFFFC0];
	v13 =	vmul.f32 v13, v4;
	v10 =	vadd.f32 v10, v11;
	v11 =	vmax.f32 v12, v25  }
0x15b: {  	v12 =	vmul.f32 $2.000000030e-01, v15;
	v8 =	vadd.f32 v9, v8;
	v9 =	vmax.f32 v14, v46  }
0x15c: {  	v9 =	vmul.f32 v9, v3;
	v11 =	vmul.f32 v11, v5  }
0x15d: {  	v27 =	vld [tilespmem:s16+$0xFFFFFF80];
	v12 =	vmax.f32 v15, v12;
	v10 =	vadd.f32 v10, v8;
	v14 =	vadd.f32 v16, v29  }
0x15e: {  	v25 =	vld [tilespmem:s16+$0xFFFFFF90];
	v15 =	vadd.f32 v21, v30;
	v16 =	vadd.f32 v23, v28;
	v12 =	vmul.f32 v12, v2  }
0x15f: {  	v8 =	vld [tilespmem:s24+$0xFFFFFF80];
	v11 =	vadd.f32 v11, v13;
	v13 =	vadd.f32 v17, v31;
	(xrf2) =	vadd.scan.msk.f32 $0xffff, v10;
	v10 =	vmul.f32 $2.000000030e-01, v14  }
0x160: {  	v21 =	vld [tilespmem:s16+$0xFFFFFFB0];
	v23 =	vmul.f32 $2.000000030e-01, v16;
	v9 =	vadd.f32 v9, v12;
	v12 =	vmul.f32 $2.000000030e-01, v15  }
0x161: {  	v17 =	vld [tilespmem:s16+$0xFFFFFFA0];
	v14 =	vmax.f32 v14, v10;
	v10 =	vmul.f32 $2.000000030e-01, v13  }
0x162: {  	v12 =	vmax.f32 v15, v12;
	v15 =	vmax.f32 v16, v23;
	v11 =	vadd.f32 v11, v9;
	v9 =	vld [tilespmem:s24+$0xFFFFFFA0]  }
0x163: {  	v14 =	vmul.f32 v14, v5;
	v12 =	vmul.f32 v12, v4;
	v13 =	vmax.f32 v13, v10;
	v10 =	vld [tilespmem:s24+$0xFFFFFFB0]  }
0x164: {  	v15 =	vmul.f32 v15, v3;
	v13 =	vmul.f32 v13, v2;
	(xrf2) =	vadd.scan.msk.f32 $0xffff, v11;
	v11 =	vld [tilespmem:s24+$0xFFFFFF90]  }
0x165: {  	v12 =	vadd.f32 v14, v12  }
0x166: {  	v14 =	vadd.f32 v27, v8;
	v13 =	vadd.f32 v15, v13;
	_ =	sdelay $0x1  }
0x167: {  	v15 =	vadd.f32 v17, v9;
	v16 =	vmul.f32 $2.000000030e-01, v14;
	v12 =	vadd.f32 v12, v13  }
0x168: {  	s16 =	simm.s32 $0x6480;
	v13 =	vadd.f32 v21, v10;
	v17, _, _ =	vpop (xrf2);
	v21 =	vadd.f32 v25, v11  }
0x169: {  	v47 =	vld [tilespmem:s16+$0x70];
	v23 =	vmul.f32 $2.000000030e-01, v15;
	v14 =	vmax.f32 v14, v16;
	v17 =	vperm.xlane v17, v1  }
0x16a: {  	s17 =	simm.s32 $0x2480;
	v16 =	vld [tilespmem:s16+$0x40];
	(xrf2) =	vadd.scan.msk.f32 $0xffff, v12;
	v12 =	vmul.f32 $2.000000030e-01, v13;
	v27 =	vmul.f32 v14, v2  }
0x16b: {  	v14 =	vld [tilespmem:s17+$0x70];
	v25 =	vmul.f32 $2.000000030e-01, v21;
	v15 =	vmax.f32 v15, v23;
	v17 =	vmul.f32 $1.442695020e+00, v17  }
0x16c: {  	v23 =	vld [tilespmem:s16+$0x50];
	v15 =	vmul.f32 v15, v4;
	v12 =	vmax.f32 v13, v12  }
0x16d: {  	v13 =	vmul.f32 v12, v5;
	v12 =	vmax.f32 v21, v25;
	(erf) = vpow2.f32 v17;
	v17 =	vld [tilespmem:s16+$0x60];
	v21, _, _ =	vpop (xrf2)  }
0x16e: {  	v25 =	vmul.f32 v12, v3;
	v12 =	vld [tilespmem:s17+$0x60];
	v21 =	vperm.xlane v21, v1  }
0x16f: {  	v48 =	vadd.f32 v13, v15;
	v13 =	vld [tilespmem:s17+$0x50]  }
0x170: {  	v15 =	vld [tilespmem:s17+$0x40];
	v25 =	vadd.f32 v25, v27;
	v21 =	vmul.f32 $1.442695020e+00, v21;
	_ =	sdelay $0x1  }
0x171: {  	v49 =	vld [tilespmem:s16+$0x20];
	v32 =	vadd.f32 v47, v14;
	v25 =	vadd.f32 v48, v25;
	(erf) = vpow2.f32 v21  }
0x172: {  	v50 =	vld [tilespmem:s16+$0x10];
	v17 =	vadd.f32 v17, v12  }
0x173: {  	s25 =	sadd.s32 $0x0, s9;
	v27 =	vld [tilespmem:s16+$0x30];
	(xrf2) =	vadd.scan.msk.f32 $0xffff, v25;
	v52 =	vadd.f32 v23, v13;
	v25 =	vmul.f32 $2.000000030e-01, v32  }
0x174: {  	p5 =	slt.u32 s25, $0x50910;
	v23 =	vld [tilespmem:s17+$0x30];
	v54 =	vadd.f32 v16, v15;
	v21, _, _ =	vpop (xrf2);
	v55 =	vmul.f32 $2.000000030e-01, v17  }
0x175: {  	p1 =	por p5, p5;
	s24 =	simm.f32 $1.000000000e+00;
	v16 =	vld [tilespmem:s17+$0x10];
	v21 =	vperm.xlane v21, v1;
	v41 =	vmul.f32 $2.000000030e-01, v52;
	v32 =	vmax.f32 v32, v25  }
0x176: {  	v51 =	vld [tilespmem:s16+$0x0];
	s24 =	simm.s32 @!p1 $0x0;
	v56 =	vmul.f32 $2.000000030e-01, v54;
	v53 =	vpop (erf);
	v39 =	vmax.f32 v17, v55;
	v32 =	vmul.f32 v32, v5  }
0x177: {  	v40 =	vmul.f32 $1.442695020e+00, v21;
	v21 =	vld [tilespmem:s17+$0x20];
	v25 =	vmul.f32 s24, v53;
	v36 =	vmax.f32 v52, v41  }
0x178: {  	v17 =	vld [tilespmem:s17+$0x0];
	v39 =	vmul.f32 v39, v4;
	v37 =	vmax.f32 v54, v56;
	v36 =	vmul.f32 v36, v3  }
0x179: {  	v58 =	vadd.f32 v27, v23;
	v37 =	vmul.f32 v37, v2;
	(erf) = vpow2.f32 v40  }
0x17a: {  	v57 =	vld [tilespmem:s16+$0xFFFFFFD0];
	v34 =	vadd.f32 v50, v16;
	v22 =	vmul.f32 v25, v22;
	v60 =	vmul.f32 v25, v19;
	v27 =	vpop (erf)  }
0x17b: {  	v59 =	vld [tilespmem:s16+$0xFFFFFFF0];
	v32 =	vadd.f32 v32, v39;
	v43 =	vmul.f32 v25, v18;
	v27 =	vmul.f32 s24, v27  }
0x17c: {  	v44 =	vld [tilespmem:s16+$0xFFFFFFE0];
	v19 =	vmul.f32 $2.000000030e-01, v58;
	v47 =	vmul.f32 $2.000000030e-01, v34;
	v33 =	vadd.f32 v49, v21  }
0x17d: {  	s18 =	simm.s32 $0xABA0;
	v18 =	vld [tilespmem:s17+$0xFFFFFFF0];
	v61 =	vadd.f32 v36, v37;
	v35 =	vadd.f32 v51, v17;
	v46 =	vmul.f32 v27, v20;
	v20, _, _ =	vpop (xrf2)  }
0x17e: {  	[tilespmem:s18+$0x90] =	vst v25;
	v40 =	vmax.f32 v58, v19;
	v19 =	vld [tilespmem:s17+$0xFFFFFFE0];
	v45 =	vmul.f32 $2.000000030e-01, v33;
	v48 =	vperm.xlane v20, v1  }
0x17f: {  	v42 =	vld [tilespmem:s16+$0xFFFFFFC0];
	[tilespmem:s18+$0x50] =	vst v22;
	v34 =	vmax.f32 v34, v47;
	v49 =	vmul.f32 $2.000000030e-01, v35  }
0x180: {  	[tilespmem:s18+$0x60] =	vst v60;
	v32 =	vadd.f32 v32, v61;
	v34 =	vmul.f32 v34, v3;
	v20 =	vld [tilespmem:s17+$0xFFFFFFD0];
	v22 =	vmax.f32 v33, v45  }
0x181: {  	[tilespmem:s18+$0x70] =	vst v43;
	v40 =	vmul.f32 v40, v5;
	v35 =	vmax.f32 v35, v49;
	v62 =	vmul.f32 v22, v4;
	v22 =	vld [tilespmem:s17+$0xFFFFFFC0]  }
0x182: {  	v53 =	vld [tilespmem:s16+$0xFFFFFFB0];
	[tilespmem:s18+$0x40] =	vst v27;
	v39 =	vadd.f32 v59, v18;
	v35 =	vmul.f32 v35, v2;
	v63 =	vmul.f32 $1.442695020e+00, v48;
	v48 =	vpop (erf)  }
0x183: {  	v51 =	vmul.f32 v27, v24;
	v24 =	vld [tilespmem:s17+$0xFFFFFF80];
	(xrf2) =	vadd.scan.msk.f32 $0xffff, v32;
	v52 =	vadd.f32 v44, v19;
	v50 =	vmul.f32 s24, v48  }
0x184: {  	v32 =	vld [tilespmem:s16+$0xFFFFFFA0];
	[tilespmem:s18+$0x0] =	vst v46;
	v55 =	vmul.f32 $2.000000030e-01, v39;
	v34 =	vadd.f32 v34, v35;
	v36 =	vadd.f32 v40, v62  }
0x185: {  	v33 =	vld [tilespmem:s16+$0xFFFFFF80];
	[tilespmem:s18+$0x10] =	vst v51;
	(erf) = vpow2.f32 v63;
	v54 =	vadd.f32 v57, v20;
	v30 =	vmul.f32 v50, v30  }
0x186: {  	v31 =	vmul.f32 v50, v31;
	v56 =	vmul.f32 v50, v28;
	[tilespmem:s18+$0xFFFFFFF0] =	vst v50;
	v28 =	vld [tilespmem:s17+$0xFFFFFFB0];
	v42 =	vadd.f32 v42, v22  }
0x187: {  	v38 =	vmax.f32 v39, v55;
	v57 =	vmul.f32 $2.000000030e-01, v52;
	v29 =	vmul.f32 v50, v29;
	[tilespmem:s18+$0xFFFFFFD0] =	vst v30;
	v30 =	vld [tilespmem:s17+$0xFFFFFFA0]  }
0x188: {  	v62 =	vadd.f32 v36, v34;
	v58 =	vmul.f32 $2.000000030e-01, v54;
	[tilespmem:s18+$0xFFFFFFB0] =	vst v31;
	v31 =	vld [tilespmem:s16+$0xFFFFFF90];
	v59 =	vmul.f32 $2.000000030e-01, v42  }
0x189: {  	s28 =	sadd.s32 $0x4, s9;
	v26 =	vmul.f32 v27, v26;
	v37 =	vmul.f32 v38, v5;
	v60 =	vmax.f32 v52, v57;
	[tilespmem:s18+$0xFFFFFFE0] =	vst v29;
	v29 =	vld [tilespmem:s17+$0xFFFFFF90]  }
0x18a: {  	p6 =	slt.u32 s28, $0x50910;
	v35 =	vmul.f32 v60, v4;
	(xrf2) =	vadd.scan.msk.f32 $0xffff, v62;
	v61 =	vmax.f32 v54, v58;
	v63 =	vmax.f32 v42, v59  }
0x18b: {  	s25 =	simm.s32 $0xABA0;
	s5 =	simm.s32 $0x4;
	p1 =	por p6, p6;
	[tilespmem:s18+$0xFFFFFFC0] =	vst v56;
	v36 =	vmul.f32 v61, v3;
	v34 =	vadd.f32 v53, v28;
	v38 =	vmul.f32 v63, v2  }
.LBB2_7:
0x18c: {  	s5 =	sadd.s32 $0x4, s5;
	v33 =	vadd.f32 v33, v24;
	v32 =	vadd.f32 v32, v30;
	v27 =	vmul.f32 v27, v7;
	s18 =	sadd.s32 $0x140, s18;
	v7 =	vmovc v23  }
0x18d: {  	v35 =	vadd.f32 v37, v35;
	v37 =	vmul.f32 v25, v6;
	s10 =	sadd.s32 s9, s5;
	p2 =	slt.u32 s5, $0x7C;
	v23 =	vadd.f32 v36, v38;
	[tilespmem:s25+$0x20] =	vst v26  }
0x18e: {  	v31 =	vadd.f32 v31, v29;
	p3 =	slt.u32 s10, $0x50910;
	v25 =	vmul.f32 $2.000000030e-01, v33;
	v38 =	vmul.f32 $2.000000030e-01, v32;
	v36, _, _ =	vpop (xrf2);
	[tilespmem:s25+$0x30] =	vst v27  }
0x18f: {  	v6 =	vmovc v14;
	v27 =	vmul.f32 $2.000000030e-01, v34;
	v23 =	vadd.f32 v35, v23;
	v35 =	vperm.xlane v36, v1;
	[tilespmem:s25+$0x80] =	vst v37  }
0x190: {  	v14 =	vmax.f32 v33, v25;
	v25 =	vmul.f32 $2.000000030e-01, v31;
	v36 =	vmax.f32 v32, v38;
	v32 =	vpop (erf)  }
0x191: {  	s16 =	sadd.s32 $0x100, s16;
	v26 =	vmovc v21;
	v27 =	vmax.f32 v34, v27;
	v33 =	vmul.f32 v36, v4;
	(xrf2) =	vadd.scan.msk.f32 $0xffff, v23;
	v23 =	vmul.f32 s24, v32  }
0x192: {  	v32 =	vmul.f32 v14, v2;
	v14 =	vmul.f32 $1.442695020e+00, v35;
	v21 =	vld [tilespmem:s16+$0x40]  }
0x193: {  	v27 =	vmul.f32 v27, v5;
	v34 =	vld [tilespmem:s16+$0x50];
	v35 =	vmul.f32 v23, v10;
	[tilespmem:s25+$0xFFFFFFA0] =	vst v23;
	v10 =	vmov v28  }
0x194: {  	v36 =	vmul.f32 v23, v9;
	v9 =	vmov v30;
	v28 =	vld [tilespmem:s16+$0x70];
	(erf) = vpow2.f32 v14  }
0x195: {  	s17 =	sadd.s32 $0x100, s17;
	v25 =	vmax.f32 v31, v25;
	v27 =	vadd.f32 v27, v33;
	v33 =	vmul.f32 v23, v11;
	v30 =	vld [tilespmem:s16+$0x60];
	v31, _, _ =	vpop (xrf2);
	[tilespmem:s25+$0xFFFFFF90] =	vst v35  }
0x196: {  	v25 =	vmul.f32 v25, v3;
	v11 =	vmov v29;
	v14 =	vld [tilespmem:s17+$0x70];
	v31 =	vperm.xlane v31, v1;
	[tilespmem:s25+$0xFFFFFF80] =	vst v36  }
0x197: {  	v23 =	vmul.f32 v23, v8;
	v8 =	vmov v24;
	v29 =	vld [tilespmem:s17+$0x60];
	[tilespmem:s25+$0xFFFFFF70] =	vst v33  }
0x198: {  	v24 =	vadd.f32 v25, v32;
	v33 =	vld [tilespmem:s17+$0x50];
	v35 =	vmul.f32 $1.442695020e+00, v31  }
0x199: {  	v31 =	vld [tilespmem:s17+$0x40];
	[tilespmem:s25+$0xFFFFFF60] =	vst v23;
	s25 =	smov.u32 s18  }
0x19a: {  	v23 =	vadd.f32 v27, v24;
	v32 =	vld [tilespmem:s16+$0x30];
	(erf) = vpow2.f32 v35  }
0x19b: {  	v27 =	vld [tilespmem:s16+$0x20];
	v24 =	vadd.f32 v28, v14;
	v25, _, _ =	vpop (xrf2)  }
0x19c: {  	v28 =	vld [tilespmem:s16+$0x10];
	v30 =	vadd.f32 v30, v29;
	v25 =	vperm.xlane v25, v1;
	(xrf2) =	vadd.scan.msk.f32 $0xffff, v23  }
0x19d: {  	s24 =	simm.f32 $1.000000000e+00;
	v35 =	vld [tilespmem:s16+$0x0];
	v34 =	vadd.f32 v34, v33;
	v36 =	vmul.f32 $2.000000030e-01, v24;
	v37 =	vpop (erf)  }
0x19e: {  	s24 =	simm.s32 @!p1 $0x0;
	p1 =	por p3, p3;
	v23 =	vld [tilespmem:s17+$0x30];
	v38 =	vadd.f32 v21, v31;
	v39 =	vmul.f32 $2.000000030e-01, v30;
	v40 =	vmul.f32 $1.442695020e+00, v25  }
0x19f: {  	v25 =	vmul.f32 s24, v37;
	v21 =	vld [tilespmem:s17+$0x20];
	v41 =	vmul.f32 $2.000000030e-01, v34;
	v24 =	vmax.f32 v24, v36  }
0x1a0: {  	v36 =	vld [tilespmem:s17+$0x10];
	v43 =	vmul.f32 $2.000000030e-01, v38;
	v30 =	vmax.f32 v30, v39;
	(erf) = vpow2.f32 v40  }
0x1a1: {  	v40 =	vmul.f32 v24, v5;
	v39 =	vld [tilespmem:s17+$0x0];
	v34 =	vmax.f32 v34, v41;
	v30 =	vmul.f32 v30, v4;
	[tilespmem:s18+$0x90] =	vst v25  }
0x1a2: {  	v24 =	vld [tilespmem:s17+$0xFFFFFF80];
	v42 =	vmax.f32 v38, v43;
	v34 =	vmul.f32 v34, v3;
	v38 =	vmul.f32 v25, v15;
	v15 =	vmovc v31  }
0x1a3: {  	v41 =	vld [tilespmem:s16+$0xFFFFFFD0];
	v31 =	vadd.f32 v32, v23;
	v32 =	vmul.f32 v42, v2;
	v30 =	vadd.f32 v40, v30;
	v37 =	vpop (erf)  }
0x1a4: {  	v40 =	vld [tilespmem:s16+$0xFFFFFFF0];
	v42 =	vadd.f32 v27, v21;
	v27 =	vmul.f32 s24, v37;
	[tilespmem:s18+$0x50] =	vst v38;
	v37 =	vmul.f32 v25, v13;
	v13 =	vmovc v33  }
0x1a5: {  	v43 =	vmul.f32 v25, v12;
	v12 =	vmovc v29;
	v38 =	vld [tilespmem:s16+$0xFFFFFFC0];
	v28 =	vadd.f32 v28, v36;
	v33 =	vmul.f32 $2.000000030e-01, v31  }
0x1a6: {  	v29 =	vld [tilespmem:s16+$0xFFFFFFE0];
	v35 =	vadd.f32 v35, v39;
	v44 =	vmul.f32 $2.000000030e-01, v42;
	v45 =	vmul.f32 v27, v17;
	[tilespmem:s18+$0x40] =	vst v27;
	v17, _, _ =	vpop (xrf2)  }
0x1a7: {  	v46 =	vld [tilespmem:s17+$0xFFFFFFF0];
	v47 =	vmul.f32 $2.000000030e-01, v28;
	v31 =	vmax.f32 v31, v33;
	v48 =	vperm.xlane v17, v1;
	[tilespmem:s18+$0x60] =	vst v37;
	v17 =	vmovc v39  }
0x1a8: {  	v32 =	vadd.f32 v34, v32;
	v37 =	vld [tilespmem:s17+$0xFFFFFFE0];
	v39 =	vmul.f32 $2.000000030e-01, v35;
	v42 =	vmax.f32 v42, v44;
	[tilespmem:s18+$0x0] =	vst v45  }
0x1a9: {  	v34 =	vld [tilespmem:s17+$0xFFFFFFD0];
	v28 =	vmax.f32 v28, v47;
	v42 =	vmul.f32 v42, v4;
	v44 =	vmul.f32 $1.442695020e+00, v48;
	[tilespmem:s18+$0x70] =	vst v43;
	v33 =	vpop (erf)  }
0x1aa: {  	v31 =	vmul.f32 v31, v5;
	v43 =	vld [tilespmem:s17+$0xFFFFFFC0];
	v35 =	vmax.f32 v35, v39;
	v28 =	vmul.f32 v28, v3  }
0x1ab: {  	v30 =	vadd.f32 v30, v32;
	v45 =	vmul.f32 s24, v33;
	v39 =	vld [tilespmem:s16+$0xFFFFFFB0];
	v35 =	vmul.f32 v35, v2  }
0x1ac: {  	v47 =	vmul.f32 v27, v16;
	v16 =	vmovc v36;
	v42 =	vadd.f32 v31, v42;
	v32 =	vld [tilespmem:s16+$0xFFFFFFA0];
	v40 =	vadd.f32 v40, v46  }
0x1ad: {  	v50 =	vmul.f32 v45, v22;
	v31 =	vld [tilespmem:s16+$0xFFFFFF90];
	v36 =	vadd.f32 v29, v37;
	v48 =	vadd.f32 v28, v35;
	(xrf2) =	vadd.scan.msk.f32 $0xffff, v30  }
0x1ae: {  	v33 =	vld [tilespmem:s16+$0xFFFFFF80];
	v35 =	vadd.f32 v41, v34;
	v29 =	vmul.f32 $2.000000030e-01, v40;
	v41 =	vmul.f32 v45, v20;
	[tilespmem:s18+$0xFFFFFFF0] =	vst v45;
	v20 =	vmovc v34  }
0x1af: {  	v49 =	vmul.f32 v45, v19;
	v19 =	vmovc v37;
	v28 =	vld [tilespmem:s17+$0xFFFFFFB0];
	v34 =	vadd.f32 v38, v43;
	v38 =	vmul.f32 $2.000000030e-01, v36;
	[tilespmem:s18+$0xFFFFFFB0] =	vst v50  }
.Ltmp2:
0x1b0: {  	v22 =	vmovc v43;
	v30 =	vld [tilespmem:s17+$0xFFFFFFA0];
	v37 =	vmul.f32 $2.000000030e-01, v35;
	v40 =	vmax.f32 v40, v29;
	[tilespmem:s18+$0xFFFFFFC0] =	vst v41;
	(erf) = vpow2.f32 v44;
	(pc) =	sbr.rel @p2 .LBB2_7-.Ltmp2, $4  }
0x1b1: {  	v29 =	vld [tilespmem:s17+$0xFFFFFF90];
	v41 =	vmul.f32 $2.000000030e-01, v34;
	v36 =	vmax.f32 v36, v38;
	[tilespmem:s18+$0xFFFFFFD0] =	vst v49;
	v38 =	vmul.f32 v45, v18;
	v18 =	vmovc v46  }
0x1b2: {  	v42 =	vadd.f32 v42, v48;
	v37 =	vmax.f32 v35, v37;
	v35 =	vmul.f32 v36, v4;
	[tilespmem:s18+$0x10] =	vst v47  }
0x1b3: {  	v41 =	vmax.f32 v34, v41;
	v36 =	vmul.f32 v37, v3;
	v37 =	vmul.f32 v40, v5;
	[tilespmem:s18+$0xFFFFFFE0] =	vst v38  }
0x1b4: {  	v26 =	vmul.f32 v27, v26;
	v34 =	vadd.f32 v39, v28;
	v38 =	vmul.f32 v41, v2;
	(xrf2) =	vadd.scan.msk.f32 $0xffff, v42  }
0x1b5: {  	_ = 	snop  }
0x1b6: {  	v35 =	vadd.f32 v37, v35;
	v36 =	vadd.f32 v36, v38  }
0x1b7: {  	v32 =	vadd.f32 v32, v30;
	v33 =	vadd.f32 v33, v24  }
0x1b8: {  	v31 =	vadd.f32 v31, v29;
	v63 =	vmul.f32 $2.000000030e-01, v34;
	v35 =	vadd.f32 v35, v36  }
0x1b9: {  	v61 =	vmul.f32 $2.000000030e-01, v32;
	v62 =	vmul.f32 $2.000000030e-01, v33  }
0x1ba: {  	v40 =	vmul.f32 $2.000000030e-01, v31;
	(xrf2) =	vadd.scan.msk.f32 $0xffff, v35  }
0x1bb: {  	v34 =	vmax.f32 v34, v63;
	v32 =	vmax.f32 v32, v61;
	v33 =	vmax.f32 v33, v62  }
0x1bc: {  	v34 =	vmul.f32 v34, v5;
	v32 =	vmul.f32 v32, v4;
	v31 =	vmax.f32 v31, v40  }
0x1bd: {  	v33 =	vmul.f32 v33, v2;
	v31 =	vmul.f32 v31, v3  }
0x1be: {  	v41, _, _ =	vpop (xrf2)  }
0x1bf: {  	v35 =	vperm.xlane v41, v1;
	v32 =	vadd.f32 v34, v32;
	v31 =	vadd.f32 v31, v33;
	_ =	sdelay $0x1  }
0x1c0: {  	v42 =	vmul.f32 $1.442695020e+00, v35;
	v31 =	vadd.f32 v32, v31;
	_ =	sdelay $0x1  }
0x1c1: {  	v43, _, _ =	vpop (xrf2);
	(erf) = vpow2.f32 v42;
	(xrf2) =	vadd.scan.msk.f32 $0xffff, v31  }
0x1c2: {  	v44 =	vperm.xlane v43, v1;
	v46, _, _ =	vpop (xrf2)  }
0x1c3: {  	v32 =	vperm.xlane v46, v1  }
0x1c4: {  	v7 =	vmul.f32 v27, v7;
	v45 =	vmul.f32 $1.442695020e+00, v44  }
0x1c5: {  	v6 =	vmul.f32 v25, v6;
	v47 =	vpop (erf);
	v48 =	vmul.f32 $1.442695020e+00, v32  }
0x1c6: {  	[tilespmem:s25+$0x20] =	vst v26;
	v49 =	vmul.f32 s24, v47;
	(erf) = vpow2.f32 v45  }
0x1c7: {  	[tilespmem:s25+$0x30] =	vst v7;
	(erf) = vpow2.f32 v48  }
0x1c8: {  	[tilespmem:s25+$0x80] =	vst v6;
	v6 =	vmul.f32 v49, v10  }
0x1c9: {  	s5 =	simm.f32 $1.000000000e+00;
	[tilespmem:s25+$0xFFFFFFA0] =	vst v49;
	v7 =	vmul.f32 v49, v9  }
0x1ca: {  	s5 =	simm.s32 @!p1 $0x0;
	v51 =	vmul.f32 v49, v11;
	[tilespmem:s25+$0xFFFFFF90] =	vst v6;
	v50 =	vpop (erf)  }
0x1cb: {  	[tilespmem:s25+$0xFFFFFF80] =	vst v7;
	v6 =	vmul.f32 v49, v8;
	v7 =	vmul.f32 s5, v50;
	v52, _, _ =	vpop (xrf2)  }
0x1cc: {  	[tilespmem:s25+$0xFFFFFF70] =	vst v51;
	v8 =	vperm.xlane v52, v1  }
0x1cd: {  	s10 =	sadd.s32 $0x140, s18;
	[tilespmem:s25+$0xFFFFFF60] =	vst v6;
	v6 =	vmul.f32 v7, v15  }
0x1ce: {  	[tilespmem:s10+$0x90] =	vst v7;
	v56 =	vmul.f32 v7, v12;
	v8 =	vmul.f32 $1.442695020e+00, v8  }
0x1cf: {  	v53 =	vpop (erf);
	[tilespmem:s10+$0x50] =	vst v6;
	v6 =	vmul.f32 v7, v13;
	v7 =	vmul.f32 v7, v14  }
0x1d0: {  	[tilespmem:s10+$0x70] =	vst v56;
	v9 =	vmul.f32 s5, v53;
	v55 =	vpop (erf);
	(erf) = vpow2.f32 v8  }
0x1d1: {  	[tilespmem:s10+$0x60] =	vst v6  }
0x1d2: {  	[tilespmem:s10+$0x80] =	vst v7;
	v54 =	vmul.f32 v9, v17  }
0x1d3: {  	[tilespmem:s10+$0x40] =	vst v9;
	v60 =	vmul.f32 v9, v16  }
0x1d4: {  	v61 =	vmul.f32 v9, v21;
	[tilespmem:s10+$0x0] =	vst v54;
	v6 =	vmul.f32 s5, v55  }
0x1d5: {  	[tilespmem:s10+$0x10] =	vst v60  }
0x1d6: {  	[tilespmem:s10+$0x20] =	vst v61;
	v57 =	vmul.f32 v6, v22  }
0x1d7: {  	v58 =	vmul.f32 v6, v20;
	[tilespmem:s10+$0xFFFFFFF0] =	vst v6  }
0x1d8: {  	v59 =	vmul.f32 v6, v19;
	v6 =	vmul.f32 v6, v18;
	[tilespmem:s10+$0xFFFFFFB0] =	vst v57  }
0x1d9: {  	[tilespmem:s10+$0xFFFFFFC0] =	vst v58;
	v62 =	vpop (erf)  }
0x1da: {  	[tilespmem:s10+$0xFFFFFFE0] =	vst v6;
	v6 =	vmul.f32 v9, v23;
	v63 =	vmul.f32 s5, v62  }
0x1db: {  	[tilespmem:s10+$0xFFFFFFD0] =	vst v59  }
0x1dc: {  	s14 =	sadd.s32 $0x1, s14;
	[tilespmem:s10+$0x30] =	vst v6;
	v6 =	vmul.f32 v63, v28  }
0x1dd: {  	p1 =	sne.s32 s14, $0x29;
	[tilespmem:s10+$0xFFFFFFA0] =	vst v63;
	v7 =	vmul.f32 v63, v30  }
.Ltmp3:
0x1de: {  	v9 =	vmul.f32 v63, v29;
	[tilespmem:s10+$0xFFFFFF90] =	vst v6;
	(pc) =	sbr.rel @p1 .LBB2_4-.Ltmp3, $4  }
0x1df: {  	[tilespmem:s10+$0xFFFFFF80] =	vst v7;
	v6 =	vmul.f32 v63, v24  }
0x1e0: {  	s28 =	simm.s32 $0xAB00;
	[tilespmem:s10+$0xFFFFFF70] =	vst v9  }
0x1e1: {  	s23 =	sadd.s32 $0x100, s23;
	s9 =	sadd.s32 $0x100, s9;
	s25 =	simm.s32 $0x280;
	[tilespmem:s10+$0xFFFFFF60] =	vst v6  }
0x1e2: {  	[spmem:s3] =	stream.indirect.scatter.add.f32 [tilespmem:s28], [sflag:$0xA], $0x50, s25, s31, $0xb8;
	[tilespmem:$0x19690] =	vst v63  }
0x1e3: {  	_ =	swait.ge [sflag:s11], $0x2000  }
0x1e4: {  	[sflag:s11] =	ssyncset.done $0x0  }
0x1e5: {  	[sflag:s11] =	ssyncadd.s32 $0xFFFFE000  }
0x1e6: {  	_ =	swait.ge [sflag:s12], $0x2000  }
0x1e7: {  	[sflag:s12] =	ssyncset.done $0x0  }
0x1e8: {  	[sflag:s12] =	ssyncadd.s32 $0xFFFFE000  }
0x1e9: {  	_ =	swait.ge [sflag:s13], $0x80  }
0x1ea: {  	[sflag:s13] =	ssyncset.done $0x0  }
0x1eb: {  	[sflag:s13] =	ssyncadd.s32 $0xFFFFFF80  }
0x1ec: {  	_ =	swait.ge [sflag:s15], $0x80  }
0x1ed: {  	[sflag:s15] =	ssyncset.done $0x0  }
0x1ee: {  	s5 =	simm.s32 $0x9;
	[sflag:s15] =	ssyncadd.s32 $0xFFFFFF80  }
0x1ef: {  	_ =	swait.ge [sflag:s5], $0x2800  }
0x1f0: {  	[sflag:s5] =	ssyncset.done $0x0  }
0x1f1: {  	s23 =	simm.s32 $0xA;
	[sflag:s5] =	ssyncadd.s32 $0xFFFFD800  }
0x1f2: {  	_ =	swait.ge [sflag:s23], $0x2800  }
0x1f3: {  	[sflag:s23] =	ssyncset.done $0x0  }
0x1f4: {  	[sflag:s23] =	ssyncadd.s32 $0xFFFFD800  }
0x1f5: {  	s24 =	stileid.u32;
	[bflag:$0x0] =	sbarrier.arrive $0xFFFF  }
0x1f6: {  	s18 =	simm.s32 $0xB;
	s5 =	sshll.u32 s24, $0x6;
	s16 =	rddreg [dreg:$0x5]  }
0x1f7: {  	s5 =	sor.u32 $0x1C0B, s5;
	s10 =	rddreg [dreg:$0xf];
	s9 =	sshrl.u32 s16, $0x3  }
0x1f8: {  	[hbm:s10], [sflag:s5] =	dma.local [spmem:s9], $0x1860  }
0x1f9: {  	_ =	swait.ge [sflag:s18], $0x1860  }
0x1fa: {  	[sflag:s18] =	ssyncset.done $0x0;
	s17 =	rddreg [dreg:$0xa]  }
0x1fb: {  	s10 =	rddreg [dreg:$0x10];
	[sflag:s18] =	ssyncadd.s32 $0xFFFFE7A0;
	s9 =	sshrl.u32 @!p0 s17, $0x3  }
0x1fc: {  	[hbm:s10], [sflag:s5] =	dma.local @!p0 [spmem:s9], $0xA0  }
0x1fd: {  	s5 =	simm.s32 @!p0 $0xB  }
0x1fe: {  	_ =	swait.ge @!p0 [sflag:s5], $0xA0  }
0x1ff: {  	s25 =	rddreg [dreg:$0x14]  }
0x200: {  	s28 =	rddreg [dreg:$0x12];
	s10 =	sadd.s32 $0x1, s25  }
0x201: {  	p1 =	sne.s32 s10, s28  }
.Ltmp4:
0x202: {  	_ = 	snop;
	(pc) =	sbr.rel @p1 .LBB2_1-.Ltmp4, $3  }
0x203: {  	_ =	sdelay $0x1  }
0x204: {  	[sflag:s5] =	ssyncset.done @!p0 $0x0  }
0x205: {  	[sflag:s5] =	ssyncadd.s32 @!p0 $0xFFFFFF60  }
0x206: {  	_ =	sfence.sel $0x180000  }
0x207: {  	[bflag:$0x0] =	sbarrier.arrive $0xFFFF  }
0x208: {  	_ =	strace $0x9000004A  }
0x209: {  	s0 =	stileid.u32;
	[bflag:$0x2] =	sbarrier.arrive $0xFFFF  }
0x20a: {  	p0 =	sne.s32 s0, $0x0;
	s0 =	rddreg [dreg:$0x4]  }
0x20b: {  	s0 =	sadd.s32 @!p0 $0x100000, s0  }
0x20c: {  	[sflag:s0] =	ssyncadd.tile.s32 @!p0 $0x1;
	_ =	shalt  }
.Lfunc_end2:
_tile_overlayer_lowered:
.L_overlay_start_2:
0x20d: {  	(tag) =	ssettag $0x2  }
0x20e: {  	s0 =	rddreg [dreg:$0x0];
	s2 =	stileid.u32  }
0x20f: {  	s1 =	rddreg [dreg:$0x1];
	p0 =	sne.s32 s2, $0x0  }
0x210: {  	s3 =	rddreg [dreg:$0x2];
	[bflag:$0x3] =	sbarrier.arrive $0xFFFF;
	s2 =	simm.s32 @!p0 $0x1C0B  }
0x211: {  	[timem:s3], [sflag:s2] =	dma.local @!p0 [hbm:s0], s1  }
0x212: {  	s0 =	simm.s32 @!p0 $0xB  }
0x213: {  	_ =	swait.ge @!p0 [sflag:s0], s1  }
0x214: {  	s1 =	ssub.s32 @!p0 $0x0, s1;
	[sflag:s0] =	ssyncset.done @!p0 $0x0  }
0x215: {  	[sflag:s0] =	ssyncadd.s32 @!p0 s1  }
0x216: {  	[bflag:$0x3] =	sbarrier.arrive $0xFFFF  }
0x217: {  	_ =	shalt  }

// kernel: kernel.7.cloned.1.call-start
scs
__scs_entry_jumppad:
0x0: {  	(pc) =	sbr.rel $0x88, $3  }
0x1: {  	(tag) =	ssettag $0x0;
	lr =	simm.s32 $0x1  }
0x2: {  	[smem:$0x3F97] =	sst lr;
	_ =	strace $0xD0000000  }
0x3: {  	_ = 	snop  }
0x4: {  	_ = 	snop  }
0x5: {  	_ = 	snop  }
0x6: {  	_ = 	snop  }
0x7: {  	_ = 	snop  }
__scs_overlays_trampoline_lowered:
0x8: {  	[smem:$0x3FA6] =	sst s0  }
0x9: {  	[smem:$0x3FA7] =	sst s1  }
0xa: {  	[smem:$0x3FA8] =	sst s2  }
0xb: {  	[smem:$0x3FA9] =	sst s3  }
0xc: {  	[smem:$0x3FAA] =	sst s4  }
0xd: {  	[smem:$0x3FAB] =	sst s5  }
0xe: {  	[smem:$0x3FAC] =	sst s6  }
0xf: {  	[smem:$0x3FAD] =	sst s7  }
0x10: {  	[smem:$0x3FAE] =	sst s8  }
0x11: {  	[smem:$0x3FAF] =	sst s9;
	s0 =	simm.s32 @!p0 $0x0  }
0x12: {  	s1 =	sld [smem:$0x3F95];
	s0 =	simm.s32 @p0 $0x1  }
0x13: {  	[smem:$0x3FB0] =	sst s0;
	s0 =	simm.s32 @!p1 $0x0  }
0x14: {  	s2 =	sld [smem:$0x3F94];
	s0 =	simm.s32 @p1 $0x1  }
0x15: {  	[smem:$0x3FB1] =	sst s0;
	s0 =	simm.s32 @!p2 $0x0  }
0x16: {  	s3 =	sld [smem:$0x3FDB];
	s0 =	simm.s32 @p2 $0x1  }
0x17: {  	s4 =	simm.s32 $0x1BF5;
	[smem:$0x3FB3] =	sst s0  }
0x18: {  	s0 =	sld [smem:$0x3F96];
	_ =	swait.ge [sflag:s4], $0x0  }
0x19: {  	s7 =	sld [smem:$0x3F97]  }
0x1a: {  	s8 =	sadd.s32 $0xFFFFE003, lr  }
0x1b: {  	s9 =	sadd.s32 $0xFFFFFEF7, lr;
	s5 =	simm.s32 $0xFFFFFFFF;
	p2 =	slt.u32 s8, $0xFFFFF086  }
0x1c: {  	p1 =	slt.u32 s9, $0xF7A;
	s5 =	simm.s32 @!p2 $0x0  }
0x1d: {  	s5 =	simm.s32 @p1 $0x1;
	p0 =	seq.s32 s7, s2  }
0x1e: {  	s7 =	smul.u32 @!p0 $0xF7A, s2;
	p2 =	seq.s32 @!p0 s5, $0x0  }
0x1f: {  	s9 =	smul.u32 $0xF7A, s1;
	s8 =	simm.s32 @!p0 $0x1BF5;
	p2 =	por !p2, p0  }
0x20: {  	[sflag:s8] =	ssyncset.s32 @!p0 $0xFFFFF086;
	s6 =	sadd.s32 @!p0 s3, s7;
	s7 =	simm.s32 @!p0 $0x108  }
0x21: {  	s3 =	sadd.s32 s3, s9;
	s6 =	sadd.s32 @!p0 $0x88, s6;
	s7 =	simm.s32 @p2 $0x1082  }
0x22: {  	[simem:s7], [sflag:s8] =	dma.local @!p0 [hbm:s6], $0xF7A  }
0x23: {  	s9 =	sor.u32 $0xD0000000, s2;
	s6 =	simm.s32 $0x108;
	_ =	swait.ge @!p0 [sflag:s8], $0x0  }
0x24: {  	s3 =	sadd.s32 $0x88, s3;
	s6 =	simm.s32 @!p1 $0x1082;
	[sflag:s4] =	ssyncset.s32 $0xFFFFF086  }
0x25: {  	[simem:s6], [sflag:s4] =	dma.local [hbm:s3], $0xF7A  }
0x26: {  	[smem:$0x3F97] =	sst s1;
	(tag) =	ssettag s2;
	_ =	strace s9  }
0x27: {  	s1 =	sld [smem:$0x3FA7]  }
0x28: {  	s2 =	sld [smem:$0x3FA8]  }
0x29: {  	s4 =	sld [smem:$0x3FAA]  }
0x2a: {  	p0 =	seq.s32 s5, $0x0;
	s5 =	sld [smem:$0x3FAB]  }
0x2b: {  	s6 =	sld [smem:$0x3FAC]  }
0x2c: {  	s7 =	sld [smem:$0x3FAD]  }
0x2d: {  	s3 =	simm.s32 $0x108;
	s8 =	sld [smem:$0x3FAE]  }
0x2e: {  	s3 =	simm.s32 @!p0 $0x1082;
	s9 =	sld [smem:$0x3FAF]  }
0x2f: {  	lr =	sadd.s32 s0, s3;
	s0 =	sld [smem:$0x3FA6]  }
0x30: {  	s3 =	sld [smem:$0x3FA9]  }
0x31: {  	[smem:$0x3FB2] =	sst s10  }
0x32: {  	s10 =	sld [smem:$0x3FB0];
	_ =	sdelay $0x3  }
0x33: {  	p0 =	seq.s32 s10, $0x1;
	s10 =	sld [smem:$0x3FB2];
	_ =	sdelay $0x3  }
0x34: {  	[smem:$0x3FB2] =	sst s10  }
0x35: {  	s10 =	sld [smem:$0x3FB1];
	_ =	sdelay $0x3  }
0x36: {  	p1 =	seq.s32 s10, $0x1;
	s10 =	sld [smem:$0x3FB2];
	_ =	sdelay $0x3  }
0x37: {  	[smem:$0x3FB2] =	sst s10  }
0x38: {  	s10 =	sld [smem:$0x3FB3]  }
0x39: {  	_ = 	snop;
	(pc) =	sbr.ind lr, $3  }
0x3a: {  	_ = 	snop  }
0x3b: {  	_ = 	snop  }
0x3c: {  	p2 =	seq.s32 s10, $0x1;
	s10 =	sld [smem:$0x3FB2]  }
0x3d: {  	_ =	shalt  }
0x3e: {  	_ =	shalt  }
0x3f: {  	_ =	shalt  }
0x40: {  	_ =	shalt  }
0x41: {  	_ =	shalt  }
0x42: {  	_ =	shalt  }
0x43: {  	_ =	shalt  }
0x44: {  	_ =	shalt  }
0x45: {  	_ =	shalt  }
0x46: {  	_ =	shalt  }
0x47: {  	_ =	shalt  }
0x48: {  	_ =	shalt  }
0x49: {  	_ =	shalt  }
0x4a: {  	_ =	shalt  }
0x4b: {  	_ =	shalt  }
0x4c: {  	_ =	shalt  }
0x4d: {  	_ =	shalt  }
0x4e: {  	_ =	shalt  }
0x4f: {  	_ =	shalt  }
0x50: {  	_ =	shalt  }
0x51: {  	_ =	shalt  }
0x52: {  	_ =	shalt  }
0x53: {  	_ =	shalt  }
0x54: {  	_ =	shalt  }
0x55: {  	_ =	shalt  }
0x56: {  	_ =	shalt  }
0x57: {  	_ =	shalt  }
0x58: {  	_ =	shalt  }
0x59: {  	_ =	shalt  }
0x5a: {  	_ =	shalt  }
0x5b: {  	_ =	shalt  }
0x5c: {  	_ =	shalt  }
0x5d: {  	_ =	shalt  }
0x5e: {  	_ =	shalt  }
0x5f: {  	_ =	shalt  }
0x60: {  	_ =	shalt  }
0x61: {  	_ =	shalt  }
0x62: {  	_ =	shalt  }
0x63: {  	_ =	shalt  }
0x64: {  	_ =	shalt  }
0x65: {  	_ =	shalt  }
0x66: {  	_ =	shalt  }
0x67: {  	_ =	shalt  }
0x68: {  	_ =	shalt  }
0x69: {  	_ =	shalt  }
0x6a: {  	_ =	shalt  }
0x6b: {  	_ =	shalt  }
0x6c: {  	_ =	shalt  }
0x6d: {  	_ =	shalt  }
0x6e: {  	_ =	shalt  }
0x6f: {  	_ =	shalt  }
0x70: {  	_ =	shalt  }
0x71: {  	_ =	shalt  }
0x72: {  	_ =	shalt  }
0x73: {  	_ =	shalt  }
0x74: {  	_ =	shalt  }
0x75: {  	_ =	shalt  }
0x76: {  	_ =	shalt  }
0x77: {  	_ =	shalt  }
0x78: {  	_ =	shalt  }
0x79: {  	_ =	shalt  }
0x7a: {  	_ =	shalt  }
0x7b: {  	_ =	shalt  }
0x7c: {  	_ =	shalt  }
0x7d: {  	_ =	shalt  }
0x7e: {  	_ =	shalt  }
0x7f: {  	_ =	shalt  }
0x80: {  	_ =	shalt  }
0x81: {  	_ =	shalt  }
0x82: {  	_ =	shalt  }
0x83: {  	_ =	shalt  }
0x84: {  	_ =	shalt  }
0x85: {  	_ =	shalt  }
0x86: {  	_ =	shalt  }
0x87: {  	_ =	shalt  }
.Lfunc_end0:
.L_simem_size_0:
called_computation_lowered:
.L_overlay_start_0:
0x88: {  	s2 =	sld [smem:$0x3FD9]  }
0x89: {  	s3 =	sld [smem:$0x3FFE];
	_ =	sdelay $0x1  }
0x8a: {  	s1 =	srdreg.scid  }
0x8b: {  	s0 =	sand.u32 $0x1, s1  }
0x8c: {  	s17 =	sshll.u32 s0, $0xA;
	s2 =	sadd.s32 s3, s2  }
0x8d: {  	s2 =	sadd.s32 s2, s17  }
0x8e: {  	[smem:$0x3FBE] =	sst s2  }
0x8f: {  	_ = 	snop  }
0x90: {  	s2 =	sld [smem:$0x3FD0];
	(tm) =	ssettm $0x1  }
0x91: {  	s18 =	sld [smem:$0x3FFB];
	_ =	sdelay $0x3  }
0x92: {  	_ =	strace s18  }
0x93: {  	s3 =	sld [smem:$0x3FFC];
	_ =	sdelay $0x3  }
0x94: {  	_ =	strace s3  }
0x95: {  	s3 =	sld [smem:$0x3FFD];
	_ =	sdelay $0x3  }
0x96: {  	_ =	strace s3  }
0x97: {  	_ =	strace $0x8FFFFFFF  }
0x98: {  	s19 =	sld [smem:$0x3FDB];
	_ =	sdelay $0x1  }
0x99: {  	s4 =	simm.s32 $_scs_section_size  }
0x9a: {  	s5 =	simm.s32 $_size__tile_overlayer_lowered;
	s6 =	simm.s32 $_tile_overlayer_lowered  }
0x9b: {  	s22 =	simm.s32 $0x1BFF;
	s21 =	sshll.u32 s6, $0x1;
	s3 =	sadd.s32 s4, s19  }
0x9c: {  	s7 =	simm.s32 $0x0;
	s20 =	sshll.u32 s5, $0x1;
	s5 =	sadd.s32 s21, s3  }
0x9d: {  	[timem:s7], [sflag:s22] =	dma.local [hbm:s5], s20  }
0x9e: {  	_ =	swait.ge [sflag:s22], s20  }
0x9f: {  	s4 =	ssub.s32 $0x0, s20;
	[sflag:s22] =	ssyncset.done $0x0  }
0xa0: {  	[sflag:s22] =	ssyncadd.s32 s4;
	_ =	sdelay $0x1  }
0xa1: {  	s23 =	simm.s32 $0x1B8B  }
0xa2: {  	_ =	swait.ge [sflag:s23], $0x1  }
0xa3: {  	[sflag:s23] =	ssyncset.done $0x0  }
0xa4: {  	s25 =	simm.s32 $0x1B8E;
	s24 =	sld [smem:$0x3FFE];
	[sflag:s23] =	ssyncadd.s32 $0xFFFFFFFF  }
0xa5: {  	s26 =	simm.s32 $execute0_lowered;
	[smem:$0x3FD2] =	sst s25  }
0xa6: {  	s5 =	sshll.u32 s26, $0x1;
	_ =	strace $0x80000046;
	[dreg:$0x1] =	wrdreg $0xFFFFFFFF  }
0xa7: {  	s28 =	simm.s32 $_size_execute0_lowered;
	s3 =	sadd.s32 s3, s5;
	[dreg:$0x0] =	wrdreg $0x0  }
0xa8: {  	s5 =	sshll.u32 s28, $0x1;
	[dreg:$0x2] =	wrdreg s3  }
0xa9: {  	[dreg:$0x3] =	wrdreg s5  }
0xaa: {  	[dreg:$0x4] =	wrdreg $0xC0  }
0xab: {  	_ =	task [dreg:s7], $0x5FFFF  }
0xac: {  	[dreg:$0x1] =	wrdreg $0xFFFFFFFF  }
0xad: {  	[dreg:$0x0] =	wrdreg $0x60  }
0xae: {  	[dreg:$0x2] =	wrdreg s2  }
0xaf: {  	[dreg:$0x3] =	wrdreg s24  }
0xb0: {  	[dreg:$0x4] =	wrdreg $0xD3400  }
0xb1: {  	[dreg:$0x5] =	wrdreg $0x9  }
0xb2: {  	_ =	task.clear_ibuf [dreg:s7], $0x6FFFF;
	_ =	strace $0x90000046  }
0xb3: {  	s29 =	simm.s32 $0x9;
	_ =	strace $0x80000048  }
0xb4: {  	_ =	swait.ge [sflag:s29], $0x1  }
0xb5: {  	[sflag:s29] =	ssyncadd.s32 $0xFFFFFFFF  }
0xb6: {  	_ =	strace $0x90000048  }
0xb7: {  	_ =	sfence  }
0xb8: {  	s30 =	sld [smem:$0x0];
	_ =	sdelay $0x2  }
0xb9: {  	s31 =	sshll.u32 s1, $0xD;
	s1 =	sshrl.u32 s1, $0x2  }
0xba: {  	s3 =	sand.u32 $0x4000, s31;
	s1 =	sadd.s32 s1, s30  }
0xbb: {  	s0 =	sor.u32 s3, s0;
	s1 =	sshll.u32 s1, $0x11  }
0xbc: {  	s0 =	sor.u32 s1, s0  }
0xbd: {  	s0 =	sadd.s32 $0x8F2B, s0  }
0xbe: {  	[sflag:s0] =	ssyncadd.remote.s32 $0x1  }
0xbf: {  	_ =	sfence.sel $0xFFFF  }
0xc0: {  	[dreg:$0x0] =	wrdreg $0xFFFFFFFF;
	(pc) =	sbr.abs _section_cstart, $3  }
0xc1: {  	[dreg:$0x1] =	wrdreg $0xFFFFFFFF  }
0xc2: {  	_ =	task.clear_ibuf [dreg:s7], $0x2FFFF;
	_ =	strace $0x9FFFFFFF  }
0xc3: {  	(tm) =	ssettm $0x7FFFFFFF  }
tec
execute0_lowered:
.L_overlay_start_1:
0x0: {  	(tag) =	ssettag $0x1  }
0x1: {  	s1 =	rddreg [dreg:$0x0]  }
0x2: {  	s0 =	rddreg [dreg:$0x1]  }
0x3: {  	s2 =	rddreg [dreg:$0x2]  }
0x4: {  	s3 =	simm.s32 $0x0;
	s4 =	srdreg.scid;
	s14 =	stileid.u32  }
0x5: {  	s30 =	simm.s32 $0x100;
	s31 =	simm.s32 $0x80;
	s29 =	simm.s32 $0x1  }
0x6: {  	[smem:$0x7FF] =	sst s3;
	s5 =	sadd.s32 $0x15C00, s0;
	s26 =	smul.u32 $0x30C00, s14  }
0x7: {  	s6 =	sadd.s32 $0xB600, s0;
	s7 =	sadd.s32 $0x1000, s0;
	s28 =	smul.u32 $0x1860, s14  }
0x8: {  	s8 =	sadd.s32 $0xE00, s0;
	s4 =	sand.u32 $0x1, s4;
	s24 =	smul.u32 $0x5200, s14  }
0x9: {  	s0 =	sadd.s32 $0x29600, s0;
	s10 =	sshll.u32 s14, $0x1;
	s22 =	smul.u32 $0x186A0, s4  }
0xa: {  	p0 =	sne.s32 s14, $0xF;
	s14 =	simm.s32 $0x0;
	s23 =	smul.u32 $0xC3500, s4  }
0xb: {  	s9 =	ssub.s32 $0x2, s4;
	s10 =	sor.u32 s4, s10;
	s4 =	smul.u32 $0x2900, s4  }
0xc: {  	_ =	strace $0x80000047;
	[dreg:$0x4] =	wrdreg s8;
	s11 =	sshrl.u32 s9, $0x1  }
0xd: {  	s8 =	sshrl.u32 s26, $0x2;
	s10 =	smul.u32 $0x2900, s10;
	s26 =	sadd.s32 s4, s24  }
0xe: {  	s9 =	ssub.s32 s9, s11;
	s16 =	sadd.s32 s8, s2;
	[dreg:$0x11] =	wrdreg s26  }
0xf: {  	s8 =	sadd.s32 s28, s22;
	s17 =	sadd.s32 $0x2800, s16;
	[dreg:$0x5] =	wrdreg s16  }
0x10: {  	s25 =	sshrl.u32 s23, $0x3;
	s18 =	sadd.s32 $0x5000, s16;
	[dreg:$0x6] =	wrdreg s17  }
0x11: {  	s4 =	simm.s32 $0x3;
	s19 =	sadd.s32 $0x7800, s16;
	[dreg:$0x7] =	wrdreg s18  }
0x12: {  	s22 =	simm.s32 $0x8;
	s20 =	sadd.s32 $0xA000, s16;
	[dreg:$0x8] =	wrdreg s19  }
0x13: {  	s21 =	sshrl.u32 s10, $0x3;
	s8 =	sadd.s32 s0, s8;
	[dreg:$0x9] =	wrdreg s20  }
0x14: {  	s0 =	sadd.s32 s0, s25;
	s28 =	smax.u32 s9, $0x1;
	[dreg:$0xf] =	wrdreg s8  }
0x15: {  	s17 =	sadd.s32 $0xC3000, s2;
	s12 =	sadd.s32 s6, s21;
	[dreg:$0x12] =	wrdreg s28  }
0x16: {  	s13 =	sadd.s32 s7, s21;
	s11 =	sor.u32 $0x10, s21;
	[dreg:$0xb] =	wrdreg s12  }
0x17: {  	s20 =	sadd.s32 $0x100, s10;
	s0 =	sadd.s32 $0x18600, s0;
	[dreg:$0xc] =	wrdreg s13  }
0x18: {  	v0 =	vlaneseq.u32;
	v2 =	vimm.f32 $1.000000000e+00;
	s21 =	sadd.s32 $0x180, s10;
	s18 =	simm.s32 $0xB;
	[dreg:$0x10] =	wrdreg s0  }
0x19: {  	vm0 =	vcmask $0x1F00;
	v4 =	vimm.f32 $0.0e+00;
	vm1 =	vcmask $0xF08;
	s10 =	simm.s32 $0x4300;
	s15 =	sadd.s32 s6, s11;
	[dreg:$0xa] =	wrdreg s17  }
0x1a: {  	vm2 =	vmmov $0x3;
	v1 =	vand.u32 $0x1, v0;
	v2 =	vsel vm0, $0x0, v2;
	s19 =	simm.s32 $0x6;
	s11 =	sadd.s32 s7, s11;
	[dreg:$0xd] =	wrdreg s15  }
0x1b: {  	vm0 =	vcmask $0x1710;
	v7 =	vshrl.u32 v0, $0x3;
	v3 =	vmul.u32 $0x8, v1;
	s0 =	sor.u32 $0x80, s26;
	s26 =	simm.s32 $0x8300;
	[dreg:$0xe] =	wrdreg s11  }
0x1c: {  	v41 =	vand.u32 $0x7, v0;
	v1 =	vimm.s32 $0x7;
	v8 =	vor.u32 $0x2, v7;
	s12 =	simm.s32 $0x7;
	s13 =	simm.s32 $0x2;
	[dreg:$0x13] =	wrdreg s0  }
0x1d: {  	v9 =	vor.u32 $0x4, v7;
	v10 =	vor.u32 $0x6, v7;
	[tilespmem:$0x1FFF0] =	vst v41;
	v3 =	vor.u32 $0x7, v3;
	s0 =	simm.s32 $0x180;
	s11 =	simm.s32 $0x5;
	s15 =	simm.s32 $0x4  }
.LBB2_1:
0x1e: {  	[dreg:$0x14] =	wrdreg s14;
	s9 =	simm.s32 $0x140;
	s8 =	simm.s32 $0x0  }
.LBB2_2:
0x1f: {  	p1 =	sne.s32 s9, $0x9EC0;
	[tilespmem:s8+$0x8340] =	vst v4;
	s14 =	smov.u32 s9;
	s9 =	sadd.s32 $0x140, s9  }
.Ltmp0:
0x20: {  	[tilespmem:s8+$0x8330] =	vst v4;
	(pc) =	sbr.rel @p1 .LBB2_2-.Ltmp0, $4  }
0x21: {  	[tilespmem:s8+$0x8320] =	vst v4  }
0x22: {  	[tilespmem:s8+$0x8300] =	vst v4  }
0x23: {  	[tilespmem:s8+$0x8310] =	vst v4  }
0x24: {  	s8 =	sshra.s32 s14, $0x2  }
0x25: {  	[tilespmem:s8+$0x8340] =	vst v4  }
0x26: {  	[tilespmem:s8+$0x8330] =	vst v4  }
0x27: {  	[tilespmem:s8+$0x8320] =	vst v4  }
0x28: {  	[tilespmem:s8+$0x8300] =	vst v4  }
0x29: {  	[tilespmem:s8+$0x8310] =	vst v4  }
0x2a: {  	[spmem:s16] =	stream.linear.scatter [tilespmem:s26], [sflag:$0xB], $0x2800, $0x38;
	[tilespmem:$0x19690] =	vst v63  }
0x2b: {  	_ =	swait.ge [sflag:s18], $0x2800  }
0x2c: {  	[sflag:s18] =	ssyncset.done $0x0  }
0x2d: {  	s28 =	rddreg [dreg:$0x6];
	[sflag:s18] =	ssyncadd.s32 $0xFFFFD800  }
0x2e: {  	[spmem:s28] =	stream.linear.scatter [tilespmem:s26], [sflag:$0xB], $0x2800, $0x38;
	[tilespmem:$0x19690] =	vst v63  }
0x2f: {  	_ =	swait.ge [sflag:s18], $0x2800  }
0x30: {  	[sflag:s18] =	ssyncset.done $0x0  }
0x31: {  	s9 =	rddreg [dreg:$0x7];
	[sflag:s18] =	ssyncadd.s32 $0xFFFFD800  }
0x32: {  	[spmem:s9] =	stream.linear.scatter [tilespmem:s26], [sflag:$0xB], $0x2800, $0x38;
	[tilespmem:$0x19690] =	vst v63  }
0x33: {  	_ =	swait.ge [sflag:s18], $0x2800  }
0x34: {  	[sflag:s18] =	ssyncset.done $0x0  }
0x35: {  	s14 =	rddreg [dreg:$0x8];
	[sflag:s18] =	ssyncadd.s32 $0xFFFFD800  }
0x36: {  	[spmem:s14] =	stream.linear.scatter [tilespmem:s26], [sflag:$0xB], $0x2800, $0x38;
	[tilespmem:$0x19690] =	vst v63  }
0x37: {  	_ =	swait.ge [sflag:s18], $0x2800  }
0x38: {  	[sflag:s18] =	ssyncset.done $0x0  }
0x39: {  	s16 =	rddreg [dreg:$0x9];
	[sflag:s18] =	ssyncadd.s32 $0xFFFFD800  }
0x3a: {  	[spmem:s16] =	stream.linear.scatter [tilespmem:s26], [sflag:$0xB], $0x2300, $0x38;
	[tilespmem:$0x19690] =	vst v63  }
0x3b: {  	_ =	swait.ge [sflag:s18], $0x2300  }
0x3c: {  	[sflag:s18] =	ssyncset.done $0x0  }
0x3d: {  	s8 =	simm.s32 @!p0 $0x8300;
	[sflag:s18] =	ssyncadd.s32 $0xFFFFDD00  }
0x3e: {  	[spmem:s17] =	stream.linear.scatter @!p0 [tilespmem:s8], [sflag:$0xB], $0x500, $0x38;
	[tilespmem:$0x19690] =	vst v63  }
0x3f: {  	s8 =	simm.s32 @!p0 $0xB  }
0x40: {  	_ =	swait.ge @!p0 [sflag:s8], $0x500  }
0x41: {  	s9 =	simm.s32 $0xD300;
	[sflag:s8] =	ssyncset.done @!p0 $0x0  }
0x42: {  	s14 =	simm.s32 $0x0;
	s17 =	rddreg [dreg:$0x4];
	[sflag:s8] =	ssyncadd.s32 @!p0 $0xFFFFFB00  }
0x43: {  	[tilespmem:s9], [sflag:$0xB] =	stream.linear.gather [hbm4b:s17+s14], $0x40, $0x38;
	[tilespmem:$0x19690] =	vst v63  }
0x44: {  	_ =	swait.ge [sflag:s18], $0x40  }
0x45: {  	[sflag:s18] =	ssyncset.done $0x0  }
0x46: {  	[sflag:s18] =	ssyncadd.s32 $0xFFFFFFC0  }
0x47: {  	v12 =	vld [tilespmem:$0xD300]  }
0x48: {  	v4 =	vld [tilespmem:$0xD310]  }
0x49: {  	s18 =	rddreg [dreg:$0xb];
	v5 =	vld [tilespmem:$0xD320]  }
0x4a: {  	v6 =	vld [tilespmem:$0xD330];
	[tilespmem:s14], [sflag:$0x1] =	stream.linear.gather [hbm4b:s18+s14], $0x80, $0x38  }
0x4b: {  	s23 =	rddreg [dreg:$0xc]  }
0x4c: {  	[tilespmem:s30], [sflag:$0x3] =	stream.linear.gather [hbm4b:s23+s14], $0x80, $0x38;
	[tilespmem:$0x19690] =	vst v63  }
0x4d: {  	s24 =	rddreg [dreg:$0xd]  }
0x4e: {  	[tilespmem:s31], [sflag:$0x2] =	stream.linear.gather [hbm4b:s24+s14], $0x80, $0x38;
	[tilespmem:$0x19690] =	vst v63  }
0x4f: {  	s25 =	rddreg [dreg:$0xe]  }
0x50: {  	[tilespmem:s0], [sflag:$0x4] =	stream.linear.gather [hbm4b:s25+s14], $0x80, $0x38;
	[tilespmem:$0x19690] =	vst v63  }
0x51: {  	_ =	swait.ge [sflag:s29], $0x80  }
0x52: {  	[sflag:s29] =	ssyncset.done $0x0  }
0x53: {  	[sflag:s29] =	ssyncadd.s32 $0xFFFFFF80  }
0x54: {  	_ =	swait.ge [sflag:s4], $0x80  }
0x55: {  	[sflag:s4] =	ssyncset.done $0x0  }
0x56: {  	s28 =	simm.s32 $0x300;
	[sflag:s4] =	ssyncadd.s32 $0xFFFFFF80  }
0x57: {  	[tilespmem:s28], [sflag:$0x5] =	stream.indirect.gather [hbm4b:s1+s31], $0x40, s14, s31, $0xb8;
	[tilespmem:$0x19690] =	vst v63  }
0x58: {  	_ = 	snop  }
0x59: {  	[tilespmem:s10], [sflag:$0x7] =	stream.indirect.gather [hbm4b:s5+s31], $0x40, s30, s31, $0xb8;
	[tilespmem:$0x19690] =	vst v63  }
0x5a: {  	[bflag:$0x0] =	sbarrier.arrive $0xFFFF  }
0x5b: {  	s9 =	rddreg [dreg:$0x13]  }
0x5c: {  	s23 =	rddreg [dreg:$0x11]  }
.LBB2_4:
0x5d: {  	_ =	swait.ge [sflag:s11], $0x2000  }
0x5e: {  	[sflag:s11] =	ssyncset.done $0x0  }
0x5f: {  	[sflag:s11] =	ssyncadd.s32 $0xFFFFE000  }
0x60: {  	_ =	swait.ge [sflag:s12], $0x2000  }
0x61: {  	p1 =	seq.s32 s14, $0x0;
	[sflag:s12] =	ssyncset.done $0x0  }
0x62: {  	s8 =	simm.s32 @!p1 $0x9;
	[sflag:s12] =	ssyncadd.s32 $0xFFFFE000  }
0x63: {  	_ =	swait.ge @!p1 [sflag:s8], $0x2800  }
0x64: {  	[sflag:s8] =	ssyncset.done @!p1 $0x0  }
0x65: {  	[sflag:s8] =	ssyncadd.s32 @!p1 $0xFFFFD800  }
0x66: {  	v0 =	vld [tilespmem:$0x100]  }
0x67: {  	v13 =	vld [tilespmem:$0x110]  }
0x68: {  	v14 =	vld [tilespmem:$0x120]  }
0x69: {  	v15 =	vld [tilespmem:$0x130]  }
0x6a: {  	v16 =	vld [tilespmem:$0x140]  }
0x6b: {  	[tilespmem:$0x200] =	vst v0;
	v0 =	vld [tilespmem:$0x150]  }
0x6c: {  	[tilespmem:$0x210] =	vst v13;
	v13 =	vld [tilespmem:$0x160]  }
0x6d: {  	[tilespmem:$0x220] =	vst v14;
	v14 =	vld [tilespmem:$0x170]  }
0x6e: {  	[tilespmem:$0x230] =	vst v15  }
0x6f: {  	s28 =	sshll.u32 s14, $0x8;
	[tilespmem:$0x240] =	vst v16  }
0x70: {  	s17 =	sadd.s32 s28, s20;
	[tilespmem:$0x250] =	vst v0  }
0x71: {  	s8 =	sshrl.u32 s17, $0x3;
	[tilespmem:$0x260] =	vst v13  }
0x72: {  	s16 =	sadd.s32 s6, s8;
	[tilespmem:$0x270] =	vst v14  }
0x73: {  	[tilespmem:s3], [sflag:$0x1] =	stream.linear.gather [hbm4b:s16+s3], $0x80, $0x38;
	[tilespmem:$0x19690] =	vst v63  }
0x74: {  	s8 =	sadd.s32 s7, s8  }
0x75: {  	[tilespmem:s30], [sflag:$0x3] =	stream.linear.gather [hbm4b:s8+s3], $0x80, $0x38;
	[tilespmem:$0x19690] =	vst v63  }
0x76: {  	_ =	swait.ge [sflag:s13], $0x80  }
0x77: {  	[sflag:s13] =	ssyncset.done $0x0  }
0x78: {  	[sflag:s13] =	ssyncadd.s32 $0xFFFFFF80  }
0x79: {  	_ =	swait.ge [sflag:s15], $0x80  }
0x7a: {  	[sflag:s15] =	ssyncset.done $0x0  }
0x7b: {  	s18 =	simm.s32 $0x2300;
	[sflag:s15] =	ssyncadd.s32 $0xFFFFFF80  }
0x7c: {  	[tilespmem:s18], [sflag:$0x6] =	stream.indirect.gather [hbm4b:s1+s31], $0x40, s31, s31, $0xb8;
	[tilespmem:$0x19690] =	vst v63  }
0x7d: {  	s24 =	simm.s32 $0x6300;
	s25 =	simm.s32 $0x380  }
0x7e: {  	[tilespmem:s24], [sflag:$0x8] =	stream.indirect.gather [hbm4b:s5+s31], $0x40, s0, s31, $0xb8;
	[tilespmem:$0x19690] =	vst v63  }
0x7f: {  	v32 =	vld [tilespmem:s25+$0xFFFFFFA0];
	_ =	sdelay $0x3  }
0x80: {  	s17 =	simm.s32 $0x4380;
	v27 =	vld [tilespmem:s25+$0x40]  }
0x81: {  	v0 =	vld [tilespmem:s17+$0x40];
	[tilespmem:$0x1FFD0] =	vst v32  }
0x82: {  	v29 =	vld [tilespmem:s25+$0x50]  }
0x83: {  	v13 =	vld [tilespmem:s17+$0x50]  }
0x84: {  	v17 =	vld [tilespmem:s25+$0xFFFFFFB0]  }
0x85: {  	v28 =	vld [tilespmem:s25+$0x60]  }
0x86: {  	v15 =	vld [tilespmem:s17+$0x60]  }
0x87: {  	v18 =	vld [tilespmem:s17+$0xFFFFFFA0]  }
0x88: {  	v23 =	vld [tilespmem:s25+$0x70]  }
0x89: {  	v19 =	vld [tilespmem:s17+$0x70]  }
0x8a: {  	v20 =	vld [tilespmem:s17+$0xFFFFFFB0]  }
0x8b: {  	v0 =	vadd.f32 v0, v27;
	v14 =	vld [tilespmem:s25+$0xFFFFFFE0]  }
0x8c: {  	v16 =	vld [tilespmem:s25+$0xFFFFFFF0]  }
0x8d: {  	v11 =	vld [tilespmem:s25+$0x20];
	v24 =	vmul.f32 $2.000000030e-01, v0  }
0x8e: {  	v21 =	vadd.f32 v13, v29;
	v25 =	vadd.f32 v15, v28;
	v15 =	vld [tilespmem:s25+$0xFFFFFF90]  }
0x8f: {  	v31 =	vld [tilespmem:s17+$0x20];
	v0 =	vmax.f32 v0, v24  }
0x90: {  	v22 =	vld [tilespmem:s17+$0xFFFFFFE0];
	v0 =	vmul.f32 v0, v12;
	v19 =	vadd.f32 v19, v23;
	v30 =	vmul.f32 $2.000000030e-01, v21  }
0x91: {  	v26 =	vld [tilespmem:s17+$0xFFFFFFF0];
	v24 =	vmul.f32 $2.000000030e-01, v25  }
0x92: {  	v34 =	vld [tilespmem:s25+$0x30];
	(xrf2) =	vadd.scan.msk.f32 $0xffff, v0;
	v21 =	vmax.f32 v21, v30;
	v30 =	vmul.f32 $2.000000030e-01, v19  }
0x93: {  	v32 =	vadd.f32 v18, v32;
	v18 =	vmul.f32 v21, v4;
	v21 =	vmax.f32 v25, v24;
	v24 =	vld [tilespmem:s17+$0x30];
	[tilespmem:$0x1FF90] =	vst v15  }
0x94: {  	v31 =	vadd.f32 v31, v11;
	v0 =	vmul.f32 v21, v5;
	v19 =	vmax.f32 v19, v30;
	v25 =	vld [tilespmem:s17+$0xFFFFFF90]  }
0x95: {  	v30 =	vld [tilespmem:s17+$0xFFFFFFD0];
	(xrf2) =	vadd.scan.msk.f32 $0xffff, v18;
	v19 =	vmul.f32 v19, v6  }
0x96: {  	v20 =	vadd.f32 v20, v17;
	v35 =	vmul.f32 $2.000000030e-01, v31;
	v21 =	vmul.f32 $2.000000030e-01, v32;
	v18 =	vld [tilespmem:s25+$0xFFFFFFD0];
	(xrf2) =	vadd.scan.msk.f32 $0xffff, v0  }
0x97: {  	v22 =	vadd.f32 v22, v14;
	(xrf2) =	vadd.scan.msk.f32 $0xffff, v19;
	v19 =	vld [tilespmem:s25+$0x10];
	[tilespmem:$0x1FF50] =	vst v11  }
0x98: {  	v31 =	vmax.f32 v31, v35;
	v0 =	vmax.f32 v32, v21;
	v21 =	vmul.f32 $2.000000030e-01, v20;
	v53 =	vld [tilespmem:s17+$0x10];
	[tilespmem:$0x1FF60] =	vst v34  }
0x99: {  	v26 =	vadd.f32 v26, v16;
	v31 =	vmul.f32 v31, v5;
	v0 =	vmul.f32 v0, v5;
	v54 =	vld [tilespmem:s17+$0xFFFFFF80]  }
0x9a: {  	v13 =	vmovc v14;
	v20 =	vmax.f32 v20, v21;
	v21 =	vmul.f32 $2.000000030e-01, v22;
	v24 =	vadd.f32 v24, v34;
	v14 =	vld [tilespmem:s25+$0x0]  }
0x9b: {  	v33 =	vmul.f32 v20, v6;
	v20 =	vmul.f32 $2.000000030e-01, v26;
	v25 =	vadd.f32 v25, v15;
	v56 =	vld [tilespmem:s17+$0x0]  }
0x9c: {  	v37 =	vld [tilespmem:s17+$0xFFFFFFC0];
	v38, _, _ =	vpop (xrf2);
	v22 =	vmax.f32 v22, v21;
	v36 =	vmul.f32 $2.000000030e-01, v24;
	v30 =	vadd.f32 v30, v18  }
0x9d: {  	v21 =	vld [tilespmem:s25+$0xFFFFFFC0];
	v44 =	vperm.xlane v38, v1;
	v22 =	vmul.f32 v22, v5;
	v26 =	vmax.f32 v26, v20  }
0x9e: {  	v15 =	vmovc v18;
	v18 =	vld [tilespmem:s25+$0xFFFFFF80];
	v55 =	vmul.f32 $2.000000030e-01, v25;
	v26 =	vmul.f32 v26, v6;
	v24 =	vmax.f32 v24, v36  }
0x9f: {  	(xrf2) =	vadd.scan.msk.f32 $0xffff, v0;
	v57 =	vmul.f32 $2.000000030e-01, v30;
	v62 =	vmul.f32 v2, v44;
	v32 =	vadd.f32 v53, v19  }
0xa0: {  	v25 =	vmax.f32 v25, v55;
	v24 =	vmul.f32 v24, v6;
	v36 =	vadd.f32 v56, v14;
	v39, _, _ =	vpop (xrf2);
	(xrf2) =	vadd.scan.msk.f32 $0xffff, v33  }
0xa1: {  	v25 =	vmul.f32 v25, v4;
	v0 =	vmax.f32 v30, v57;
	v30 =	vmul.f32 $2.000000030e-01, v32;
	v40, _, _ =	vpop (xrf2);
	(xrf2) =	vadd.scan.msk.f32 $0xffff, v22  }
0xa2: {  	v59 =	vadd.f32 v37, v21;
	v0 =	vmul.f32 v0, v4;
	v63 =	vmul.f32 $2.000000030e-01, v36;
	v58, _, _ =	vpop (xrf2);
	(xrf2) =	vadd.scan.msk.f32 $0xffff, v26  }
0xa3: {  	v34 =	vadd.f32 v54, v18;
	v42 =	vperm.xlane v40, v1;
	v60 =	vperm.xlane v58, v1  }
0xa4: {  	v22 =	vmax.f32 v32, v30;
	v30 =	vperm.xlane v39, v1;
	v26 =	vmul.f32 $2.000000030e-01, v59;
	(xrf2) =	vadd.scan.msk.f32 $0xffff, v31  }
0xa5: {  	v61 =	vmul.f32 v2, v42;
	v37 =	vmul.f32 v2, v60  }
0xa6: {  	v38 =	vsub.f32 v38, v62;
	v31 =	vmul.f32 $2.000000030e-01, v34;
	v30 =	vmul.f32 v2, v30  }
0xa7: {  	v22 =	vmul.f32 v22, v4;
	v32 =	vsub.f32 v40, v61;
	v35 =	vsub.f32 v58, v37  }
0xa8: {  	(xrf2) =	vadd.scan.msk.f32 $0xffff, v24;
	v24 =	vperm.xlane v38, v3;
	v26 =	vmax.f32 v59, v26;
	v30 =	vsub.f32 v39, v30  }
0xa9: {  	v31 =	vmax.f32 v34, v31;
	(xrf2) =	vadd.scan.msk.f32 $0xffff, v25;
	v25, _, _ =	vpop (xrf2);
	v32 =	vperm.xlane v32, v3;
	v35 =	vperm.xlane v35, v3  }
0xaa: {  	v42 =	vmax.f32 v36, v63;
	v31 =	vmul.f32 v31, v12;
	(xrf2) =	vadd.scan.msk.f32 $0xffff, v0;
	v30 =	vperm.xlane v30, v3;
	v0, _, _ =	vpop (xrf2)  }
0xab: {  	v26 =	vmul.f32 v26, v12;
	v43 =	vperm.xlane v25, v1;
	(xrf2) =	vadd.scan.msk.f32 $0xffff, v22;
	v32 =	vsel vm0, v32, v35;
	v22, _, _ =	vpop (xrf2)  }
0xac: {  	(xrf2) =	vadd.scan.msk.f32 $0xffff, v31;
	v31 =	vperm.xlane v0, v1;
	v30 =	vsel vm1, v30, v32;
	v44 =	vperm.xlane v22, v1;
	v45, _, _ =	vpop (xrf2)  }
0xad: {  	v24 =	vsel vm2, v24, v30;
	v30 =	vmul.f32 v42, v12;
	v46 =	vperm.xlane v45, v1  }
0xae: {  	v47, _, _ =	vpop (xrf2);
	v31 =	vmul.f32 v2, v31;
	v24 =	vmul.f32 $1.442695020e+00, v24  }
0xaf: {  	(xrf2) =	vadd.scan.msk.f32 $0xffff, v26;
	v26 =	vperm.xlane v47, v1;
	v33 =	vmul.f32 v2, v44  }
0xb0: {  	v0 =	vsub.f32 v0, v31;
	(erf) = vpow2.f32 v24;
	v24 =	vmul.f32 v2, v43  }
0xb1: {  	v26 =	vmul.f32 v2, v26;
	v22 =	vsub.f32 v22, v33  }
0xb2: {  	v31, _, _ =	vpop (xrf2);
	(xrf2) =	vadd.scan.msk.f32 $0xffff, v30;
	v0 =	vperm.xlane v0, v3;
	v24 =	vsub.f32 v25, v24;
	v25 =	vmul.f32 v2, v46  }
0xb3: {  	v30 =	vperm.xlane v31, v1;
	v48, _, _ =	vpop (xrf2);
	v26 =	vsub.f32 v47, v26;
	v22 =	vperm.xlane v22, v3  }
0xb4: {  	v49, _, _ =	vpop (xrf2);
	v50 =	vperm.xlane v48, v1;
	v24 =	vperm.xlane v24, v3  }
0xb5: {  	v30 =	vmul.f32 v2, v30;
	v51, _, _ =	vpop (xrf2);
	v26 =	vperm.xlane v26, v3  }
0xb6: {  	v25 =	vsub.f32 v45, v25;
	v54 =	vperm.xlane v49, v1;
	v52, _, _ =	vpop (xrf2);
	v34 =	vmul.f32 v2, v50  }
0xb7: {  	v58 =	vperm.xlane v51, v1;
	v30 =	vsub.f32 v31, v30;
	v53 =	vperm.xlane v52, v1  }
0xb8: {  	v25 =	vperm.xlane v25, v3;
	v0 =	vsel vm0, v24, v0;
	v38 =	vmul.f32 v2, v54  }
0xb9: {  	s18 =	sadd.s32 $0x0, s23;
	v55, _, _ =	vpop (xrf2);
	v32 =	vsub.f32 v48, v34;
	v24 =	vperm.xlane v30, v3;
	v30 =	vmul.f32 v2, v53  }
0xba: {  	p2 =	slt.u32 s18, $0x50910;
	s17 =	simm.f32 $1.000000000e+00;
	v62 =	vmul.f32 v2, v58;
	v57 =	vperm.xlane v55, v1;
	v59 =	vsel vm0, v22, v25  }
0xbb: {  	s16 =	simm.s32 $0x4480;
	s17 =	simm.s32 @!p2 $0x0;
	v33 =	vsub.f32 v49, v38;
	v31 =	vpop (erf);
	v22 =	vperm.xlane v32, v3;
	v30 =	vsub.f32 v52, v30  }
0xbc: {  	v63 =	vld [tilespmem:s16+$0x40];
	v31 =	vmul.f32 s17, v31;
	v25 =	vmul.f32 v2, v57;
	v61 =	vsel vm0, v26, v24;
	v60, _, _ =	vpop (xrf2)  }
0xbd: {  	v44 =	vld [tilespmem:s16+$0x50];
	v0 =	vsel vm1, v22, v0;
	v26 =	vperm.xlane v30, v3;
	v30 =	vperm.xlane v60, v1  }
0xbe: {  	s24 =	simm.s32 $0x480;
	v47 =	vld [tilespmem:s16+$0x60];
	v56 =	vperm.xlane v31, v10;
	v37 =	vsub.f32 v55, v25;
	v48 =	vperm.xlane v31, v8  }
0xbf: {  	v24 =	vld [tilespmem:s24+$0x40];
	v49 =	vperm.xlane v31, v9;
	v0 =	vsel vm2, v26, v0;
	v26 =	vmul.f32 v2, v30  }
0xc0: {  	v50 =	vld [tilespmem:s16+$0xFFFFFFA0];
	v42 =	vsub.f32 v51, v62;
	v30 =	vperm.xlane v33, v3;
	v11 =	vmul.f32 v56, v23  }
0xc1: {  	v53 =	vld [tilespmem:s24+$0x70];
	v43 =	vperm.xlane v37, v3;
	v0 =	vmul.f32 $1.442695020e+00, v0  }
0xc2: {  	v22 =	vld [tilespmem:s24+$0xFFFFFFA0];
	v33 =	vperm.xlane v42, v3;
	v26 =	vsub.f32 v60, v26;
	v30 =	vsel vm1, v30, v59  }
0xc3: {  	v25 =	vld [tilespmem:s24+$0x50];
	(erf) = vpow2.f32 v0;
	v0 =	vperm.xlane v31, v7;
	v30 =	vsel vm2, v43, v30  }
0xc4: {  	v23 =	vld [tilespmem:s24+$0xFFFFFFB0];
	v20 =	vmul.f32 v48, v29;
	v46 =	vadd.f32 v63, v24;
	v30 =	vmul.f32 $1.442695020e+00, v30  }
0xc5: {  	v45 =	vperm.xlane v26, v3;
	v26 =	vld [tilespmem:s24+$0x60];
	v62 =	vmul.f32 v0, v27  }
0xc6: {  	v0 =	vld [tilespmem:s16+$0x70];
	[tilespmem:$0x1FF70] =	vst v20;
	(erf) = vpow2.f32 v30;
	v30 =	vmul.f32 $2.000000030e-01, v46  }
0xc7: {  	v20 =	vmul.f32 v49, v28;
	v28 =	vld [tilespmem:s24+$0xFFFFFFE0]  }
0xc8: {  	v33 =	vsel vm1, v33, v61;
	v32 =	vadd.f32 v44, v25;
	v27 =	vmax.f32 v46, v30;
	v30 =	vld [tilespmem:s16+$0xFFFFFFB0]  }
0xc9: {  	v33 =	vsel vm2, v45, v33;
	v29 =	vld [tilespmem:s24+$0xFFFFFFF0]  }
0xca: {  	v54 =	vmul.f32 $2.000000030e-01, v32;
	v57 =	vld [tilespmem:s16+$0xFFFFFFE0];
	v33 =	vmul.f32 $1.442695020e+00, v33;
	v55 =	vadd.f32 v47, v26  }
0xcb: {  	v34 =	vadd.f32 v50, v22;
	v31 =	vperm.xlane v31, v41;
	v60 =	vld [tilespmem:s16+$0xFFFFFFF0];
	v0 =	vadd.f32 v0, v53  }
0xcc: {  	v32 =	vmax.f32 v32, v54;
	(erf) = vpow2.f32 v33;
	v58 =	vmul.f32 $2.000000030e-01, v55  }
0xcd: {  	v27 =	vmul.f32 v27, v12;
	v63 =	vmul.f32 $2.000000030e-01, v0;
	v61 =	vadd.f32 v30, v23;
	v30 =	vld [tilespmem:s24+$0x20];
	[tilespmem:$0x1FFB0] =	vst v31  }
0xce: {  	v59 =	vmul.f32 $2.000000030e-01, v34;
	v37 =	vmul.f32 v32, v4;
	v56 =	vpop (erf);
	v33 =	vmax.f32 v55, v58;
	v31 =	vld [tilespmem:s24+$0x30]  }
0xcf: {  	(xrf2) =	vadd.scan.msk.f32 $0xffff, v27;
	v32 =	vmul.f32 s17, v56;
	v38 =	vmul.f32 v33, v5;
	v56 =	vld [tilespmem:s16+$0x20];
	v0 =	vmax.f32 v0, v63  }
0xd0: {  	v36 =	vadd.f32 v57, v28;
	(xrf2) =	vadd.scan.msk.f32 $0xffff, v37;
	v58 =	vadd.f32 v60, v29;
	v57 =	vld [tilespmem:s16+$0x30];
	v0 =	vmul.f32 v0, v6  }
0xd1: {  	v27 =	vld [tilespmem:s24+$0xFFFFFF90];
	v55 =	vmul.f32 $2.000000030e-01, v61;
	(xrf2) =	vadd.scan.msk.f32 $0xffff, v38  }
0xd2: {  	v34 =	vmax.f32 v34, v59;
	v60 =	vld [tilespmem:s16+$0xFFFFFF90];
	v40 =	vmul.f32 $2.000000030e-01, v58;
	v63 =	vperm.xlane v32, v7;
	(xrf2) =	vadd.scan.msk.f32 $0xffff, v0  }
0xd3: {  	v51 =	vmul.f32 v34, v5;
	v37 =	vld [tilespmem:s24+$0xFFFFFFD0];
	v54 =	vpop (erf);
	v34 =	vmax.f32 v61, v55;
	v61 =	vmul.f32 $2.000000030e-01, v36  }
0xd4: {  	v50 =	vperm.xlane v32, v8;
	v33 =	vmul.f32 s17, v54;
	v0 =	vld [tilespmem:s16+$0xFFFFFFD0];
	[tilespmem:$0x1FF80] =	vst v63;
	v41 =	vmax.f32 v58, v40  }
0xd5: {  	v52 =	vmul.f32 v34, v6;
	v55 =	vmul.f32 v41, v6;
	v34 =	vmax.f32 v36, v61;
	v36 =	vld [tilespmem:s24+$0x10]  }
0xd6: {  	v59 =	vpop (erf);
	v42 =	vadd.f32 v56, v30;
	v44 =	vadd.f32 v57, v31;
	v54 =	vmul.f32 v34, v5;
	v34 =	vld [tilespmem:s16+$0x10]  }
0xd7: {  	v35 =	vmul.f32 s17, v59;
	v45 =	vadd.f32 v60, v27;
	v57 =	vperm.xlane v32, v9  }
0xd8: {  	(xrf2) =	vadd.scan.msk.f32 $0xffff, v51;
	v48 =	vmul.f32 $2.000000030e-01, v42;
	v49 =	vmul.f32 $2.000000030e-01, v44  }
0xd9: {  	v56 =	vld [tilespmem:s16+$0xFFFFFF80];
	[tilespmem:$0x1FFA0] =	vst v50;
	(xrf2) =	vadd.scan.msk.f32 $0xffff, v52;
	v59 =	vmul.f32 $2.000000030e-01, v45;
	v61, _, _ =	vpop (xrf2);
	v39 =	vadd.f32 v0, v37  }
0xda: {  	v40 =	vld [tilespmem:s24+$0xFFFFFFC0];
	[tilespmem:$0x1FFE0] =	vst v57;
	v47, _, _ =	vpop (xrf2);
	v52 =	vperm.xlane v61, v1;
	v58 =	vmax.f32 v42, v48;
	v44 =	vmax.f32 v44, v49  }
0xdb: {  	v58 =	vmul.f32 v58, v5;
	v63 =	vmul.f32 v44, v6;
	v46 =	vadd.f32 v34, v36;
	v34 =	vld [tilespmem:s24+$0xFFFFFF80];
	v41, _, _ =	vpop (xrf2)  }
0xdc: {  	v44 =	vmax.f32 v45, v59;
	v59 =	vmul.f32 $2.000000030e-01, v39;
	v52 =	vmul.f32 v2, v52;
	v0, _, _ =	vpop (xrf2)  }
0xdd: {  	v60 =	vld [tilespmem:s16+$0xFFFFFFC0];
	v51 =	vperm.xlane v41, v1;
	v43 =	vperm.xlane v0, v1  }
0xde: {  	(xrf2) =	vadd.scan.msk.f32 $0xffff, v54;
	v50 =	vmul.f32 v44, v4;
	v39 =	vmax.f32 v39, v59;
	v59 =	vperm.xlane v47, v1  }
0xdf: {  	(xrf2) =	vadd.scan.msk.f32 $0xffff, v55;
	v51 =	vmul.f32 v2, v51;
	v43 =	vmul.f32 v2, v43  }
0xe0: {  	(xrf2) =	vadd.scan.msk.f32 $0xffff, v58;
	v52 =	vsub.f32 v61, v52;
	v55 =	vadd.f32 v56, v34;
	v56 =	vmul.f32 v2, v59  }
0xe1: {  	v49 =	vmul.f32 $2.000000030e-01, v46;
	v41 =	vsub.f32 v41, v51;
	v0 =	vsub.f32 v0, v43  }
0xe2: {  	v54 =	vadd.f32 v60, v40;
	v60 =	vmul.f32 $2.000000030e-01, v55;
	v47 =	vsub.f32 v47, v56  }
0xe3: {  	v46 =	vmax.f32 v46, v49;
	v41 =	vperm.xlane v41, v3;
	v0 =	vperm.xlane v0, v3  }
0xe4: {  	v47 =	vperm.xlane v47, v3  }
0xe5: {  	v52 =	vperm.xlane v52, v3;
	v51 =	vmax.f32 v55, v60;
	v0 =	vsel vm0, v41, v0  }
0xe6: {  	(xrf2) =	vadd.scan.msk.f32 $0xffff, v63;
	v41 =	vmul.f32 v46, v4;
	v46, _, _ =	vpop (xrf2);
	v0 =	vsel vm1, v47, v0  }
0xe7: {  	v59 =	vmul.f32 $2.000000030e-01, v54;
	(xrf2) =	vadd.scan.msk.f32 $0xffff, v50;
	v47 =	vmul.f32 v51, v12;
	v50, _, _ =	vpop (xrf2);
	v0 =	vsel vm2, v52, v0  }
0xe8: {  	v61 =	vperm.xlane v46, v1;
	v51, _, _ =	vpop (xrf2);
	v0 =	vmul.f32 $1.442695020e+00, v0  }
0xe9: {  	v63 =	vperm.xlane v50, v1;
	v55, _, _ =	vpop (xrf2);
	v56 =	vperm.xlane v51, v1  }
0xea: {  	v52, _, _ =	vpop (xrf2);
	(erf) = vpow2.f32 v0;
	v0 =	vmul.f32 v2, v61  }
0xeb: {  	v61 =	vmul.f32 v2, v63;
	v63 =	vperm.xlane v52, v1  }
0xec: {  	v39 =	vmul.f32 v39, v4;
	v43 =	vmax.f32 v54, v59  }
0xed: {  	v57 =	vmul.f32 v2, v56;
	v59 =	vsub.f32 v50, v61;
	v56 =	vmul.f32 v2, v63  }
0xee: {  	(xrf2) =	vadd.scan.msk.f32 $0xffff, v39  }
0xef: {  	(xrf2) =	vadd.scan.msk.f32 $0xffff, v41;
	v41 =	vperm.xlane v59, v3;
	v59 =	vsub.f32 v52, v56;
	_ =	sdelay $0x1  }
0xf0: {  	s25 =	sadd.s32 $0x4, s23  }
0xf1: {  	s8 =	simm.f32 $1.000000000e+00;
	p2 =	slt.u32 s25, $0x50910;
	v0 =	vsub.f32 v46, v0;
	v46 =	vsub.f32 v51, v57  }
0xf2: {  	s8 =	simm.s32 @!p2 $0x0;
	v38 =	vld [tilespmem:s24+$0x0];
	(xrf2) =	vadd.scan.msk.f32 $0xffff, v47;
	v47 =	vperm.xlane v59, v3;
	v59 =	vpop (erf)  }
0xf3: {  	v48 =	vld [tilespmem:s16+$0x0];
	v63 =	vperm.xlane v46, v3;
	v46 =	vmul.f32 s8, v59;
	_ =	sdelay $0x1  }
0xf4: {  	v59 =	vperm.xlane v46, v10;
	_ =	sdelay $0x1  }
0xf5: {  	v61 =	vperm.xlane v0, v3;
	v0 =	vmul.f32 v59, v53  }
0xf6: {  	v48 =	vadd.f32 v48, v38  }
0xf7: {  	s18 =	simm.s32 $0x83A0;
	[tilespmem:$0x1FFC0] =	vst v0  }
0xf8: {  	v49 =	vmul.f32 $2.000000030e-01, v48;
	[tilespmem:s18+$0x80] =	vst v11  }
0xf9: {  	[tilespmem:s18+$0x50] =	vst v62  }
0xfa: {  	v48 =	vmax.f32 v48, v49;
	v60 =	vperm.xlane v55, v1;
	v0 =	vld [tilespmem:$0x1FF70]  }
0xfb: {  	v43 =	vmul.f32 v43, v12;
	v58 =	vmul.f32 v48, v12;
	v50, _, _ =	vpop (xrf2)  }
0xfc: {  	v39 =	vmul.f32 v2, v60;
	v57 =	vperm.xlane v50, v1;
	_ =	sdelay $0x1  }
0xfd: {  	v39 =	vsub.f32 v55, v39;
	v56 =	vmul.f32 v2, v57;
	v51, _, _ =	vpop (xrf2)  }
0xfe: {  	(xrf2) =	vadd.scan.msk.f32 $0xffff, v43;
	v57 =	vperm.xlane v51, v1;
	v43, _, _ =	vpop (xrf2);
	[tilespmem:s18+$0x60] =	vst v0  }
0xff: {  	v39 =	vperm.xlane v39, v3;
	(xrf2) =	vadd.scan.msk.f32 $0xffff, v58;
	v50 =	vsub.f32 v50, v56;
	v58, _, _ =	vpop (xrf2);
	v0 =	vld [tilespmem:$0x1FF80]  }
0x100: {  	v52 =	vmul.f32 v2, v57;
	v57 =	vperm.xlane v58, v1  }
0x101: {  	v49, _, _ =	vpop (xrf2);
	v50 =	vperm.xlane v50, v3  }
0x102: {  	v53 =	vmul.f32 v2, v57;
	v57 =	vsel vm0, v63, v39;
	v39 =	vperm.xlane v49, v1;
	[tilespmem:s18+$0x70] =	vst v20  }
0x103: {  	v11 =	vmov v4;
	v62 =	vsel vm0, v47, v50;
	v4 =	vld [tilespmem:$0x1FFA0]  }
0x104: {  	v50 =	vsub.f32 v58, v53;
	v53 =	vmul.f32 v2, v39;
	v39 =	vmul.f32 v0, v18;
	v0 =	vld [tilespmem:$0x1FF90];
	_ =	sdelay $0x4  }
0x105: {  	v47 =	vmul.f32 v4, v0;
	v0 =	vld [tilespmem:$0x1FFB0];
	_ =	sdelay $0x4  }
0x106: {  	[tilespmem:s18+$0x90] =	vst v0  }
0x107: {  	v4 =	vld [tilespmem:$0x1FFC0]  }
0x108: {  	v60 =	vperm.xlane v43, v1  }
0x109: {  	v42 =	vperm.xlane v32, v10  }
0x10a: {  	v45 =	vperm.xlane v33, v8;
	v51 =	vsub.f32 v51, v52;
	v52 =	vmul.f32 v2, v60  }
0x10b: {  	s17 =	simm.s32 $0x84E0;
	v44 =	vperm.xlane v33, v7;
	v54 =	vperm.xlane v33, v10  }
0x10c: {  	v48 =	vperm.xlane v33, v9;
	v55 =	vperm.xlane v35, v8;
	v43 =	vsub.f32 v43, v52;
	[tilespmem:s17+$0x80] =	vst v4  }
0x10d: {  	v56 =	vperm.xlane v35, v7;
	v51 =	vperm.xlane v51, v3;
	v4 =	vld [tilespmem:$0x1FFD0]  }
0x10e: {  	v41 =	vsel vm0, v61, v41;
	v60 =	vperm.xlane v35, v10;
	v43 =	vperm.xlane v43, v3;
	v18 =	vld [tilespmem:$0x1FFE0]  }
0x10f: {  	v52 =	vperm.xlane v35, v9;
	v61 =	vperm.xlane v46, v7;
	v63 =	vsel vm1, v51, v41;
	v58, _, _ =	vpop (xrf2)  }
0x110: {  	v41 =	vperm.xlane v58, v1;
	v51 =	vsub.f32 v49, v53;
	v0 =	vperm.xlane v50, v3  }
0x111: {  	v59 =	vperm.xlane v46, v8;
	v57 =	vsel vm1, v43, v57;
	v53 =	vperm.xlane v46, v9  }
0x112: {  	v43, _, _ =	vpop (xrf2);
	v50 =	vmul.f32 v2, v41;
	v41 =	vsel vm1, v0, v62;
	v62 =	vperm.xlane v51, v3  }
0x113: {  	s25 =	simm.s32 $0x580;
	s24 =	simm.s32 $0x4;
	v20 =	vmovc v5;
	v0 =	vperm.xlane v43, v1;
	[tilespmem:s18+$0xFFFFFF60] =	vst v39;
	v49 =	vmul.f32 v18, v4;
	v18 =	vmov v6  }
.LBB2_5:
0x114: {  	v50 =	vsub.f32 v58, v50  }
0x115: {  	v51 =	vld [tilespmem:s25+$0x40];
	s16 =	sadd.s32 $0x100, s16;
	v4 =	vmul.f32 v42, v17  }
0x116: {  	[tilespmem:s18+$0xFFFFFF70] =	vst v47;
	v42 =	vmul.f32 v44, v21;
	v44 =	vld [tilespmem:s16+$0x40];
	v5 =	vsel vm2, v62, v63;
	v62 =	vperm.xlane v50, v3  }
0x117: {  	[tilespmem:s18+$0xFFFFFF80] =	vst v49;
	v45 =	vmul.f32 v45, v15;
	v15 =	vmov v37;
	v37 =	vld [tilespmem:s25+$0x50]  }
0x118: {  	v0 =	vmul.f32 v2, v0;
	v39 =	vld [tilespmem:s25+$0xFFFFFFA0];
	[tilespmem:s18+$0xFFFFFF90] =	vst v4;
	v4 =	vsel vm2, v62, v57  }
0x119: {  	v63 =	vmul.f32 v48, v13;
	v13 =	vmov v28;
	v28 =	vmul.f32 $1.442695020e+00, v4;
	v4 =	vld [tilespmem:$0x1FF50]  }
0x11a: {  	v48 =	vmul.f32 v54, v16;
	v16 =	vmov v29;
	v29 =	vld [tilespmem:s25+$0x60]  }
0x11b: {  	v0 =	vsub.f32 v43, v0;
	v50 =	vld [tilespmem:s16+$0x50]  }
0x11c: {  	[tilespmem:s18+$0xFFFFFFE0] =	vst v48;
	v48 =	vld [tilespmem:s16+$0x70]  }
0x11d: {  	v17 =	vmov v23;
	v58 =	vmul.f32 $1.442695020e+00, v5;
	v23 =	vld [tilespmem:s25+$0xFFFFFFB0];
	v0 =	vperm.xlane v0, v3  }
0x11e: {  	v57 =	vmul.f32 v52, v4;
	v4 =	vld [tilespmem:$0x1FF60]  }
0x11f: {  	v54 =	vmul.f32 v56, v14;
	(erf) = vpow2.f32 v58;
	v58 =	vld [tilespmem:s16+$0x60];
	v0 =	vsel vm2, v0, v41  }
0x120: {  	v6 =	vmul.f32 v55, v19;
	[tilespmem:s18+$0xFFFFFFB0] =	vst v42;
	v5 =	vmovc v30;
	v30 =	vld [tilespmem:s16+$0xFFFFFFA0];
	v56 =	vadd.f32 v44, v51;
	v0 =	vmul.f32 $1.442695020e+00, v0  }
0x121: {  	v49 =	vmul.f32 v53, v26;
	[tilespmem:s18+$0xFFFFFFC0] =	vst v45;
	v41 =	vld [tilespmem:s25+$0x70];
	(erf) = vpow2.f32 v28  }
0x122: {  	[tilespmem:s18+$0xFFFFFFD0] =	vst v63;
	v44 =	vmul.f32 $2.000000030e-01, v56;
	(erf) = vpow2.f32 v0;
	v0 =	vld [tilespmem:s16+$0xFFFFFFB0]  }
0x123: {  	[tilespmem:s18+$0x0] =	vst v54;
	v62 =	vmul.f32 v61, v24;
	v26 =	vmovc v29;
	v28 =	vmul.f32 v60, v4;
	v4 =	vmov v31  }
0x124: {  	v54 =	vld [tilespmem:s16+$0xFFFFFFE0];
	v24 =	vmov v51;
	v51 =	vadd.f32 v58, v26;
	[tilespmem:$0x1FF60] =	vst v4;
	v4 =	vmax.f32 v56, v44  }
0x125: {  	[tilespmem:s18+$0x10] =	vst v6;
	v53 =	vadd.f32 v30, v39;
	v44 =	vmul.f32 v4, v12;
	v4 =	vld [tilespmem:$0x1FFF0]  }
0x126: {  	[tilespmem:$0x1FF50] =	vst v5;
	v29 =	vld [tilespmem:s25+$0xFFFFFFF0];
	v55 =	vmul.f32 $2.000000030e-01, v51;
	v31 =	vadd.f32 v50, v37  }
0x127: {  	v21 =	vmovc v40;
	v40 =	vadd.f32 v48, v41;
	[tilespmem:s18+$0x20] =	vst v57;
	v57 =	vld [tilespmem:s16+$0xFFFFFFF0];
	v0 =	vadd.f32 v0, v23;
	v56 =	vmul.f32 $2.000000030e-01, v53  }
0x128: {  	v19 =	vmovc v36;
	v63 =	vmul.f32 v59, v25;
	v36 =	vmax.f32 v51, v55;
	[tilespmem:s18+$0x30] =	vst v28;
	v50 =	vmul.f32 $2.000000030e-01, v31;
	v28 =	vld [tilespmem:s25+$0xFFFFFFE0]  }
0x129: {  	v14 =	vmovc v38;
	v60 =	vmul.f32 $2.000000030e-01, v40;
	v61 =	vmul.f32 $2.000000030e-01, v0;
	v38 =	vmax.f32 v53, v56;
	(xrf2) =	vadd.scan.msk.f32 $0xffff, v44  }
0x12a: {  	[tilespmem:s17+$0x50] =	vst v62;
	v62 =	vld [tilespmem:s16+$0x20];
	v30 =	vmax.f32 v31, v50;
	v38 =	vmul.f32 v38, v20;
	v35 =	vperm.xlane v35, v4  }
0x12b: {  	[tilespmem:s17+$0x60] =	vst v63;
	v55 =	vmax.f32 v40, v60;
	v31 =	vpop (erf);
	v5 =	vmul.f32 v30, v11;
	v30 =	vld [tilespmem:s25+$0x20];
	v52 =	vperm.xlane v32, v4  }
0x12c: {  	v57 =	vadd.f32 v57, v29;
	v33 =	vperm.xlane v33, v4;
	v32 =	vmul.f32 s8, v31;
	v31 =	vld [tilespmem:s25+$0x30];
	[tilespmem:s18+$0x40] =	vst v35  }
0x12d: {  	(xrf2) =	vadd.scan.msk.f32 $0xffff, v5;
	v58 =	vperm.xlane v46, v4;
	v63 =	vadd.f32 v54, v28;
	[tilespmem:s18+$0xFFFFFFA0] =	vst v52;
	v54 =	vld [tilespmem:s16+$0x30]  }
0x12e: {  	v0 =	vmax.f32 v0, v61;
	v60 =	vmul.f32 $2.000000030e-01, v57;
	v4 =	vmul.f32 v36, v20;
	[tilespmem:s18+$0xFFFFFFF0] =	vst v33;
	v43 =	vld [tilespmem:s25+$0xFFFFFF90]  }
0x12f: {  	v0 =	vmul.f32 v0, v18;
	v59 =	vpop (erf);
	v35 =	vmul.f32 v55, v18;
	[tilespmem:s17+$0x90] =	vst v58;
	v58 =	vld [tilespmem:s16+$0xFFFFFF90]  }
0x130: {  	v25 =	vmovc v37;
	v40 =	vmax.f32 v57, v60;
	(xrf2) =	vadd.scan.msk.f32 $0xffff, v4;
	v33 =	vmul.f32 s8, v59;
	v59 =	vmul.f32 $2.000000030e-01, v63;
	v37 =	vld [tilespmem:s25+$0xFFFFFFD0]  }
0x131: {  	v47 =	vperm.xlane v32, v7;
	v52 =	vmul.f32 v40, v18;
	v51 =	vld [tilespmem:s16+$0xFFFFFFD0];
	(xrf2) =	vadd.scan.msk.f32 $0xffff, v35  }
0x132: {  	[tilespmem:s17+$0x70] =	vst v49;
	v56 =	vpop (erf);
	v50 =	vperm.xlane v32, v8;
	v49 =	vperm.xlane v32, v9;
	v36 =	vld [tilespmem:s25+$0x10]  }
0x133: {  	v42 =	vperm.xlane v32, v10;
	v62 =	vadd.f32 v62, v30;
	v53 =	vld [tilespmem:s16+$0x10];
	v35 =	vmul.f32 s8, v56;
	v46, _, _ =	vpop (xrf2);
	(xrf2) =	vadd.scan.msk.f32 $0xffff, v38  }
0x134: {  	v61 =	vmax.f32 v63, v59;
	v63 =	vadd.f32 v54, v31;
	v55 =	vadd.f32 v58, v43  }
0x135: {  	v40 =	vld [tilespmem:s25+$0xFFFFFFC0];
	v48 =	vmul.f32 v61, v20;
	v60 =	vmul.f32 $2.000000030e-01, v62  }
0x136: {  	v38 =	vld [tilespmem:s25+$0x0];
	v61 =	vmul.f32 $2.000000030e-01, v63;
	v57 =	vmul.f32 $2.000000030e-01, v55  }
0x137: {  	v49 =	vmul.f32 v49, v22;
	v44 =	vmax.f32 v62, v60;
	v58 =	vld [tilespmem:s16+$0xFFFFFFC0];
	v59 =	vadd.f32 v51, v37;
	v56, _, _ =	vpop (xrf2);
	(xrf2) =	vadd.scan.msk.f32 $0xffff, v0  }
0x138: {  	v54 =	vld [tilespmem:s16+$0xFFFFFF80];
	v53 =	vadd.f32 v53, v36;
	v0 =	vmul.f32 v44, v20;
	v62 =	vmax.f32 v55, v57  }
0x139: {  	v44 =	vperm.xlane v33, v7;
	v45 =	vmax.f32 v63, v61;
	v63 =	vmul.f32 $2.000000030e-01, v59;
	v55 =	vld [tilespmem:s16+$0x0]  }
0x13a: {  	v51 =	vld [tilespmem:s25+$0xFFFFFF80];
	v5 =	vperm.xlane v56, v1;
	v60 =	vmul.f32 v45, v18;
	v61, _, _ =	vpop (xrf2)  }
0x13b: {  	v57 =	vmul.f32 v62, v11;
	(xrf2) =	vadd.scan.msk.f32 $0xffff, v48;
	v48 =	vmax.f32 v59, v63;
	v59 =	vmul.f32 $2.000000030e-01, v53;
	v62, _, _ =	vpop (xrf2)  }
0x13c: {  	v58 =	vadd.f32 v58, v40;
	v6 =	vperm.xlane v61, v1;
	(xrf2) =	vadd.scan.msk.f32 $0xffff, v52;
	v4 =	vperm.xlane v62, v1  }
0x13d: {  	v5 =	vmul.f32 v2, v5;
	v53 =	vmax.f32 v53, v59;
	v59 =	vperm.xlane v46, v1;
	v63, _, _ =	vpop (xrf2);
	(xrf2) =	vadd.scan.msk.f32 $0xffff, v0  }
0x13e: {  	v52 =	vadd.f32 v55, v38;
	v55 =	vmul.f32 v2, v6;
	v4 =	vmul.f32 v2, v4  }
0x13f: {  	v54 =	vadd.f32 v54, v51;
	v48 =	vmul.f32 v48, v11;
	v6 =	vmul.f32 $2.000000030e-01, v58  }
0x140: {  	v59 =	vmul.f32 v2, v59;
	v55 =	vsub.f32 v61, v55;
	v4 =	vsub.f32 v62, v4  }
0x141: {  	v5 =	vsub.f32 v56, v5;
	v0 =	vmul.f32 $2.000000030e-01, v54;
	v61 =	vmul.f32 $2.000000030e-01, v52;
	v56, _, _ =	vpop (xrf2);
	(xrf2) =	vadd.scan.msk.f32 $0xffff, v60  }
0x142: {  	v46 =	vsub.f32 v46, v59;
	v55 =	vperm.xlane v55, v3;
	v4 =	vperm.xlane v4, v3  }
0x143: {  	v5 =	vperm.xlane v5, v3;
	v0 =	vmax.f32 v54, v0;
	v52 =	vmax.f32 v52, v61  }
0x144: {  	v60 =	vperm.xlane v56, v1;
	v59 =	vperm.xlane v46, v3;
	v4 =	vsel vm0, v55, v4  }
0x145: {  	v6 =	vmax.f32 v58, v6;
	v62 =	vperm.xlane v63, v1;
	v54, _, _ =	vpop (xrf2);
	v4 =	vsel vm1, v5, v4  }
0x146: {  	(xrf2) =	vadd.scan.msk.f32 $0xffff, v57;
	v55 =	vmul.f32 v2, v60;
	v5 =	vmul.f32 v6, v12;
	v46, _, _ =	vpop (xrf2);
	v4 =	vsel vm2, v59, v4  }
0x147: {  	v6 =	vmul.f32 v52, v12;
	v4 =	vmul.f32 $1.442695020e+00, v4;
	v52, _, _ =	vpop (xrf2)  }
0x148: {  	v61 =	vperm.xlane v54, v1;
	v60 =	vperm.xlane v52, v1  }
0x149: {  	(erf) = vpow2.f32 v4;
	v4 =	vmul.f32 v2, v62  }
0x14a: {  	v53 =	vmul.f32 v53, v11;
	(xrf2) =	vadd.scan.msk.f32 $0xffff, v48;
	v62 =	vperm.xlane v46, v1  }
0x14b: {  	v57 =	vmul.f32 v2, v61;
	v58 =	vmul.f32 v2, v60;
	v4 =	vsub.f32 v63, v4;
	v63, _, _ =	vpop (xrf2)  }
0x14c: {  	(xrf2) =	vadd.scan.msk.f32 $0xffff, v53;
	v61 =	vmul.f32 v2, v62;
	v60 =	vperm.xlane v63, v1  }
0x14d: {  	v45 =	vperm.xlane v33, v8;
	v0 =	vmul.f32 v0, v12;
	v54 =	vsub.f32 v54, v57  }
0x14e: {  	v62 =	vsub.f32 v56, v55;
	v46 =	vsub.f32 v46, v61;
	v61 =	vmul.f32 v2, v60  }
0x14f: {  	v48 =	vperm.xlane v33, v9;
	(xrf2) =	vadd.scan.msk.f32 $0xffff, v0;
	v0 =	vperm.xlane v54, v3  }
0x150: {  	s24 =	sadd.s32 $0x4, s24;
	v4 =	vperm.xlane v4, v3;
	v53 =	vperm.xlane v62, v3;
	v55, _, _ =	vpop (xrf2);
	v63 =	vsub.f32 v63, v61  }
0x151: {  	s8 =	sadd.s32 s23, s24;
	v54 =	vperm.xlane v33, v10;
	v52 =	vsub.f32 v52, v58;
	v62 =	vperm.xlane v55, v1  }
0x152: {  	p3 =	slt.u32 s8, $0x50910;
	s8 =	simm.f32 $1.000000000e+00;
	(xrf2) =	vadd.scan.msk.f32 $0xffff, v5;
	v4 =	vsel vm0, v4, v53;
	v46 =	vperm.xlane v46, v3;
	v53 =	vperm.xlane v63, v3  }
0x153: {  	s8 =	simm.s32 @!p3 $0x0;
	v52 =	vperm.xlane v52, v3;
	v56 =	vmul.f32 v2, v62;
	v5 =	vpop (erf)  }
0x154: {  	v60 =	vperm.xlane v35, v10;
	v0 =	vsel vm0, v0, v46;
	v46 =	vmul.f32 s8, v5;
	v5, _, _ =	vpop (xrf2)  }
0x155: {  	v58 =	vsub.f32 v55, v56;
	(xrf2) =	vadd.scan.msk.f32 $0xffff, v6;
	v56 =	vperm.xlane v35, v7;
	v57 =	vperm.xlane v5, v1  }
0x156: {  	v55 =	vperm.xlane v35, v8;
	v62 =	vsel vm0, v52, v53;
	v59 =	vperm.xlane v46, v10;
	v53, _, _ =	vpop (xrf2)  }
0x157: {  	v6 =	vmul.f32 v2, v57;
	v63 =	vperm.xlane v53, v1  }
0x158: {  	v52 =	vperm.xlane v35, v9;
	v58 =	vperm.xlane v58, v3  }
0x159: {  	v59 =	vmul.f32 v59, v41;
	v41, _, _ =	vpop (xrf2);
	v5 =	vsub.f32 v5, v6;
	v6 =	vmul.f32 v2, v63  }
0x15a: {  	s18 =	smov.u32 s17;
	s17 =	sadd.s32 $0x140, s17;
	v61 =	vperm.xlane v46, v7;
	v57 =	vperm.xlane v41, v1;
	v63 =	vsel vm1, v58, v4  }
0x15b: {  	p2 =	slt.u32 s24, $0x7C;
	[tilespmem:s17+$0x80] =	vst v59;
	v59 =	vperm.xlane v46, v8;
	v4 =	vperm.xlane v5, v3;
	v5 =	vsub.f32 v53, v6  }
.Ltmp1:
0x15c: {  	v58, _, _ =	vpop (xrf2);
	v6 =	vmul.f32 v2, v57;
	v53 =	vperm.xlane v46, v9;
	(pc) =	sbr.rel @p2 .LBB2_5-.Ltmp1, $4  }
0x15d: {  	v57 =	vsel vm1, v4, v0;
	v0 =	vperm.xlane v58, v1;
	v4 =	vperm.xlane v5, v3  }
0x15e: {  	v22 =	vmovc v39;
	v5 =	vsub.f32 v41, v6;
	v6 =	vmul.f32 v47, v34;
	v47 =	vmul.f32 v50, v27  }
0x15f: {  	v27 =	vmov v43;
	v43, _, _ =	vpop (xrf2);
	v34 =	vmov v51;
	v50 =	vmul.f32 v2, v0  }
0x160: {  	s25 =	sadd.s32 $0x100, s25;
	v0 =	vperm.xlane v43, v1;
	v41 =	vsel vm1, v4, v62;
	v62 =	vperm.xlane v5, v3;
	[tilespmem:s18+$0xFFFFFF60] =	vst v6  }
0x161: {  	v4 =	vsub.f32 v58, v50;
	v5 =	vmul.f32 v42, v17  }
0x162: {  	[tilespmem:s18+$0xFFFFFF70] =	vst v47;
	v17 =	vmul.f32 v44, v21;
	v0 =	vmul.f32 v2, v0;
	v6 =	vsel vm2, v62, v63  }
0x163: {  	[tilespmem:s18+$0xFFFFFF80] =	vst v49;
	v4 =	vperm.xlane v4, v3;
	v6 =	vmul.f32 $1.442695020e+00, v6  }
0x164: {  	v21 =	vmul.f32 v45, v15;
	[tilespmem:s18+$0xFFFFFF90] =	vst v5;
	v5 =	vmul.f32 v48, v13  }
0x165: {  	[tilespmem:s18+$0xFFFFFFB0] =	vst v17;
	v0 =	vsub.f32 v43, v0;
	v4 =	vsel vm2, v4, v57;
	(erf) = vpow2.f32 v6  }
0x166: {  	[tilespmem:s18+$0xFFFFFFC0] =	vst v21;
	v6 =	vmul.f32 v54, v16;
	v4 =	vmul.f32 $1.442695020e+00, v4  }
0x167: {  	[tilespmem:s18+$0xFFFFFFD0] =	vst v5;
	v0 =	vperm.xlane v0, v3  }
0x168: {  	[tilespmem:s18+$0xFFFFFFE0] =	vst v6;
	(erf) = vpow2.f32 v4;
	v4 =	vmul.f32 v56, v14  }
0x169: {  	v5 =	vld [tilespmem:$0x1FF50]  }
0x16a: {  	v0 =	vsel vm2, v0, v41;
	[tilespmem:s18+$0x0] =	vst v4  }
0x16b: {  	v0 =	vmul.f32 $1.442695020e+00, v0;
	v4 =	vld [tilespmem:$0x1FF60];
	_ =	sdelay $0x1  }
0x16c: {  	(erf) = vpow2.f32 v0;
	v0 =	vmul.f32 v55, v19  }
0x16d: {  	v5 =	vmul.f32 v52, v5  }
0x16e: {  	[tilespmem:s18+$0x10] =	vst v0;
	v0 =	vmul.f32 v61, v24  }
0x16f: {  	[tilespmem:s18+$0x20] =	vst v5;
	v4 =	vmul.f32 v60, v4  }
0x170: {  	[tilespmem:s17+$0x50] =	vst v0  }
0x171: {  	[tilespmem:s18+$0x30] =	vst v4  }
0x172: {  	v41 =	vld [tilespmem:$0x1FFF0];
	_ =	sdelay $0x2  }
0x173: {  	v6 =	vpop (erf);
	v5 =	vmul.f32 v59, v25  }
0x174: {  	v6 =	vmul.f32 s8, v6;
	v4 =	vmul.f32 v53, v26  }
0x175: {  	[tilespmem:s17+$0x60] =	vst v5;
	v0 =	vperm.xlane v32, v41  }
0x176: {  	v15 =	vperm.xlane v6, v7;
	[tilespmem:s17+$0x70] =	vst v4;
	v5 =	vperm.xlane v33, v41  }
0x177: {  	v13 =	vperm.xlane v35, v41;
	[tilespmem:s18+$0xFFFFFFA0] =	vst v0  }
0x178: {  	v14 =	vpop (erf);
	v15 =	vmul.f32 v15, v34;
	v4 =	vperm.xlane v46, v41;
	[tilespmem:s18+$0xFFFFFFF0] =	vst v5  }
0x179: {  	v0 =	vmul.f32 s8, v14;
	v14 =	vpop (erf);
	[tilespmem:s18+$0x40] =	vst v13;
	v13 =	vperm.xlane v6, v9  }
0x17a: {  	[tilespmem:s17+$0x90] =	vst v4;
	v4 =	vperm.xlane v6, v10;
	v5 =	vmul.f32 s8, v14  }
0x17b: {  	v14 =	vperm.xlane v6, v8;
	v6 =	vperm.xlane v6, v41  }
0x17c: {  	[tilespmem:s17+$0xFFFFFF60] =	vst v15;
	v13 =	vmul.f32 v13, v22  }
0x17d: {  	v16 =	vperm.xlane v0, v7;
	v4 =	vmul.f32 v4, v23;
	[tilespmem:s17+$0xFFFFFFA0] =	vst v6  }
0x17e: {  	v15 =	vperm.xlane v0, v8;
	v14 =	vmul.f32 v14, v27;
	[tilespmem:s17+$0xFFFFFF80] =	vst v13  }
0x17f: {  	v16 =	vmul.f32 v16, v40;
	[tilespmem:s17+$0xFFFFFF90] =	vst v4  }
0x180: {  	v15 =	vmul.f32 v15, v37;
	[tilespmem:s17+$0xFFFFFF70] =	vst v14;
	v14 =	vperm.xlane v0, v9  }
0x181: {  	v13 =	vperm.xlane v0, v10;
	v0 =	vperm.xlane v0, v41;
	[tilespmem:s17+$0xFFFFFFB0] =	vst v16  }
0x182: {  	v4 =	vperm.xlane v5, v7;
	[tilespmem:s17+$0xFFFFFFC0] =	vst v15;
	v14 =	vmul.f32 v14, v28  }
0x183: {  	v16 =	vperm.xlane v5, v8;
	v13 =	vmul.f32 v13, v29;
	[tilespmem:s17+$0xFFFFFFF0] =	vst v0  }
0x184: {  	v4 =	vmul.f32 v4, v38;
	[tilespmem:s17+$0xFFFFFFD0] =	vst v14;
	v14 =	vperm.xlane v5, v10  }
0x185: {  	v15 =	vperm.xlane v5, v9;
	[tilespmem:s17+$0xFFFFFFE0] =	vst v13;
	v13 =	vmul.f32 v16, v36  }
0x186: {  	[tilespmem:s17+$0x0] =	vst v4;
	v4 =	vmul.f32 v14, v31  }
0x187: {  	v15 =	vmul.f32 v15, v30;
	[tilespmem:s17+$0x10] =	vst v13  }
0x188: {  	[tilespmem:s17+$0x30] =	vst v4;
	v4 =	vperm.xlane v5, v41  }
0x189: {  	[tilespmem:s17+$0x20] =	vst v15  }
0x18a: {  	s25 =	simm.s32 $0x200;
	[tilespmem:s17+$0x40] =	vst v4  }
0x18b: {  	[spmem:s2] =	stream.indirect.scatter.add.f32 [tilespmem:s26], [sflag:$0x9], $0x50, s25, s31, $0xb8;
	[tilespmem:$0x19690] =	vst v63  }
0x18c: {  	_ =	swait.ge [sflag:s19], $0x2000  }
0x18d: {  	[sflag:s19] =	ssyncset.done $0x0  }
0x18e: {  	[sflag:s19] =	ssyncadd.s32 $0xFFFFE000  }
0x18f: {  	_ =	swait.ge [sflag:s22], $0x2000  }
0x190: {  	[sflag:s22] =	ssyncset.done $0x0  }
0x191: {  	s8 =	simm.s32 @!p1 $0xA;
	[sflag:s22] =	ssyncadd.s32 $0xFFFFE000  }
0x192: {  	_ =	swait.ge @!p1 [sflag:s8], $0x2800  }
0x193: {  	[sflag:s8] =	ssyncset.done @!p1 $0x0  }
0x194: {  	[sflag:s8] =	ssyncadd.s32 @!p1 $0xFFFFD800  }
0x195: {  	v0 =	vld [tilespmem:$0x180]  }
0x196: {  	v4 =	vld [tilespmem:$0x190]  }
0x197: {  	v5 =	vld [tilespmem:$0x1A0]  }
0x198: {  	v6 =	vld [tilespmem:$0x1B0]  }
0x199: {  	v13 =	vld [tilespmem:$0x1C0]  }
0x19a: {  	[tilespmem:$0x280] =	vst v0;
	v0 =	vld [tilespmem:$0x1D0]  }
0x19b: {  	[tilespmem:$0x290] =	vst v4;
	v4 =	vld [tilespmem:$0x1E0]  }
0x19c: {  	[tilespmem:$0x2A0] =	vst v5;
	v5 =	vld [tilespmem:$0x1F0]  }
0x19d: {  	[tilespmem:$0x2B0] =	vst v6  }
0x19e: {  	[tilespmem:$0x2C0] =	vst v13  }
0x19f: {  	s28 =	sadd.s32 s28, s21;
	[tilespmem:$0x2D0] =	vst v0  }
0x1a0: {  	s8 =	sshrl.u32 s28, $0x3;
	[tilespmem:$0x2E0] =	vst v4  }
0x1a1: {  	s16 =	sadd.s32 s6, s8;
	[tilespmem:$0x2F0] =	vst v5  }
0x1a2: {  	[tilespmem:s31], [sflag:$0x2] =	stream.linear.gather [hbm4b:s16+s3], $0x80, $0x38;
	[tilespmem:$0x19690] =	vst v63  }
0x1a3: {  	s8 =	sadd.s32 s7, s8  }
0x1a4: {  	[tilespmem:s0], [sflag:$0x4] =	stream.linear.gather [hbm4b:s8+s3], $0x80, $0x38;
	[tilespmem:$0x19690] =	vst v63  }
0x1a5: {  	_ =	swait.ge [sflag:s29], $0x80  }
0x1a6: {  	[sflag:s29] =	ssyncset.done $0x0  }
0x1a7: {  	[sflag:s29] =	ssyncadd.s32 $0xFFFFFF80  }
0x1a8: {  	_ =	swait.ge [sflag:s4], $0x80  }
0x1a9: {  	[sflag:s4] =	ssyncset.done $0x0  }
0x1aa: {  	s16 =	simm.s32 $0x300;
	[sflag:s4] =	ssyncadd.s32 $0xFFFFFF80  }
0x1ab: {  	[tilespmem:s16], [sflag:$0x5] =	stream.indirect.gather [hbm4b:s1+s31], $0x40, s3, s31, $0xb8;
	[tilespmem:$0x19690] =	vst v63  }
0x1ac: {  	s17 =	simm.s32 $0x2380  }
0x1ad: {  	[tilespmem:s10], [sflag:$0x7] =	stream.indirect.gather [hbm4b:s5+s31], $0x40, s30, s31, $0xb8;
	[tilespmem:$0x19690] =	vst v63  }
0x1ae: {  	v16 =	vld [tilespmem:s17+$0xFFFFFFA0];
	_ =	sdelay $0x3  }
0x1af: {  	s18 =	simm.s32 $0x6380;
	v27 =	vld [tilespmem:s17+$0x40]  }
0x1b0: {  	v0 =	vld [tilespmem:s18+$0x40];
	[tilespmem:$0x1FF40] =	vst v16  }
0x1b1: {  	v29 =	vld [tilespmem:s17+$0x50]  }
0x1b2: {  	v4 =	vld [tilespmem:s18+$0x50]  }
0x1b3: {  	v17 =	vld [tilespmem:s17+$0xFFFFFFB0]  }
0x1b4: {  	v28 =	vld [tilespmem:s17+$0x60]  }
0x1b5: {  	v5 =	vld [tilespmem:s18+$0x60]  }
0x1b6: {  	v6 =	vld [tilespmem:s18+$0xFFFFFFA0]  }
0x1b7: {  	v23 =	vld [tilespmem:s17+$0x70]  }
0x1b8: {  	v13 =	vld [tilespmem:s18+$0x70]  }
0x1b9: {  	v26 =	vld [tilespmem:s18+$0xFFFFFFB0]  }
0x1ba: {  	v0 =	vadd.f32 v0, v27;
	v31 =	vld [tilespmem:s17+$0xFFFFFFE0]  }
0x1bb: {  	v30 =	vld [tilespmem:s17+$0x20]  }
0x1bc: {  	v25 =	vld [tilespmem:s18+$0x20];
	v15 =	vmul.f32 $2.000000030e-01, v0  }
0x1bd: {  	v4 =	vadd.f32 v4, v29;
	v6 =	vadd.f32 v6, v16;
	v16 =	vld [tilespmem:s17+$0xFFFFFF90]  }
0x1be: {  	v48 =	vld [tilespmem:s17+$0xFFFFFFF0];
	v0 =	vmax.f32 v0, v15;
	v5 =	vadd.f32 v5, v28  }
0x1bf: {  	v19 =	vld [tilespmem:s18+$0xFFFFFFE0];
	v0 =	vmul.f32 v0, v12;
	v22 =	vadd.f32 v13, v23;
	v21 =	vmul.f32 $2.000000030e-01, v4  }
0x1c0: {  	v14 =	vld [tilespmem:s18+$0xFFFFFFF0];
	v24 =	vmul.f32 $2.000000030e-01, v5  }
0x1c1: {  	v49 =	vld [tilespmem:s17+$0x30];
	(xrf2) =	vadd.scan.msk.f32 $0xffff, v0;
	v4 =	vmax.f32 v4, v21;
	v21 =	vmul.f32 $2.000000030e-01, v22  }
0x1c2: {  	v25 =	vadd.f32 v25, v30;
	v5 =	vmax.f32 v5, v24;
	v24 =	vld [tilespmem:s18+$0x30];
	v4 =	vmul.f32 v4, v11;
	[tilespmem:$0x1FF30] =	vst v16  }
0x1c3: {  	v0 =	vmul.f32 v5, v20;
	v5 =	vmax.f32 v22, v21;
	v21 =	vmul.f32 $2.000000030e-01, v6;
	v50 =	vld [tilespmem:s17+$0xFFFFFFD0]  }
0x1c4: {  	v51 =	vmul.f32 $2.000000030e-01, v25;
	(xrf2) =	vadd.scan.msk.f32 $0xffff, v4;
	v4 =	vmul.f32 v5, v18;
	v5 =	vld [tilespmem:s18+$0xFFFFFF90];
	[tilespmem:$0x1FEC0] =	vst v31  }
0x1c5: {  	v22 =	vadd.f32 v26, v17;
	(xrf2) =	vadd.scan.msk.f32 $0xffff, v0;
	v0 =	vmax.f32 v6, v21;
	v21 =	vadd.f32 v19, v31;
	v19 =	vld [tilespmem:s17+$0x10]  }
0x1c6: {  	v14 =	vadd.f32 v14, v48;
	(xrf2) =	vadd.scan.msk.f32 $0xffff, v4;
	v4 =	vld [tilespmem:s18+$0xFFFFFFD0];
	[tilespmem:$0x1FED0] =	vst v30  }
0x1c7: {  	v25 =	vmax.f32 v25, v51;
	v6 =	vmul.f32 $2.000000030e-01, v22;
	v26 =	vld [tilespmem:s18+$0x10]  }
0x1c8: {  	v25 =	vmul.f32 v25, v20;
	v30 =	vmul.f32 $2.000000030e-01, v14;
	v24 =	vadd.f32 v24, v49;
	v53 =	vld [tilespmem:s18+$0xFFFFFFC0]  }
0x1c9: {  	v0 =	vmul.f32 v0, v20;
	v6 =	vmax.f32 v22, v6;
	v22 =	vmul.f32 $2.000000030e-01, v21;
	v56 =	vld [tilespmem:s18+$0x0]  }
0x1ca: {  	v6 =	vmul.f32 v6, v18;
	v30 =	vmax.f32 v14, v30;
	v52 =	vmul.f32 $2.000000030e-01, v24;
	v14 =	vld [tilespmem:s17+$0x0]  }
0x1cb: {  	v55, _, _ =	vpop (xrf2);
	v22 =	vmax.f32 v21, v22;
	v5 =	vadd.f32 v5, v16;
	v21 =	vld [tilespmem:s17+$0xFFFFFFC0];
	v30 =	vmul.f32 v30, v18  }
0x1cc: {  	v39 =	vperm.xlane v55, v1;
	v22 =	vmul.f32 v22, v20  }
0x1cd: {  	v31 =	vld [tilespmem:s18+$0xFFFFFF80];
	v24 =	vmax.f32 v24, v52;
	v54 =	vmul.f32 $2.000000030e-01, v5;
	v4 =	vadd.f32 v4, v50  }
0x1ce: {  	v59 =	vld [tilespmem:s17+$0xFFFFFF80];
	v24 =	vmul.f32 v24, v18;
	v40 =	vmul.f32 v2, v39  }
0x1cf: {  	(xrf2) =	vadd.scan.msk.f32 $0xffff, v0;
	v26 =	vadd.f32 v26, v19;
	v5 =	vmax.f32 v5, v54;
	v58 =	vmul.f32 $2.000000030e-01, v4;
	v57, _, _ =	vpop (xrf2)  }
0x1d0: {  	v33 =	vadd.f32 v56, v14;
	v5 =	vmul.f32 v5, v11;
	(xrf2) =	vadd.scan.msk.f32 $0xffff, v6;
	v6 =	vadd.f32 v53, v21;
	v60, _, _ =	vpop (xrf2)  }
0x1d1: {  	v0 =	vmax.f32 v4, v58;
	v4 =	vmul.f32 $2.000000030e-01, v26;
	(xrf2) =	vadd.scan.msk.f32 $0xffff, v22;
	v22 =	vperm.xlane v57, v1;
	v61, _, _ =	vpop (xrf2)  }
0x1d2: {  	v62 =	vperm.xlane v60, v1;
	(xrf2) =	vadd.scan.msk.f32 $0xffff, v30;
	v63 =	vperm.xlane v61, v1  }
0x1d3: {  	v31 =	vadd.f32 v31, v59;
	v42 =	vmul.f32 $2.000000030e-01, v33;
	v30 =	vmul.f32 $2.000000030e-01, v6;
	(xrf2) =	vadd.scan.msk.f32 $0xffff, v25  }
0x1d4: {  	v4 =	vmax.f32 v26, v4;
	v26 =	vmul.f32 v2, v62;
	v34 =	vmul.f32 v2, v63  }
0x1d5: {  	v35 =	vsub.f32 v55, v40;
	v0 =	vmul.f32 v0, v11;
	v22 =	vmul.f32 v2, v22  }
0x1d6: {  	v25 =	vmul.f32 $2.000000030e-01, v31;
	v26 =	vsub.f32 v60, v26;
	v32 =	vsub.f32 v61, v34  }
0x1d7: {  	(xrf2) =	vadd.scan.msk.f32 $0xffff, v24;
	v4 =	vmul.f32 v4, v11;
	v24 =	vperm.xlane v35, v3;
	v22 =	vsub.f32 v57, v22  }
0x1d8: {  	v25 =	vmax.f32 v31, v25;
	(xrf2) =	vadd.scan.msk.f32 $0xffff, v5;
	v26 =	vperm.xlane v26, v3;
	v32 =	vperm.xlane v32, v3  }
0x1d9: {  	v5, _, _ =	vpop (xrf2);
	v25 =	vmul.f32 v25, v12;
	(xrf2) =	vadd.scan.msk.f32 $0xffff, v0;
	v22 =	vperm.xlane v22, v3  }
0x1da: {  	v6 =	vmax.f32 v6, v30;
	v30 =	vmax.f32 v33, v42;
	v0, _, _ =	vpop (xrf2);
	(xrf2) =	vadd.scan.msk.f32 $0xffff, v4;
	v26 =	vsel vm0, v26, v32  }
0x1db: {  	v6 =	vmul.f32 v6, v12;
	v4, _, _ =	vpop (xrf2);
	(xrf2) =	vadd.scan.msk.f32 $0xffff, v25;
	v25 =	vperm.xlane v0, v1;
	v22 =	vsel vm1, v22, v26  }
0x1dc: {  	v26 =	vperm.xlane v5, v1;
	v31, _, _ =	vpop (xrf2);
	v22 =	vsel vm2, v24, v22;
	v24 =	vmul.f32 v30, v12  }
0x1dd: {  	v30 =	vperm.xlane v4, v1;
	v43, _, _ =	vpop (xrf2);
	v22 =	vmul.f32 $1.442695020e+00, v22  }
0x1de: {  	v25 =	vmul.f32 v2, v25;
	(xrf2) =	vadd.scan.msk.f32 $0xffff, v6;
	v6 =	vperm.xlane v43, v1  }
0x1df: {  	v30 =	vmul.f32 v2, v30;
	(erf) = vpow2.f32 v22  }
0x1e0: {  	v22 =	vmul.f32 v2, v26;
	v26 =	vperm.xlane v31, v1;
	_ =	sdelay $0x1  }
0x1e1: {  	v0 =	vsub.f32 v0, v25;
	v6 =	vmul.f32 v2, v6;
	v25, _, _ =	vpop (xrf2);
	v4 =	vsub.f32 v4, v30  }
0x1e2: {  	(xrf2) =	vadd.scan.msk.f32 $0xffff, v24;
	v5 =	vsub.f32 v5, v22;
	v22 =	vmul.f32 v2, v26;
	v24 =	vperm.xlane v25, v1  }
0x1e3: {  	v0 =	vperm.xlane v0, v3;
	v6 =	vsub.f32 v43, v6;
	v26, _, _ =	vpop (xrf2)  }
0x1e4: {  	v4 =	vperm.xlane v4, v3;
	v22 =	vsub.f32 v31, v22;
	v24 =	vmul.f32 v2, v24;
	v30, _, _ =	vpop (xrf2)  }
0x1e5: {  	v5 =	vperm.xlane v5, v3;
	v31 =	vperm.xlane v26, v1;
	v44, _, _ =	vpop (xrf2)  }
0x1e6: {  	v6 =	vperm.xlane v6, v3;
	v22 =	vperm.xlane v22, v3;
	v24 =	vsub.f32 v25, v24;
	v45, _, _ =	vpop (xrf2)  }
0x1e7: {  	s24 =	sadd.s32 $0x0, s9;
	v31 =	vmul.f32 v2, v31;
	v46 =	vperm.xlane v45, v1  }
0x1e8: {  	p1 =	slt.u32 s24, $0x50910;
	s17 =	simm.f32 $1.000000000e+00;
	v0 =	vsel vm0, v5, v0;
	v54 =	vperm.xlane v44, v1;
	v5 =	vperm.xlane v24, v3;
	v52, _, _ =	vpop (xrf2)  }
0x1e9: {  	s17 =	simm.s32 @!p1 $0x0;
	v25 =	vpop (erf);
	v26 =	vsub.f32 v26, v31;
	v53 =	vperm.xlane v52, v1;
	v24 =	vmul.f32 v2, v46  }
0x1ea: {  	v4 =	vsel vm0, v4, v22;
	v47 =	vmul.f32 s17, v25;
	v25 =	vperm.xlane v30, v1  }
0x1eb: {  	v22 =	vperm.xlane v26, v3;
	v26 =	vmul.f32 v2, v53;
	v24 =	vsub.f32 v45, v24  }
0x1ec: {  	s16 =	simm.s32 $0x6480;
	[tilespmem:$0x1FF10] =	vst v59;
	v55, _, _ =	vpop (xrf2);
	v31 =	vperm.xlane v47, v10;
	v25 =	vmul.f32 v2, v25  }
0x1ed: {  	s25 =	simm.s32 $0x2480;
	v57 =	vld [tilespmem:s16+$0x40];
	v5 =	vsel vm0, v6, v5;
	v56 =	vperm.xlane v55, v1;
	v6 =	vperm.xlane v24, v3  }
0x1ee: {  	v0 =	vsel vm1, v22, v0;
	v22 =	vld [tilespmem:s25+$0xFFFFFFA0];
	v25 =	vsub.f32 v30, v25;
	v23 =	vmul.f32 v31, v23  }
0x1ef: {  	v24 =	vld [tilespmem:s25+$0x40];
	v30 =	vmul.f32 v2, v54;
	v0 =	vsel vm2, v6, v0;
	v6 =	vmul.f32 v2, v56  }
0x1f0: {  	v58 =	vperm.xlane v25, v3;
	v25 =	vld [tilespmem:s25+$0x50];
	[tilespmem:$0x1FEE0] =	vst v23;
	v0 =	vmul.f32 $1.442695020e+00, v0  }
0x1f1: {  	v60 =	vperm.xlane v47, v8;
	v26 =	vsub.f32 v52, v26;
	v30 =	vsub.f32 v44, v30;
	v31 =	vld [tilespmem:s16+$0x50]  }
0x1f2: {  	v23 =	vld [tilespmem:s25+$0xFFFFFFB0];
	v6 =	vsub.f32 v55, v6;
	(erf) = vpow2.f32 v0;
	v0 =	vperm.xlane v47, v7  }
0x1f3: {  	v26 =	vperm.xlane v26, v3;
	v59 =	vld [tilespmem:s16+$0x60];
	v30 =	vperm.xlane v30, v3  }
0x1f4: {  	v52 =	vld [tilespmem:s25+$0x70];
	v4 =	vsel vm1, v58, v4;
	v6 =	vperm.xlane v6, v3;
	v0 =	vmul.f32 v0, v27  }
0x1f5: {  	v4 =	vsel vm2, v26, v4;
	v26 =	vld [tilespmem:s25+$0x60];
	v5 =	vsel vm1, v30, v5  }
0x1f6: {  	v61 =	vperm.xlane v47, v9;
	v27 =	vmul.f32 v60, v29;
	v5 =	vsel vm2, v6, v5;
	v6 =	vld [tilespmem:s16+$0xFFFFFFA0];
	[tilespmem:$0x1FEF0] =	vst v0  }
0x1f7: {  	v0 =	vld [tilespmem:s16+$0x70]  }
0x1f8: {  	v28 =	vmul.f32 v61, v28;
	v4 =	vmul.f32 $1.442695020e+00, v4;
	v30 =	vadd.f32 v57, v24;
	[tilespmem:$0x1FF00] =	vst v27  }
0x1f9: {  	v5 =	vmul.f32 $1.442695020e+00, v5;
	v27 =	vld [tilespmem:s16+$0xFFFFFFB0]  }
0x1fa: {  	(erf) = vpow2.f32 v4;
	v4 =	vmul.f32 $2.000000030e-01, v30;
	v31 =	vadd.f32 v31, v25;
	[tilespmem:$0x1FF20] =	vst v28  }
0x1fb: {  	(erf) = vpow2.f32 v5;
	v5 =	vadd.f32 v59, v26;
	v28 =	vld [tilespmem:s25+$0xFFFFFFE0]  }
0x1fc: {  	v4 =	vmax.f32 v30, v4;
	v30 =	vmul.f32 $2.000000030e-01, v31;
	v29 =	vld [tilespmem:s25+$0xFFFFFFF0];
	v0 =	vadd.f32 v0, v52  }
0x1fd: {  	v15 =	vmov v48;
	v4 =	vmul.f32 v4, v12;
	v62 =	vld [tilespmem:s16+$0xFFFFFFE0];
	v48 =	vmul.f32 $2.000000030e-01, v5  }
0x1fe: {  	v16 =	vmovc v50;
	v30 =	vmax.f32 v31, v30;
	v50 =	vld [tilespmem:s16+$0xFFFFFFF0];
	v56 =	vadd.f32 v27, v23;
	v27 =	vmul.f32 $2.000000030e-01, v0  }
0x1ff: {  	v59 =	vld [tilespmem:s16+$0x20];
	v63 =	vmul.f32 v30, v11;
	v5 =	vmax.f32 v5, v48  }
0x200: {  	v30 =	vld [tilespmem:s25+$0x20];
	(xrf2) =	vadd.scan.msk.f32 $0xffff, v4;
	v5 =	vmul.f32 v5, v20;
	v0 =	vmax.f32 v0, v27  }
0x201: {  	v60 =	vld [tilespmem:s16+$0x30];
	v31 =	vpop (erf);
	(xrf2) =	vadd.scan.msk.f32 $0xffff, v63;
	v0 =	vmul.f32 v0, v18  }
0x202: {  	v32 =	vmul.f32 s17, v31;
	v31 =	vld [tilespmem:s25+$0x30];
	(xrf2) =	vadd.scan.msk.f32 $0xffff, v5  }
0x203: {  	v37 =	vld [tilespmem:s25+$0xFFFFFFD0];
	v57 =	vpop (erf);
	v4 =	vadd.f32 v62, v28;
	v62 =	vadd.f32 v50, v29;
	(xrf2) =	vadd.scan.msk.f32 $0xffff, v0  }
0x204: {  	v36 =	vld [tilespmem:s25+$0x10];
	v6 =	vadd.f32 v6, v22;
	v58 =	vmul.f32 $2.000000030e-01, v56;
	v5 =	vpop (erf)  }
0x205: {  	v63 =	vld [tilespmem:s16+$0xFFFFFF90];
	v55 =	vmul.f32 $2.000000030e-01, v62;
	v35 =	vmul.f32 s17, v5;
	v5 =	vadd.f32 v59, v30  }
0x206: {  	v13 =	vmov v49;
	v49 =	vmul.f32 $2.000000030e-01, v6;
	v27 =	vld [tilespmem:s25+$0xFFFFFF90];
	v61 =	vmax.f32 v56, v58  }
0x207: {  	v34 =	vld [tilespmem:s16+$0x10];
	v44 =	vadd.f32 v60, v31;
	v58 =	vmax.f32 v62, v55;
	v59 =	vmul.f32 $2.000000030e-01, v5  }
0x208: {  	v53 =	vperm.xlane v47, v41;
	v6 =	vmax.f32 v6, v49;
	v54 =	vmul.f32 $2.000000030e-01, v4;
	v0 =	vld [tilespmem:s16+$0xFFFFFFD0]  }
0x209: {  	v40 =	vld [tilespmem:s25+$0xFFFFFFC0];
	v47 =	vmul.f32 v6, v20;
	v46 =	vmul.f32 $2.000000030e-01, v44;
	v5 =	vmax.f32 v5, v59  }
0x20a: {  	v56 =	vld [tilespmem:s16+$0xFFFFFFC0];
	v49 =	vmul.f32 v61, v18;
	v4 =	vmax.f32 v4, v54;
	v48 =	vmul.f32 v58, v18;
	v58, _, _ =	vpop (xrf2)  }
0x20b: {  	v38 =	vld [tilespmem:s25+$0x0];
	v43 =	vmul.f32 v4, v20;
	v45 =	vadd.f32 v63, v27;
	v44 =	vmax.f32 v44, v46;
	v60, _, _ =	vpop (xrf2)  }
0x20c: {  	v61 =	vld [tilespmem:s16+$0x0];
	(xrf2) =	vadd.scan.msk.f32 $0xffff, v47;
	v59 =	vmul.f32 v44, v18;
	v41 =	vmul.f32 v5, v20;
	v5, _, _ =	vpop (xrf2)  }
0x20d: {  	(xrf2) =	vadd.scan.msk.f32 $0xffff, v49;
	v50 =	vmul.f32 $2.000000030e-01, v45;
	v55 =	vperm.xlane v60, v1;
	v4 =	vadd.f32 v0, v37;
	v0, _, _ =	vpop (xrf2)  }
0x20e: {  	v63 =	vadd.f32 v34, v36;
	(xrf2) =	vadd.scan.msk.f32 $0xffff, v43;
	v47 =	vperm.xlane v5, v1;
	v6 =	vperm.xlane v0, v1  }
0x20f: {  	v49 =	vperm.xlane v58, v1;
	v43 =	vadd.f32 v56, v40;
	(xrf2) =	vadd.scan.msk.f32 $0xffff, v48;
	v55 =	vmul.f32 v2, v55  }
0x210: {  	v39 =	vmax.f32 v45, v50;
	v47 =	vmul.f32 v2, v47;
	v6 =	vmul.f32 v2, v6  }
0x211: {  	v48 =	vadd.f32 v61, v38;
	v46 =	vmul.f32 v39, v11;
	v39 =	vmul.f32 $2.000000030e-01, v63  }
0x212: {  	v49 =	vmul.f32 v2, v49;
	v5 =	vsub.f32 v5, v47;
	v0 =	vsub.f32 v0, v6  }
0x213: {  	v50 =	vmul.f32 $2.000000030e-01, v4;
	v61 =	vsub.f32 v60, v55;
	v39 =	vmax.f32 v63, v39  }
0x214: {  	v49 =	vsub.f32 v58, v49;
	v5 =	vperm.xlane v5, v3;
	v0 =	vperm.xlane v0, v3  }
0x215: {  	v47 =	vperm.xlane v61, v3;
	v6 =	vmul.f32 $2.000000030e-01, v43  }
0x216: {  	(xrf2) =	vadd.scan.msk.f32 $0xffff, v41;
	v49 =	vperm.xlane v49, v3;
	v0 =	vsel vm0, v5, v0;
	v5 =	vmul.f32 v39, v11;
	v39, _, _ =	vpop (xrf2)  }
0x217: {  	v54 =	vld [tilespmem:s16+$0xFFFFFF80];
	v4 =	vmax.f32 v4, v50;
	(xrf2) =	vadd.scan.msk.f32 $0xffff, v59;
	v6 =	vmax.f32 v43, v6;
	v0 =	vsel vm1, v47, v0;
	v43, _, _ =	vpop (xrf2)  }
0x218: {  	v34 =	vld [tilespmem:s25+$0xFFFFFF80];
	v4 =	vmul.f32 v4, v11;
	(xrf2) =	vadd.scan.msk.f32 $0xffff, v46;
	v0 =	vsel vm2, v49, v0;
	v46, _, _ =	vpop (xrf2)  }
0x219: {  	v47 =	vperm.xlane v39, v1;
	v0 =	vmul.f32 $1.442695020e+00, v0;
	v61, _, _ =	vpop (xrf2)  }
0x21a: {  	(xrf2) =	vadd.scan.msk.f32 $0xffff, v4;
	v4 =	vperm.xlane v61, v1  }
0x21b: {  	(erf) = vpow2.f32 v0;
	v0 =	vmul.f32 v2, v47;
	_ =	sdelay $0x1  }
0x21c: {  	v54 =	vadd.f32 v54, v34;
	v4 =	vmul.f32 v2, v4;
	v0 =	vsub.f32 v39, v0  }
0x21d: {  	v60 =	vperm.xlane v43, v1  }
0x21e: {  	v41 =	vmul.f32 $2.000000030e-01, v54;
	(xrf2) =	vadd.scan.msk.f32 $0xffff, v5;
	v4 =	vsub.f32 v61, v4;
	v61 =	vperm.xlane v0, v3;
	v0 =	vld [tilespmem:$0x1FEE0]  }
0x21f: {  	v55 =	vmul.f32 $2.000000030e-01, v48;
	v49 =	vmul.f32 v2, v60;
	v47, _, _ =	vpop (xrf2)  }
0x220: {  	v41 =	vmax.f32 v54, v41;
	v63 =	vperm.xlane v46, v1;
	v50 =	vperm.xlane v47, v1  }
0x221: {  	v41 =	vmul.f32 v41, v12;
	v6 =	vmul.f32 v6, v12  }
0x222: {  	s18 =	simm.s32 $0xABA0;
	v56 =	vmul.f32 v2, v63;
	v59 =	vmul.f32 v2, v50  }
0x223: {  	v48 =	vmax.f32 v48, v55;
	(xrf2) =	vadd.scan.msk.f32 $0xffff, v41;
	v5 =	vsub.f32 v43, v49;
	v49, _, _ =	vpop (xrf2);
	[tilespmem:s18+$0x80] =	vst v0  }
0x224: {  	s28 =	sadd.s32 $0x4, s9;
	v58 =	vmul.f32 v48, v12;
	v39 =	vsub.f32 v46, v56;
	v56 =	vsub.f32 v47, v59;
	v47, _, _ =	vpop (xrf2);
	v0 =	vld [tilespmem:$0x1FEF0]  }
0x225: {  	s8 =	simm.f32 $1.000000000e+00;
	p1 =	slt.u32 s28, $0x50910;
	v60 =	vperm.xlane v47, v1  }
0x226: {  	s8 =	simm.s32 @!p1 $0x0;
	v55 =	vperm.xlane v49, v1;
	v63 =	vperm.xlane v39, v3;
	(xrf2) =	vadd.scan.msk.f32 $0xffff, v6;
	v6 =	vpop (erf)  }
0x227: {  	v39 =	vmul.f32 v2, v60;
	v46 =	vmul.f32 s8, v6;
	v6, _, _ =	vpop (xrf2)  }
0x228: {  	v59 =	vmul.f32 v2, v55;
	(xrf2) =	vadd.scan.msk.f32 $0xffff, v58;
	v58, _, _ =	vpop (xrf2)  }
0x229: {  	v47 =	vsub.f32 v47, v39;
	v60 =	vperm.xlane v6, v1;
	v39 =	vperm.xlane v58, v1;
	[tilespmem:s18+$0x50] =	vst v0  }
0x22a: {  	v0 =	vld [tilespmem:$0x1FF00]  }
0x22b: {  	v43 =	vsub.f32 v49, v59;
	v49 =	vmul.f32 v2, v60  }
0x22c: {  	v4 =	vperm.xlane v4, v3  }
0x22d: {  	v41 =	vperm.xlane v56, v3;
	v6 =	vsub.f32 v6, v49;
	v49 =	vmul.f32 v2, v39;
	v39, _, _ =	vpop (xrf2)  }
0x22e: {  	v4 =	vsel vm0, v63, v4;
	v43 =	vperm.xlane v43, v3;
	v63 =	vperm.xlane v39, v1  }
0x22f: {  	v51 =	vperm.xlane v32, v9;
	[tilespmem:s18+$0x60] =	vst v0  }
0x230: {  	v41 =	vsel vm0, v41, v43;
	v43 =	vsub.f32 v58, v49;
	v49 =	vmul.f32 v2, v63;
	v63 =	vld [tilespmem:$0x1FF20]  }
0x231: {  	v42 =	vperm.xlane v32, v10;
	v33 =	vmul.f32 s17, v57  }
0x232: {  	v57 =	vperm.xlane v32, v7;
	v62 =	vperm.xlane v32, v8  }
0x233: {  	v5 =	vperm.xlane v5, v3;
	v59 =	vperm.xlane v46, v10;
	v0 =	vld [tilespmem:$0x1FF10]  }
0x234: {  	v44 =	vperm.xlane v33, v7;
	v47 =	vperm.xlane v47, v3  }
0x235: {  	v45 =	vperm.xlane v33, v8;
	v5 =	vsel vm0, v61, v5;
	v50 =	vmul.f32 v59, v52;
	[tilespmem:s18+$0x70] =	vst v63  }
0x236: {  	s17 =	simm.s32 $0xACE0;
	v48 =	vperm.xlane v33, v9;
	v6 =	vperm.xlane v6, v3;
	v63 =	vsel vm1, v47, v5;
	v5 =	vld [tilespmem:$0x1FF30];
	[tilespmem:s18+$0x90] =	vst v53  }
0x237: {  	v54 =	vperm.xlane v33, v10;
	v55 =	vperm.xlane v35, v8;
	[tilespmem:s17+$0x80] =	vst v50  }
0x238: {  	v56 =	vperm.xlane v35, v7;
	v0 =	vmul.f32 v57, v0;
	v57 =	vsel vm1, v6, v4;
	v4 =	vld [tilespmem:$0x1FF40]  }
0x239: {  	v61 =	vperm.xlane v46, v7;
	v60 =	vperm.xlane v35, v10  }
0x23a: {  	v52 =	vperm.xlane v35, v9;
	v59 =	vperm.xlane v46, v8  }
0x23b: {  	v58, _, _ =	vpop (xrf2);
	v53 =	vperm.xlane v46, v9;
	v47 =	vmul.f32 v62, v5  }
0x23c: {  	v39 =	vsub.f32 v39, v49;
	v5 =	vperm.xlane v58, v1;
	v62 =	vperm.xlane v43, v3;
	v43, _, _ =	vpop (xrf2)  }
0x23d: {  	[tilespmem:s18+$0xFFFFFF60] =	vst v0;
	v49 =	vmul.f32 v51, v4;
	v0 =	vperm.xlane v43, v1  }
0x23e: {  	s24 =	simm.s32 $0x4;
	s25 =	simm.s32 $0x2580;
	v50 =	vmul.f32 v2, v5;
	v41 =	vsel vm1, v62, v41;
	v62 =	vperm.xlane v39, v3  }
.LBB2_7:
0x23f: {  	v4 =	vld [tilespmem:s25+$0x40];
	s16 =	sadd.s32 $0x100, s16  }
0x240: {  	v5 =	vsub.f32 v58, v50;
	v58 =	vmul.f32 v44, v21;
	v44 =	vld [tilespmem:s16+$0x40]  }
0x241: {  	v6 =	vmul.f32 v42, v17;
	v17 =	vmov v23;
	v23 =	vld [tilespmem:$0x1FEC0]  }
0x242: {  	[tilespmem:s18+$0xFFFFFF70] =	vst v47;
	v28 =	vmov v28;
	v63 =	vsel vm2, v62, v63;
	v62 =	vld [tilespmem:s16+$0x50]  }
0x243: {  	[tilespmem:$0x1FEC0] =	vst v28;
	v28 =	vld [tilespmem:s25+$0x60]  }
0x244: {  	v0 =	vmul.f32 v2, v0;
	[tilespmem:s18+$0xFFFFFF80] =	vst v49;
	v45 =	vmul.f32 v45, v16;
	v49 =	vld [tilespmem:$0x1FED0]  }
0x245: {  	v39 =	vld [tilespmem:s25+$0xFFFFFFA0];
	v50 =	vmul.f32 $1.442695020e+00, v63;
	v63 =	vmul.f32 v56, v14  }
0x246: {  	v56 =	vld [tilespmem:s16+$0x70];
	v5 =	vperm.xlane v5, v3;
	v0 =	vsub.f32 v43, v0;
	[tilespmem:s18+$0xFFFFFFB0] =	vst v58;
	v58 =	vmul.f32 v54, v15  }
0x247: {  	[tilespmem:s18+$0xFFFFFF90] =	vst v6;
	v6 =	vld [tilespmem:s25+$0x50];
	v54 =	vmul.f32 v61, v24;
	(erf) = vpow2.f32 v50  }
0x248: {  	[tilespmem:s18+$0xFFFFFFC0] =	vst v45;
	v50 =	vld [tilespmem:s16+$0x60];
	v5 =	vsel vm2, v5, v57;
	v0 =	vperm.xlane v0, v3;
	v57 =	vmul.f32 v53, v26  }
0x249: {  	v16 =	vmovc v37;
	v15 =	vmov v29;
	[tilespmem:s18+$0x0] =	vst v63;
	v51 =	vmul.f32 v48, v23;
	v23 =	vld [tilespmem:s25+$0xFFFFFFB0];
	v5 =	vmul.f32 $1.442695020e+00, v5  }
0x24a: {  	[tilespmem:s18+$0xFFFFFFE0] =	vst v58;
	v29 =	vadd.f32 v44, v4;
	v48 =	vmul.f32 v55, v19;
	v55 =	vmul.f32 v59, v25;
	v59 =	vld [tilespmem:$0x1FFF0]  }
0x24b: {  	v37 =	vmul.f32 v52, v49;
	v26 =	vmovc v28;
	v0 =	vsel vm2, v0, v41;
	v41 =	vld [tilespmem:s25+$0x70];
	[tilespmem:s18+$0xFFFFFFD0] =	vst v51;
	(erf) = vpow2.f32 v5  }
0x24c: {  	[tilespmem:s17+$0x50] =	vst v54;
	v5 =	vmul.f32 v60, v13;
	v52 =	vmul.f32 $2.000000030e-01, v29;
	v13 =	vmovc v31;
	v31 =	vadd.f32 v62, v6;
	v28 =	vld [tilespmem:s25+$0xFFFFFFE0]  }
0x24d: {  	v0 =	vmul.f32 $1.442695020e+00, v0;
	[tilespmem:s18+$0x10] =	vst v48;
	v25 =	vmov v6;
	v62 =	vld [tilespmem:s16+$0xFFFFFFE0]  }
0x24e: {  	v6 =	vadd.f32 v50, v26;
	v51 =	vmovc v30;
	v30 =	vld [tilespmem:s16+$0xFFFFFFA0];
	v29 =	vmax.f32 v29, v52;
	[tilespmem:s18+$0x30] =	vst v5;
	v5 =	vmul.f32 $2.000000030e-01, v31  }
0x24f: {  	[tilespmem:s18+$0x20] =	vst v37;
	(erf) = vpow2.f32 v0;
	v0 =	vld [tilespmem:s16+$0xFFFFFFB0];
	v58 =	vmul.f32 v29, v12  }
0x250: {  	v24 =	vmovc v4;
	[tilespmem:s17+$0x60] =	vst v55;
	v48 =	vld [tilespmem:s16+$0xFFFFFFF0];
	v60 =	vperm.xlane v32, v59;
	v5 =	vmax.f32 v31, v5;
	v31 =	vmul.f32 $2.000000030e-01, v6  }
0x251: {  	[tilespmem:$0x1FED0] =	vst v51;
	v33 =	vperm.xlane v33, v59;
	v29 =	vld [tilespmem:s25+$0xFFFFFFF0];
	v35 =	vperm.xlane v35, v59;
	v37 =	vadd.f32 v56, v41;
	v4 =	vpop (erf)  }
0x252: {  	v53 =	vld [tilespmem:s16+$0x20];
	(xrf2) =	vadd.scan.msk.f32 $0xffff, v58;
	v5 =	vmul.f32 v5, v11;
	v32 =	vmul.f32 s8, v4;
	v4 =	vmax.f32 v6, v31  }
0x253: {  	[tilespmem:s18+$0xFFFFFFA0] =	vst v60;
	v31 =	vld [tilespmem:s25+$0x30];
	v51 =	vmul.f32 $2.000000030e-01, v37;
	v42 =	vadd.f32 v62, v28;
	v61 =	vadd.f32 v30, v39  }
0x254: {  	v43 =	vld [tilespmem:s25+$0xFFFFFF90];
	v0 =	vadd.f32 v0, v23;
	(xrf2) =	vadd.scan.msk.f32 $0xffff, v5;
	v5 =	vperm.xlane v46, v59;
	v50 =	vmul.f32 v4, v20  }
0x255: {  	v30 =	vld [tilespmem:s25+$0x20];
	[tilespmem:s18+$0x40] =	vst v35;
	v56 =	vmul.f32 $2.000000030e-01, v42;
	v47 =	vperm.xlane v32, v7  }
0x256: {  	[tilespmem:s18+$0xFFFFFFF0] =	vst v33;
	v54 =	vld [tilespmem:s16+$0x30];
	v55 =	vmax.f32 v37, v51;
	v63 =	vmul.f32 $2.000000030e-01, v61;
	v52 =	vmul.f32 $2.000000030e-01, v0  }
0x257: {  	v21 =	vmov v40;
	v37 =	vld [tilespmem:s25+$0xFFFFFFD0];
	v6 =	vpop (erf);
	(xrf2) =	vadd.scan.msk.f32 $0xffff, v50;
	v35 =	vmul.f32 v55, v18;
	v50 =	vperm.xlane v32, v8  }
0x258: {  	v19 =	vmovc v36;
	[tilespmem:s17+$0x90] =	vst v5;
	v5 =	vld [tilespmem:s16+$0xFFFFFF90];
	v33 =	vmul.f32 s8, v6;
	v6 =	vadd.f32 v48, v29;
	v36 =	vmax.f32 v42, v56  }
0x259: {  	[tilespmem:s17+$0x70] =	vst v57;
	v45 =	vld [tilespmem:s16+$0x10];
	v42 =	vperm.xlane v32, v10;
	v49 =	vmax.f32 v61, v63;
	v44 =	vmul.f32 v36, v20  }
0x25a: {  	v4 =	vpop (erf);
	v0 =	vmax.f32 v0, v52;
	(xrf2) =	vadd.scan.msk.f32 $0xffff, v35;
	v36 =	vld [tilespmem:s25+$0x10];
	v40 =	vmul.f32 v49, v20;
	v57 =	vmul.f32 $2.000000030e-01, v6  }
0x25b: {  	v35 =	vmul.f32 s8, v4;
	v4 =	vld [tilespmem:s16+$0xFFFFFFD0];
	v58 =	vadd.f32 v53, v30;
	v49 =	vperm.xlane v32, v9  }
0x25c: {  	v0 =	vmul.f32 v0, v18;
	v59 =	vadd.f32 v54, v31;
	v6 =	vmax.f32 v6, v57  }
0x25d: {  	v62 =	vld [tilespmem:s16+$0xFFFFFFC0];
	v60 =	vmul.f32 $2.000000030e-01, v58;
	v5 =	vadd.f32 v5, v43;
	v49 =	vmul.f32 v49, v22  }
0x25e: {  	v48, _, _ =	vpop (xrf2);
	v6 =	vmul.f32 v6, v18;
	(xrf2) =	vadd.scan.msk.f32 $0xffff, v40;
	v51 =	vmul.f32 $2.000000030e-01, v59;
	v40 =	vld [tilespmem:s25+$0xFFFFFFC0]  }
0x25f: {  	v46 =	vmax.f32 v58, v60;
	v61 =	vmul.f32 $2.000000030e-01, v5;
	v58 =	vadd.f32 v45, v36  }
0x260: {  	v14 =	vmovc v38;
	v38 =	vld [tilespmem:s25+$0x0];
	v45 =	vperm.xlane v33, v8;
	v4 =	vadd.f32 v4, v37;
	v51 =	vmax.f32 v59, v51  }
0x261: {  	v57 =	vld [tilespmem:s16+$0x0];
	v53, _, _ =	vpop (xrf2);
	(xrf2) =	vadd.scan.msk.f32 $0xffff, v0;
	v0 =	vmul.f32 v46, v20;
	v46 =	vmul.f32 v51, v18  }
0x262: {  	v52 =	vld [tilespmem:s16+$0xFFFFFF80];
	v5 =	vmax.f32 v5, v61;
	v54 =	vmul.f32 $2.000000030e-01, v58;
	v63 =	vmul.f32 $2.000000030e-01, v4  }
0x263: {  	v51 =	vld [tilespmem:s25+$0xFFFFFF80];
	v56, _, _ =	vpop (xrf2);
	v5 =	vmul.f32 v5, v11;
	(xrf2) =	vadd.scan.msk.f32 $0xffff, v44;
	v44 =	vperm.xlane v33, v7;
	v55 =	vadd.f32 v62, v40  }
0x264: {  	v60 =	vperm.xlane v56, v1;
	v54 =	vmax.f32 v58, v54;
	v62 =	vperm.xlane v53, v1;
	v59, _, _ =	vpop (xrf2)  }
0x265: {  	v58 =	vperm.xlane v48, v1;
	v4 =	vmax.f32 v4, v63;
	v63 =	vperm.xlane v59, v1  }
0x266: {  	(xrf2) =	vadd.scan.msk.f32 $0xffff, v6;
	v6 =	vadd.f32 v57, v38;
	v57 =	vmul.f32 v2, v60;
	v62 =	vmul.f32 v2, v62  }
0x267: {  	v58 =	vmul.f32 v2, v58;
	v60 =	vmul.f32 v2, v63  }
0x268: {  	v4 =	vmul.f32 v4, v11;
	v52 =	vadd.f32 v52, v51;
	v56 =	vsub.f32 v56, v57  }
0x269: {  	v63 =	vmul.f32 $2.000000030e-01, v55;
	v53 =	vsub.f32 v53, v62;
	v57 =	vsub.f32 v59, v60  }
0x26a: {  	v48 =	vsub.f32 v48, v58;
	v61, _, _ =	vpop (xrf2);
	(xrf2) =	vadd.scan.msk.f32 $0xffff, v0;
	v0 =	vmul.f32 $2.000000030e-01, v52;
	v59 =	vmul.f32 $2.000000030e-01, v6  }
0x26b: {  	v56 =	vperm.xlane v56, v3;
	v57 =	vperm.xlane v57, v3  }
0x26c: {  	v58 =	vperm.xlane v53, v3;
	v48 =	vperm.xlane v48, v3;
	v60, _, _ =	vpop (xrf2);
	(xrf2) =	vadd.scan.msk.f32 $0xffff, v46  }
0x26d: {  	v55 =	vmax.f32 v55, v63;
	v63 =	vperm.xlane v61, v1;
	v62 =	vsel vm0, v56, v57  }
0x26e: {  	v46 =	vmul.f32 v54, v11;
	v6 =	vmax.f32 v6, v59;
	v54, _, _ =	vpop (xrf2);
	(xrf2) =	vadd.scan.msk.f32 $0xffff, v5;
	v56 =	vsel vm1, v58, v62  }
0x26f: {  	v53 =	vmul.f32 v55, v12;
	v5 =	vmul.f32 v6, v12;
	v48 =	vsel vm2, v48, v56  }
0x270: {  	v0 =	vmax.f32 v52, v0;
	v52, _, _ =	vpop (xrf2);
	v62 =	vperm.xlane v60, v1;
	(xrf2) =	vadd.scan.msk.f32 $0xffff, v4;
	v6 =	vmul.f32 $1.442695020e+00, v48  }
0x271: {  	v4 =	vmul.f32 v2, v63;
	v56 =	vperm.xlane v54, v1  }
0x272: {  	(erf) = vpow2.f32 v6;
	v6 =	vperm.xlane v52, v1  }
0x273: {  	v0 =	vmul.f32 v0, v12;
	v63 =	vmul.f32 v2, v62  }
0x274: {  	v4 =	vsub.f32 v61, v4;
	v56 =	vmul.f32 v2, v56;
	v57, _, _ =	vpop (xrf2);
	(xrf2) =	vadd.scan.msk.f32 $0xffff, v46;
	v6 =	vmul.f32 v2, v6  }
0x275: {  	v48 =	vperm.xlane v33, v9;
	v63 =	vsub.f32 v60, v63;
	v62 =	vperm.xlane v57, v1  }
0x276: {  	v4 =	vperm.xlane v4, v3;
	v54 =	vsub.f32 v54, v56;
	v58, _, _ =	vpop (xrf2);
	v6 =	vsub.f32 v52, v6  }
0x277: {  	v55 =	vmul.f32 v2, v62;
	(xrf2) =	vadd.scan.msk.f32 $0xffff, v0;
	v60 =	vperm.xlane v58, v1  }
0x278: {  	s24 =	sadd.s32 $0x4, s24;
	v61 =	vperm.xlane v63, v3;
	v0 =	vperm.xlane v54, v3;
	v56, _, _ =	vpop (xrf2)  }
0x279: {  	s28 =	sadd.s32 s9, s24;
	v55 =	vsub.f32 v57, v55;
	v62 =	vperm.xlane v56, v1;
	v52 =	vmul.f32 v2, v60  }
0x27a: {  	p2 =	slt.u32 s28, $0x50910;
	s8 =	simm.f32 $1.000000000e+00;
	v54 =	vperm.xlane v33, v10;
	v4 =	vsel vm0, v4, v61;
	v63 =	vperm.xlane v6, v3;
	v6, _, _ =	vpop (xrf2)  }
0x27b: {  	s8 =	simm.s32 @!p2 $0x0;
	v55 =	vperm.xlane v55, v3;
	v61 =	vmul.f32 v2, v62;
	v52 =	vsub.f32 v58, v52;
	v60 =	vpop (erf)  }
0x27c: {  	(xrf2) =	vadd.scan.msk.f32 $0xffff, v53;
	v62 =	vperm.xlane v6, v1;
	v46 =	vmul.f32 s8, v60  }
0x27d: {  	v53 =	vsub.f32 v56, v61;
	v56 =	vperm.xlane v35, v7;
	v52 =	vperm.xlane v52, v3  }
0x27e: {  	(xrf2) =	vadd.scan.msk.f32 $0xffff, v5;
	v57, _, _ =	vpop (xrf2);
	v60 =	vperm.xlane v35, v10;
	v58 =	vperm.xlane v46, v10  }
0x27f: {  	v0 =	vsel vm0, v0, v63;
	v5 =	vmul.f32 v2, v62;
	v63 =	vperm.xlane v57, v1  }
0x280: {  	v53 =	vperm.xlane v53, v3;
	v58 =	vmul.f32 v58, v41  }
0x281: {  	s18 =	smov.u32 s17;
	s17 =	sadd.s32 $0x140, s17;
	v62 =	vsel vm0, v55, v52;
	v55 =	vperm.xlane v35, v8;
	v5 =	vsub.f32 v6, v5;
	v41, _, _ =	vpop (xrf2)  }
0x282: {  	v6 =	vmul.f32 v2, v63;
	[tilespmem:s17+$0x80] =	vst v58;
	v58 =	vperm.xlane v41, v1  }
0x283: {  	v52 =	vperm.xlane v35, v9;
	v63 =	vsel vm1, v53, v4;
	v4 =	vperm.xlane v5, v3  }
0x284: {  	p1 =	slt.u32 s24, $0x7C;
	v61 =	vperm.xlane v46, v7;
	v5 =	vsub.f32 v57, v6;
	v6 =	vmul.f32 v2, v58  }
.Ltmp2:
0x285: {  	v59 =	vperm.xlane v46, v8;
	v53 =	vperm.xlane v46, v9;
	v57 =	vsel vm1, v4, v0;
	(pc) =	sbr.rel @p1 .LBB2_7-.Ltmp2, $4  }
0x286: {  	v4 =	vperm.xlane v5, v3;
	v58, _, _ =	vpop (xrf2);
	v5 =	vsub.f32 v41, v6;
	v6 =	vmul.f32 v47, v34  }
0x287: {  	v47 =	vmul.f32 v50, v27;
	v0 =	vperm.xlane v58, v1  }
0x288: {  	v27 =	vmov v43;
	v41 =	vsel vm1, v4, v62;
	v43, _, _ =	vpop (xrf2);
	v62 =	vperm.xlane v5, v3  }
0x289: {  	v22 =	vmovc v39;
	s25 =	sadd.s32 $0x100, s25;
	v34 =	vmov v51;
	[tilespmem:s18+$0xFFFFFF60] =	vst v6;
	v50 =	vmul.f32 v2, v0;
	v0 =	vperm.xlane v43, v1  }
0x28a: {  	v5 =	vmul.f32 v42, v17;
	[tilespmem:s18+$0xFFFFFF70] =	vst v47  }
0x28b: {  	v51 =	vmul.f32 v44, v21;
	[tilespmem:s18+$0xFFFFFF80] =	vst v49  }
0x28c: {  	[tilespmem:s18+$0xFFFFFF90] =	vst v5  }
0x28d: {  	[tilespmem:s18+$0xFFFFFFB0] =	vst v51  }
0x28e: {  	v5 =	vld [tilespmem:$0x1FEC0]  }
0x28f: {  	v6 =	vsel vm2, v62, v63;
	v0 =	vmul.f32 v2, v0;
	v4 =	vsub.f32 v58, v50  }
0x290: {  	v6 =	vmul.f32 $1.442695020e+00, v6  }
0x291: {  	v58 =	vmul.f32 v45, v16;
	v0 =	vsub.f32 v43, v0;
	v4 =	vperm.xlane v4, v3  }
0x292: {  	(erf) = vpow2.f32 v6;
	v6 =	vmul.f32 v54, v15  }
0x293: {  	[tilespmem:s18+$0xFFFFFFC0] =	vst v58;
	v0 =	vperm.xlane v0, v3;
	v5 =	vmul.f32 v48, v5  }
0x294: {  	v4 =	vsel vm2, v4, v57;
	[tilespmem:s18+$0xFFFFFFE0] =	vst v6  }
0x295: {  	v4 =	vmul.f32 $1.442695020e+00, v4;
	v0 =	vsel vm2, v0, v41;
	[tilespmem:s18+$0xFFFFFFD0] =	vst v5  }
0x296: {  	v0 =	vmul.f32 $1.442695020e+00, v0;
	v5 =	vld [tilespmem:$0x1FED0]  }
0x297: {  	(erf) = vpow2.f32 v4;
	v4 =	vmul.f32 v56, v14  }
0x298: {  	(erf) = vpow2.f32 v0;
	v0 =	vmul.f32 v55, v19  }
0x299: {  	[tilespmem:s18+$0x0] =	vst v4;
	v4 =	vmul.f32 v60, v13  }
0x29a: {  	[tilespmem:s18+$0x10] =	vst v0;
	v0 =	vmul.f32 v61, v24  }
0x29b: {  	[tilespmem:s18+$0x30] =	vst v4;
	v5 =	vmul.f32 v52, v5  }
0x29c: {  	[tilespmem:s17+$0x50] =	vst v0  }
0x29d: {  	[tilespmem:s18+$0x20] =	vst v5  }
0x29e: {  	v41 =	vld [tilespmem:$0x1FFF0];
	_ =	sdelay $0x2  }
0x29f: {  	v6 =	vpop (erf);
	v4 =	vmul.f32 v53, v26  }
0x2a0: {  	v6 =	vmul.f32 s8, v6;
	v5 =	vmul.f32 v59, v25  }
0x2a1: {  	[tilespmem:s17+$0x70] =	vst v4;
	v0 =	vperm.xlane v32, v41  }
0x2a2: {  	v15 =	vperm.xlane v6, v7;
	[tilespmem:s17+$0x60] =	vst v5;
	v5 =	vperm.xlane v33, v41  }
0x2a3: {  	v13 =	vperm.xlane v35, v41;
	[tilespmem:s18+$0xFFFFFFA0] =	vst v0  }
0x2a4: {  	v14 =	vpop (erf);
	v15 =	vmul.f32 v15, v34;
	v4 =	vperm.xlane v46, v41;
	[tilespmem:s18+$0xFFFFFFF0] =	vst v5  }
0x2a5: {  	v0 =	vmul.f32 s8, v14;
	v14 =	vpop (erf);
	[tilespmem:s18+$0x40] =	vst v13;
	v13 =	vperm.xlane v6, v9  }
0x2a6: {  	[tilespmem:s17+$0x90] =	vst v4;
	v4 =	vperm.xlane v6, v10;
	v5 =	vmul.f32 s8, v14  }
0x2a7: {  	v14 =	vperm.xlane v6, v8;
	v6 =	vperm.xlane v6, v41  }
0x2a8: {  	[tilespmem:s17+$0xFFFFFF60] =	vst v15;
	v13 =	vmul.f32 v13, v22  }
0x2a9: {  	v62 =	vperm.xlane v0, v7;
	v14 =	vmul.f32 v14, v27;
	[tilespmem:s17+$0xFFFFFFA0] =	vst v6  }
0x2aa: {  	v15 =	vperm.xlane v0, v8;
	v4 =	vmul.f32 v4, v23;
	[tilespmem:s17+$0xFFFFFF80] =	vst v13  }
0x2ab: {  	v16 =	vmul.f32 v62, v40;
	[tilespmem:s17+$0xFFFFFF70] =	vst v14;
	v14 =	vperm.xlane v0, v9  }
0x2ac: {  	v15 =	vmul.f32 v15, v37;
	[tilespmem:s17+$0xFFFFFF90] =	vst v4  }
0x2ad: {  	v4 =	vperm.xlane v5, v7;
	[tilespmem:s17+$0xFFFFFFB0] =	vst v16;
	v14 =	vmul.f32 v14, v28  }
0x2ae: {  	v13 =	vperm.xlane v0, v10;
	v0 =	vperm.xlane v0, v41;
	[tilespmem:s17+$0xFFFFFFC0] =	vst v15  }
0x2af: {  	v4 =	vmul.f32 v4, v38;
	[tilespmem:s17+$0xFFFFFFD0] =	vst v14;
	v14 =	vperm.xlane v5, v10  }
0x2b0: {  	v63 =	vperm.xlane v5, v8;
	v13 =	vmul.f32 v13, v29;
	[tilespmem:s17+$0xFFFFFFF0] =	vst v0  }
0x2b1: {  	s14 =	sadd.s32 $0x1, s14;
	v15 =	vperm.xlane v5, v9;
	[tilespmem:s17+$0x0] =	vst v4;
	v4 =	vmul.f32 v14, v31  }
0x2b2: {  	p1 =	sne.s32 s14, $0x29;
	[tilespmem:s17+$0xFFFFFFE0] =	vst v13;
	v13 =	vmul.f32 v63, v36  }
.Ltmp3:
0x2b3: {  	v15 =	vmul.f32 v15, v30;
	[tilespmem:s17+$0x30] =	vst v4;
	v4 =	vperm.xlane v5, v41;
	(pc) =	sbr.rel @p1 .LBB2_4-.Ltmp3, $4  }
0x2b4: {  	[tilespmem:s17+$0x10] =	vst v13  }
0x2b5: {  	s28 =	simm.s32 $0x280;
	[tilespmem:s17+$0x20] =	vst v15  }
0x2b6: {  	s16 =	simm.s32 $0xAB00;
	s23 =	sadd.s32 $0x100, s23;
	s9 =	sadd.s32 $0x100, s9;
	[tilespmem:s17+$0x40] =	vst v4  }
0x2b7: {  	v6 =	vmov v18;
	v5 =	vmov v20;
	[spmem:s2] =	stream.indirect.scatter.add.f32 [tilespmem:s16], [sflag:$0xA], $0x50, s28, s31, $0xb8;
	v4 =	vmov v11;
	[tilespmem:$0x19690] =	vst v63  }
0x2b8: {  	_ =	swait.ge [sflag:s11], $0x2000  }
0x2b9: {  	[sflag:s11] =	ssyncset.done $0x0  }
0x2ba: {  	[sflag:s11] =	ssyncadd.s32 $0xFFFFE000  }
0x2bb: {  	_ =	swait.ge [sflag:s12], $0x2000  }
0x2bc: {  	[sflag:s12] =	ssyncset.done $0x0  }
0x2bd: {  	[sflag:s12] =	ssyncadd.s32 $0xFFFFE000  }
0x2be: {  	_ =	swait.ge [sflag:s13], $0x80  }
0x2bf: {  	[sflag:s13] =	ssyncset.done $0x0  }
0x2c0: {  	[sflag:s13] =	ssyncadd.s32 $0xFFFFFF80  }
0x2c1: {  	_ =	swait.ge [sflag:s15], $0x80  }
0x2c2: {  	[sflag:s15] =	ssyncset.done $0x0  }
0x2c3: {  	s8 =	simm.s32 $0x9;
	[sflag:s15] =	ssyncadd.s32 $0xFFFFFF80  }
0x2c4: {  	_ =	swait.ge [sflag:s8], $0x2800  }
0x2c5: {  	[sflag:s8] =	ssyncset.done $0x0  }
0x2c6: {  	s23 =	simm.s32 $0xA;
	[sflag:s8] =	ssyncadd.s32 $0xFFFFD800  }
0x2c7: {  	_ =	swait.ge [sflag:s23], $0x2800  }
0x2c8: {  	[sflag:s23] =	ssyncset.done $0x0  }
0x2c9: {  	[sflag:s23] =	ssyncadd.s32 $0xFFFFD800  }
0x2ca: {  	s24 =	stileid.u32;
	[bflag:$0x0] =	sbarrier.arrive $0xFFFF  }
0x2cb: {  	s18 =	simm.s32 $0xB;
	s8 =	sshll.u32 s24, $0x6;
	s16 =	rddreg [dreg:$0x5]  }
0x2cc: {  	s8 =	sor.u32 $0x1C0B, s8;
	s14 =	rddreg [dreg:$0xf];
	s9 =	sshrl.u32 s16, $0x3  }
0x2cd: {  	[hbm:s14], [sflag:s8] =	dma.local [spmem:s9], $0x1860  }
0x2ce: {  	_ =	swait.ge [sflag:s18], $0x1860  }
0x2cf: {  	[sflag:s18] =	ssyncset.done $0x0;
	s17 =	rddreg [dreg:$0xa]  }
0x2d0: {  	s14 =	rddreg [dreg:$0x10];
	[sflag:s18] =	ssyncadd.s32 $0xFFFFE7A0;
	s9 =	sshrl.u32 @!p0 s17, $0x3  }
0x2d1: {  	[hbm:s14], [sflag:s8] =	dma.local @!p0 [spmem:s9], $0xA0  }
0x2d2: {  	s8 =	simm.s32 @!p0 $0xB  }
0x2d3: {  	_ =	swait.ge @!p0 [sflag:s8], $0xA0  }
0x2d4: {  	s25 =	rddreg [dreg:$0x14]  }
0x2d5: {  	s28 =	rddreg [dreg:$0x12];
	s14 =	sadd.s32 $0x1, s25  }
0x2d6: {  	p1 =	sne.s32 s14, s28  }
.Ltmp4:
0x2d7: {  	_ = 	snop;
	(pc) =	sbr.rel @p1 .LBB2_1-.Ltmp4, $3  }
0x2d8: {  	_ =	sdelay $0x1  }
0x2d9: {  	[sflag:s8] =	ssyncset.done @!p0 $0x0  }
0x2da: {  	v4 =	vimm.f32 $0.0e+00;
	[sflag:s8] =	ssyncadd.s32 @!p0 $0xFFFFFF60  }
0x2db: {  	_ =	sfence.sel $0x180000  }
0x2dc: {  	[bflag:$0x0] =	sbarrier.arrive $0xFFFF  }
0x2dd: {  	_ =	strace $0x90000047  }
0x2de: {  	s0 =	stileid.u32;
	[bflag:$0x2] =	sbarrier.arrive $0xFFFF  }
0x2df: {  	p0 =	sne.s32 s0, $0x0;
	s0 =	rddreg [dreg:$0x3]  }
0x2e0: {  	s0 =	sadd.s32 @!p0 $0x100000, s0  }
0x2e1: {  	[sflag:s0] =	ssyncadd.tile.s32 @!p0 $0x1;
	_ =	shalt  }
.Lfunc_end2:
_tile_overlayer_lowered:
.L_overlay_start_2:
0x2e2: {  	(tag) =	ssettag $0x2  }
0x2e3: {  	s0 =	rddreg [dreg:$0x0];
	s2 =	stileid.u32  }
0x2e4: {  	s1 =	rddreg [dreg:$0x1];
	p0 =	sne.s32 s2, $0x0  }
0x2e5: {  	s3 =	rddreg [dreg:$0x2];
	[bflag:$0x3] =	sbarrier.arrive $0xFFFF;
	s2 =	simm.s32 @!p0 $0x1C0B  }
0x2e6: {  	[timem:s3], [sflag:s2] =	dma.local @!p0 [hbm:s0], s1  }
0x2e7: {  	s0 =	simm.s32 @!p0 $0xB  }
0x2e8: {  	_ =	swait.ge @!p0 [sflag:s0], s1  }
0x2e9: {  	s1 =	ssub.s32 @!p0 $0x0, s1;
	[sflag:s0] =	ssyncset.done @!p0 $0x0  }
0x2ea: {  	[sflag:s0] =	ssyncadd.s32 @!p0 s1  }
0x2eb: {  	[bflag:$0x3] =	sbarrier.arrive $0xFFFF  }
0x2ec: {  	_ =	shalt  }

</sc_bundles>
